<compile_context>
chip_gen: v7x
topology: tpu7x:2x2x1
jax: 0.10.2.dev20260603
libtpu: 0.0.44.dev20260713+nightly
codegen_flags: <defaults>
</compile_context>

<pallas_src>
import functools

import jax
import jax.numpy as jnp
import numpy as np
from jax import lax
from jax.experimental import pallas as pl
from jax.experimental.pallas import tpu as pltpu
from jax.experimental.pallas import tpu_sc as plsc

NUM_N = 10000
HIDDEN = 128
PF = 0.2
PE = 0.2
NOISE_STD = 0.1
E_PER_MP = 160000
E_TOT = 2 * E_PER_MP + NUM_N

NC = 2
NS = 16
NW = NC * NS
L = 16

C = 128
NCH = 81
P = NCH * C
E_PAD = NW * P

HISTP = 10240
HNS = HISTP // NS

def _rand_consts():
    rk = jax.random.key(123)
    kf, ke, kn = jax.random.split(rk, 3)
    col_keep = (
        ~(jax.random.uniform(kf, (HIDDEN,)) < PF)
    ).astype(jnp.float32).reshape(1, HIDDEN)
    emask = jnp.concatenate([
        (jax.random.uniform(ke, (2 * E_PER_MP,)) > PE).astype(jnp.float32),
        jnp.ones((NUM_N,), jnp.float32),
        jnp.zeros((E_PAD - E_TOT,), jnp.float32),
    ]).reshape(NW, NCH, C)
    noise = jax.random.normal(kn, (NUM_N, HIDDEN), dtype=jnp.float32) * NOISE_STD
    return col_keep, emask, noise

_mesh = plsc.VectorSubcoreMesh(core_axis_name="c", subcore_axis_name="s")


@functools.partial(
    pl.kernel,
    out_type=(
        jax.ShapeDtypeStruct((NC, HISTP), jnp.float32),
        jax.ShapeDtypeStruct((NW, NCH, C), jnp.float32),
    ),
    mesh=_mesh,
    scratch_types=[
        pltpu.VMEM((NCH, C), jnp.int32),
        pltpu.VMEM((NCH, C), jnp.float32),
        pltpu.VMEM((NCH, C), jnp.float32),
        pltpu.VMEM((HISTP,), jnp.float32),
        pltpu.VMEM((NS, HNS), jnp.float32),
        pltpu.VMEM_SHARED((NS, HISTP), jnp.float32),
    ],
    compiler_params=pltpu.CompilerParams(needs_layout_passes=False),
)
def _deg_kernel(dstg, wraw, emaskg, degp, wmask, dst_v, w_v, m_v, hist, red,
                shared):
    cid = lax.axis_index("c")
    sid = lax.axis_index("s")
    wid = sid * NC + cid
    pltpu.sync_copy(dstg.at[wid], dst_v)
    pltpu.sync_copy(wraw.at[wid], w_v)
    pltpu.sync_copy(emaskg.at[wid], m_v)

    def mask_body(i, _):
        for f in range(C // L):
            sl = pl.ds(f * L, L)
            w_v[i, sl] = w_v[i, sl] * m_v[i, sl]
        return 0

    lax.fori_loop(0, NCH, mask_body, 0)
    pltpu.sync_copy(w_v, wmask.at[wid])

    def zero_body(i, _):
        hist[pl.ds(i * L, L)] = jnp.zeros((L,), jnp.float32)
        return 0

    lax.fori_loop(0, HISTP // L, zero_body, 0)

    def ch_body(ch, _):
        def g_body(g, _):
            sl = pl.ds(g * L, L)
            plsc.addupdate_scatter(hist, [dst_v[ch, sl]], w_v[ch, sl])
            return 0

        lax.fori_loop(0, C // L, g_body, 0)
        return 0

    lax.fori_loop(0, NCH, ch_body, 0)

    pltpu.sync_copy(hist, shared.at[sid])
    plsc.subcore_barrier()
    pltpu.sync_copy(shared.at[:, pl.ds(sid * HNS, HNS)], red)

    def red_body(f, _):
        sl = pl.ds(f * L, L)
        acc = red[0, sl]
        for k in range(1, NS):
            acc = acc + red[k, sl]
        red[0, sl] = acc
        return 0

    lax.fori_loop(0, HNS // L, red_body, 0)
    pltpu.sync_copy(red.at[0], degp.at[cid, pl.ds(sid * HNS, HNS)])


@functools.partial(
    pl.kernel,
    out_type=jax.ShapeDtypeStruct((NC, NUM_N, HIDDEN), jnp.float32),
    mesh=_mesh,
    scratch_types=[
        pltpu.VMEM((NCH, C), jnp.int32),
        pltpu.VMEM((NCH, C), jnp.int32),
        pltpu.VMEM((NCH, C), jnp.float32),
        pltpu.VMEM((C, HIDDEN), jnp.float32),
        pltpu.SemaphoreType.DMA,
        pltpu.VMEM_SHARED((NUM_N, HIDDEN), jnp.float32),
    ],
    compiler_params=pltpu.CompilerParams(needs_layout_passes=False),
)
def _layer_kernel(h2, srcg, dstg, wg, out, src_v, dst_v, w_v, rbuf, gsem, acc):
    cid = lax.axis_index("c")
    sid = lax.axis_index("s")
    wid = sid * NC + cid
    pltpu.sync_copy(srcg.at[wid], src_v)
    pltpu.sync_copy(dstg.at[wid], dst_v)
    pltpu.sync_copy(wg.at[wid], w_v)

    def zero_body(i, _):
        for f in range(HIDDEN // L):
            rbuf[i, pl.ds(f * L, L)] = jnp.zeros((L,), jnp.float32)
        return 0

    lax.fori_loop(0, C, zero_body, 0)
    NB = NUM_N // 80
    for j in range((NB + NS - 1) // NS):
        blk = j * NS + sid

        @pl.when(blk < NB)
        def _():
            pltpu.sync_copy(rbuf.at[pl.ds(0, 80)], acc.at[pl.ds(blk * 80, 80)])

    plsc.subcore_barrier()

    def ch_body(ch, _):
        pltpu.async_copy(h2.at[src_v.at[ch]], rbuf, gsem).wait()

        def g_body(g, _):
            wv = w_v[ch, pl.ds(g * L, L)]
            for e in range(L):
                nb = jnp.full((L,), wv[e], jnp.float32)
                row = g * L + e
                for f in range(HIDDEN // L):
                    sl = pl.ds(f * L, L)
                    rbuf[row, sl] = rbuf[row, sl] * nb
            return 0

        lax.fori_loop(0, C // L, g_body, 0)
        pltpu.sync_copy(rbuf, acc.at[dst_v.at[ch]], add=True)
        return 0

    lax.fori_loop(0, NCH, ch_body, 0)
    plsc.subcore_barrier()
    for j in range((NB + NS - 1) // NS):
        blk = j * NS + sid

        @pl.when(blk < NB)
        def _():
            sl = pl.ds(blk * 80, 80)
            pltpu.sync_copy(acc.at[sl], out.at[cid, sl])


_BR = 2000


def _prep_mm_body(feat, noise, colmask, dinv, W, o_ref):
    x = feat[...] * colmask[...] + noise[...]
    h = jnp.dot(x, W[...], preferred_element_type=jnp.float32)
    o_ref[...] = h * dinv[...]


def _mid_body(aggA, aggB, dinv, b, W, o_ref):
    x = jnp.maximum((aggA[0] + aggB[0]) * dinv[...] + b[...], 0.0)
    h = jnp.dot(x, W[...], preferred_element_type=jnp.float32)
    o_ref[...] = h * dinv[...]


def _final_body(aggA, aggB, dinv, b, o_ref):
    o_ref[...] = jnp.maximum((aggA[0] + aggB[0]) * dinv[...] + b[...], 0.0)


_bspec = pl.BlockSpec((_BR, HIDDEN), lambda i: (i, 0))
_dspec = pl.BlockSpec((_BR, 1), lambda i: (i, 0))
_aspecA = pl.BlockSpec((1, _BR, HIDDEN), lambda i: (0, i, 0))
_aspecB = pl.BlockSpec((1, _BR, HIDDEN), lambda i: (1, i, 0))
_vspec = pl.BlockSpec((1, HIDDEN), lambda i: (0, 0))
_wspec = pl.BlockSpec((HIDDEN, HIDDEN), lambda i: (0, 0))
_GRID = NUM_N // _BR
_OSHAPE = jax.ShapeDtypeStruct((NUM_N, HIDDEN), jnp.float32)


def _prep_mm(feat, noise, col_keep, dinv, W):
    return pl.pallas_call(
        _prep_mm_body,
        grid=(_GRID,),
        in_specs=[_bspec, _bspec, _vspec, _dspec, _wspec],
        out_specs=_bspec,
        out_shape=_OSHAPE,
    )(feat, noise, col_keep, dinv, W)


def _mid(aggp, dinv, b, W):
    return pl.pallas_call(
        _mid_body,
        grid=(_GRID,),
        in_specs=[_aspecA, _aspecB, _dspec, _vspec, _wspec],
        out_specs=_bspec,
        out_shape=_OSHAPE,
    )(aggp, aggp, dinv, b.reshape(1, HIDDEN), W)


def _final(aggp, dinv, b):
    return pl.pallas_call(
        _final_body,
        grid=(_GRID,),
        in_specs=[_aspecA, _aspecB, _dspec, _vspec],
        out_specs=_bspec,
        out_shape=_OSHAPE,
    )(aggp, aggp, dinv, b.reshape(1, HIDDEN))


def kernel(feat, mp0_indices, mp0_values, mp1_indices, mp1_values, W0, b0, W1, b1):
    si = jnp.arange(NUM_N, dtype=jnp.int32)
    zpad = jnp.zeros((E_PAD - E_TOT,), jnp.int32)
    src = jnp.concatenate(
        [mp0_indices[0].astype(jnp.int32), mp1_indices[0].astype(jnp.int32),
         si, zpad]
    ).reshape(NW, NCH, C)
    dst = jnp.concatenate(
        [mp0_indices[1].astype(jnp.int32), mp1_indices[1].astype(jnp.int32),
         si, zpad]
    ).reshape(NW, NCH, C)
    wraw = jnp.concatenate(
        [mp0_values, mp1_values, jnp.ones((NUM_N,), jnp.float32),
         jnp.zeros((E_PAD - E_TOT,), jnp.float32)]
    ).reshape(NW, NCH, C)

    col_keep, emask, noise = _rand_consts()
    degp, wg = _deg_kernel(dst, wraw, emask)
    deg = degp[0, :NUM_N] + degp[1, :NUM_N]
    dinv = jnp.where(deg > 0, lax.rsqrt(deg), 0.0).reshape(NUM_N, 1)

    h2 = _prep_mm(feat, noise, col_keep, dinv, W0)
    aggp = _layer_kernel(h2, src, dst, wg)
    h2b = _mid(aggp, dinv, b0, W1)
    aggp2 = _layer_kernel(h2b, src, dst, wg)
    return _final(aggp2, dinv, b1)

# --- scband reference (transcript-rebuilt; emitter-appended) ---
"""Pipeline reference for scband-sm-encoder-7567732375600 (READ-ONLY COPY).

The authoritative reference and input builder live on the scoring server;
editing this copy changes nothing except your own understanding.
"""

import jax, jax.numpy as jnp
import numpy as np

NUM_N = 10000
HIDDEN = 128
NUM_LAYERS = 2
PF = 0.2
PE = 0.2
NOISE_STD = 0.1
E_PER_MP = 160000


def _gcn_layer(x, W, b, src, dst, ew, n):
    # torch_geometric GCNConv with edge_weight: add self-loops (weight 1),
    # symmetric normalization, then weighted scatter-add aggregation.
    si = jnp.arange(n, dtype=src.dtype)
    s = jnp.concatenate([src, si])
    d = jnp.concatenate([dst, si])
    w = jnp.concatenate([ew, jnp.ones((n,), dtype=ew.dtype)])
    deg = jax.ops.segment_sum(w, d, num_segments=n)
    dinv = jnp.where(deg > 0, 1.0 / jnp.sqrt(deg), 0.0)
    norm = dinv[s] * w * dinv[d]
    h = x @ W
    msg = h[s] * norm[:, None]
    out = jax.ops.segment_sum(msg, d, num_segments=n)
    return out + b


def setup_inputs(seed: int = 0) -> dict:
    key = jax.random.key(seed)
    ks = jax.random.split(key, 10)
    feat = jax.random.normal(ks[0], (NUM_N, HIDDEN), dtype=jnp.float32)
    mp0_indices = jax.random.randint(ks[1], (2, E_PER_MP), 0, NUM_N, dtype=jnp.int64)
    mp0_values = jax.random.uniform(ks[2], (E_PER_MP,), dtype=jnp.float32)
    mp1_indices = jax.random.randint(ks[3], (2, E_PER_MP), 0, NUM_N, dtype=jnp.int64)
    mp1_values = jax.random.uniform(ks[4], (E_PER_MP,), dtype=jnp.float32)
    scale = 1.0 / np.sqrt(HIDDEN)
    W0 = jax.random.normal(ks[5], (HIDDEN, HIDDEN), dtype=jnp.float32) * scale
    b0 = jnp.zeros((HIDDEN,), dtype=jnp.float32)
    W1 = jax.random.normal(ks[6], (HIDDEN, HIDDEN), dtype=jnp.float32) * scale
    b1 = jnp.zeros((HIDDEN,), dtype=jnp.float32)
    return {"feat": feat, "mp0_indices": mp0_indices, "mp0_values": mp0_values,
            "mp1_indices": mp1_indices, "mp1_values": mp1_values,
            "W0": W0, "b0": b0, "W1": W1, "b1": b1}


def reference(feat, mp0_indices, mp0_values, mp1_indices, mp1_values, W0, b0, W1, b1):
    n = feat.shape[0]
    # construct_p_adj_from_mps: concatenate metapath COO matrices. Duplicate
    # (i,j) entries are left unmerged; since GCN aggregation is a linear
    # scatter-add over edges, this is mathematically identical to coalesce().
    src = jnp.concatenate([mp0_indices[0], mp1_indices[0]])
    dst = jnp.concatenate([mp0_indices[1], mp1_indices[1]])
    ew = jnp.concatenate([mp0_values, mp1_values])
    # deterministic stand-ins for the module's internal randomness
    rk = jax.random.key(123)
    kf, ke, kn = jax.random.split(rk, 3)
    # dropout_feat: zero whole feature columns with prob PF
    col_mask = jax.random.uniform(kf, (feat.shape[1],)) < PF
    feat_d = jnp.where(col_mask[None, :], 0.0, feat)
    # edge_drop: instead of removing edges (shape change), zero their weights;
    # zero-weight edges contribute 0 to degree and 0 to messages -> equivalent.
    emask = jax.random.uniform(ke, (ew.shape[0],)) > PE
    ew = jnp.where(emask, ew, 0.0)
    # add_gaussian_noise
    noise = jax.random.normal(kn, feat_d.shape, dtype=jnp.float32) * NOISE_STD
    x = feat_d + noise
    for W, b in ((W0, b0), (W1, b1)):
        x = _gcn_layer(x, W, b, src, dst, ew, n)
        x = jax.nn.relu(x)
    return x

if __name__ == "__main__":
    import jax
    _d = setup_inputs()
    print(jax.jit(kernel)(*tuple(_d.values())))

</pallas_src>

<mosaic_0001>
#map = affine_map<(d0, d1) -> (0, 0)>
#map1 = affine_map<(d0, d1) -> (0, 0, 0)>
module attributes {stable_mosaic.version = 14 : i64} {
  func.func @_layer_kernel(%arg0: i32, %arg1: i32, %arg2: memref<10000x128xf32, #tpu.memory_space<hbm>>, %arg3: memref<32x81x128xi32, #tpu.memory_space<hbm>>, %arg4: memref<32x81x128xi32, #tpu.memory_space<hbm>>, %arg5: memref<32x81x128xf32, #tpu.memory_space<hbm>>, %arg6: memref<2x10000x128xf32, #tpu.memory_space<hbm>>, %arg7: memref<81x128xi32, #tpu.memory_space<vmem>>, %arg8: memref<81x128xi32, #tpu.memory_space<vmem>>, %arg9: memref<81x128xf32, #tpu.memory_space<vmem>>, %arg10: memref<128x128xf32, #tpu.memory_space<vmem>>, %arg11: memref<!tpu.dma_semaphore, #tpu.memory_space<semaphore_mem>>, %arg12: memref<10000x128xf32, #tpu.memory_space<vmem_shared>>) attributes {dimension_semantics = [#tpu.dimension_semantics<core_parallel>, #tpu.dimension_semantics<subcore_parallel>], iteration_bounds = array<i64: 2, 16>, scalar_prefetch = 0 : i64, scratch_operands = 6 : i64, tpu.core_type = #tpu.core_type<sc_vector_subcore>, window_params = [{transform_indices = #map}, {transform_indices = #map1}, {transform_indices = #map1}, {transform_indices = #map1}, {transform_indices = #map1}]} {
    %mul3A = arith.constant 2 : i32
    %mul3A_0 = arith.muli %arg1, %mul3A : i32
    %add3A = arith.addi %mul3A_0, %arg0 : i32
    "tpu.region"() ({
      %run_scoped3A = tpu.sem_alloc : memref<!tpu.dma_semaphore, #tpu.memory_space<semaphore_mem>>
      %dma_start3A = arith.constant 0 : i32
      %dma_start3A_124 = arith.constant 0 : i32
      %dma_start3A_125 = tpu.memref_slice %arg3[%add3A, %dma_start3A, %dma_start3A_124] : memref<32x81x128xi32, #tpu.memory_space<hbm>> -> memref<1x81x128xi32, #tpu.memory_space<hbm>>
      %dma_start3A_126 = tpu.memref_squeeze %dma_start3A_125 : memref<1x81x128xi32, #tpu.memory_space<hbm>> -> memref<81x128xi32, #tpu.memory_space<hbm>>
      %dma_start3A_127 = arith.constant 0 : i32
      %dma_start3A_128 = arith.constant 0 : i32
      %dma_start3A_129 = tpu.memref_slice %arg3[%add3A, %dma_start3A_127, %dma_start3A_128] : memref<32x81x128xi32, #tpu.memory_space<hbm>> -> memref<1x81x128xi32, #tpu.memory_space<hbm>>
      %dma_start3A_130 = tpu.memref_squeeze %dma_start3A_129 : memref<1x81x128xi32, #tpu.memory_space<hbm>> -> memref<81x128xi32, #tpu.memory_space<hbm>>
      tpu.enqueue_dma source(%dma_start3A_130 : memref<81x128xi32, #tpu.memory_space<hbm>>) target(%arg7 : memref<81x128xi32, #tpu.memory_space<vmem>>) target_semaphore(%run_scoped3A : memref<!tpu.dma_semaphore, #tpu.memory_space<semaphore_mem>>)
      %dma_wait3A = arith.constant 0 : i32
      %dma_wait3A_131 = arith.constant 0 : i32
      %dma_wait3A_132 = tpu.memref_slice %arg3[%add3A, %dma_wait3A, %dma_wait3A_131] : memref<32x81x128xi32, #tpu.memory_space<hbm>> -> memref<1x81x128xi32, #tpu.memory_space<hbm>>
      %dma_wait3A_133 = tpu.memref_squeeze %dma_wait3A_132 : memref<1x81x128xi32, #tpu.memory_space<hbm>> -> memref<81x128xi32, #tpu.memory_space<hbm>>
      %dma_wait3A_134 = arith.constant 0 : i32
      %dma_wait3A_135 = arith.constant 0 : i32
      %dma_wait3A_136 = tpu.memref_slice %arg3[%add3A, %dma_wait3A_134, %dma_wait3A_135] : memref<32x81x128xi32, #tpu.memory_space<hbm>> -> memref<1x81x128xi32, #tpu.memory_space<hbm>>
      %dma_wait3A_137 = tpu.memref_squeeze %dma_wait3A_136 : memref<1x81x128xi32, #tpu.memory_space<hbm>> -> memref<81x128xi32, #tpu.memory_space<hbm>>
      tpu.wait_dma2 semaphore(%run_scoped3A : memref<!tpu.dma_semaphore, #tpu.memory_space<semaphore_mem>>) src(%dma_wait3A_137 : memref<81x128xi32, #tpu.memory_space<hbm>>) dst(%arg7 : memref<81x128xi32, #tpu.memory_space<vmem>>)
      tpu.yield
    }) : () -> ()
    "tpu.region"() ({
      %run_scoped3A = tpu.sem_alloc : memref<!tpu.dma_semaphore, #tpu.memory_space<semaphore_mem>>
      %dma_start3A = arith.constant 0 : i32
      %dma_start3A_124 = arith.constant 0 : i32
      %dma_start3A_125 = tpu.memref_slice %arg4[%add3A, %dma_start3A, %dma_start3A_124] : memref<32x81x128xi32, #tpu.memory_space<hbm>> -> memref<1x81x128xi32, #tpu.memory_space<hbm>>
      %dma_start3A_126 = tpu.memref_squeeze %dma_start3A_125 : memref<1x81x128xi32, #tpu.memory_space<hbm>> -> memref<81x128xi32, #tpu.memory_space<hbm>>
      %dma_start3A_127 = arith.constant 0 : i32
      %dma_start3A_128 = arith.constant 0 : i32
      %dma_start3A_129 = tpu.memref_slice %arg4[%add3A, %dma_start3A_127, %dma_start3A_128] : memref<32x81x128xi32, #tpu.memory_space<hbm>> -> memref<1x81x128xi32, #tpu.memory_space<hbm>>
      %dma_start3A_130 = tpu.memref_squeeze %dma_start3A_129 : memref<1x81x128xi32, #tpu.memory_space<hbm>> -> memref<81x128xi32, #tpu.memory_space<hbm>>
      tpu.enqueue_dma source(%dma_start3A_130 : memref<81x128xi32, #tpu.memory_space<hbm>>) target(%arg8 : memref<81x128xi32, #tpu.memory_space<vmem>>) target_semaphore(%run_scoped3A : memref<!tpu.dma_semaphore, #tpu.memory_space<semaphore_mem>>)
      %dma_wait3A = arith.constant 0 : i32
      %dma_wait3A_131 = arith.constant 0 : i32
      %dma_wait3A_132 = tpu.memref_slice %arg4[%add3A, %dma_wait3A, %dma_wait3A_131] : memref<32x81x128xi32, #tpu.memory_space<hbm>> -> memref<1x81x128xi32, #tpu.memory_space<hbm>>
      %dma_wait3A_133 = tpu.memref_squeeze %dma_wait3A_132 : memref<1x81x128xi32, #tpu.memory_space<hbm>> -> memref<81x128xi32, #tpu.memory_space<hbm>>
      %dma_wait3A_134 = arith.constant 0 : i32
      %dma_wait3A_135 = arith.constant 0 : i32
      %dma_wait3A_136 = tpu.memref_slice %arg4[%add3A, %dma_wait3A_134, %dma_wait3A_135] : memref<32x81x128xi32, #tpu.memory_space<hbm>> -> memref<1x81x128xi32, #tpu.memory_space<hbm>>
      %dma_wait3A_137 = tpu.memref_squeeze %dma_wait3A_136 : memref<1x81x128xi32, #tpu.memory_space<hbm>> -> memref<81x128xi32, #tpu.memory_space<hbm>>
      tpu.wait_dma2 semaphore(%run_scoped3A : memref<!tpu.dma_semaphore, #tpu.memory_space<semaphore_mem>>) src(%dma_wait3A_137 : memref<81x128xi32, #tpu.memory_space<hbm>>) dst(%arg8 : memref<81x128xi32, #tpu.memory_space<vmem>>)
      tpu.yield
    }) : () -> ()
    "tpu.region"() ({
      %run_scoped3A = tpu.sem_alloc : memref<!tpu.dma_semaphore, #tpu.memory_space<semaphore_mem>>
      %dma_start3A = arith.constant 0 : i32
      %dma_start3A_124 = arith.constant 0 : i32
      %dma_start3A_125 = tpu.memref_slice %arg5[%add3A, %dma_start3A, %dma_start3A_124] : memref<32x81x128xf32, #tpu.memory_space<hbm>> -> memref<1x81x128xf32, #tpu.memory_space<hbm>>
      %dma_start3A_126 = tpu.memref_squeeze %dma_start3A_125 : memref<1x81x128xf32, #tpu.memory_space<hbm>> -> memref<81x128xf32, #tpu.memory_space<hbm>>
      %dma_start3A_127 = arith.constant 0 : i32
      %dma_start3A_128 = arith.constant 0 : i32
      %dma_start3A_129 = tpu.memref_slice %arg5[%add3A, %dma_start3A_127, %dma_start3A_128] : memref<32x81x128xf32, #tpu.memory_space<hbm>> -> memref<1x81x128xf32, #tpu.memory_space<hbm>>
      %dma_start3A_130 = tpu.memref_squeeze %dma_start3A_129 : memref<1x81x128xf32, #tpu.memory_space<hbm>> -> memref<81x128xf32, #tpu.memory_space<hbm>>
      tpu.enqueue_dma source(%dma_start3A_130 : memref<81x128xf32, #tpu.memory_space<hbm>>) target(%arg9 : memref<81x128xf32, #tpu.memory_space<vmem>>) target_semaphore(%run_scoped3A : memref<!tpu.dma_semaphore, #tpu.memory_space<semaphore_mem>>)
      %dma_wait3A = arith.constant 0 : i32
      %dma_wait3A_131 = arith.constant 0 : i32
      %dma_wait3A_132 = tpu.memref_slice %arg5[%add3A, %dma_wait3A, %dma_wait3A_131] : memref<32x81x128xf32, #tpu.memory_space<hbm>> -> memref<1x81x128xf32, #tpu.memory_space<hbm>>
      %dma_wait3A_133 = tpu.memref_squeeze %dma_wait3A_132 : memref<1x81x128xf32, #tpu.memory_space<hbm>> -> memref<81x128xf32, #tpu.memory_space<hbm>>
      %dma_wait3A_134 = arith.constant 0 : i32
      %dma_wait3A_135 = arith.constant 0 : i32
      %dma_wait3A_136 = tpu.memref_slice %arg5[%add3A, %dma_wait3A_134, %dma_wait3A_135] : memref<32x81x128xf32, #tpu.memory_space<hbm>> -> memref<1x81x128xf32, #tpu.memory_space<hbm>>
      %dma_wait3A_137 = tpu.memref_squeeze %dma_wait3A_136 : memref<1x81x128xf32, #tpu.memory_space<hbm>> -> memref<81x128xf32, #tpu.memory_space<hbm>>
      tpu.wait_dma2 semaphore(%run_scoped3A : memref<!tpu.dma_semaphore, #tpu.memory_space<semaphore_mem>>) src(%dma_wait3A_137 : memref<81x128xf32, #tpu.memory_space<hbm>>) dst(%arg9 : memref<81x128xf32, #tpu.memory_space<vmem>>)
      tpu.yield
    }) : () -> ()
    %scan3A = arith.constant 0 : i32
    %scan3A_1 = arith.constant 0 : i32
    %scan3A_2 = arith.constant 128 : i32
    %scan3A_3 = arith.addi %scan3A_1, %scan3A_2 : i32
    %scan3A_4 = arith.constant 1 : i32
    %scan3A_5 = scf.for %scan3A_124 = %scan3A_1 to %scan3A_3 step %scan3A_4 iter_args(%scan3A_125 = %scan3A) -> (i32)  : i32 {
      %broadcast_in_dim3A = arith.constant 0.000000e+00 : f32
      %broadcast_in_dim3A_126 = vector.broadcast %broadcast_in_dim3A : f32 to vector<16xf32>
      %swap3A = arith.index_cast %scan3A_124 : i32 to index
      %swap3A_127 = arith.constant 0 : index
      %swap3A_128 = tpu.vector_load %arg10[%swap3A, %swap3A_127] {strides = array<i32>} : memref<128x128xf32, #tpu.memory_space<vmem>>, vector<16xf32>,
      tpu.vector_store %arg10[%swap3A, %swap3A_127], %broadcast_in_dim3A_126 {strides = array<i32>} : memref<128x128xf32, #tpu.memory_space<vmem>>, vector<16xf32>,
      %broadcast_in_dim3A_129 = arith.constant 0.000000e+00 : f32
      %broadcast_in_dim3A_130 = vector.broadcast %broadcast_in_dim3A_129 : f32 to vector<16xf32>
      %swap3A_131 = arith.index_cast %scan3A_124 : i32 to index
      %swap3A_132 = arith.constant 16 : index
      %swap3A_133 = tpu.vector_load %arg10[%swap3A_131, %swap3A_132] {strides = array<i32>} : memref<128x128xf32, #tpu.memory_space<vmem>>, vector<16xf32>,
      tpu.vector_store %arg10[%swap3A_131, %swap3A_132], %broadcast_in_dim3A_130 {strides = array<i32>} : memref<128x128xf32, #tpu.memory_space<vmem>>, vector<16xf32>,
      %broadcast_in_dim3A_134 = arith.constant 0.000000e+00 : f32
      %broadcast_in_dim3A_135 = vector.broadcast %broadcast_in_dim3A_134 : f32 to vector<16xf32>
      %swap3A_136 = arith.index_cast %scan3A_124 : i32 to index
      %swap3A_137 = arith.constant 32 : index
      %swap3A_138 = tpu.vector_load %arg10[%swap3A_136, %swap3A_137] {strides = array<i32>} : memref<128x128xf32, #tpu.memory_space<vmem>>, vector<16xf32>,
      tpu.vector_store %arg10[%swap3A_136, %swap3A_137], %broadcast_in_dim3A_135 {strides = array<i32>} : memref<128x128xf32, #tpu.memory_space<vmem>>, vector<16xf32>,
      %broadcast_in_dim3A_139 = arith.constant 0.000000e+00 : f32
      %broadcast_in_dim3A_140 = vector.broadcast %broadcast_in_dim3A_139 : f32 to vector<16xf32>
      %swap3A_141 = arith.index_cast %scan3A_124 : i32 to index
      %swap3A_142 = arith.constant 48 : index
      %swap3A_143 = tpu.vector_load %arg10[%swap3A_141, %swap3A_142] {strides = array<i32>} : memref<128x128xf32, #tpu.memory_space<vmem>>, vector<16xf32>,
      tpu.vector_store %arg10[%swap3A_141, %swap3A_142], %broadcast_in_dim3A_140 {strides = array<i32>} : memref<128x128xf32, #tpu.memory_space<vmem>>, vector<16xf32>,
      %broadcast_in_dim3A_144 = arith.constant 0.000000e+00 : f32
      %broadcast_in_dim3A_145 = vector.broadcast %broadcast_in_dim3A_144 : f32 to vector<16xf32>
      %swap3A_146 = arith.index_cast %scan3A_124 : i32 to index
      %swap3A_147 = arith.constant 64 : index
      %swap3A_148 = tpu.vector_load %arg10[%swap3A_146, %swap3A_147] {strides = array<i32>} : memref<128x128xf32, #tpu.memory_space<vmem>>, vector<16xf32>,
      tpu.vector_store %arg10[%swap3A_146, %swap3A_147], %broadcast_in_dim3A_145 {strides = array<i32>} : memref<128x128xf32, #tpu.memory_space<vmem>>, vector<16xf32>,
      %broadcast_in_dim3A_149 = arith.constant 0.000000e+00 : f32
      %broadcast_in_dim3A_150 = vector.broadcast %broadcast_in_dim3A_149 : f32 to vector<16xf32>
      %swap3A_151 = arith.index_cast %scan3A_124 : i32 to index
      %swap3A_152 = arith.constant 80 : index
      %swap3A_153 = tpu.vector_load %arg10[%swap3A_151, %swap3A_152] {strides = array<i32>} : memref<128x128xf32, #tpu.memory_space<vmem>>, vector<16xf32>,
      tpu.vector_store %arg10[%swap3A_151, %swap3A_152], %broadcast_in_dim3A_150 {strides = array<i32>} : memref<128x128xf32, #tpu.memory_space<vmem>>, vector<16xf32>,
      %broadcast_in_dim3A_154 = arith.constant 0.000000e+00 : f32
      %broadcast_in_dim3A_155 = vector.broadcast %broadcast_in_dim3A_154 : f32 to vector<16xf32>
      %swap3A_156 = arith.index_cast %scan3A_124 : i32 to index
      %swap3A_157 = arith.constant 96 : index
      %swap3A_158 = tpu.vector_load %arg10[%swap3A_156, %swap3A_157] {strides = array<i32>} : memref<128x128xf32, #tpu.memory_space<vmem>>, vector<16xf32>,
      tpu.vector_store %arg10[%swap3A_156, %swap3A_157], %broadcast_in_dim3A_155 {strides = array<i32>} : memref<128x128xf32, #tpu.memory_space<vmem>>, vector<16xf32>,
      %broadcast_in_dim3A_159 = arith.constant 0.000000e+00 : f32
      %broadcast_in_dim3A_160 = vector.broadcast %broadcast_in_dim3A_159 : f32 to vector<16xf32>
      %swap3A_161 = arith.index_cast %scan3A_124 : i32 to index
      %swap3A_162 = arith.constant 112 : index
      %swap3A_163 = tpu.vector_load %arg10[%swap3A_161, %swap3A_162] {strides = array<i32>} : memref<128x128xf32, #tpu.memory_space<vmem>>, vector<16xf32>,
      tpu.vector_store %arg10[%swap3A_161, %swap3A_162], %broadcast_in_dim3A_160 {strides = array<i32>} : memref<128x128xf32, #tpu.memory_space<vmem>>, vector<16xf32>,
      %scan3A_164 = arith.constant 0 : i32
      scf.yield %scan3A_164 : i32
    }
    %scan3A_6 = arith.constant 128 : i32
    %add3A_7 = arith.constant 0 : i32
    %add3A_8 = arith.addi %add3A_7, %arg1 : i32
    %lt3A = arith.constant 125 : i32
    %lt3A_9 = arith.cmpi slt, %add3A_8, %lt3A : i32
    %convert_element_type3A = arith.extui %lt3A_9 : i1 to i32
    %cond3A = arith.constant 0 : i32
    %cond3A_10 = arith.cmpi ne, %convert_element_type3A, %cond3A : i32
    scf.if %cond3A_10 {
      %mul3A_124 = arith.constant 80 : i32
      %mul3A_125 = arith.muli %add3A_8, %mul3A_124 : i32
      "tpu.region"() ({
        %run_scoped3A = tpu.sem_alloc : memref<!tpu.dma_semaphore, #tpu.memory_space<semaphore_mem>>
        %dma_start3A = arith.constant 0 : i32
        %dma_start3A_126 = arith.constant 0 : i32
        %dma_start3A_127 = tpu.memref_slice %arg10[%dma_start3A, %dma_start3A_126] : memref<128x128xf32, #tpu.memory_space<vmem>> -> memref<80x128xf32, #tpu.memory_space<vmem>>
        %dma_start3A_128 = arith.constant 0 : i32
        %dma_start3A_129 = tpu.memref_slice %arg12[%mul3A_125, %dma_start3A_128] : memref<10000x128xf32, #tpu.memory_space<vmem_shared>> -> memref<80x128xf32, #tpu.memory_space<vmem_shared>>
        %dma_start3A_130 = arith.constant 0 : i32
        %dma_start3A_131 = tpu.memref_slice %arg12[%mul3A_125, %dma_start3A_130] : memref<10000x128xf32, #tpu.memory_space<vmem_shared>> -> memref<80x128xf32, #tpu.memory_space<vmem_shared>>
        %dma_start3A_132 = arith.constant 0 : i32
        %dma_start3A_133 = arith.constant 0 : i32
        %dma_start3A_134 = tpu.memref_slice %arg10[%dma_start3A_132, %dma_start3A_133] : memref<128x128xf32, #tpu.memory_space<vmem>> -> memref<80x128xf32, #tpu.memory_space<vmem>>
        tpu.enqueue_dma source(%dma_start3A_134 : memref<80x128xf32, #tpu.memory_space<vmem>>) target(%dma_start3A_131 : memref<80x128xf32, #tpu.memory_space<vmem_shared>>) target_semaphore(%run_scoped3A : memref<!tpu.dma_semaphore, #tpu.memory_space<semaphore_mem>>)
        %dma_wait3A = arith.constant 0 : i32
        %dma_wait3A_135 = arith.constant 0 : i32
        %dma_wait3A_136 = tpu.memref_slice %arg10[%dma_wait3A, %dma_wait3A_135] : memref<128x128xf32, #tpu.memory_space<vmem>> -> memref<80x128xf32, #tpu.memory_space<vmem>>
        %dma_wait3A_137 = arith.constant 0 : i32
        %dma_wait3A_138 = tpu.memref_slice %arg12[%mul3A_125, %dma_wait3A_137] : memref<10000x128xf32, #tpu.memory_space<vmem_shared>> -> memref<80x128xf32, #tpu.memory_space<vmem_shared>>
        %dma_wait3A_139 = arith.constant 0 : i32
        %dma_wait3A_140 = tpu.memref_slice %arg12[%mul3A_125, %dma_wait3A_139] : memref<10000x128xf32, #tpu.memory_space<vmem_shared>> -> memref<80x128xf32, #tpu.memory_space<vmem_shared>>
        %dma_wait3A_141 = arith.constant 0 : i32
        %dma_wait3A_142 = arith.constant 0 : i32
        %dma_wait3A_143 = tpu.memref_slice %arg10[%dma_wait3A_141, %dma_wait3A_142] : memref<128x128xf32, #tpu.memory_space<vmem>> -> memref<80x128xf32, #tpu.memory_space<vmem>>
        tpu.wait_dma2 semaphore(%run_scoped3A : memref<!tpu.dma_semaphore, #tpu.memory_space<semaphore_mem>>) src(%dma_wait3A_143 : memref<80x128xf32, #tpu.memory_space<vmem>>) dst(%dma_wait3A_140 : memref<80x128xf32, #tpu.memory_space<vmem_shared>>)
        tpu.yield
      }) : () -> ()
    } else {
    }
    %add3A_11 = arith.constant 16 : i32
    %add3A_12 = arith.addi %add3A_11, %arg1 : i32
    %lt3A_13 = arith.constant 125 : i32
    %lt3A_14 = arith.cmpi slt, %add3A_12, %lt3A_13 : i32
    %convert_element_type3A_15 = arith.extui %lt3A_14 : i1 to i32
    %cond3A_16 = arith.constant 0 : i32
    %cond3A_17 = arith.cmpi ne, %convert_element_type3A_15, %cond3A_16 : i32
    scf.if %cond3A_17 {
      %mul3A_124 = arith.constant 80 : i32
      %mul3A_125 = arith.muli %add3A_12, %mul3A_124 : i32
      "tpu.region"() ({
        %run_scoped3A = tpu.sem_alloc : memref<!tpu.dma_semaphore, #tpu.memory_space<semaphore_mem>>
        %dma_start3A = arith.constant 0 : i32
        %dma_start3A_126 = arith.constant 0 : i32
        %dma_start3A_127 = tpu.memref_slice %arg10[%dma_start3A, %dma_start3A_126] : memref<128x128xf32, #tpu.memory_space<vmem>> -> memref<80x128xf32, #tpu.memory_space<vmem>>
        %dma_start3A_128 = arith.constant 0 : i32
        %dma_start3A_129 = tpu.memref_slice %arg12[%mul3A_125, %dma_start3A_128] : memref<10000x128xf32, #tpu.memory_space<vmem_shared>> -> memref<80x128xf32, #tpu.memory_space<vmem_shared>>
        %dma_start3A_130 = arith.constant 0 : i32
        %dma_start3A_131 = tpu.memref_slice %arg12[%mul3A_125, %dma_start3A_130] : memref<10000x128xf32, #tpu.memory_space<vmem_shared>> -> memref<80x128xf32, #tpu.memory_space<vmem_shared>>
        %dma_start3A_132 = arith.constant 0 : i32
        %dma_start3A_133 = arith.constant 0 : i32
        %dma_start3A_134 = tpu.memref_slice %arg10[%dma_start3A_132, %dma_start3A_133] : memref<128x128xf32, #tpu.memory_space<vmem>> -> memref<80x128xf32, #tpu.memory_space<vmem>>
        tpu.enqueue_dma source(%dma_start3A_134 : memref<80x128xf32, #tpu.memory_space<vmem>>) target(%dma_start3A_131 : memref<80x128xf32, #tpu.memory_space<vmem_shared>>) target_semaphore(%run_scoped3A : memref<!tpu.dma_semaphore, #tpu.memory_space<semaphore_mem>>)
        %dma_wait3A = arith.constant 0 : i32
        %dma_wait3A_135 = arith.constant 0 : i32
        %dma_wait3A_136 = tpu.memref_slice %arg10[%dma_wait3A, %dma_wait3A_135] : memref<128x128xf32, #tpu.memory_space<vmem>> -> memref<80x128xf32, #tpu.memory_space<vmem>>
        %dma_wait3A_137 = arith.constant 0 : i32
        %dma_wait3A_138 = tpu.memref_slice %arg12[%mul3A_125, %dma_wait3A_137] : memref<10000x128xf32, #tpu.memory_space<vmem_shared>> -> memref<80x128xf32, #tpu.memory_space<vmem_shared>>
        %dma_wait3A_139 = arith.constant 0 : i32
        %dma_wait3A_140 = tpu.memref_slice %arg12[%mul3A_125, %dma_wait3A_139] : memref<10000x128xf32, #tpu.memory_space<vmem_shared>> -> memref<80x128xf32, #tpu.memory_space<vmem_shared>>
        %dma_wait3A_141 = arith.constant 0 : i32
        %dma_wait3A_142 = arith.constant 0 : i32
        %dma_wait3A_143 = tpu.memref_slice %arg10[%dma_wait3A_141, %dma_wait3A_142] : memref<128x128xf32, #tpu.memory_space<vmem>> -> memref<80x128xf32, #tpu.memory_space<vmem>>
        tpu.wait_dma2 semaphore(%run_scoped3A : memref<!tpu.dma_semaphore, #tpu.memory_space<semaphore_mem>>) src(%dma_wait3A_143 : memref<80x128xf32, #tpu.memory_space<vmem>>) dst(%dma_wait3A_140 : memref<80x128xf32, #tpu.memory_space<vmem_shared>>)
        tpu.yield
      }) : () -> ()
    } else {
    }
    %add3A_18 = arith.constant 32 : i32
    %add3A_19 = arith.addi %add3A_18, %arg1 : i32
    %lt3A_20 = arith.constant 125 : i32
    %lt3A_21 = arith.cmpi slt, %add3A_19, %lt3A_20 : i32
    %convert_element_type3A_22 = arith.extui %lt3A_21 : i1 to i32
    %cond3A_23 = arith.constant 0 : i32
    %cond3A_24 = arith.cmpi ne, %convert_element_type3A_22, %cond3A_23 : i32
    scf.if %cond3A_24 {
      %mul3A_124 = arith.constant 80 : i32
      %mul3A_125 = arith.muli %add3A_19, %mul3A_124 : i32
      "tpu.region"() ({
        %run_scoped3A = tpu.sem_alloc : memref<!tpu.dma_semaphore, #tpu.memory_space<semaphore_mem>>
        %dma_start3A = arith.constant 0 : i32
        %dma_start3A_126 = arith.constant 0 : i32
        %dma_start3A_127 = tpu.memref_slice %arg10[%dma_start3A, %dma_start3A_126] : memref<128x128xf32, #tpu.memory_space<vmem>> -> memref<80x128xf32, #tpu.memory_space<vmem>>
        %dma_start3A_128 = arith.constant 0 : i32
        %dma_start3A_129 = tpu.memref_slice %arg12[%mul3A_125, %dma_start3A_128] : memref<10000x128xf32, #tpu.memory_space<vmem_shared>> -> memref<80x128xf32, #tpu.memory_space<vmem_shared>>
        %dma_start3A_130 = arith.constant 0 : i32
        %dma_start3A_131 = tpu.memref_slice %arg12[%mul3A_125, %dma_start3A_130] : memref<10000x128xf32, #tpu.memory_space<vmem_shared>> -> memref<80x128xf32, #tpu.memory_space<vmem_shared>>
        %dma_start3A_132 = arith.constant 0 : i32
        %dma_start3A_133 = arith.constant 0 : i32
        %dma_start3A_134 = tpu.memref_slice %arg10[%dma_start3A_132, %dma_start3A_133] : memref<128x128xf32, #tpu.memory_space<vmem>> -> memref<80x128xf32, #tpu.memory_space<vmem>>
        tpu.enqueue_dma source(%dma_start3A_134 : memref<80x128xf32, #tpu.memory_space<vmem>>) target(%dma_start3A_131 : memref<80x128xf32, #tpu.memory_space<vmem_shared>>) target_semaphore(%run_scoped3A : memref<!tpu.dma_semaphore, #tpu.memory_space<semaphore_mem>>)
        %dma_wait3A = arith.constant 0 : i32
        %dma_wait3A_135 = arith.constant 0 : i32
        %dma_wait3A_136 = tpu.memref_slice %arg10[%dma_wait3A, %dma_wait3A_135] : memref<128x128xf32, #tpu.memory_space<vmem>> -> memref<80x128xf32, #tpu.memory_space<vmem>>
        %dma_wait3A_137 = arith.constant 0 : i32
        %dma_wait3A_138 = tpu.memref_slice %arg12[%mul3A_125, %dma_wait3A_137] : memref<10000x128xf32, #tpu.memory_space<vmem_shared>> -> memref<80x128xf32, #tpu.memory_space<vmem_shared>>
        %dma_wait3A_139 = arith.constant 0 : i32
        %dma_wait3A_140 = tpu.memref_slice %arg12[%mul3A_125, %dma_wait3A_139] : memref<10000x128xf32, #tpu.memory_space<vmem_shared>> -> memref<80x128xf32, #tpu.memory_space<vmem_shared>>
        %dma_wait3A_141 = arith.constant 0 : i32
        %dma_wait3A_142 = arith.constant 0 : i32
        %dma_wait3A_143 = tpu.memref_slice %arg10[%dma_wait3A_141, %dma_wait3A_142] : memref<128x128xf32, #tpu.memory_space<vmem>> -> memref<80x128xf32, #tpu.memory_space<vmem>>
        tpu.wait_dma2 semaphore(%run_scoped3A : memref<!tpu.dma_semaphore, #tpu.memory_space<semaphore_mem>>) src(%dma_wait3A_143 : memref<80x128xf32, #tpu.memory_space<vmem>>) dst(%dma_wait3A_140 : memref<80x128xf32, #tpu.memory_space<vmem_shared>>)
        tpu.yield
      }) : () -> ()
    } else {
    }
    %add3A_25 = arith.constant 48 : i32
    %add3A_26 = arith.addi %add3A_25, %arg1 : i32
    %lt3A_27 = arith.constant 125 : i32
    %lt3A_28 = arith.cmpi slt, %add3A_26, %lt3A_27 : i32
    %convert_element_type3A_29 = arith.extui %lt3A_28 : i1 to i32
    %cond3A_30 = arith.constant 0 : i32
    %cond3A_31 = arith.cmpi ne, %convert_element_type3A_29, %cond3A_30 : i32
    scf.if %cond3A_31 {
      %mul3A_124 = arith.constant 80 : i32
      %mul3A_125 = arith.muli %add3A_26, %mul3A_124 : i32
      "tpu.region"() ({
        %run_scoped3A = tpu.sem_alloc : memref<!tpu.dma_semaphore, #tpu.memory_space<semaphore_mem>>
        %dma_start3A = arith.constant 0 : i32
        %dma_start3A_126 = arith.constant 0 : i32
        %dma_start3A_127 = tpu.memref_slice %arg10[%dma_start3A, %dma_start3A_126] : memref<128x128xf32, #tpu.memory_space<vmem>> -> memref<80x128xf32, #tpu.memory_space<vmem>>
        %dma_start3A_128 = arith.constant 0 : i32
        %dma_start3A_129 = tpu.memref_slice %arg12[%mul3A_125, %dma_start3A_128] : memref<10000x128xf32, #tpu.memory_space<vmem_shared>> -> memref<80x128xf32, #tpu.memory_space<vmem_shared>>
        %dma_start3A_130 = arith.constant 0 : i32
        %dma_start3A_131 = tpu.memref_slice %arg12[%mul3A_125, %dma_start3A_130] : memref<10000x128xf32, #tpu.memory_space<vmem_shared>> -> memref<80x128xf32, #tpu.memory_space<vmem_shared>>
        %dma_start3A_132 = arith.constant 0 : i32
        %dma_start3A_133 = arith.constant 0 : i32
        %dma_start3A_134 = tpu.memref_slice %arg10[%dma_start3A_132, %dma_start3A_133] : memref<128x128xf32, #tpu.memory_space<vmem>> -> memref<80x128xf32, #tpu.memory_space<vmem>>
        tpu.enqueue_dma source(%dma_start3A_134 : memref<80x128xf32, #tpu.memory_space<vmem>>) target(%dma_start3A_131 : memref<80x128xf32, #tpu.memory_space<vmem_shared>>) target_semaphore(%run_scoped3A : memref<!tpu.dma_semaphore, #tpu.memory_space<semaphore_mem>>)
        %dma_wait3A = arith.constant 0 : i32
        %dma_wait3A_135 = arith.constant 0 : i32
        %dma_wait3A_136 = tpu.memref_slice %arg10[%dma_wait3A, %dma_wait3A_135] : memref<128x128xf32, #tpu.memory_space<vmem>> -> memref<80x128xf32, #tpu.memory_space<vmem>>
        %dma_wait3A_137 = arith.constant 0 : i32
        %dma_wait3A_138 = tpu.memref_slice %arg12[%mul3A_125, %dma_wait3A_137] : memref<10000x128xf32, #tpu.memory_space<vmem_shared>> -> memref<80x128xf32, #tpu.memory_space<vmem_shared>>
        %dma_wait3A_139 = arith.constant 0 : i32
        %dma_wait3A_140 = tpu.memref_slice %arg12[%mul3A_125, %dma_wait3A_139] : memref<10000x128xf32, #tpu.memory_space<vmem_shared>> -> memref<80x128xf32, #tpu.memory_space<vmem_shared>>
        %dma_wait3A_141 = arith.constant 0 : i32
        %dma_wait3A_142 = arith.constant 0 : i32
        %dma_wait3A_143 = tpu.memref_slice %arg10[%dma_wait3A_141, %dma_wait3A_142] : memref<128x128xf32, #tpu.memory_space<vmem>> -> memref<80x128xf32, #tpu.memory_space<vmem>>
        tpu.wait_dma2 semaphore(%run_scoped3A : memref<!tpu.dma_semaphore, #tpu.memory_space<semaphore_mem>>) src(%dma_wait3A_143 : memref<80x128xf32, #tpu.memory_space<vmem>>) dst(%dma_wait3A_140 : memref<80x128xf32, #tpu.memory_space<vmem_shared>>)
        tpu.yield
      }) : () -> ()
    } else {
    }
    %add3A_32 = arith.constant 64 : i32
    %add3A_33 = arith.addi %add3A_32, %arg1 : i32
    %lt3A_34 = arith.constant 125 : i32
    %lt3A_35 = arith.cmpi slt, %add3A_33, %lt3A_34 : i32
    %convert_element_type3A_36 = arith.extui %lt3A_35 : i1 to i32
    %cond3A_37 = arith.constant 0 : i32
    %cond3A_38 = arith.cmpi ne, %convert_element_type3A_36, %cond3A_37 : i32
    scf.if %cond3A_38 {
      %mul3A_124 = arith.constant 80 : i32
      %mul3A_125 = arith.muli %add3A_33, %mul3A_124 : i32
      "tpu.region"() ({
        %run_scoped3A = tpu.sem_alloc : memref<!tpu.dma_semaphore, #tpu.memory_space<semaphore_mem>>
        %dma_start3A = arith.constant 0 : i32
        %dma_start3A_126 = arith.constant 0 : i32
        %dma_start3A_127 = tpu.memref_slice %arg10[%dma_start3A, %dma_start3A_126] : memref<128x128xf32, #tpu.memory_space<vmem>> -> memref<80x128xf32, #tpu.memory_space<vmem>>
        %dma_start3A_128 = arith.constant 0 : i32
        %dma_start3A_129 = tpu.memref_slice %arg12[%mul3A_125, %dma_start3A_128] : memref<10000x128xf32, #tpu.memory_space<vmem_shared>> -> memref<80x128xf32, #tpu.memory_space<vmem_shared>>
        %dma_start3A_130 = arith.constant 0 : i32
        %dma_start3A_131 = tpu.memref_slice %arg12[%mul3A_125, %dma_start3A_130] : memref<10000x128xf32, #tpu.memory_space<vmem_shared>> -> memref<80x128xf32, #tpu.memory_space<vmem_shared>>
        %dma_start3A_132 = arith.constant 0 : i32
        %dma_start3A_133 = arith.constant 0 : i32
        %dma_start3A_134 = tpu.memref_slice %arg10[%dma_start3A_132, %dma_start3A_133] : memref<128x128xf32, #tpu.memory_space<vmem>> -> memref<80x128xf32, #tpu.memory_space<vmem>>
        tpu.enqueue_dma source(%dma_start3A_134 : memref<80x128xf32, #tpu.memory_space<vmem>>) target(%dma_start3A_131 : memref<80x128xf32, #tpu.memory_space<vmem_shared>>) target_semaphore(%run_scoped3A : memref<!tpu.dma_semaphore, #tpu.memory_space<semaphore_mem>>)
        %dma_wait3A = arith.constant 0 : i32
        %dma_wait3A_135 = arith.constant 0 : i32
        %dma_wait3A_136 = tpu.memref_slice %arg10[%dma_wait3A, %dma_wait3A_135] : memref<128x128xf32, #tpu.memory_space<vmem>> -> memref<80x128xf32, #tpu.memory_space<vmem>>
        %dma_wait3A_137 = arith.constant 0 : i32
        %dma_wait3A_138 = tpu.memref_slice %arg12[%mul3A_125, %dma_wait3A_137] : memref<10000x128xf32, #tpu.memory_space<vmem_shared>> -> memref<80x128xf32, #tpu.memory_space<vmem_shared>>
        %dma_wait3A_139 = arith.constant 0 : i32
        %dma_wait3A_140 = tpu.memref_slice %arg12[%mul3A_125, %dma_wait3A_139] : memref<10000x128xf32, #tpu.memory_space<vmem_shared>> -> memref<80x128xf32, #tpu.memory_space<vmem_shared>>
        %dma_wait3A_141 = arith.constant 0 : i32
        %dma_wait3A_142 = arith.constant 0 : i32
        %dma_wait3A_143 = tpu.memref_slice %arg10[%dma_wait3A_141, %dma_wait3A_142] : memref<128x128xf32, #tpu.memory_space<vmem>> -> memref<80x128xf32, #tpu.memory_space<vmem>>
        tpu.wait_dma2 semaphore(%run_scoped3A : memref<!tpu.dma_semaphore, #tpu.memory_space<semaphore_mem>>) src(%dma_wait3A_143 : memref<80x128xf32, #tpu.memory_space<vmem>>) dst(%dma_wait3A_140 : memref<80x128xf32, #tpu.memory_space<vmem_shared>>)
        tpu.yield
      }) : () -> ()
    } else {
    }
    %add3A_39 = arith.constant 80 : i32
    %add3A_40 = arith.addi %add3A_39, %arg1 : i32
    %lt3A_41 = arith.constant 125 : i32
    %lt3A_42 = arith.cmpi slt, %add3A_40, %lt3A_41 : i32
    %convert_element_type3A_43 = arith.extui %lt3A_42 : i1 to i32
    %cond3A_44 = arith.constant 0 : i32
    %cond3A_45 = arith.cmpi ne, %convert_element_type3A_43, %cond3A_44 : i32
    scf.if %cond3A_45 {
      %mul3A_124 = arith.constant 80 : i32
      %mul3A_125 = arith.muli %add3A_40, %mul3A_124 : i32
      "tpu.region"() ({
        %run_scoped3A = tpu.sem_alloc : memref<!tpu.dma_semaphore, #tpu.memory_space<semaphore_mem>>
        %dma_start3A = arith.constant 0 : i32
        %dma_start3A_126 = arith.constant 0 : i32
        %dma_start3A_127 = tpu.memref_slice %arg10[%dma_start3A, %dma_start3A_126] : memref<128x128xf32, #tpu.memory_space<vmem>> -> memref<80x128xf32, #tpu.memory_space<vmem>>
        %dma_start3A_128 = arith.constant 0 : i32
        %dma_start3A_129 = tpu.memref_slice %arg12[%mul3A_125, %dma_start3A_128] : memref<10000x128xf32, #tpu.memory_space<vmem_shared>> -> memref<80x128xf32, #tpu.memory_space<vmem_shared>>
        %dma_start3A_130 = arith.constant 0 : i32
        %dma_start3A_131 = tpu.memref_slice %arg12[%mul3A_125, %dma_start3A_130] : memref<10000x128xf32, #tpu.memory_space<vmem_shared>> -> memref<80x128xf32, #tpu.memory_space<vmem_shared>>
        %dma_start3A_132 = arith.constant 0 : i32
        %dma_start3A_133 = arith.constant 0 : i32
        %dma_start3A_134 = tpu.memref_slice %arg10[%dma_start3A_132, %dma_start3A_133] : memref<128x128xf32, #tpu.memory_space<vmem>> -> memref<80x128xf32, #tpu.memory_space<vmem>>
        tpu.enqueue_dma source(%dma_start3A_134 : memref<80x128xf32, #tpu.memory_space<vmem>>) target(%dma_start3A_131 : memref<80x128xf32, #tpu.memory_space<vmem_shared>>) target_semaphore(%run_scoped3A : memref<!tpu.dma_semaphore, #tpu.memory_space<semaphore_mem>>)
        %dma_wait3A = arith.constant 0 : i32
        %dma_wait3A_135 = arith.constant 0 : i32
        %dma_wait3A_136 = tpu.memref_slice %arg10[%dma_wait3A, %dma_wait3A_135] : memref<128x128xf32, #tpu.memory_space<vmem>> -> memref<80x128xf32, #tpu.memory_space<vmem>>
        %dma_wait3A_137 = arith.constant 0 : i32
        %dma_wait3A_138 = tpu.memref_slice %arg12[%mul3A_125, %dma_wait3A_137] : memref<10000x128xf32, #tpu.memory_space<vmem_shared>> -> memref<80x128xf32, #tpu.memory_space<vmem_shared>>
        %dma_wait3A_139 = arith.constant 0 : i32
        %dma_wait3A_140 = tpu.memref_slice %arg12[%mul3A_125, %dma_wait3A_139] : memref<10000x128xf32, #tpu.memory_space<vmem_shared>> -> memref<80x128xf32, #tpu.memory_space<vmem_shared>>
        %dma_wait3A_141 = arith.constant 0 : i32
        %dma_wait3A_142 = arith.constant 0 : i32
        %dma_wait3A_143 = tpu.memref_slice %arg10[%dma_wait3A_141, %dma_wait3A_142] : memref<128x128xf32, #tpu.memory_space<vmem>> -> memref<80x128xf32, #tpu.memory_space<vmem>>
        tpu.wait_dma2 semaphore(%run_scoped3A : memref<!tpu.dma_semaphore, #tpu.memory_space<semaphore_mem>>) src(%dma_wait3A_143 : memref<80x128xf32, #tpu.memory_space<vmem>>) dst(%dma_wait3A_140 : memref<80x128xf32, #tpu.memory_space<vmem_shared>>)
        tpu.yield
      }) : () -> ()
    } else {
    }
    %add3A_46 = arith.constant 96 : i32
    %add3A_47 = arith.addi %add3A_46, %arg1 : i32
    %lt3A_48 = arith.constant 125 : i32
    %lt3A_49 = arith.cmpi slt, %add3A_47, %lt3A_48 : i32
    %convert_element_type3A_50 = arith.extui %lt3A_49 : i1 to i32
    %cond3A_51 = arith.constant 0 : i32
    %cond3A_52 = arith.cmpi ne, %convert_element_type3A_50, %cond3A_51 : i32
    scf.if %cond3A_52 {
      %mul3A_124 = arith.constant 80 : i32
      %mul3A_125 = arith.muli %add3A_47, %mul3A_124 : i32
      "tpu.region"() ({
        %run_scoped3A = tpu.sem_alloc : memref<!tpu.dma_semaphore, #tpu.memory_space<semaphore_mem>>
        %dma_start3A = arith.constant 0 : i32
        %dma_start3A_126 = arith.constant 0 : i32
        %dma_start3A_127 = tpu.memref_slice %arg10[%dma_start3A, %dma_start3A_126] : memref<128x128xf32, #tpu.memory_space<vmem>> -> memref<80x128xf32, #tpu.memory_space<vmem>>
        %dma_start3A_128 = arith.constant 0 : i32
        %dma_start3A_129 = tpu.memref_slice %arg12[%mul3A_125, %dma_start3A_128] : memref<10000x128xf32, #tpu.memory_space<vmem_shared>> -> memref<80x128xf32, #tpu.memory_space<vmem_shared>>
        %dma_start3A_130 = arith.constant 0 : i32
        %dma_start3A_131 = tpu.memref_slice %arg12[%mul3A_125, %dma_start3A_130] : memref<10000x128xf32, #tpu.memory_space<vmem_shared>> -> memref<80x128xf32, #tpu.memory_space<vmem_shared>>
        %dma_start3A_132 = arith.constant 0 : i32
        %dma_start3A_133 = arith.constant 0 : i32
        %dma_start3A_134 = tpu.memref_slice %arg10[%dma_start3A_132, %dma_start3A_133] : memref<128x128xf32, #tpu.memory_space<vmem>> -> memref<80x128xf32, #tpu.memory_space<vmem>>
        tpu.enqueue_dma source(%dma_start3A_134 : memref<80x128xf32, #tpu.memory_space<vmem>>) target(%dma_start3A_131 : memref<80x128xf32, #tpu.memory_space<vmem_shared>>) target_semaphore(%run_scoped3A : memref<!tpu.dma_semaphore, #tpu.memory_space<semaphore_mem>>)
        %dma_wait3A = arith.constant 0 : i32
        %dma_wait3A_135 = arith.constant 0 : i32
        %dma_wait3A_136 = tpu.memref_slice %arg10[%dma_wait3A, %dma_wait3A_135] : memref<128x128xf32, #tpu.memory_space<vmem>> -> memref<80x128xf32, #tpu.memory_space<vmem>>
        %dma_wait3A_137 = arith.constant 0 : i32
        %dma_wait3A_138 = tpu.memref_slice %arg12[%mul3A_125, %dma_wait3A_137] : memref<10000x128xf32, #tpu.memory_space<vmem_shared>> -> memref<80x128xf32, #tpu.memory_space<vmem_shared>>
        %dma_wait3A_139 = arith.constant 0 : i32
        %dma_wait3A_140 = tpu.memref_slice %arg12[%mul3A_125, %dma_wait3A_139] : memref<10000x128xf32, #tpu.memory_space<vmem_shared>> -> memref<80x128xf32, #tpu.memory_space<vmem_shared>>
        %dma_wait3A_141 = arith.constant 0 : i32
        %dma_wait3A_142 = arith.constant 0 : i32
        %dma_wait3A_143 = tpu.memref_slice %arg10[%dma_wait3A_141, %dma_wait3A_142] : memref<128x128xf32, #tpu.memory_space<vmem>> -> memref<80x128xf32, #tpu.memory_space<vmem>>
        tpu.wait_dma2 semaphore(%run_scoped3A : memref<!tpu.dma_semaphore, #tpu.memory_space<semaphore_mem>>) src(%dma_wait3A_143 : memref<80x128xf32, #tpu.memory_space<vmem>>) dst(%dma_wait3A_140 : memref<80x128xf32, #tpu.memory_space<vmem_shared>>)
        tpu.yield
      }) : () -> ()
    } else {
    }
    %add3A_53 = arith.constant 112 : i32
    %add3A_54 = arith.addi %add3A_53, %arg1 : i32
    %lt3A_55 = arith.constant 125 : i32
    %lt3A_56 = arith.cmpi slt, %add3A_54, %lt3A_55 : i32
    %convert_element_type3A_57 = arith.extui %lt3A_56 : i1 to i32
    %cond3A_58 = arith.constant 0 : i32
    %cond3A_59 = arith.cmpi ne, %convert_element_type3A_57, %cond3A_58 : i32
    scf.if %cond3A_59 {
      %mul3A_124 = arith.constant 80 : i32
      %mul3A_125 = arith.muli %add3A_54, %mul3A_124 : i32
      "tpu.region"() ({
        %run_scoped3A = tpu.sem_alloc : memref<!tpu.dma_semaphore, #tpu.memory_space<semaphore_mem>>
        %dma_start3A = arith.constant 0 : i32
        %dma_start3A_126 = arith.constant 0 : i32
        %dma_start3A_127 = tpu.memref_slice %arg10[%dma_start3A, %dma_start3A_126] : memref<128x128xf32, #tpu.memory_space<vmem>> -> memref<80x128xf32, #tpu.memory_space<vmem>>
        %dma_start3A_128 = arith.constant 0 : i32
        %dma_start3A_129 = tpu.memref_slice %arg12[%mul3A_125, %dma_start3A_128] : memref<10000x128xf32, #tpu.memory_space<vmem_shared>> -> memref<80x128xf32, #tpu.memory_space<vmem_shared>>
        %dma_start3A_130 = arith.constant 0 : i32
        %dma_start3A_131 = tpu.memref_slice %arg12[%mul3A_125, %dma_start3A_130] : memref<10000x128xf32, #tpu.memory_space<vmem_shared>> -> memref<80x128xf32, #tpu.memory_space<vmem_shared>>
        %dma_start3A_132 = arith.constant 0 : i32
        %dma_start3A_133 = arith.constant 0 : i32
        %dma_start3A_134 = tpu.memref_slice %arg10[%dma_start3A_132, %dma_start3A_133] : memref<128x128xf32, #tpu.memory_space<vmem>> -> memref<80x128xf32, #tpu.memory_space<vmem>>
        tpu.enqueue_dma source(%dma_start3A_134 : memref<80x128xf32, #tpu.memory_space<vmem>>) target(%dma_start3A_131 : memref<80x128xf32, #tpu.memory_space<vmem_shared>>) target_semaphore(%run_scoped3A : memref<!tpu.dma_semaphore, #tpu.memory_space<semaphore_mem>>)
        %dma_wait3A = arith.constant 0 : i32
        %dma_wait3A_135 = arith.constant 0 : i32
        %dma_wait3A_136 = tpu.memref_slice %arg10[%dma_wait3A, %dma_wait3A_135] : memref<128x128xf32, #tpu.memory_space<vmem>> -> memref<80x128xf32, #tpu.memory_space<vmem>>
        %dma_wait3A_137 = arith.constant 0 : i32
        %dma_wait3A_138 = tpu.memref_slice %arg12[%mul3A_125, %dma_wait3A_137] : memref<10000x128xf32, #tpu.memory_space<vmem_shared>> -> memref<80x128xf32, #tpu.memory_space<vmem_shared>>
        %dma_wait3A_139 = arith.constant 0 : i32
        %dma_wait3A_140 = tpu.memref_slice %arg12[%mul3A_125, %dma_wait3A_139] : memref<10000x128xf32, #tpu.memory_space<vmem_shared>> -> memref<80x128xf32, #tpu.memory_space<vmem_shared>>
        %dma_wait3A_141 = arith.constant 0 : i32
        %dma_wait3A_142 = arith.constant 0 : i32
        %dma_wait3A_143 = tpu.memref_slice %arg10[%dma_wait3A_141, %dma_wait3A_142] : memref<128x128xf32, #tpu.memory_space<vmem>> -> memref<80x128xf32, #tpu.memory_space<vmem>>
        tpu.wait_dma2 semaphore(%run_scoped3A : memref<!tpu.dma_semaphore, #tpu.memory_space<semaphore_mem>>) src(%dma_wait3A_143 : memref<80x128xf32, #tpu.memory_space<vmem>>) dst(%dma_wait3A_140 : memref<80x128xf32, #tpu.memory_space<vmem_shared>>)
        tpu.yield
      }) : () -> ()
    } else {
    }
    %barrier3A = arith.constant 0 : index
    tpu.barrier barrier_id(%barrier3A)
    %scan3A_60 = arith.constant 0 : i32
    %scan3A_61 = arith.constant 0 : i32
    %scan3A_62 = arith.constant 81 : i32
    %scan3A_63 = arith.addi %scan3A_61, %scan3A_62 : i32
    %scan3A_64 = arith.constant 1 : i32
    %scan3A_65 = scf.for %scan3A_124 = %scan3A_61 to %scan3A_63 step %scan3A_64 iter_args(%scan3A_125 = %scan3A_60) -> (i32)  : i32 {
      %dma_start3A = arith.constant 0 : i32
      %dma_start3A_126 = tpu.memref_slice %arg7[%scan3A_124, %dma_start3A] : memref<81x128xi32, #tpu.memory_space<vmem>> -> memref<1x128xi32, #tpu.memory_space<vmem>>
      %dma_start3A_127 = tpu.memref_squeeze %dma_start3A_126 : memref<1x128xi32, #tpu.memory_space<vmem>> -> memref<128xi32, #tpu.memory_space<vmem>>
      %dma_start3A_128 = arith.constant 0 : i32
      %dma_start3A_129 = arith.constant 0 : i32
      %dma_start3A_130 = tpu.memref_slice %arg2[%dma_start3A_128, %dma_start3A_129] : memref<10000x128xf32, #tpu.memory_space<hbm>> -> memref<10000x128xf32, #tpu.memory_space<hbm>>
      tpu.enqueue_indirect_dma source(%dma_start3A_130 : memref<10000x128xf32, #tpu.memory_space<hbm>>) target(%arg10 : memref<128x128xf32, #tpu.memory_space<vmem>>) offsets(%dma_start3A_127 : memref<128xi32, #tpu.memory_space<vmem>>) semaphore(%arg11 : memref<!tpu.dma_semaphore, #tpu.memory_space<semaphore_mem>>)
      %dma_wait3A = arith.constant 0 : i32
      %dma_wait3A_131 = tpu.memref_slice %arg7[%scan3A_124, %dma_wait3A] : memref<81x128xi32, #tpu.memory_space<vmem>> -> memref<1x128xi32, #tpu.memory_space<vmem>>
      %dma_wait3A_132 = tpu.memref_squeeze %dma_wait3A_131 : memref<1x128xi32, #tpu.memory_space<vmem>> -> memref<128xi32, #tpu.memory_space<vmem>>
      %dma_wait3A_133 = arith.constant 0 : i32
      %dma_wait3A_134 = arith.constant 0 : i32
      %dma_wait3A_135 = tpu.memref_slice %arg2[%dma_wait3A_133, %dma_wait3A_134] : memref<10000x128xf32, #tpu.memory_space<hbm>> -> memref<10000x128xf32, #tpu.memory_space<hbm>>
      tpu.wait_indirect_dma semaphore(%arg11 : memref<!tpu.dma_semaphore, #tpu.memory_space<semaphore_mem>>) src(%dma_wait3A_135 : memref<10000x128xf32, #tpu.memory_space<hbm>>) dst(%arg10 : memref<128x128xf32, #tpu.memory_space<vmem>>)
      %scan3A_136 = arith.constant 0 : i32
      %scan3A_137 = arith.constant 0 : i32
      %scan3A_138 = arith.constant 8 : i32
      %scan3A_139 = arith.addi %scan3A_137, %scan3A_138 : i32
      %scan3A_140 = arith.constant 1 : i32
      %scan3A_141 = scf.for %scan3A_144 = %scan3A_137 to %scan3A_139 step %scan3A_140 iter_args(%scan3A_145 = %scan3A_136) -> (i32)  : i32 {
        %mul3A_146 = arith.constant 16 : i32
        %mul3A_147 = arith.muli %scan3A_144, %mul3A_146 : i32
        %get3A = arith.index_cast %scan3A_124 : i32 to index
        %get3A_148 = arith.index_cast %mul3A_147 : i32 to index
        %get3A_149 = tpu.vector_load %arg9[%get3A, %get3A_148] {strides = array<i32>} : memref<81x128xf32, #tpu.memory_space<vmem>>, vector<16xf32>,
        %slice3A = vector.extract_strided_slice %get3A_149 {offsets = [0], sizes = [1], strides = [1]} : vector<16xf32> to vector<1xf32>
        %squeeze3A = vector.extract %slice3A[0] : f32 from vector<1xf32>
        %broadcast_in_dim3A = vector.broadcast %squeeze3A : f32 to vector<16xf32>
        %mul3A_150 = arith.constant 16 : i32
        %mul3A_151 = arith.muli %scan3A_144, %mul3A_150 : i32
        %add3A_152 = arith.constant 0 : i32
        %add3A_153 = arith.addi %mul3A_151, %add3A_152 : i32
        %get3A_154 = arith.index_cast %add3A_153 : i32 to index
        %get3A_155 = arith.constant 0 : index
        %get3A_156 = tpu.vector_load %arg10[%get3A_154, %get3A_155] {strides = array<i32>} : memref<128x128xf32, #tpu.memory_space<vmem>>, vector<16xf32>,
        %mul3A_157 = arith.mulf %get3A_156, %broadcast_in_dim3A : vector<16xf32>
        %swap3A = arith.index_cast %add3A_153 : i32 to index
        %swap3A_158 = arith.constant 0 : index
        %swap3A_159 = tpu.vector_load %arg10[%swap3A, %swap3A_158] {strides = array<i32>} : memref<128x128xf32, #tpu.memory_space<vmem>>, vector<16xf32>,
        tpu.vector_store %arg10[%swap3A, %swap3A_158], %mul3A_157 {strides = array<i32>} : memref<128x128xf32, #tpu.memory_space<vmem>>, vector<16xf32>,
        %get3A_160 = arith.index_cast %add3A_153 : i32 to index
        %get3A_161 = arith.constant 16 : index
        %get3A_162 = tpu.vector_load %arg10[%get3A_160, %get3A_161] {strides = array<i32>} : memref<128x128xf32, #tpu.memory_space<vmem>>, vector<16xf32>,
        %mul3A_163 = arith.mulf %get3A_162, %broadcast_in_dim3A : vector<16xf32>
        %swap3A_164 = arith.index_cast %add3A_153 : i32 to index
        %swap3A_165 = arith.constant 16 : index
        %swap3A_166 = tpu.vector_load %arg10[%swap3A_164, %swap3A_165] {strides = array<i32>} : memref<128x128xf32, #tpu.memory_space<vmem>>, vector<16xf32>,
        tpu.vector_store %arg10[%swap3A_164, %swap3A_165], %mul3A_163 {strides = array<i32>} : memref<128x128xf32, #tpu.memory_space<vmem>>, vector<16xf32>,
        %get3A_167 = arith.index_cast %add3A_153 : i32 to index
        %get3A_168 = arith.constant 32 : index
        %get3A_169 = tpu.vector_load %arg10[%get3A_167, %get3A_168] {strides = array<i32>} : memref<128x128xf32, #tpu.memory_space<vmem>>, vector<16xf32>,
        %mul3A_170 = arith.mulf %get3A_169, %broadcast_in_dim3A : vector<16xf32>
        %swap3A_171 = arith.index_cast %add3A_153 : i32 to index
        %swap3A_172 = arith.constant 32 : index
        %swap3A_173 = tpu.vector_load %arg10[%swap3A_171, %swap3A_172] {strides = array<i32>} : memref<128x128xf32, #tpu.memory_space<vmem>>, vector<16xf32>,
        tpu.vector_store %arg10[%swap3A_171, %swap3A_172], %mul3A_170 {strides = array<i32>} : memref<128x128xf32, #tpu.memory_space<vmem>>, vector<16xf32>,
        %get3A_174 = arith.index_cast %add3A_153 : i32 to index
        %get3A_175 = arith.constant 48 : index
        %get3A_176 = tpu.vector_load %arg10[%get3A_174, %get3A_175] {strides = array<i32>} : memref<128x128xf32, #tpu.memory_space<vmem>>, vector<16xf32>,
        %mul3A_177 = arith.mulf %get3A_176, %broadcast_in_dim3A : vector<16xf32>
        %swap3A_178 = arith.index_cast %add3A_153 : i32 to index
        %swap3A_179 = arith.constant 48 : index
        %swap3A_180 = tpu.vector_load %arg10[%swap3A_178, %swap3A_179] {strides = array<i32>} : memref<128x128xf32, #tpu.memory_space<vmem>>, vector<16xf32>,
        tpu.vector_store %arg10[%swap3A_178, %swap3A_179], %mul3A_177 {strides = array<i32>} : memref<128x128xf32, #tpu.memory_space<vmem>>, vector<16xf32>,
        %get3A_181 = arith.index_cast %add3A_153 : i32 to index
        %get3A_182 = arith.constant 64 : index
        %get3A_183 = tpu.vector_load %arg10[%get3A_181, %get3A_182] {strides = array<i32>} : memref<128x128xf32, #tpu.memory_space<vmem>>, vector<16xf32>,
        %mul3A_184 = arith.mulf %get3A_183, %broadcast_in_dim3A : vector<16xf32>
        %swap3A_185 = arith.index_cast %add3A_153 : i32 to index
        %swap3A_186 = arith.constant 64 : index
        %swap3A_187 = tpu.vector_load %arg10[%swap3A_185, %swap3A_186] {strides = array<i32>} : memref<128x128xf32, #tpu.memory_space<vmem>>, vector<16xf32>,
        tpu.vector_store %arg10[%swap3A_185, %swap3A_186], %mul3A_184 {strides = array<i32>} : memref<128x128xf32, #tpu.memory_space<vmem>>, vector<16xf32>,
        %get3A_188 = arith.index_cast %add3A_153 : i32 to index
        %get3A_189 = arith.constant 80 : index
        %get3A_190 = tpu.vector_load %arg10[%get3A_188, %get3A_189] {strides = array<i32>} : memref<128x128xf32, #tpu.memory_space<vmem>>, vector<16xf32>,
        %mul3A_191 = arith.mulf %get3A_190, %broadcast_in_dim3A : vector<16xf32>
        %swap3A_192 = arith.index_cast %add3A_153 : i32 to index
        %swap3A_193 = arith.constant 80 : index
        %swap3A_194 = tpu.vector_load %arg10[%swap3A_192, %swap3A_193] {strides = array<i32>} : memref<128x128xf32, #tpu.memory_space<vmem>>, vector<16xf32>,
        tpu.vector_store %arg10[%swap3A_192, %swap3A_193], %mul3A_191 {strides = array<i32>} : memref<128x128xf32, #tpu.memory_space<vmem>>, vector<16xf32>,
        %get3A_195 = arith.index_cast %add3A_153 : i32 to index
        %get3A_196 = arith.constant 96 : index
        %get3A_197 = tpu.vector_load %arg10[%get3A_195, %get3A_196] {strides = array<i32>} : memref<128x128xf32, #tpu.memory_space<vmem>>, vector<16xf32>,
        %mul3A_198 = arith.mulf %get3A_197, %broadcast_in_dim3A : vector<16xf32>
        %swap3A_199 = arith.index_cast %add3A_153 : i32 to index
        %swap3A_200 = arith.constant 96 : index
        %swap3A_201 = tpu.vector_load %arg10[%swap3A_199, %swap3A_200] {strides = array<i32>} : memref<128x128xf32, #tpu.memory_space<vmem>>, vector<16xf32>,
        tpu.vector_store %arg10[%swap3A_199, %swap3A_200], %mul3A_198 {strides = array<i32>} : memref<128x128xf32, #tpu.memory_space<vmem>>, vector<16xf32>,
        %get3A_202 = arith.index_cast %add3A_153 : i32 to index
        %get3A_203 = arith.constant 112 : index
        %get3A_204 = tpu.vector_load %arg10[%get3A_202, %get3A_203] {strides = array<i32>} : memref<128x128xf32, #tpu.memory_space<vmem>>, vector<16xf32>,
        %mul3A_205 = arith.mulf %get3A_204, %broadcast_in_dim3A : vector<16xf32>
        %swap3A_206 = arith.index_cast %add3A_153 : i32 to index
        %swap3A_207 = arith.constant 112 : index
        %swap3A_208 = tpu.vector_load %arg10[%swap3A_206, %swap3A_207] {strides = array<i32>} : memref<128x128xf32, #tpu.memory_space<vmem>>, vector<16xf32>,
        tpu.vector_store %arg10[%swap3A_206, %swap3A_207], %mul3A_205 {strides = array<i32>} : memref<128x128xf32, #tpu.memory_space<vmem>>, vector<16xf32>,
        %slice3A_209 = vector.extract_strided_slice %get3A_149 {offsets = [1], sizes = [1], strides = [1]} : vector<16xf32> to vector<1xf32>
        %squeeze3A_210 = vector.extract %slice3A_209[0] : f32 from vector<1xf32>
        %broadcast_in_dim3A_211 = vector.broadcast %squeeze3A_210 : f32 to vector<16xf32>
        %mul3A_212 = arith.constant 16 : i32
        %mul3A_213 = arith.muli %scan3A_144, %mul3A_212 : i32
        %add3A_214 = arith.constant 1 : i32
        %add3A_215 = arith.addi %mul3A_213, %add3A_214 : i32
        %get3A_216 = arith.index_cast %add3A_215 : i32 to index
        %get3A_217 = arith.constant 0 : index
        %get3A_218 = tpu.vector_load %arg10[%get3A_216, %get3A_217] {strides = array<i32>} : memref<128x128xf32, #tpu.memory_space<vmem>>, vector<16xf32>,
        %mul3A_219 = arith.mulf %get3A_218, %broadcast_in_dim3A_211 : vector<16xf32>
        %swap3A_220 = arith.index_cast %add3A_215 : i32 to index
        %swap3A_221 = arith.constant 0 : index
        %swap3A_222 = tpu.vector_load %arg10[%swap3A_220, %swap3A_221] {strides = array<i32>} : memref<128x128xf32, #tpu.memory_space<vmem>>, vector<16xf32>,
        tpu.vector_store %arg10[%swap3A_220, %swap3A_221], %mul3A_219 {strides = array<i32>} : memref<128x128xf32, #tpu.memory_space<vmem>>, vector<16xf32>,
        %get3A_223 = arith.index_cast %add3A_215 : i32 to index
        %get3A_224 = arith.constant 16 : index
        %get3A_225 = tpu.vector_load %arg10[%get3A_223, %get3A_224] {strides = array<i32>} : memref<128x128xf32, #tpu.memory_space<vmem>>, vector<16xf32>,
        %mul3A_226 = arith.mulf %get3A_225, %broadcast_in_dim3A_211 : vector<16xf32>
        %swap3A_227 = arith.index_cast %add3A_215 : i32 to index
        %swap3A_228 = arith.constant 16 : index
        %swap3A_229 = tpu.vector_load %arg10[%swap3A_227, %swap3A_228] {strides = array<i32>} : memref<128x128xf32, #tpu.memory_space<vmem>>, vector<16xf32>,
        tpu.vector_store %arg10[%swap3A_227, %swap3A_228], %mul3A_226 {strides = array<i32>} : memref<128x128xf32, #tpu.memory_space<vmem>>, vector<16xf32>,
        %get3A_230 = arith.index_cast %add3A_215 : i32 to index
        %get3A_231 = arith.constant 32 : index
        %get3A_232 = tpu.vector_load %arg10[%get3A_230, %get3A_231] {strides = array<i32>} : memref<128x128xf32, #tpu.memory_space<vmem>>, vector<16xf32>,
        %mul3A_233 = arith.mulf %get3A_232, %broadcast_in_dim3A_211 : vector<16xf32>
        %swap3A_234 = arith.index_cast %add3A_215 : i32 to index
        %swap3A_235 = arith.constant 32 : index
        %swap3A_236 = tpu.vector_load %arg10[%swap3A_234, %swap3A_235] {strides = array<i32>} : memref<128x128xf32, #tpu.memory_space<vmem>>, vector<16xf32>,
        tpu.vector_store %arg10[%swap3A_234, %swap3A_235], %mul3A_233 {strides = array<i32>} : memref<128x128xf32, #tpu.memory_space<vmem>>, vector<16xf32>,
        %get3A_237 = arith.index_cast %add3A_215 : i32 to index
        %get3A_238 = arith.constant 48 : index
        %get3A_239 = tpu.vector_load %arg10[%get3A_237, %get3A_238] {strides = array<i32>} : memref<128x128xf32, #tpu.memory_space<vmem>>, vector<16xf32>,
        %mul3A_240 = arith.mulf %get3A_239, %broadcast_in_dim3A_211 : vector<16xf32>
        %swap3A_241 = arith.index_cast %add3A_215 : i32 to index
        %swap3A_242 = arith.constant 48 : index
        %swap3A_243 = tpu.vector_load %arg10[%swap3A_241, %swap3A_242] {strides = array<i32>} : memref<128x128xf32, #tpu.memory_space<vmem>>, vector<16xf32>,
        tpu.vector_store %arg10[%swap3A_241, %swap3A_242], %mul3A_240 {strides = array<i32>} : memref<128x128xf32, #tpu.memory_space<vmem>>, vector<16xf32>,
        %get3A_244 = arith.index_cast %add3A_215 : i32 to index
        %get3A_245 = arith.constant 64 : index
        %get3A_246 = tpu.vector_load %arg10[%get3A_244, %get3A_245] {strides = array<i32>} : memref<128x128xf32, #tpu.memory_space<vmem>>, vector<16xf32>,
        %mul3A_247 = arith.mulf %get3A_246, %broadcast_in_dim3A_211 : vector<16xf32>
        %swap3A_248 = arith.index_cast %add3A_215 : i32 to index
        %swap3A_249 = arith.constant 64 : index
        %swap3A_250 = tpu.vector_load %arg10[%swap3A_248, %swap3A_249] {strides = array<i32>} : memref<128x128xf32, #tpu.memory_space<vmem>>, vector<16xf32>,
        tpu.vector_store %arg10[%swap3A_248, %swap3A_249], %mul3A_247 {strides = array<i32>} : memref<128x128xf32, #tpu.memory_space<vmem>>, vector<16xf32>,
        %get3A_251 = arith.index_cast %add3A_215 : i32 to index
        %get3A_252 = arith.constant 80 : index
        %get3A_253 = tpu.vector_load %arg10[%get3A_251, %get3A_252] {strides = array<i32>} : memref<128x128xf32, #tpu.memory_space<vmem>>, vector<16xf32>,
        %mul3A_254 = arith.mulf %get3A_253, %broadcast_in_dim3A_211 : vector<16xf32>
        %swap3A_255 = arith.index_cast %add3A_215 : i32 to index
        %swap3A_256 = arith.constant 80 : index
        %swap3A_257 = tpu.vector_load %arg10[%swap3A_255, %swap3A_256] {strides = array<i32>} : memref<128x128xf32, #tpu.memory_space<vmem>>, vector<16xf32>,
        tpu.vector_store %arg10[%swap3A_255, %swap3A_256], %mul3A_254 {strides = array<i32>} : memref<128x128xf32, #tpu.memory_space<vmem>>, vector<16xf32>,
        %get3A_258 = arith.index_cast %add3A_215 : i32 to index
        %get3A_259 = arith.constant 96 : index
        %get3A_260 = tpu.vector_load %arg10[%get3A_258, %get3A_259] {strides = array<i32>} : memref<128x128xf32, #tpu.memory_space<vmem>>, vector<16xf32>,
        %mul3A_261 = arith.mulf %get3A_260, %broadcast_in_dim3A_211 : vector<16xf32>
        %swap3A_262 = arith.index_cast %add3A_215 : i32 to index
        %swap3A_263 = arith.constant 96 : index
        %swap3A_264 = tpu.vector_load %arg10[%swap3A_262, %swap3A_263] {strides = array<i32>} : memref<128x128xf32, #tpu.memory_space<vmem>>, vector<16xf32>,
        tpu.vector_store %arg10[%swap3A_262, %swap3A_263], %mul3A_261 {strides = array<i32>} : memref<128x128xf32, #tpu.memory_space<vmem>>, vector<16xf32>,
        %get3A_265 = arith.index_cast %add3A_215 : i32 to index
        %get3A_266 = arith.constant 112 : index
        %get3A_267 = tpu.vector_load %arg10[%get3A_265, %get3A_266] {strides = array<i32>} : memref<128x128xf32, #tpu.memory_space<vmem>>, vector<16xf32>,
        %mul3A_268 = arith.mulf %get3A_267, %broadcast_in_dim3A_211 : vector<16xf32>
        %swap3A_269 = arith.index_cast %add3A_215 : i32 to index
        %swap3A_270 = arith.constant 112 : index
        %swap3A_271 = tpu.vector_load %arg10[%swap3A_269, %swap3A_270] {strides = array<i32>} : memref<128x128xf32, #tpu.memory_space<vmem>>, vector<16xf32>,
        tpu.vector_store %arg10[%swap3A_269, %swap3A_270], %mul3A_268 {strides = array<i32>} : memref<128x128xf32, #tpu.memory_space<vmem>>, vector<16xf32>,
        %slice3A_272 = vector.extract_strided_slice %get3A_149 {offsets = [2], sizes = [1], strides = [1]} : vector<16xf32> to vector<1xf32>
        %squeeze3A_273 = vector.extract %slice3A_272[0] : f32 from vector<1xf32>
        %broadcast_in_dim3A_274 = vector.broadcast %squeeze3A_273 : f32 to vector<16xf32>
        %mul3A_275 = arith.constant 16 : i32
        %mul3A_276 = arith.muli %scan3A_144, %mul3A_275 : i32
        %add3A_277 = arith.constant 2 : i32
        %add3A_278 = arith.addi %mul3A_276, %add3A_277 : i32
        %get3A_279 = arith.index_cast %add3A_278 : i32 to index
        %get3A_280 = arith.constant 0 : index
        %get3A_281 = tpu.vector_load %arg10[%get3A_279, %get3A_280] {strides = array<i32>} : memref<128x128xf32, #tpu.memory_space<vmem>>, vector<16xf32>,
        %mul3A_282 = arith.mulf %get3A_281, %broadcast_in_dim3A_274 : vector<16xf32>
        %swap3A_283 = arith.index_cast %add3A_278 : i32 to index
        %swap3A_284 = arith.constant 0 : index
        %swap3A_285 = tpu.vector_load %arg10[%swap3A_283, %swap3A_284] {strides = array<i32>} : memref<128x128xf32, #tpu.memory_space<vmem>>, vector<16xf32>,
        tpu.vector_store %arg10[%swap3A_283, %swap3A_284], %mul3A_282 {strides = array<i32>} : memref<128x128xf32, #tpu.memory_space<vmem>>, vector<16xf32>,
        %get3A_286 = arith.index_cast %add3A_278 : i32 to index
        %get3A_287 = arith.constant 16 : index
        %get3A_288 = tpu.vector_load %arg10[%get3A_286, %get3A_287] {strides = array<i32>} : memref<128x128xf32, #tpu.memory_space<vmem>>, vector<16xf32>,
        %mul3A_289 = arith.mulf %get3A_288, %broadcast_in_dim3A_274 : vector<16xf32>
        %swap3A_290 = arith.index_cast %add3A_278 : i32 to index
        %swap3A_291 = arith.constant 16 : index
        %swap3A_292 = tpu.vector_load %arg10[%swap3A_290, %swap3A_291] {strides = array<i32>} : memref<128x128xf32, #tpu.memory_space<vmem>>, vector<16xf32>,
        tpu.vector_store %arg10[%swap3A_290, %swap3A_291], %mul3A_289 {strides = array<i32>} : memref<128x128xf32, #tpu.memory_space<vmem>>, vector<16xf32>,
        %get3A_293 = arith.index_cast %add3A_278 : i32 to index
        %get3A_294 = arith.constant 32 : index
        %get3A_295 = tpu.vector_load %arg10[%get3A_293, %get3A_294] {strides = array<i32>} : memref<128x128xf32, #tpu.memory_space<vmem>>, vector<16xf32>,
        %mul3A_296 = arith.mulf %get3A_295, %broadcast_in_dim3A_274 : vector<16xf32>
        %swap3A_297 = arith.index_cast %add3A_278 : i32 to index
        %swap3A_298 = arith.constant 32 : index
        %swap3A_299 = tpu.vector_load %arg10[%swap3A_297, %swap3A_298] {strides = array<i32>} : memref<128x128xf32, #tpu.memory_space<vmem>>, vector<16xf32>,
        tpu.vector_store %arg10[%swap3A_297, %swap3A_298], %mul3A_296 {strides = array<i32>} : memref<128x128xf32, #tpu.memory_space<vmem>>, vector<16xf32>,
        %get3A_300 = arith.index_cast %add3A_278 : i32 to index
        %get3A_301 = arith.constant 48 : index
        %get3A_302 = tpu.vector_load %arg10[%get3A_300, %get3A_301] {strides = array<i32>} : memref<128x128xf32, #tpu.memory_space<vmem>>, vector<16xf32>,
        %mul3A_303 = arith.mulf %get3A_302, %broadcast_in_dim3A_274 : vector<16xf32>
        %swap3A_304 = arith.index_cast %add3A_278 : i32 to index
        %swap3A_305 = arith.constant 48 : index
        %swap3A_306 = tpu.vector_load %arg10[%swap3A_304, %swap3A_305] {strides = array<i32>} : memref<128x128xf32, #tpu.memory_space<vmem>>, vector<16xf32>,
        tpu.vector_store %arg10[%swap3A_304, %swap3A_305], %mul3A_303 {strides = array<i32>} : memref<128x128xf32, #tpu.memory_space<vmem>>, vector<16xf32>,
        %get3A_307 = arith.index_cast %add3A_278 : i32 to index
        %get3A_308 = arith.constant 64 : index
        %get3A_309 = tpu.vector_load %arg10[%get3A_307, %get3A_308] {strides = array<i32>} : memref<128x128xf32, #tpu.memory_space<vmem>>, vector<16xf32>,
        %mul3A_310 = arith.mulf %get3A_309, %broadcast_in_dim3A_274 : vector<16xf32>
        %swap3A_311 = arith.index_cast %add3A_278 : i32 to index
        %swap3A_312 = arith.constant 64 : index
        %swap3A_313 = tpu.vector_load %arg10[%swap3A_311, %swap3A_312] {strides = array<i32>} : memref<128x128xf32, #tpu.memory_space<vmem>>, vector<16xf32>,
        tpu.vector_store %arg10[%swap3A_311, %swap3A_312], %mul3A_310 {strides = array<i32>} : memref<128x128xf32, #tpu.memory_space<vmem>>, vector<16xf32>,
        %get3A_314 = arith.index_cast %add3A_278 : i32 to index
        %get3A_315 = arith.constant 80 : index
        %get3A_316 = tpu.vector_load %arg10[%get3A_314, %get3A_315] {strides = array<i32>} : memref<128x128xf32, #tpu.memory_space<vmem>>, vector<16xf32>,
        %mul3A_317 = arith.mulf %get3A_316, %broadcast_in_dim3A_274 : vector<16xf32>
        %swap3A_318 = arith.index_cast %add3A_278 : i32 to index
        %swap3A_319 = arith.constant 80 : index
        %swap3A_320 = tpu.vector_load %arg10[%swap3A_318, %swap3A_319] {strides = array<i32>} : memref<128x128xf32, #tpu.memory_space<vmem>>, vector<16xf32>,
        tpu.vector_store %arg10[%swap3A_318, %swap3A_319], %mul3A_317 {strides = array<i32>} : memref<128x128xf32, #tpu.memory_space<vmem>>, vector<16xf32>,
        %get3A_321 = arith.index_cast %add3A_278 : i32 to index
        %get3A_322 = arith.constant 96 : index
        %get3A_323 = tpu.vector_load %arg10[%get3A_321, %get3A_322] {strides = array<i32>} : memref<128x128xf32, #tpu.memory_space<vmem>>, vector<16xf32>,
        %mul3A_324 = arith.mulf %get3A_323, %broadcast_in_dim3A_274 : vector<16xf32>
        %swap3A_325 = arith.index_cast %add3A_278 : i32 to index
        %swap3A_326 = arith.constant 96 : index
        %swap3A_327 = tpu.vector_load %arg10[%swap3A_325, %swap3A_326] {strides = array<i32>} : memref<128x128xf32, #tpu.memory_space<vmem>>, vector<16xf32>,
        tpu.vector_store %arg10[%swap3A_325, %swap3A_326], %mul3A_324 {strides = array<i32>} : memref<128x128xf32, #tpu.memory_space<vmem>>, vector<16xf32>,
        %get3A_328 = arith.index_cast %add3A_278 : i32 to index
        %get3A_329 = arith.constant 112 : index
        %get3A_330 = tpu.vector_load %arg10[%get3A_328, %get3A_329] {strides = array<i32>} : memref<128x128xf32, #tpu.memory_space<vmem>>, vector<16xf32>,
        %mul3A_331 = arith.mulf %get3A_330, %broadcast_in_dim3A_274 : vector<16xf32>
        %swap3A_332 = arith.index_cast %add3A_278 : i32 to index
        %swap3A_333 = arith.constant 112 : index
        %swap3A_334 = tpu.vector_load %arg10[%swap3A_332, %swap3A_333] {strides = array<i32>} : memref<128x128xf32, #tpu.memory_space<vmem>>, vector<16xf32>,
        tpu.vector_store %arg10[%swap3A_332, %swap3A_333], %mul3A_331 {strides = array<i32>} : memref<128x128xf32, #tpu.memory_space<vmem>>, vector<16xf32>,
        %slice3A_335 = vector.extract_strided_slice %get3A_149 {offsets = [3], sizes = [1], strides = [1]} : vector<16xf32> to vector<1xf32>
        %squeeze3A_336 = vector.extract %slice3A_335[0] : f32 from vector<1xf32>
        %broadcast_in_dim3A_337 = vector.broadcast %squeeze3A_336 : f32 to vector<16xf32>
        %mul3A_338 = arith.constant 16 : i32
        %mul3A_339 = arith.muli %scan3A_144, %mul3A_338 : i32
        %add3A_340 = arith.constant 3 : i32
        %add3A_341 = arith.addi %mul3A_339, %add3A_340 : i32
        %get3A_342 = arith.index_cast %add3A_341 : i32 to index
        %get3A_343 = arith.constant 0 : index
        %get3A_344 = tpu.vector_load %arg10[%get3A_342, %get3A_343] {strides = array<i32>} : memref<128x128xf32, #tpu.memory_space<vmem>>, vector<16xf32>,
        %mul3A_345 = arith.mulf %get3A_344, %broadcast_in_dim3A_337 : vector<16xf32>
        %swap3A_346 = arith.index_cast %add3A_341 : i32 to index
        %swap3A_347 = arith.constant 0 : index
        %swap3A_348 = tpu.vector_load %arg10[%swap3A_346, %swap3A_347] {strides = array<i32>} : memref<128x128xf32, #tpu.memory_space<vmem>>, vector<16xf32>,
        tpu.vector_store %arg10[%swap3A_346, %swap3A_347], %mul3A_345 {strides = array<i32>} : memref<128x128xf32, #tpu.memory_space<vmem>>, vector<16xf32>,
        %get3A_349 = arith.index_cast %add3A_341 : i32 to index
        %get3A_350 = arith.constant 16 : index
        %get3A_351 = tpu.vector_load %arg10[%get3A_349, %get3A_350] {strides = array<i32>} : memref<128x128xf32, #tpu.memory_space<vmem>>, vector<16xf32>,
        %mul3A_352 = arith.mulf %get3A_351, %broadcast_in_dim3A_337 : vector<16xf32>
        %swap3A_353 = arith.index_cast %add3A_341 : i32 to index
        %swap3A_354 = arith.constant 16 : index
        %swap3A_355 = tpu.vector_load %arg10[%swap3A_353, %swap3A_354] {strides = array<i32>} : memref<128x128xf32, #tpu.memory_space<vmem>>, vector<16xf32>,
        tpu.vector_store %arg10[%swap3A_353, %swap3A_354], %mul3A_352 {strides = array<i32>} : memref<128x128xf32, #tpu.memory_space<vmem>>, vector<16xf32>,
        %get3A_356 = arith.index_cast %add3A_341 : i32 to index
        %get3A_357 = arith.constant 32 : index
        %get3A_358 = tpu.vector_load %arg10[%get3A_356, %get3A_357] {strides = array<i32>} : memref<128x128xf32, #tpu.memory_space<vmem>>, vector<16xf32>,
        %mul3A_359 = arith.mulf %get3A_358, %broadcast_in_dim3A_337 : vector<16xf32>
        %swap3A_360 = arith.index_cast %add3A_341 : i32 to index
        %swap3A_361 = arith.constant 32 : index
        %swap3A_362 = tpu.vector_load %arg10[%swap3A_360, %swap3A_361] {strides = array<i32>} : memref<128x128xf32, #tpu.memory_space<vmem>>, vector<16xf32>,
        tpu.vector_store %arg10[%swap3A_360, %swap3A_361], %mul3A_359 {strides = array<i32>} : memref<128x128xf32, #tpu.memory_space<vmem>>, vector<16xf32>,
        %get3A_363 = arith.index_cast %add3A_341 : i32 to index
        %get3A_364 = arith.constant 48 : index
        %get3A_365 = tpu.vector_load %arg10[%get3A_363, %get3A_364] {strides = array<i32>} : memref<128x128xf32, #tpu.memory_space<vmem>>, vector<16xf32>,
        %mul3A_366 = arith.mulf %get3A_365, %broadcast_in_dim3A_337 : vector<16xf32>
        %swap3A_367 = arith.index_cast %add3A_341 : i32 to index
        %swap3A_368 = arith.constant 48 : index
        %swap3A_369 = tpu.vector_load %arg10[%swap3A_367, %swap3A_368] {strides = array<i32>} : memref<128x128xf32, #tpu.memory_space<vmem>>, vector<16xf32>,
        tpu.vector_store %arg10[%swap3A_367, %swap3A_368], %mul3A_366 {strides = array<i32>} : memref<128x128xf32, #tpu.memory_space<vmem>>, vector<16xf32>,
        %get3A_370 = arith.index_cast %add3A_341 : i32 to index
        %get3A_371 = arith.constant 64 : index
        %get3A_372 = tpu.vector_load %arg10[%get3A_370, %get3A_371] {strides = array<i32>} : memref<128x128xf32, #tpu.memory_space<vmem>>, vector<16xf32>,
        %mul3A_373 = arith.mulf %get3A_372, %broadcast_in_dim3A_337 : vector<16xf32>
        %swap3A_374 = arith.index_cast %add3A_341 : i32 to index
        %swap3A_375 = arith.constant 64 : index
        %swap3A_376 = tpu.vector_load %arg10[%swap3A_374, %swap3A_375] {strides = array<i32>} : memref<128x128xf32, #tpu.memory_space<vmem>>, vector<16xf32>,
        tpu.vector_store %arg10[%swap3A_374, %swap3A_375], %mul3A_373 {strides = array<i32>} : memref<128x128xf32, #tpu.memory_space<vmem>>, vector<16xf32>,
        %get3A_377 = arith.index_cast %add3A_341 : i32 to index
        %get3A_378 = arith.constant 80 : index
        %get3A_379 = tpu.vector_load %arg10[%get3A_377, %get3A_378] {strides = array<i32>} : memref<128x128xf32, #tpu.memory_space<vmem>>, vector<16xf32>,
        %mul3A_380 = arith.mulf %get3A_379, %broadcast_in_dim3A_337 : vector<16xf32>
        %swap3A_381 = arith.index_cast %add3A_341 : i32 to index
        %swap3A_382 = arith.constant 80 : index
        %swap3A_383 = tpu.vector_load %arg10[%swap3A_381, %swap3A_382] {strides = array<i32>} : memref<128x128xf32, #tpu.memory_space<vmem>>, vector<16xf32>,
        tpu.vector_store %arg10[%swap3A_381, %swap3A_382], %mul3A_380 {strides = array<i32>} : memref<128x128xf32, #tpu.memory_space<vmem>>, vector<16xf32>,
        %get3A_384 = arith.index_cast %add3A_341 : i32 to index
        %get3A_385 = arith.constant 96 : index
        %get3A_386 = tpu.vector_load %arg10[%get3A_384, %get3A_385] {strides = array<i32>} : memref<128x128xf32, #tpu.memory_space<vmem>>, vector<16xf32>,
        %mul3A_387 = arith.mulf %get3A_386, %broadcast_in_dim3A_337 : vector<16xf32>
        %swap3A_388 = arith.index_cast %add3A_341 : i32 to index
        %swap3A_389 = arith.constant 96 : index
        %swap3A_390 = tpu.vector_load %arg10[%swap3A_388, %swap3A_389] {strides = array<i32>} : memref<128x128xf32, #tpu.memory_space<vmem>>, vector<16xf32>,
        tpu.vector_store %arg10[%swap3A_388, %swap3A_389], %mul3A_387 {strides = array<i32>} : memref<128x128xf32, #tpu.memory_space<vmem>>, vector<16xf32>,
        %get3A_391 = arith.index_cast %add3A_341 : i32 to index
        %get3A_392 = arith.constant 112 : index
        %get3A_393 = tpu.vector_load %arg10[%get3A_391, %get3A_392] {strides = array<i32>} : memref<128x128xf32, #tpu.memory_space<vmem>>, vector<16xf32>,
        %mul3A_394 = arith.mulf %get3A_393, %broadcast_in_dim3A_337 : vector<16xf32>
        %swap3A_395 = arith.index_cast %add3A_341 : i32 to index
        %swap3A_396 = arith.constant 112 : index
        %swap3A_397 = tpu.vector_load %arg10[%swap3A_395, %swap3A_396] {strides = array<i32>} : memref<128x128xf32, #tpu.memory_space<vmem>>, vector<16xf32>,
        tpu.vector_store %arg10[%swap3A_395, %swap3A_396], %mul3A_394 {strides = array<i32>} : memref<128x128xf32, #tpu.memory_space<vmem>>, vector<16xf32>,
        %slice3A_398 = vector.extract_strided_slice %get3A_149 {offsets = [4], sizes = [1], strides = [1]} : vector<16xf32> to vector<1xf32>
        %squeeze3A_399 = vector.extract %slice3A_398[0] : f32 from vector<1xf32>
        %broadcast_in_dim3A_400 = vector.broadcast %squeeze3A_399 : f32 to vector<16xf32>
        %mul3A_401 = arith.constant 16 : i32
        %mul3A_402 = arith.muli %scan3A_144, %mul3A_401 : i32
        %add3A_403 = arith.constant 4 : i32
        %add3A_404 = arith.addi %mul3A_402, %add3A_403 : i32
        %get3A_405 = arith.index_cast %add3A_404 : i32 to index
        %get3A_406 = arith.constant 0 : index
        %get3A_407 = tpu.vector_load %arg10[%get3A_405, %get3A_406] {strides = array<i32>} : memref<128x128xf32, #tpu.memory_space<vmem>>, vector<16xf32>,
        %mul3A_408 = arith.mulf %get3A_407, %broadcast_in_dim3A_400 : vector<16xf32>
        %swap3A_409 = arith.index_cast %add3A_404 : i32 to index
        %swap3A_410 = arith.constant 0 : index
        %swap3A_411 = tpu.vector_load %arg10[%swap3A_409, %swap3A_410] {strides = array<i32>} : memref<128x128xf32, #tpu.memory_space<vmem>>, vector<16xf32>,
        tpu.vector_store %arg10[%swap3A_409, %swap3A_410], %mul3A_408 {strides = array<i32>} : memref<128x128xf32, #tpu.memory_space<vmem>>, vector<16xf32>,
        %get3A_412 = arith.index_cast %add3A_404 : i32 to index
        %get3A_413 = arith.constant 16 : index
        %get3A_414 = tpu.vector_load %arg10[%get3A_412, %get3A_413] {strides = array<i32>} : memref<128x128xf32, #tpu.memory_space<vmem>>, vector<16xf32>,
        %mul3A_415 = arith.mulf %get3A_414, %broadcast_in_dim3A_400 : vector<16xf32>
        %swap3A_416 = arith.index_cast %add3A_404 : i32 to index
        %swap3A_417 = arith.constant 16 : index
        %swap3A_418 = tpu.vector_load %arg10[%swap3A_416, %swap3A_417] {strides = array<i32>} : memref<128x128xf32, #tpu.memory_space<vmem>>, vector<16xf32>,
        tpu.vector_store %arg10[%swap3A_416, %swap3A_417], %mul3A_415 {strides = array<i32>} : memref<128x128xf32, #tpu.memory_space<vmem>>, vector<16xf32>,
        %get3A_419 = arith.index_cast %add3A_404 : i32 to index
        %get3A_420 = arith.constant 32 : index
        %get3A_421 = tpu.vector_load %arg10[%get3A_419, %get3A_420] {strides = array<i32>} : memref<128x128xf32, #tpu.memory_space<vmem>>, vector<16xf32>,
        %mul3A_422 = arith.mulf %get3A_421, %broadcast_in_dim3A_400 : vector<16xf32>
        %swap3A_423 = arith.index_cast %add3A_404 : i32 to index
        %swap3A_424 = arith.constant 32 : index
        %swap3A_425 = tpu.vector_load %arg10[%swap3A_423, %swap3A_424] {strides = array<i32>} : memref<128x128xf32, #tpu.memory_space<vmem>>, vector<16xf32>,
        tpu.vector_store %arg10[%swap3A_423, %swap3A_424], %mul3A_422 {strides = array<i32>} : memref<128x128xf32, #tpu.memory_space<vmem>>, vector<16xf32>,
        %get3A_426 = arith.index_cast %add3A_404 : i32 to index
        %get3A_427 = arith.constant 48 : index
        %get3A_428 = tpu.vector_load %arg10[%get3A_426, %get3A_427] {strides = array<i32>} : memref<128x128xf32, #tpu.memory_space<vmem>>, vector<16xf32>,
        %mul3A_429 = arith.mulf %get3A_428, %broadcast_in_dim3A_400 : vector<16xf32>
        %swap3A_430 = arith.index_cast %add3A_404 : i32 to index
        %swap3A_431 = arith.constant 48 : index
        %swap3A_432 = tpu.vector_load %arg10[%swap3A_430, %swap3A_431] {strides = array<i32>} : memref<128x128xf32, #tpu.memory_space<vmem>>, vector<16xf32>,
        tpu.vector_store %arg10[%swap3A_430, %swap3A_431], %mul3A_429 {strides = array<i32>} : memref<128x128xf32, #tpu.memory_space<vmem>>, vector<16xf32>,
        %get3A_433 = arith.index_cast %add3A_404 : i32 to index
        %get3A_434 = arith.constant 64 : index
        %get3A_435 = tpu.vector_load %arg10[%get3A_433, %get3A_434] {strides = array<i32>} : memref<128x128xf32, #tpu.memory_space<vmem>>, vector<16xf32>,
        %mul3A_436 = arith.mulf %get3A_435, %broadcast_in_dim3A_400 : vector<16xf32>
        %swap3A_437 = arith.index_cast %add3A_404 : i32 to index
        %swap3A_438 = arith.constant 64 : index
        %swap3A_439 = tpu.vector_load %arg10[%swap3A_437, %swap3A_438] {strides = array<i32>} : memref<128x128xf32, #tpu.memory_space<vmem>>, vector<16xf32>,
        tpu.vector_store %arg10[%swap3A_437, %swap3A_438], %mul3A_436 {strides = array<i32>} : memref<128x128xf32, #tpu.memory_space<vmem>>, vector<16xf32>,
        %get3A_440 = arith.index_cast %add3A_404 : i32 to index
        %get3A_441 = arith.constant 80 : index
        %get3A_442 = tpu.vector_load %arg10[%get3A_440, %get3A_441] {strides = array<i32>} : memref<128x128xf32, #tpu.memory_space<vmem>>, vector<16xf32>,
        %mul3A_443 = arith.mulf %get3A_442, %broadcast_in_dim3A_400 : vector<16xf32>
        %swap3A_444 = arith.index_cast %add3A_404 : i32 to index
        %swap3A_445 = arith.constant 80 : index
        %swap3A_446 = tpu.vector_load %arg10[%swap3A_444, %swap3A_445] {strides = array<i32>} : memref<128x128xf32, #tpu.memory_space<vmem>>, vector<16xf32>,
        tpu.vector_store %arg10[%swap3A_444, %swap3A_445], %mul3A_443 {strides = array<i32>} : memref<128x128xf32, #tpu.memory_space<vmem>>, vector<16xf32>,
        %get3A_447 = arith.index_cast %add3A_404 : i32 to index
        %get3A_448 = arith.constant 96 : index
        %get3A_449 = tpu.vector_load %arg10[%get3A_447, %get3A_448] {strides = array<i32>} : memref<128x128xf32, #tpu.memory_space<vmem>>, vector<16xf32>,
        %mul3A_450 = arith.mulf %get3A_449, %broadcast_in_dim3A_400 : vector<16xf32>
        %swap3A_451 = arith.index_cast %add3A_404 : i32 to index
        %swap3A_452 = arith.constant 96 : index
        %swap3A_453 = tpu.vector_load %arg10[%swap3A_451, %swap3A_452] {strides = array<i32>} : memref<128x128xf32, #tpu.memory_space<vmem>>, vector<16xf32>,
        tpu.vector_store %arg10[%swap3A_451, %swap3A_452], %mul3A_450 {strides = array<i32>} : memref<128x128xf32, #tpu.memory_space<vmem>>, vector<16xf32>,
        %get3A_454 = arith.index_cast %add3A_404 : i32 to index
        %get3A_455 = arith.constant 112 : index
        %get3A_456 = tpu.vector_load %arg10[%get3A_454, %get3A_455] {strides = array<i32>} : memref<128x128xf32, #tpu.memory_space<vmem>>, vector<16xf32>,
        %mul3A_457 = arith.mulf %get3A_456, %broadcast_in_dim3A_400 : vector<16xf32>
        %swap3A_458 = arith.index_cast %add3A_404 : i32 to index
        %swap3A_459 = arith.constant 112 : index
        %swap3A_460 = tpu.vector_load %arg10[%swap3A_458, %swap3A_459] {strides = array<i32>} : memref<128x128xf32, #tpu.memory_space<vmem>>, vector<16xf32>,
        tpu.vector_store %arg10[%swap3A_458, %swap3A_459], %mul3A_457 {strides = array<i32>} : memref<128x128xf32, #tpu.memory_space<vmem>>, vector<16xf32>,
        %slice3A_461 = vector.extract_strided_slice %get3A_149 {offsets = [5], sizes = [1], strides = [1]} : vector<16xf32> to vector<1xf32>
        %squeeze3A_462 = vector.extract %slice3A_461[0] : f32 from vector<1xf32>
        %broadcast_in_dim3A_463 = vector.broadcast %squeeze3A_462 : f32 to vector<16xf32>
        %mul3A_464 = arith.constant 16 : i32
        %mul3A_465 = arith.muli %scan3A_144, %mul3A_464 : i32
        %add3A_466 = arith.constant 5 : i32
        %add3A_467 = arith.addi %mul3A_465, %add3A_466 : i32
        %get3A_468 = arith.index_cast %add3A_467 : i32 to index
        %get3A_469 = arith.constant 0 : index
        %get3A_470 = tpu.vector_load %arg10[%get3A_468, %get3A_469] {strides = array<i32>} : memref<128x128xf32, #tpu.memory_space<vmem>>, vector<16xf32>,
        %mul3A_471 = arith.mulf %get3A_470, %broadcast_in_dim3A_463 : vector<16xf32>
        %swap3A_472 = arith.index_cast %add3A_467 : i32 to index
        %swap3A_473 = arith.constant 0 : index
        %swap3A_474 = tpu.vector_load %arg10[%swap3A_472, %swap3A_473] {strides = array<i32>} : memref<128x128xf32, #tpu.memory_space<vmem>>, vector<16xf32>,
        tpu.vector_store %arg10[%swap3A_472, %swap3A_473], %mul3A_471 {strides = array<i32>} : memref<128x128xf32, #tpu.memory_space<vmem>>, vector<16xf32>,
        %get3A_475 = arith.index_cast %add3A_467 : i32 to index
        %get3A_476 = arith.constant 16 : index
        %get3A_477 = tpu.vector_load %arg10[%get3A_475, %get3A_476] {strides = array<i32>} : memref<128x128xf32, #tpu.memory_space<vmem>>, vector<16xf32>,
        %mul3A_478 = arith.mulf %get3A_477, %broadcast_in_dim3A_463 : vector<16xf32>
        %swap3A_479 = arith.index_cast %add3A_467 : i32 to index
        %swap3A_480 = arith.constant 16 : index
        %swap3A_481 = tpu.vector_load %arg10[%swap3A_479, %swap3A_480] {strides = array<i32>} : memref<128x128xf32, #tpu.memory_space<vmem>>, vector<16xf32>,
        tpu.vector_store %arg10[%swap3A_479, %swap3A_480], %mul3A_478 {strides = array<i32>} : memref<128x128xf32, #tpu.memory_space<vmem>>, vector<16xf32>,
        %get3A_482 = arith.index_cast %add3A_467 : i32 to index
        %get3A_483 = arith.constant 32 : index
        %get3A_484 = tpu.vector_load %arg10[%get3A_482, %get3A_483] {strides = array<i32>} : memref<128x128xf32, #tpu.memory_space<vmem>>, vector<16xf32>,
        %mul3A_485 = arith.mulf %get3A_484, %broadcast_in_dim3A_463 : vector<16xf32>
        %swap3A_486 = arith.index_cast %add3A_467 : i32 to index
        %swap3A_487 = arith.constant 32 : index
        %swap3A_488 = tpu.vector_load %arg10[%swap3A_486, %swap3A_487] {strides = array<i32>} : memref<128x128xf32, #tpu.memory_space<vmem>>, vector<16xf32>,
        tpu.vector_store %arg10[%swap3A_486, %swap3A_487], %mul3A_485 {strides = array<i32>} : memref<128x128xf32, #tpu.memory_space<vmem>>, vector<16xf32>,
        %get3A_489 = arith.index_cast %add3A_467 : i32 to index
        %get3A_490 = arith.constant 48 : index
        %get3A_491 = tpu.vector_load %arg10[%get3A_489, %get3A_490] {strides = array<i32>} : memref<128x128xf32, #tpu.memory_space<vmem>>, vector<16xf32>,
        %mul3A_492 = arith.mulf %get3A_491, %broadcast_in_dim3A_463 : vector<16xf32>
        %swap3A_493 = arith.index_cast %add3A_467 : i32 to index
        %swap3A_494 = arith.constant 48 : index
        %swap3A_495 = tpu.vector_load %arg10[%swap3A_493, %swap3A_494] {strides = array<i32>} : memref<128x128xf32, #tpu.memory_space<vmem>>, vector<16xf32>,
        tpu.vector_store %arg10[%swap3A_493, %swap3A_494], %mul3A_492 {strides = array<i32>} : memref<128x128xf32, #tpu.memory_space<vmem>>, vector<16xf32>,
        %get3A_496 = arith.index_cast %add3A_467 : i32 to index
        %get3A_497 = arith.constant 64 : index
        %get3A_498 = tpu.vector_load %arg10[%get3A_496, %get3A_497] {strides = array<i32>} : memref<128x128xf32, #tpu.memory_space<vmem>>, vector<16xf32>,
        %mul3A_499 = arith.mulf %get3A_498, %broadcast_in_dim3A_463 : vector<16xf32>
        %swap3A_500 = arith.index_cast %add3A_467 : i32 to index
        %swap3A_501 = arith.constant 64 : index
        %swap3A_502 = tpu.vector_load %arg10[%swap3A_500, %swap3A_501] {strides = array<i32>} : memref<128x128xf32, #tpu.memory_space<vmem>>, vector<16xf32>,
        tpu.vector_store %arg10[%swap3A_500, %swap3A_501], %mul3A_499 {strides = array<i32>} : memref<128x128xf32, #tpu.memory_space<vmem>>, vector<16xf32>,
        %get3A_503 = arith.index_cast %add3A_467 : i32 to index
        %get3A_504 = arith.constant 80 : index
        %get3A_505 = tpu.vector_load %arg10[%get3A_503, %get3A_504] {strides = array<i32>} : memref<128x128xf32, #tpu.memory_space<vmem>>, vector<16xf32>,
        %mul3A_506 = arith.mulf %get3A_505, %broadcast_in_dim3A_463 : vector<16xf32>
        %swap3A_507 = arith.index_cast %add3A_467 : i32 to index
        %swap3A_508 = arith.constant 80 : index
        %swap3A_509 = tpu.vector_load %arg10[%swap3A_507, %swap3A_508] {strides = array<i32>} : memref<128x128xf32, #tpu.memory_space<vmem>>, vector<16xf32>,
        tpu.vector_store %arg10[%swap3A_507, %swap3A_508], %mul3A_506 {strides = array<i32>} : memref<128x128xf32, #tpu.memory_space<vmem>>, vector<16xf32>,
        %get3A_510 = arith.index_cast %add3A_467 : i32 to index
        %get3A_511 = arith.constant 96 : index
        %get3A_512 = tpu.vector_load %arg10[%get3A_510, %get3A_511] {strides = array<i32>} : memref<128x128xf32, #tpu.memory_space<vmem>>, vector<16xf32>,
        %mul3A_513 = arith.mulf %get3A_512, %broadcast_in_dim3A_463 : vector<16xf32>
        %swap3A_514 = arith.index_cast %add3A_467 : i32 to index
        %swap3A_515 = arith.constant 96 : index
        %swap3A_516 = tpu.vector_load %arg10[%swap3A_514, %swap3A_515] {strides = array<i32>} : memref<128x128xf32, #tpu.memory_space<vmem>>, vector<16xf32>,
        tpu.vector_store %arg10[%swap3A_514, %swap3A_515], %mul3A_513 {strides = array<i32>} : memref<128x128xf32, #tpu.memory_space<vmem>>, vector<16xf32>,
        %get3A_517 = arith.index_cast %add3A_467 : i32 to index
        %get3A_518 = arith.constant 112 : index
        %get3A_519 = tpu.vector_load %arg10[%get3A_517, %get3A_518] {strides = array<i32>} : memref<128x128xf32, #tpu.memory_space<vmem>>, vector<16xf32>,
        %mul3A_520 = arith.mulf %get3A_519, %broadcast_in_dim3A_463 : vector<16xf32>
        %swap3A_521 = arith.index_cast %add3A_467 : i32 to index
        %swap3A_522 = arith.constant 112 : index
        %swap3A_523 = tpu.vector_load %arg10[%swap3A_521, %swap3A_522] {strides = array<i32>} : memref<128x128xf32, #tpu.memory_space<vmem>>, vector<16xf32>,
        tpu.vector_store %arg10[%swap3A_521, %swap3A_522], %mul3A_520 {strides = array<i32>} : memref<128x128xf32, #tpu.memory_space<vmem>>, vector<16xf32>,
        %slice3A_524 = vector.extract_strided_slice %get3A_149 {offsets = [6], sizes = [1], strides = [1]} : vector<16xf32> to vector<1xf32>
        %squeeze3A_525 = vector.extract %slice3A_524[0] : f32 from vector<1xf32>
        %broadcast_in_dim3A_526 = vector.broadcast %squeeze3A_525 : f32 to vector<16xf32>
        %mul3A_527 = arith.constant 16 : i32
        %mul3A_528 = arith.muli %scan3A_144, %mul3A_527 : i32
        %add3A_529 = arith.constant 6 : i32
        %add3A_530 = arith.addi %mul3A_528, %add3A_529 : i32
        %get3A_531 = arith.index_cast %add3A_530 : i32 to index
        %get3A_532 = arith.constant 0 : index
        %get3A_533 = tpu.vector_load %arg10[%get3A_531, %get3A_532] {strides = array<i32>} : memref<128x128xf32, #tpu.memory_space<vmem>>, vector<16xf32>,
        %mul3A_534 = arith.mulf %get3A_533, %broadcast_in_dim3A_526 : vector<16xf32>
        %swap3A_535 = arith.index_cast %add3A_530 : i32 to index
        %swap3A_536 = arith.constant 0 : index
        %swap3A_537 = tpu.vector_load %arg10[%swap3A_535, %swap3A_536] {strides = array<i32>} : memref<128x128xf32, #tpu.memory_space<vmem>>, vector<16xf32>,
        tpu.vector_store %arg10[%swap3A_535, %swap3A_536], %mul3A_534 {strides = array<i32>} : memref<128x128xf32, #tpu.memory_space<vmem>>, vector<16xf32>,
        %get3A_538 = arith.index_cast %add3A_530 : i32 to index
        %get3A_539 = arith.constant 16 : index
        %get3A_540 = tpu.vector_load %arg10[%get3A_538, %get3A_539] {strides = array<i32>} : memref<128x128xf32, #tpu.memory_space<vmem>>, vector<16xf32>,
        %mul3A_541 = arith.mulf %get3A_540, %broadcast_in_dim3A_526 : vector<16xf32>
        %swap3A_542 = arith.index_cast %add3A_530 : i32 to index
        %swap3A_543 = arith.constant 16 : index
        %swap3A_544 = tpu.vector_load %arg10[%swap3A_542, %swap3A_543] {strides = array<i32>} : memref<128x128xf32, #tpu.memory_space<vmem>>, vector<16xf32>,
        tpu.vector_store %arg10[%swap3A_542, %swap3A_543], %mul3A_541 {strides = array<i32>} : memref<128x128xf32, #tpu.memory_space<vmem>>, vector<16xf32>,
        %get3A_545 = arith.index_cast %add3A_530 : i32 to index
        %get3A_546 = arith.constant 32 : index
        %get3A_547 = tpu.vector_load %arg10[%get3A_545, %get3A_546] {strides = array<i32>} : memref<128x128xf32, #tpu.memory_space<vmem>>, vector<16xf32>,
        %mul3A_548 = arith.mulf %get3A_547, %broadcast_in_dim3A_526 : vector<16xf32>
        %swap3A_549 = arith.index_cast %add3A_530 : i32 to index
        %swap3A_550 = arith.constant 32 : index
        %swap3A_551 = tpu.vector_load %arg10[%swap3A_549, %swap3A_550] {strides = array<i32>} : memref<128x128xf32, #tpu.memory_space<vmem>>, vector<16xf32>,
        tpu.vector_store %arg10[%swap3A_549, %swap3A_550], %mul3A_548 {strides = array<i32>} : memref<128x128xf32, #tpu.memory_space<vmem>>, vector<16xf32>,
        %get3A_552 = arith.index_cast %add3A_530 : i32 to index
        %get3A_553 = arith.constant 48 : index
        %get3A_554 = tpu.vector_load %arg10[%get3A_552, %get3A_553] {strides = array<i32>} : memref<128x128xf32, #tpu.memory_space<vmem>>, vector<16xf32>,
        %mul3A_555 = arith.mulf %get3A_554, %broadcast_in_dim3A_526 : vector<16xf32>
        %swap3A_556 = arith.index_cast %add3A_530 : i32 to index
        %swap3A_557 = arith.constant 48 : index
        %swap3A_558 = tpu.vector_load %arg10[%swap3A_556, %swap3A_557] {strides = array<i32>} : memref<128x128xf32, #tpu.memory_space<vmem>>, vector<16xf32>,
        tpu.vector_store %arg10[%swap3A_556, %swap3A_557], %mul3A_555 {strides = array<i32>} : memref<128x128xf32, #tpu.memory_space<vmem>>, vector<16xf32>,
        %get3A_559 = arith.index_cast %add3A_530 : i32 to index
        %get3A_560 = arith.constant 64 : index
        %get3A_561 = tpu.vector_load %arg10[%get3A_559, %get3A_560] {strides = array<i32>} : memref<128x128xf32, #tpu.memory_space<vmem>>, vector<16xf32>,
        %mul3A_562 = arith.mulf %get3A_561, %broadcast_in_dim3A_526 : vector<16xf32>
        %swap3A_563 = arith.index_cast %add3A_530 : i32 to index
        %swap3A_564 = arith.constant 64 : index
        %swap3A_565 = tpu.vector_load %arg10[%swap3A_563, %swap3A_564] {strides = array<i32>} : memref<128x128xf32, #tpu.memory_space<vmem>>, vector<16xf32>,
        tpu.vector_store %arg10[%swap3A_563, %swap3A_564], %mul3A_562 {strides = array<i32>} : memref<128x128xf32, #tpu.memory_space<vmem>>, vector<16xf32>,
        %get3A_566 = arith.index_cast %add3A_530 : i32 to index
        %get3A_567 = arith.constant 80 : index
        %get3A_568 = tpu.vector_load %arg10[%get3A_566, %get3A_567] {strides = array<i32>} : memref<128x128xf32, #tpu.memory_space<vmem>>, vector<16xf32>,
        %mul3A_569 = arith.mulf %get3A_568, %broadcast_in_dim3A_526 : vector<16xf32>
        %swap3A_570 = arith.index_cast %add3A_530 : i32 to index
        %swap3A_571 = arith.constant 80 : index
        %swap3A_572 = tpu.vector_load %arg10[%swap3A_570, %swap3A_571] {strides = array<i32>} : memref<128x128xf32, #tpu.memory_space<vmem>>, vector<16xf32>,
        tpu.vector_store %arg10[%swap3A_570, %swap3A_571], %mul3A_569 {strides = array<i32>} : memref<128x128xf32, #tpu.memory_space<vmem>>, vector<16xf32>,
        %get3A_573 = arith.index_cast %add3A_530 : i32 to index
        %get3A_574 = arith.constant 96 : index
        %get3A_575 = tpu.vector_load %arg10[%get3A_573, %get3A_574] {strides = array<i32>} : memref<128x128xf32, #tpu.memory_space<vmem>>, vector<16xf32>,
        %mul3A_576 = arith.mulf %get3A_575, %broadcast_in_dim3A_526 : vector<16xf32>
        %swap3A_577 = arith.index_cast %add3A_530 : i32 to index
        %swap3A_578 = arith.constant 96 : index
        %swap3A_579 = tpu.vector_load %arg10[%swap3A_577, %swap3A_578] {strides = array<i32>} : memref<128x128xf32, #tpu.memory_space<vmem>>, vector<16xf32>,
        tpu.vector_store %arg10[%swap3A_577, %swap3A_578], %mul3A_576 {strides = array<i32>} : memref<128x128xf32, #tpu.memory_space<vmem>>, vector<16xf32>,
        %get3A_580 = arith.index_cast %add3A_530 : i32 to index
        %get3A_581 = arith.constant 112 : index
        %get3A_582 = tpu.vector_load %arg10[%get3A_580, %get3A_581] {strides = array<i32>} : memref<128x128xf32, #tpu.memory_space<vmem>>, vector<16xf32>,
        %mul3A_583 = arith.mulf %get3A_582, %broadcast_in_dim3A_526 : vector<16xf32>
        %swap3A_584 = arith.index_cast %add3A_530 : i32 to index
        %swap3A_585 = arith.constant 112 : index
        %swap3A_586 = tpu.vector_load %arg10[%swap3A_584, %swap3A_585] {strides = array<i32>} : memref<128x128xf32, #tpu.memory_space<vmem>>, vector<16xf32>,
        tpu.vector_store %arg10[%swap3A_584, %swap3A_585], %mul3A_583 {strides = array<i32>} : memref<128x128xf32, #tpu.memory_space<vmem>>, vector<16xf32>,
        %slice3A_587 = vector.extract_strided_slice %get3A_149 {offsets = [7], sizes = [1], strides = [1]} : vector<16xf32> to vector<1xf32>
        %squeeze3A_588 = vector.extract %slice3A_587[0] : f32 from vector<1xf32>
        %broadcast_in_dim3A_589 = vector.broadcast %squeeze3A_588 : f32 to vector<16xf32>
        %mul3A_590 = arith.constant 16 : i32
        %mul3A_591 = arith.muli %scan3A_144, %mul3A_590 : i32
        %add3A_592 = arith.constant 7 : i32
        %add3A_593 = arith.addi %mul3A_591, %add3A_592 : i32
        %get3A_594 = arith.index_cast %add3A_593 : i32 to index
        %get3A_595 = arith.constant 0 : index
        %get3A_596 = tpu.vector_load %arg10[%get3A_594, %get3A_595] {strides = array<i32>} : memref<128x128xf32, #tpu.memory_space<vmem>>, vector<16xf32>,
        %mul3A_597 = arith.mulf %get3A_596, %broadcast_in_dim3A_589 : vector<16xf32>
        %swap3A_598 = arith.index_cast %add3A_593 : i32 to index
        %swap3A_599 = arith.constant 0 : index
        %swap3A_600 = tpu.vector_load %arg10[%swap3A_598, %swap3A_599] {strides = array<i32>} : memref<128x128xf32, #tpu.memory_space<vmem>>, vector<16xf32>,
        tpu.vector_store %arg10[%swap3A_598, %swap3A_599], %mul3A_597 {strides = array<i32>} : memref<128x128xf32, #tpu.memory_space<vmem>>, vector<16xf32>,
        %get3A_601 = arith.index_cast %add3A_593 : i32 to index
        %get3A_602 = arith.constant 16 : index
        %get3A_603 = tpu.vector_load %arg10[%get3A_601, %get3A_602] {strides = array<i32>} : memref<128x128xf32, #tpu.memory_space<vmem>>, vector<16xf32>,
        %mul3A_604 = arith.mulf %get3A_603, %broadcast_in_dim3A_589 : vector<16xf32>
        %swap3A_605 = arith.index_cast %add3A_593 : i32 to index
        %swap3A_606 = arith.constant 16 : index
        %swap3A_607 = tpu.vector_load %arg10[%swap3A_605, %swap3A_606] {strides = array<i32>} : memref<128x128xf32, #tpu.memory_space<vmem>>, vector<16xf32>,
        tpu.vector_store %arg10[%swap3A_605, %swap3A_606], %mul3A_604 {strides = array<i32>} : memref<128x128xf32, #tpu.memory_space<vmem>>, vector<16xf32>,
        %get3A_608 = arith.index_cast %add3A_593 : i32 to index
        %get3A_609 = arith.constant 32 : index
        %get3A_610 = tpu.vector_load %arg10[%get3A_608, %get3A_609] {strides = array<i32>} : memref<128x128xf32, #tpu.memory_space<vmem>>, vector<16xf32>,
        %mul3A_611 = arith.mulf %get3A_610, %broadcast_in_dim3A_589 : vector<16xf32>
        %swap3A_612 = arith.index_cast %add3A_593 : i32 to index
        %swap3A_613 = arith.constant 32 : index
        %swap3A_614 = tpu.vector_load %arg10[%swap3A_612, %swap3A_613] {strides = array<i32>} : memref<128x128xf32, #tpu.memory_space<vmem>>, vector<16xf32>,
        tpu.vector_store %arg10[%swap3A_612, %swap3A_613], %mul3A_611 {strides = array<i32>} : memref<128x128xf32, #tpu.memory_space<vmem>>, vector<16xf32>,
        %get3A_615 = arith.index_cast %add3A_593 : i32 to index
        %get3A_616 = arith.constant 48 : index
        %get3A_617 = tpu.vector_load %arg10[%get3A_615, %get3A_616] {strides = array<i32>} : memref<128x128xf32, #tpu.memory_space<vmem>>, vector<16xf32>,
        %mul3A_618 = arith.mulf %get3A_617, %broadcast_in_dim3A_589 : vector<16xf32>
        %swap3A_619 = arith.index_cast %add3A_593 : i32 to index
        %swap3A_620 = arith.constant 48 : index
        %swap3A_621 = tpu.vector_load %arg10[%swap3A_619, %swap3A_620] {strides = array<i32>} : memref<128x128xf32, #tpu.memory_space<vmem>>, vector<16xf32>,
        tpu.vector_store %arg10[%swap3A_619, %swap3A_620], %mul3A_618 {strides = array<i32>} : memref<128x128xf32, #tpu.memory_space<vmem>>, vector<16xf32>,
        %get3A_622 = arith.index_cast %add3A_593 : i32 to index
        %get3A_623 = arith.constant 64 : index
        %get3A_624 = tpu.vector_load %arg10[%get3A_622, %get3A_623] {strides = array<i32>} : memref<128x128xf32, #tpu.memory_space<vmem>>, vector<16xf32>,
        %mul3A_625 = arith.mulf %get3A_624, %broadcast_in_dim3A_589 : vector<16xf32>
        %swap3A_626 = arith.index_cast %add3A_593 : i32 to index
        %swap3A_627 = arith.constant 64 : index
        %swap3A_628 = tpu.vector_load %arg10[%swap3A_626, %swap3A_627] {strides = array<i32>} : memref<128x128xf32, #tpu.memory_space<vmem>>, vector<16xf32>,
        tpu.vector_store %arg10[%swap3A_626, %swap3A_627], %mul3A_625 {strides = array<i32>} : memref<128x128xf32, #tpu.memory_space<vmem>>, vector<16xf32>,
        %get3A_629 = arith.index_cast %add3A_593 : i32 to index
        %get3A_630 = arith.constant 80 : index
        %get3A_631 = tpu.vector_load %arg10[%get3A_629, %get3A_630] {strides = array<i32>} : memref<128x128xf32, #tpu.memory_space<vmem>>, vector<16xf32>,
        %mul3A_632 = arith.mulf %get3A_631, %broadcast_in_dim3A_589 : vector<16xf32>
        %swap3A_633 = arith.index_cast %add3A_593 : i32 to index
        %swap3A_634 = arith.constant 80 : index
        %swap3A_635 = tpu.vector_load %arg10[%swap3A_633, %swap3A_634] {strides = array<i32>} : memref<128x128xf32, #tpu.memory_space<vmem>>, vector<16xf32>,
        tpu.vector_store %arg10[%swap3A_633, %swap3A_634], %mul3A_632 {strides = array<i32>} : memref<128x128xf32, #tpu.memory_space<vmem>>, vector<16xf32>,
        %get3A_636 = arith.index_cast %add3A_593 : i32 to index
        %get3A_637 = arith.constant 96 : index
        %get3A_638 = tpu.vector_load %arg10[%get3A_636, %get3A_637] {strides = array<i32>} : memref<128x128xf32, #tpu.memory_space<vmem>>, vector<16xf32>,
        %mul3A_639 = arith.mulf %get3A_638, %broadcast_in_dim3A_589 : vector<16xf32>
        %swap3A_640 = arith.index_cast %add3A_593 : i32 to index
        %swap3A_641 = arith.constant 96 : index
        %swap3A_642 = tpu.vector_load %arg10[%swap3A_640, %swap3A_641] {strides = array<i32>} : memref<128x128xf32, #tpu.memory_space<vmem>>, vector<16xf32>,
        tpu.vector_store %arg10[%swap3A_640, %swap3A_641], %mul3A_639 {strides = array<i32>} : memref<128x128xf32, #tpu.memory_space<vmem>>, vector<16xf32>,
        %get3A_643 = arith.index_cast %add3A_593 : i32 to index
        %get3A_644 = arith.constant 112 : index
        %get3A_645 = tpu.vector_load %arg10[%get3A_643, %get3A_644] {strides = array<i32>} : memref<128x128xf32, #tpu.memory_space<vmem>>, vector<16xf32>,
        %mul3A_646 = arith.mulf %get3A_645, %broadcast_in_dim3A_589 : vector<16xf32>
        %swap3A_647 = arith.index_cast %add3A_593 : i32 to index
        %swap3A_648 = arith.constant 112 : index
        %swap3A_649 = tpu.vector_load %arg10[%swap3A_647, %swap3A_648] {strides = array<i32>} : memref<128x128xf32, #tpu.memory_space<vmem>>, vector<16xf32>,
        tpu.vector_store %arg10[%swap3A_647, %swap3A_648], %mul3A_646 {strides = array<i32>} : memref<128x128xf32, #tpu.memory_space<vmem>>, vector<16xf32>,
        %slice3A_650 = vector.extract_strided_slice %get3A_149 {offsets = [8], sizes = [1], strides = [1]} : vector<16xf32> to vector<1xf32>
        %squeeze3A_651 = vector.extract %slice3A_650[0] : f32 from vector<1xf32>
        %broadcast_in_dim3A_652 = vector.broadcast %squeeze3A_651 : f32 to vector<16xf32>
        %mul3A_653 = arith.constant 16 : i32
        %mul3A_654 = arith.muli %scan3A_144, %mul3A_653 : i32
        %add3A_655 = arith.constant 8 : i32
        %add3A_656 = arith.addi %mul3A_654, %add3A_655 : i32
        %get3A_657 = arith.index_cast %add3A_656 : i32 to index
        %get3A_658 = arith.constant 0 : index
        %get3A_659 = tpu.vector_load %arg10[%get3A_657, %get3A_658] {strides = array<i32>} : memref<128x128xf32, #tpu.memory_space<vmem>>, vector<16xf32>,
        %mul3A_660 = arith.mulf %get3A_659, %broadcast_in_dim3A_652 : vector<16xf32>
        %swap3A_661 = arith.index_cast %add3A_656 : i32 to index
        %swap3A_662 = arith.constant 0 : index
        %swap3A_663 = tpu.vector_load %arg10[%swap3A_661, %swap3A_662] {strides = array<i32>} : memref<128x128xf32, #tpu.memory_space<vmem>>, vector<16xf32>,
        tpu.vector_store %arg10[%swap3A_661, %swap3A_662], %mul3A_660 {strides = array<i32>} : memref<128x128xf32, #tpu.memory_space<vmem>>, vector<16xf32>,
        %get3A_664 = arith.index_cast %add3A_656 : i32 to index
        %get3A_665 = arith.constant 16 : index
        %get3A_666 = tpu.vector_load %arg10[%get3A_664, %get3A_665] {strides = array<i32>} : memref<128x128xf32, #tpu.memory_space<vmem>>, vector<16xf32>,
        %mul3A_667 = arith.mulf %get3A_666, %broadcast_in_dim3A_652 : vector<16xf32>
        %swap3A_668 = arith.index_cast %add3A_656 : i32 to index
        %swap3A_669 = arith.constant 16 : index
        %swap3A_670 = tpu.vector_load %arg10[%swap3A_668, %swap3A_669] {strides = array<i32>} : memref<128x128xf32, #tpu.memory_space<vmem>>, vector<16xf32>,
        tpu.vector_store %arg10[%swap3A_668, %swap3A_669], %mul3A_667 {strides = array<i32>} : memref<128x128xf32, #tpu.memory_space<vmem>>, vector<16xf32>,
        %get3A_671 = arith.index_cast %add3A_656 : i32 to index
        %get3A_672 = arith.constant 32 : index
        %get3A_673 = tpu.vector_load %arg10[%get3A_671, %get3A_672] {strides = array<i32>} : memref<128x128xf32, #tpu.memory_space<vmem>>, vector<16xf32>,
        %mul3A_674 = arith.mulf %get3A_673, %broadcast_in_dim3A_652 : vector<16xf32>
        %swap3A_675 = arith.index_cast %add3A_656 : i32 to index
        %swap3A_676 = arith.constant 32 : index
        %swap3A_677 = tpu.vector_load %arg10[%swap3A_675, %swap3A_676] {strides = array<i32>} : memref<128x128xf32, #tpu.memory_space<vmem>>, vector<16xf32>,
        tpu.vector_store %arg10[%swap3A_675, %swap3A_676], %mul3A_674 {strides = array<i32>} : memref<128x128xf32, #tpu.memory_space<vmem>>, vector<16xf32>,
        %get3A_678 = arith.index_cast %add3A_656 : i32 to index
        %get3A_679 = arith.constant 48 : index
        %get3A_680 = tpu.vector_load %arg10[%get3A_678, %get3A_679] {strides = array<i32>} : memref<128x128xf32, #tpu.memory_space<vmem>>, vector<16xf32>,
        %mul3A_681 = arith.mulf %get3A_680, %broadcast_in_dim3A_652 : vector<16xf32>
        %swap3A_682 = arith.index_cast %add3A_656 : i32 to index
        %swap3A_683 = arith.constant 48 : index
        %swap3A_684 = tpu.vector_load %arg10[%swap3A_682, %swap3A_683] {strides = array<i32>} : memref<128x128xf32, #tpu.memory_space<vmem>>, vector<16xf32>,
        tpu.vector_store %arg10[%swap3A_682, %swap3A_683], %mul3A_681 {strides = array<i32>} : memref<128x128xf32, #tpu.memory_space<vmem>>, vector<16xf32>,
        %get3A_685 = arith.index_cast %add3A_656 : i32 to index
        %get3A_686 = arith.constant 64 : index
        %get3A_687 = tpu.vector_load %arg10[%get3A_685, %get3A_686] {strides = array<i32>} : memref<128x128xf32, #tpu.memory_space<vmem>>, vector<16xf32>,
        %mul3A_688 = arith.mulf %get3A_687, %broadcast_in_dim3A_652 : vector<16xf32>
        %swap3A_689 = arith.index_cast %add3A_656 : i32 to index
        %swap3A_690 = arith.constant 64 : index
        %swap3A_691 = tpu.vector_load %arg10[%swap3A_689, %swap3A_690] {strides = array<i32>} : memref<128x128xf32, #tpu.memory_space<vmem>>, vector<16xf32>,
        tpu.vector_store %arg10[%swap3A_689, %swap3A_690], %mul3A_688 {strides = array<i32>} : memref<128x128xf32, #tpu.memory_space<vmem>>, vector<16xf32>,
        %get3A_692 = arith.index_cast %add3A_656 : i32 to index
        %get3A_693 = arith.constant 80 : index
        %get3A_694 = tpu.vector_load %arg10[%get3A_692, %get3A_693] {strides = array<i32>} : memref<128x128xf32, #tpu.memory_space<vmem>>, vector<16xf32>,
        %mul3A_695 = arith.mulf %get3A_694, %broadcast_in_dim3A_652 : vector<16xf32>
        %swap3A_696 = arith.index_cast %add3A_656 : i32 to index
        %swap3A_697 = arith.constant 80 : index
        %swap3A_698 = tpu.vector_load %arg10[%swap3A_696, %swap3A_697] {strides = array<i32>} : memref<128x128xf32, #tpu.memory_space<vmem>>, vector<16xf32>,
        tpu.vector_store %arg10[%swap3A_696, %swap3A_697], %mul3A_695 {strides = array<i32>} : memref<128x128xf32, #tpu.memory_space<vmem>>, vector<16xf32>,
        %get3A_699 = arith.index_cast %add3A_656 : i32 to index
        %get3A_700 = arith.constant 96 : index
        %get3A_701 = tpu.vector_load %arg10[%get3A_699, %get3A_700] {strides = array<i32>} : memref<128x128xf32, #tpu.memory_space<vmem>>, vector<16xf32>,
        %mul3A_702 = arith.mulf %get3A_701, %broadcast_in_dim3A_652 : vector<16xf32>
        %swap3A_703 = arith.index_cast %add3A_656 : i32 to index
        %swap3A_704 = arith.constant 96 : index
        %swap3A_705 = tpu.vector_load %arg10[%swap3A_703, %swap3A_704] {strides = array<i32>} : memref<128x128xf32, #tpu.memory_space<vmem>>, vector<16xf32>,
        tpu.vector_store %arg10[%swap3A_703, %swap3A_704], %mul3A_702 {strides = array<i32>} : memref<128x128xf32, #tpu.memory_space<vmem>>, vector<16xf32>,
        %get3A_706 = arith.index_cast %add3A_656 : i32 to index
        %get3A_707 = arith.constant 112 : index
        %get3A_708 = tpu.vector_load %arg10[%get3A_706, %get3A_707] {strides = array<i32>} : memref<128x128xf32, #tpu.memory_space<vmem>>, vector<16xf32>,
        %mul3A_709 = arith.mulf %get3A_708, %broadcast_in_dim3A_652 : vector<16xf32>
        %swap3A_710 = arith.index_cast %add3A_656 : i32 to index
        %swap3A_711 = arith.constant 112 : index
        %swap3A_712 = tpu.vector_load %arg10[%swap3A_710, %swap3A_711] {strides = array<i32>} : memref<128x128xf32, #tpu.memory_space<vmem>>, vector<16xf32>,
        tpu.vector_store %arg10[%swap3A_710, %swap3A_711], %mul3A_709 {strides = array<i32>} : memref<128x128xf32, #tpu.memory_space<vmem>>, vector<16xf32>,
        %slice3A_713 = vector.extract_strided_slice %get3A_149 {offsets = [9], sizes = [1], strides = [1]} : vector<16xf32> to vector<1xf32>
        %squeeze3A_714 = vector.extract %slice3A_713[0] : f32 from vector<1xf32>
        %broadcast_in_dim3A_715 = vector.broadcast %squeeze3A_714 : f32 to vector<16xf32>
        %mul3A_716 = arith.constant 16 : i32
        %mul3A_717 = arith.muli %scan3A_144, %mul3A_716 : i32
        %add3A_718 = arith.constant 9 : i32
        %add3A_719 = arith.addi %mul3A_717, %add3A_718 : i32
        %get3A_720 = arith.index_cast %add3A_719 : i32 to index
        %get3A_721 = arith.constant 0 : index
        %get3A_722 = tpu.vector_load %arg10[%get3A_720, %get3A_721] {strides = array<i32>} : memref<128x128xf32, #tpu.memory_space<vmem>>, vector<16xf32>,
        %mul3A_723 = arith.mulf %get3A_722, %broadcast_in_dim3A_715 : vector<16xf32>
        %swap3A_724 = arith.index_cast %add3A_719 : i32 to index
        %swap3A_725 = arith.constant 0 : index
        %swap3A_726 = tpu.vector_load %arg10[%swap3A_724, %swap3A_725] {strides = array<i32>} : memref<128x128xf32, #tpu.memory_space<vmem>>, vector<16xf32>,
        tpu.vector_store %arg10[%swap3A_724, %swap3A_725], %mul3A_723 {strides = array<i32>} : memref<128x128xf32, #tpu.memory_space<vmem>>, vector<16xf32>,
        %get3A_727 = arith.index_cast %add3A_719 : i32 to index
        %get3A_728 = arith.constant 16 : index
        %get3A_729 = tpu.vector_load %arg10[%get3A_727, %get3A_728] {strides = array<i32>} : memref<128x128xf32, #tpu.memory_space<vmem>>, vector<16xf32>,
        %mul3A_730 = arith.mulf %get3A_729, %broadcast_in_dim3A_715 : vector<16xf32>
        %swap3A_731 = arith.index_cast %add3A_719 : i32 to index
        %swap3A_732 = arith.constant 16 : index
        %swap3A_733 = tpu.vector_load %arg10[%swap3A_731, %swap3A_732] {strides = array<i32>} : memref<128x128xf32, #tpu.memory_space<vmem>>, vector<16xf32>,
        tpu.vector_store %arg10[%swap3A_731, %swap3A_732], %mul3A_730 {strides = array<i32>} : memref<128x128xf32, #tpu.memory_space<vmem>>, vector<16xf32>,
        %get3A_734 = arith.index_cast %add3A_719 : i32 to index
        %get3A_735 = arith.constant 32 : index
        %get3A_736 = tpu.vector_load %arg10[%get3A_734, %get3A_735] {strides = array<i32>} : memref<128x128xf32, #tpu.memory_space<vmem>>, vector<16xf32>,
        %mul3A_737 = arith.mulf %get3A_736, %broadcast_in_dim3A_715 : vector<16xf32>
        %swap3A_738 = arith.index_cast %add3A_719 : i32 to index
        %swap3A_739 = arith.constant 32 : index
        %swap3A_740 = tpu.vector_load %arg10[%swap3A_738, %swap3A_739] {strides = array<i32>} : memref<128x128xf32, #tpu.memory_space<vmem>>, vector<16xf32>,
        tpu.vector_store %arg10[%swap3A_738, %swap3A_739], %mul3A_737 {strides = array<i32>} : memref<128x128xf32, #tpu.memory_space<vmem>>, vector<16xf32>,
        %get3A_741 = arith.index_cast %add3A_719 : i32 to index
        %get3A_742 = arith.constant 48 : index
        %get3A_743 = tpu.vector_load %arg10[%get3A_741, %get3A_742] {strides = array<i32>} : memref<128x128xf32, #tpu.memory_space<vmem>>, vector<16xf32>,
        %mul3A_744 = arith.mulf %get3A_743, %broadcast_in_dim3A_715 : vector<16xf32>
        %swap3A_745 = arith.index_cast %add3A_719 : i32 to index
        %swap3A_746 = arith.constant 48 : index
        %swap3A_747 = tpu.vector_load %arg10[%swap3A_745, %swap3A_746] {strides = array<i32>} : memref<128x128xf32, #tpu.memory_space<vmem>>, vector<16xf32>,
        tpu.vector_store %arg10[%swap3A_745, %swap3A_746], %mul3A_744 {strides = array<i32>} : memref<128x128xf32, #tpu.memory_space<vmem>>, vector<16xf32>,
        %get3A_748 = arith.index_cast %add3A_719 : i32 to index
        %get3A_749 = arith.constant 64 : index
        %get3A_750 = tpu.vector_load %arg10[%get3A_748, %get3A_749] {strides = array<i32>} : memref<128x128xf32, #tpu.memory_space<vmem>>, vector<16xf32>,
        %mul3A_751 = arith.mulf %get3A_750, %broadcast_in_dim3A_715 : vector<16xf32>
        %swap3A_752 = arith.index_cast %add3A_719 : i32 to index
        %swap3A_753 = arith.constant 64 : index
        %swap3A_754 = tpu.vector_load %arg10[%swap3A_752, %swap3A_753] {strides = array<i32>} : memref<128x128xf32, #tpu.memory_space<vmem>>, vector<16xf32>,
        tpu.vector_store %arg10[%swap3A_752, %swap3A_753], %mul3A_751 {strides = array<i32>} : memref<128x128xf32, #tpu.memory_space<vmem>>, vector<16xf32>,
        %get3A_755 = arith.index_cast %add3A_719 : i32 to index
        %get3A_756 = arith.constant 80 : index
        %get3A_757 = tpu.vector_load %arg10[%get3A_755, %get3A_756] {strides = array<i32>} : memref<128x128xf32, #tpu.memory_space<vmem>>, vector<16xf32>,
        %mul3A_758 = arith.mulf %get3A_757, %broadcast_in_dim3A_715 : vector<16xf32>
        %swap3A_759 = arith.index_cast %add3A_719 : i32 to index
        %swap3A_760 = arith.constant 80 : index
        %swap3A_761 = tpu.vector_load %arg10[%swap3A_759, %swap3A_760] {strides = array<i32>} : memref<128x128xf32, #tpu.memory_space<vmem>>, vector<16xf32>,
        tpu.vector_store %arg10[%swap3A_759, %swap3A_760], %mul3A_758 {strides = array<i32>} : memref<128x128xf32, #tpu.memory_space<vmem>>, vector<16xf32>,
        %get3A_762 = arith.index_cast %add3A_719 : i32 to index
        %get3A_763 = arith.constant 96 : index
        %get3A_764 = tpu.vector_load %arg10[%get3A_762, %get3A_763] {strides = array<i32>} : memref<128x128xf32, #tpu.memory_space<vmem>>, vector<16xf32>,
        %mul3A_765 = arith.mulf %get3A_764, %broadcast_in_dim3A_715 : vector<16xf32>
        %swap3A_766 = arith.index_cast %add3A_719 : i32 to index
        %swap3A_767 = arith.constant 96 : index
        %swap3A_768 = tpu.vector_load %arg10[%swap3A_766, %swap3A_767] {strides = array<i32>} : memref<128x128xf32, #tpu.memory_space<vmem>>, vector<16xf32>,
        tpu.vector_store %arg10[%swap3A_766, %swap3A_767], %mul3A_765 {strides = array<i32>} : memref<128x128xf32, #tpu.memory_space<vmem>>, vector<16xf32>,
        %get3A_769 = arith.index_cast %add3A_719 : i32 to index
        %get3A_770 = arith.constant 112 : index
        %get3A_771 = tpu.vector_load %arg10[%get3A_769, %get3A_770] {strides = array<i32>} : memref<128x128xf32, #tpu.memory_space<vmem>>, vector<16xf32>,
        %mul3A_772 = arith.mulf %get3A_771, %broadcast_in_dim3A_715 : vector<16xf32>
        %swap3A_773 = arith.index_cast %add3A_719 : i32 to index
        %swap3A_774 = arith.constant 112 : index
        %swap3A_775 = tpu.vector_load %arg10[%swap3A_773, %swap3A_774] {strides = array<i32>} : memref<128x128xf32, #tpu.memory_space<vmem>>, vector<16xf32>,
        tpu.vector_store %arg10[%swap3A_773, %swap3A_774], %mul3A_772 {strides = array<i32>} : memref<128x128xf32, #tpu.memory_space<vmem>>, vector<16xf32>,
        %slice3A_776 = vector.extract_strided_slice %get3A_149 {offsets = [10], sizes = [1], strides = [1]} : vector<16xf32> to vector<1xf32>
        %squeeze3A_777 = vector.extract %slice3A_776[0] : f32 from vector<1xf32>
        %broadcast_in_dim3A_778 = vector.broadcast %squeeze3A_777 : f32 to vector<16xf32>
        %mul3A_779 = arith.constant 16 : i32
        %mul3A_780 = arith.muli %scan3A_144, %mul3A_779 : i32
        %add3A_781 = arith.constant 10 : i32
        %add3A_782 = arith.addi %mul3A_780, %add3A_781 : i32
        %get3A_783 = arith.index_cast %add3A_782 : i32 to index
        %get3A_784 = arith.constant 0 : index
        %get3A_785 = tpu.vector_load %arg10[%get3A_783, %get3A_784] {strides = array<i32>} : memref<128x128xf32, #tpu.memory_space<vmem>>, vector<16xf32>,
        %mul3A_786 = arith.mulf %get3A_785, %broadcast_in_dim3A_778 : vector<16xf32>
        %swap3A_787 = arith.index_cast %add3A_782 : i32 to index
        %swap3A_788 = arith.constant 0 : index
        %swap3A_789 = tpu.vector_load %arg10[%swap3A_787, %swap3A_788] {strides = array<i32>} : memref<128x128xf32, #tpu.memory_space<vmem>>, vector<16xf32>,
        tpu.vector_store %arg10[%swap3A_787, %swap3A_788], %mul3A_786 {strides = array<i32>} : memref<128x128xf32, #tpu.memory_space<vmem>>, vector<16xf32>,
        %get3A_790 = arith.index_cast %add3A_782 : i32 to index
        %get3A_791 = arith.constant 16 : index
        %get3A_792 = tpu.vector_load %arg10[%get3A_790, %get3A_791] {strides = array<i32>} : memref<128x128xf32, #tpu.memory_space<vmem>>, vector<16xf32>,
        %mul3A_793 = arith.mulf %get3A_792, %broadcast_in_dim3A_778 : vector<16xf32>
        %swap3A_794 = arith.index_cast %add3A_782 : i32 to index
        %swap3A_795 = arith.constant 16 : index
        %swap3A_796 = tpu.vector_load %arg10[%swap3A_794, %swap3A_795] {strides = array<i32>} : memref<128x128xf32, #tpu.memory_space<vmem>>, vector<16xf32>,
        tpu.vector_store %arg10[%swap3A_794, %swap3A_795], %mul3A_793 {strides = array<i32>} : memref<128x128xf32, #tpu.memory_space<vmem>>, vector<16xf32>,
        %get3A_797 = arith.index_cast %add3A_782 : i32 to index
        %get3A_798 = arith.constant 32 : index
        %get3A_799 = tpu.vector_load %arg10[%get3A_797, %get3A_798] {strides = array<i32>} : memref<128x128xf32, #tpu.memory_space<vmem>>, vector<16xf32>,
        %mul3A_800 = arith.mulf %get3A_799, %broadcast_in_dim3A_778 : vector<16xf32>
        %swap3A_801 = arith.index_cast %add3A_782 : i32 to index
        %swap3A_802 = arith.constant 32 : index
        %swap3A_803 = tpu.vector_load %arg10[%swap3A_801, %swap3A_802] {strides = array<i32>} : memref<128x128xf32, #tpu.memory_space<vmem>>, vector<16xf32>,
        tpu.vector_store %arg10[%swap3A_801, %swap3A_802], %mul3A_800 {strides = array<i32>} : memref<128x128xf32, #tpu.memory_space<vmem>>, vector<16xf32>,
        %get3A_804 = arith.index_cast %add3A_782 : i32 to index
        %get3A_805 = arith.constant 48 : index
        %get3A_806 = tpu.vector_load %arg10[%get3A_804, %get3A_805] {strides = array<i32>} : memref<128x128xf32, #tpu.memory_space<vmem>>, vector<16xf32>,
        %mul3A_807 = arith.mulf %get3A_806, %broadcast_in_dim3A_778 : vector<16xf32>
        %swap3A_808 = arith.index_cast %add3A_782 : i32 to index
        %swap3A_809 = arith.constant 48 : index
        %swap3A_810 = tpu.vector_load %arg10[%swap3A_808, %swap3A_809] {strides = array<i32>} : memref<128x128xf32, #tpu.memory_space<vmem>>, vector<16xf32>,
        tpu.vector_store %arg10[%swap3A_808, %swap3A_809], %mul3A_807 {strides = array<i32>} : memref<128x128xf32, #tpu.memory_space<vmem>>, vector<16xf32>,
        %get3A_811 = arith.index_cast %add3A_782 : i32 to index
        %get3A_812 = arith.constant 64 : index
        %get3A_813 = tpu.vector_load %arg10[%get3A_811, %get3A_812] {strides = array<i32>} : memref<128x128xf32, #tpu.memory_space<vmem>>, vector<16xf32>,
        %mul3A_814 = arith.mulf %get3A_813, %broadcast_in_dim3A_778 : vector<16xf32>
        %swap3A_815 = arith.index_cast %add3A_782 : i32 to index
        %swap3A_816 = arith.constant 64 : index
        %swap3A_817 = tpu.vector_load %arg10[%swap3A_815, %swap3A_816] {strides = array<i32>} : memref<128x128xf32, #tpu.memory_space<vmem>>, vector<16xf32>,
        tpu.vector_store %arg10[%swap3A_815, %swap3A_816], %mul3A_814 {strides = array<i32>} : memref<128x128xf32, #tpu.memory_space<vmem>>, vector<16xf32>,
        %get3A_818 = arith.index_cast %add3A_782 : i32 to index
        %get3A_819 = arith.constant 80 : index
        %get3A_820 = tpu.vector_load %arg10[%get3A_818, %get3A_819] {strides = array<i32>} : memref<128x128xf32, #tpu.memory_space<vmem>>, vector<16xf32>,
        %mul3A_821 = arith.mulf %get3A_820, %broadcast_in_dim3A_778 : vector<16xf32>
        %swap3A_822 = arith.index_cast %add3A_782 : i32 to index
        %swap3A_823 = arith.constant 80 : index
        %swap3A_824 = tpu.vector_load %arg10[%swap3A_822, %swap3A_823] {strides = array<i32>} : memref<128x128xf32, #tpu.memory_space<vmem>>, vector<16xf32>,
        tpu.vector_store %arg10[%swap3A_822, %swap3A_823], %mul3A_821 {strides = array<i32>} : memref<128x128xf32, #tpu.memory_space<vmem>>, vector<16xf32>,
        %get3A_825 = arith.index_cast %add3A_782 : i32 to index
        %get3A_826 = arith.constant 96 : index
        %get3A_827 = tpu.vector_load %arg10[%get3A_825, %get3A_826] {strides = array<i32>} : memref<128x128xf32, #tpu.memory_space<vmem>>, vector<16xf32>,
        %mul3A_828 = arith.mulf %get3A_827, %broadcast_in_dim3A_778 : vector<16xf32>
        %swap3A_829 = arith.index_cast %add3A_782 : i32 to index
        %swap3A_830 = arith.constant 96 : index
        %swap3A_831 = tpu.vector_load %arg10[%swap3A_829, %swap3A_830] {strides = array<i32>} : memref<128x128xf32, #tpu.memory_space<vmem>>, vector<16xf32>,
        tpu.vector_store %arg10[%swap3A_829, %swap3A_830], %mul3A_828 {strides = array<i32>} : memref<128x128xf32, #tpu.memory_space<vmem>>, vector<16xf32>,
        %get3A_832 = arith.index_cast %add3A_782 : i32 to index
        %get3A_833 = arith.constant 112 : index
        %get3A_834 = tpu.vector_load %arg10[%get3A_832, %get3A_833] {strides = array<i32>} : memref<128x128xf32, #tpu.memory_space<vmem>>, vector<16xf32>,
        %mul3A_835 = arith.mulf %get3A_834, %broadcast_in_dim3A_778 : vector<16xf32>
        %swap3A_836 = arith.index_cast %add3A_782 : i32 to index
        %swap3A_837 = arith.constant 112 : index
        %swap3A_838 = tpu.vector_load %arg10[%swap3A_836, %swap3A_837] {strides = array<i32>} : memref<128x128xf32, #tpu.memory_space<vmem>>, vector<16xf32>,
        tpu.vector_store %arg10[%swap3A_836, %swap3A_837], %mul3A_835 {strides = array<i32>} : memref<128x128xf32, #tpu.memory_space<vmem>>, vector<16xf32>,
        %slice3A_839 = vector.extract_strided_slice %get3A_149 {offsets = [11], sizes = [1], strides = [1]} : vector<16xf32> to vector<1xf32>
        %squeeze3A_840 = vector.extract %slice3A_839[0] : f32 from vector<1xf32>
        %broadcast_in_dim3A_841 = vector.broadcast %squeeze3A_840 : f32 to vector<16xf32>
        %mul3A_842 = arith.constant 16 : i32
        %mul3A_843 = arith.muli %scan3A_144, %mul3A_842 : i32
        %add3A_844 = arith.constant 11 : i32
        %add3A_845 = arith.addi %mul3A_843, %add3A_844 : i32
        %get3A_846 = arith.index_cast %add3A_845 : i32 to index
        %get3A_847 = arith.constant 0 : index
        %get3A_848 = tpu.vector_load %arg10[%get3A_846, %get3A_847] {strides = array<i32>} : memref<128x128xf32, #tpu.memory_space<vmem>>, vector<16xf32>,
        %mul3A_849 = arith.mulf %get3A_848, %broadcast_in_dim3A_841 : vector<16xf32>
        %swap3A_850 = arith.index_cast %add3A_845 : i32 to index
        %swap3A_851 = arith.constant 0 : index
        %swap3A_852 = tpu.vector_load %arg10[%swap3A_850, %swap3A_851] {strides = array<i32>} : memref<128x128xf32, #tpu.memory_space<vmem>>, vector<16xf32>,
        tpu.vector_store %arg10[%swap3A_850, %swap3A_851], %mul3A_849 {strides = array<i32>} : memref<128x128xf32, #tpu.memory_space<vmem>>, vector<16xf32>,
        %get3A_853 = arith.index_cast %add3A_845 : i32 to index
        %get3A_854 = arith.constant 16 : index
        %get3A_855 = tpu.vector_load %arg10[%get3A_853, %get3A_854] {strides = array<i32>} : memref<128x128xf32, #tpu.memory_space<vmem>>, vector<16xf32>,
        %mul3A_856 = arith.mulf %get3A_855, %broadcast_in_dim3A_841 : vector<16xf32>
        %swap3A_857 = arith.index_cast %add3A_845 : i32 to index
        %swap3A_858 = arith.constant 16 : index
        %swap3A_859 = tpu.vector_load %arg10[%swap3A_857, %swap3A_858] {strides = array<i32>} : memref<128x128xf32, #tpu.memory_space<vmem>>, vector<16xf32>,
        tpu.vector_store %arg10[%swap3A_857, %swap3A_858], %mul3A_856 {strides = array<i32>} : memref<128x128xf32, #tpu.memory_space<vmem>>, vector<16xf32>,
        %get3A_860 = arith.index_cast %add3A_845 : i32 to index
        %get3A_861 = arith.constant 32 : index
        %get3A_862 = tpu.vector_load %arg10[%get3A_860, %get3A_861] {strides = array<i32>} : memref<128x128xf32, #tpu.memory_space<vmem>>, vector<16xf32>,
        %mul3A_863 = arith.mulf %get3A_862, %broadcast_in_dim3A_841 : vector<16xf32>
        %swap3A_864 = arith.index_cast %add3A_845 : i32 to index
        %swap3A_865 = arith.constant 32 : index
        %swap3A_866 = tpu.vector_load %arg10[%swap3A_864, %swap3A_865] {strides = array<i32>} : memref<128x128xf32, #tpu.memory_space<vmem>>, vector<16xf32>,
        tpu.vector_store %arg10[%swap3A_864, %swap3A_865], %mul3A_863 {strides = array<i32>} : memref<128x128xf32, #tpu.memory_space<vmem>>, vector<16xf32>,
        %get3A_867 = arith.index_cast %add3A_845 : i32 to index
        %get3A_868 = arith.constant 48 : index
        %get3A_869 = tpu.vector_load %arg10[%get3A_867, %get3A_868] {strides = array<i32>} : memref<128x128xf32, #tpu.memory_space<vmem>>, vector<16xf32>,
        %mul3A_870 = arith.mulf %get3A_869, %broadcast_in_dim3A_841 : vector<16xf32>
        %swap3A_871 = arith.index_cast %add3A_845 : i32 to index
        %swap3A_872 = arith.constant 48 : index
        %swap3A_873 = tpu.vector_load %arg10[%swap3A_871, %swap3A_872] {strides = array<i32>} : memref<128x128xf32, #tpu.memory_space<vmem>>, vector<16xf32>,
        tpu.vector_store %arg10[%swap3A_871, %swap3A_872], %mul3A_870 {strides = array<i32>} : memref<128x128xf32, #tpu.memory_space<vmem>>, vector<16xf32>,
        %get3A_874 = arith.index_cast %add3A_845 : i32 to index
        %get3A_875 = arith.constant 64 : index
        %get3A_876 = tpu.vector_load %arg10[%get3A_874, %get3A_875] {strides = array<i32>} : memref<128x128xf32, #tpu.memory_space<vmem>>, vector<16xf32>,
        %mul3A_877 = arith.mulf %get3A_876, %broadcast_in_dim3A_841 : vector<16xf32>
        %swap3A_878 = arith.index_cast %add3A_845 : i32 to index
        %swap3A_879 = arith.constant 64 : index
        %swap3A_880 = tpu.vector_load %arg10[%swap3A_878, %swap3A_879] {strides = array<i32>} : memref<128x128xf32, #tpu.memory_space<vmem>>, vector<16xf32>,
        tpu.vector_store %arg10[%swap3A_878, %swap3A_879], %mul3A_877 {strides = array<i32>} : memref<128x128xf32, #tpu.memory_space<vmem>>, vector<16xf32>,
        %get3A_881 = arith.index_cast %add3A_845 : i32 to index
        %get3A_882 = arith.constant 80 : index
        %get3A_883 = tpu.vector_load %arg10[%get3A_881, %get3A_882] {strides = array<i32>} : memref<128x128xf32, #tpu.memory_space<vmem>>, vector<16xf32>,
        %mul3A_884 = arith.mulf %get3A_883, %broadcast_in_dim3A_841 : vector<16xf32>
        %swap3A_885 = arith.index_cast %add3A_845 : i32 to index
        %swap3A_886 = arith.constant 80 : index
        %swap3A_887 = tpu.vector_load %arg10[%swap3A_885, %swap3A_886] {strides = array<i32>} : memref<128x128xf32, #tpu.memory_space<vmem>>, vector<16xf32>,
        tpu.vector_store %arg10[%swap3A_885, %swap3A_886], %mul3A_884 {strides = array<i32>} : memref<128x128xf32, #tpu.memory_space<vmem>>, vector<16xf32>,
        %get3A_888 = arith.index_cast %add3A_845 : i32 to index
        %get3A_889 = arith.constant 96 : index
        %get3A_890 = tpu.vector_load %arg10[%get3A_888, %get3A_889] {strides = array<i32>} : memref<128x128xf32, #tpu.memory_space<vmem>>, vector<16xf32>,
        %mul3A_891 = arith.mulf %get3A_890, %broadcast_in_dim3A_841 : vector<16xf32>
        %swap3A_892 = arith.index_cast %add3A_845 : i32 to index
        %swap3A_893 = arith.constant 96 : index
        %swap3A_894 = tpu.vector_load %arg10[%swap3A_892, %swap3A_893] {strides = array<i32>} : memref<128x128xf32, #tpu.memory_space<vmem>>, vector<16xf32>,
        tpu.vector_store %arg10[%swap3A_892, %swap3A_893], %mul3A_891 {strides = array<i32>} : memref<128x128xf32, #tpu.memory_space<vmem>>, vector<16xf32>,
        %get3A_895 = arith.index_cast %add3A_845 : i32 to index
        %get3A_896 = arith.constant 112 : index
        %get3A_897 = tpu.vector_load %arg10[%get3A_895, %get3A_896] {strides = array<i32>} : memref<128x128xf32, #tpu.memory_space<vmem>>, vector<16xf32>,
        %mul3A_898 = arith.mulf %get3A_897, %broadcast_in_dim3A_841 : vector<16xf32>
        %swap3A_899 = arith.index_cast %add3A_845 : i32 to index
        %swap3A_900 = arith.constant 112 : index
        %swap3A_901 = tpu.vector_load %arg10[%swap3A_899, %swap3A_900] {strides = array<i32>} : memref<128x128xf32, #tpu.memory_space<vmem>>, vector<16xf32>,
        tpu.vector_store %arg10[%swap3A_899, %swap3A_900], %mul3A_898 {strides = array<i32>} : memref<128x128xf32, #tpu.memory_space<vmem>>, vector<16xf32>,
        %slice3A_902 = vector.extract_strided_slice %get3A_149 {offsets = [12], sizes = [1], strides = [1]} : vector<16xf32> to vector<1xf32>
        %squeeze3A_903 = vector.extract %slice3A_902[0] : f32 from vector<1xf32>
        %broadcast_in_dim3A_904 = vector.broadcast %squeeze3A_903 : f32 to vector<16xf32>
        %mul3A_905 = arith.constant 16 : i32
        %mul3A_906 = arith.muli %scan3A_144, %mul3A_905 : i32
        %add3A_907 = arith.constant 12 : i32
        %add3A_908 = arith.addi %mul3A_906, %add3A_907 : i32
        %get3A_909 = arith.index_cast %add3A_908 : i32 to index
        %get3A_910 = arith.constant 0 : index
        %get3A_911 = tpu.vector_load %arg10[%get3A_909, %get3A_910] {strides = array<i32>} : memref<128x128xf32, #tpu.memory_space<vmem>>, vector<16xf32>,
        %mul3A_912 = arith.mulf %get3A_911, %broadcast_in_dim3A_904 : vector<16xf32>
        %swap3A_913 = arith.index_cast %add3A_908 : i32 to index
        %swap3A_914 = arith.constant 0 : index
        %swap3A_915 = tpu.vector_load %arg10[%swap3A_913, %swap3A_914] {strides = array<i32>} : memref<128x128xf32, #tpu.memory_space<vmem>>, vector<16xf32>,
        tpu.vector_store %arg10[%swap3A_913, %swap3A_914], %mul3A_912 {strides = array<i32>} : memref<128x128xf32, #tpu.memory_space<vmem>>, vector<16xf32>,
        %get3A_916 = arith.index_cast %add3A_908 : i32 to index
        %get3A_917 = arith.constant 16 : index
        %get3A_918 = tpu.vector_load %arg10[%get3A_916, %get3A_917] {strides = array<i32>} : memref<128x128xf32, #tpu.memory_space<vmem>>, vector<16xf32>,
        %mul3A_919 = arith.mulf %get3A_918, %broadcast_in_dim3A_904 : vector<16xf32>
        %swap3A_920 = arith.index_cast %add3A_908 : i32 to index
        %swap3A_921 = arith.constant 16 : index
        %swap3A_922 = tpu.vector_load %arg10[%swap3A_920, %swap3A_921] {strides = array<i32>} : memref<128x128xf32, #tpu.memory_space<vmem>>, vector<16xf32>,
        tpu.vector_store %arg10[%swap3A_920, %swap3A_921], %mul3A_919 {strides = array<i32>} : memref<128x128xf32, #tpu.memory_space<vmem>>, vector<16xf32>,
        %get3A_923 = arith.index_cast %add3A_908 : i32 to index
        %get3A_924 = arith.constant 32 : index
        %get3A_925 = tpu.vector_load %arg10[%get3A_923, %get3A_924] {strides = array<i32>} : memref<128x128xf32, #tpu.memory_space<vmem>>, vector<16xf32>,
        %mul3A_926 = arith.mulf %get3A_925, %broadcast_in_dim3A_904 : vector<16xf32>
        %swap3A_927 = arith.index_cast %add3A_908 : i32 to index
        %swap3A_928 = arith.constant 32 : index
        %swap3A_929 = tpu.vector_load %arg10[%swap3A_927, %swap3A_928] {strides = array<i32>} : memref<128x128xf32, #tpu.memory_space<vmem>>, vector<16xf32>,
        tpu.vector_store %arg10[%swap3A_927, %swap3A_928], %mul3A_926 {strides = array<i32>} : memref<128x128xf32, #tpu.memory_space<vmem>>, vector<16xf32>,
        %get3A_930 = arith.index_cast %add3A_908 : i32 to index
        %get3A_931 = arith.constant 48 : index
        %get3A_932 = tpu.vector_load %arg10[%get3A_930, %get3A_931] {strides = array<i32>} : memref<128x128xf32, #tpu.memory_space<vmem>>, vector<16xf32>,
        %mul3A_933 = arith.mulf %get3A_932, %broadcast_in_dim3A_904 : vector<16xf32>
        %swap3A_934 = arith.index_cast %add3A_908 : i32 to index
        %swap3A_935 = arith.constant 48 : index
        %swap3A_936 = tpu.vector_load %arg10[%swap3A_934, %swap3A_935] {strides = array<i32>} : memref<128x128xf32, #tpu.memory_space<vmem>>, vector<16xf32>,
        tpu.vector_store %arg10[%swap3A_934, %swap3A_935], %mul3A_933 {strides = array<i32>} : memref<128x128xf32, #tpu.memory_space<vmem>>, vector<16xf32>,
        %get3A_937 = arith.index_cast %add3A_908 : i32 to index
        %get3A_938 = arith.constant 64 : index
        %get3A_939 = tpu.vector_load %arg10[%get3A_937, %get3A_938] {strides = array<i32>} : memref<128x128xf32, #tpu.memory_space<vmem>>, vector<16xf32>,
        %mul3A_940 = arith.mulf %get3A_939, %broadcast_in_dim3A_904 : vector<16xf32>
        %swap3A_941 = arith.index_cast %add3A_908 : i32 to index
        %swap3A_942 = arith.constant 64 : index
        %swap3A_943 = tpu.vector_load %arg10[%swap3A_941, %swap3A_942] {strides = array<i32>} : memref<128x128xf32, #tpu.memory_space<vmem>>, vector<16xf32>,
        tpu.vector_store %arg10[%swap3A_941, %swap3A_942], %mul3A_940 {strides = array<i32>} : memref<128x128xf32, #tpu.memory_space<vmem>>, vector<16xf32>,
        %get3A_944 = arith.index_cast %add3A_908 : i32 to index
        %get3A_945 = arith.constant 80 : index
        %get3A_946 = tpu.vector_load %arg10[%get3A_944, %get3A_945] {strides = array<i32>} : memref<128x128xf32, #tpu.memory_space<vmem>>, vector<16xf32>,
        %mul3A_947 = arith.mulf %get3A_946, %broadcast_in_dim3A_904 : vector<16xf32>
        %swap3A_948 = arith.index_cast %add3A_908 : i32 to index
        %swap3A_949 = arith.constant 80 : index
        %swap3A_950 = tpu.vector_load %arg10[%swap3A_948, %swap3A_949] {strides = array<i32>} : memref<128x128xf32, #tpu.memory_space<vmem>>, vector<16xf32>,
        tpu.vector_store %arg10[%swap3A_948, %swap3A_949], %mul3A_947 {strides = array<i32>} : memref<128x128xf32, #tpu.memory_space<vmem>>, vector<16xf32>,
        %get3A_951 = arith.index_cast %add3A_908 : i32 to index
        %get3A_952 = arith.constant 96 : index
        %get3A_953 = tpu.vector_load %arg10[%get3A_951, %get3A_952] {strides = array<i32>} : memref<128x128xf32, #tpu.memory_space<vmem>>, vector<16xf32>,
        %mul3A_954 = arith.mulf %get3A_953, %broadcast_in_dim3A_904 : vector<16xf32>
        %swap3A_955 = arith.index_cast %add3A_908 : i32 to index
        %swap3A_956 = arith.constant 96 : index
        %swap3A_957 = tpu.vector_load %arg10[%swap3A_955, %swap3A_956] {strides = array<i32>} : memref<128x128xf32, #tpu.memory_space<vmem>>, vector<16xf32>,
        tpu.vector_store %arg10[%swap3A_955, %swap3A_956], %mul3A_954 {strides = array<i32>} : memref<128x128xf32, #tpu.memory_space<vmem>>, vector<16xf32>,
        %get3A_958 = arith.index_cast %add3A_908 : i32 to index
        %get3A_959 = arith.constant 112 : index
        %get3A_960 = tpu.vector_load %arg10[%get3A_958, %get3A_959] {strides = array<i32>} : memref<128x128xf32, #tpu.memory_space<vmem>>, vector<16xf32>,
        %mul3A_961 = arith.mulf %get3A_960, %broadcast_in_dim3A_904 : vector<16xf32>
        %swap3A_962 = arith.index_cast %add3A_908 : i32 to index
        %swap3A_963 = arith.constant 112 : index
        %swap3A_964 = tpu.vector_load %arg10[%swap3A_962, %swap3A_963] {strides = array<i32>} : memref<128x128xf32, #tpu.memory_space<vmem>>, vector<16xf32>,
        tpu.vector_store %arg10[%swap3A_962, %swap3A_963], %mul3A_961 {strides = array<i32>} : memref<128x128xf32, #tpu.memory_space<vmem>>, vector<16xf32>,
        %slice3A_965 = vector.extract_strided_slice %get3A_149 {offsets = [13], sizes = [1], strides = [1]} : vector<16xf32> to vector<1xf32>
        %squeeze3A_966 = vector.extract %slice3A_965[0] : f32 from vector<1xf32>
        %broadcast_in_dim3A_967 = vector.broadcast %squeeze3A_966 : f32 to vector<16xf32>
        %mul3A_968 = arith.constant 16 : i32
        %mul3A_969 = arith.muli %scan3A_144, %mul3A_968 : i32
        %add3A_970 = arith.constant 13 : i32
        %add3A_971 = arith.addi %mul3A_969, %add3A_970 : i32
        %get3A_972 = arith.index_cast %add3A_971 : i32 to index
        %get3A_973 = arith.constant 0 : index
        %get3A_974 = tpu.vector_load %arg10[%get3A_972, %get3A_973] {strides = array<i32>} : memref<128x128xf32, #tpu.memory_space<vmem>>, vector<16xf32>,
        %mul3A_975 = arith.mulf %get3A_974, %broadcast_in_dim3A_967 : vector<16xf32>
        %swap3A_976 = arith.index_cast %add3A_971 : i32 to index
        %swap3A_977 = arith.constant 0 : index
        %swap3A_978 = tpu.vector_load %arg10[%swap3A_976, %swap3A_977] {strides = array<i32>} : memref<128x128xf32, #tpu.memory_space<vmem>>, vector<16xf32>,
        tpu.vector_store %arg10[%swap3A_976, %swap3A_977], %mul3A_975 {strides = array<i32>} : memref<128x128xf32, #tpu.memory_space<vmem>>, vector<16xf32>,
        %get3A_979 = arith.index_cast %add3A_971 : i32 to index
        %get3A_980 = arith.constant 16 : index
        %get3A_981 = tpu.vector_load %arg10[%get3A_979, %get3A_980] {strides = array<i32>} : memref<128x128xf32, #tpu.memory_space<vmem>>, vector<16xf32>,
        %mul3A_982 = arith.mulf %get3A_981, %broadcast_in_dim3A_967 : vector<16xf32>
        %swap3A_983 = arith.index_cast %add3A_971 : i32 to index
        %swap3A_984 = arith.constant 16 : index
        %swap3A_985 = tpu.vector_load %arg10[%swap3A_983, %swap3A_984] {strides = array<i32>} : memref<128x128xf32, #tpu.memory_space<vmem>>, vector<16xf32>,
        tpu.vector_store %arg10[%swap3A_983, %swap3A_984], %mul3A_982 {strides = array<i32>} : memref<128x128xf32, #tpu.memory_space<vmem>>, vector<16xf32>,
        %get3A_986 = arith.index_cast %add3A_971 : i32 to index
        %get3A_987 = arith.constant 32 : index
        %get3A_988 = tpu.vector_load %arg10[%get3A_986, %get3A_987] {strides = array<i32>} : memref<128x128xf32, #tpu.memory_space<vmem>>, vector<16xf32>,
        %mul3A_989 = arith.mulf %get3A_988, %broadcast_in_dim3A_967 : vector<16xf32>
        %swap3A_990 = arith.index_cast %add3A_971 : i32 to index
        %swap3A_991 = arith.constant 32 : index
        %swap3A_992 = tpu.vector_load %arg10[%swap3A_990, %swap3A_991] {strides = array<i32>} : memref<128x128xf32, #tpu.memory_space<vmem>>, vector<16xf32>,
        tpu.vector_store %arg10[%swap3A_990, %swap3A_991], %mul3A_989 {strides = array<i32>} : memref<128x128xf32, #tpu.memory_space<vmem>>, vector<16xf32>,
        %get3A_993 = arith.index_cast %add3A_971 : i32 to index
        %get3A_994 = arith.constant 48 : index
        %get3A_995 = tpu.vector_load %arg10[%get3A_993, %get3A_994] {strides = array<i32>} : memref<128x128xf32, #tpu.memory_space<vmem>>, vector<16xf32>,
        %mul3A_996 = arith.mulf %get3A_995, %broadcast_in_dim3A_967 : vector<16xf32>
        %swap3A_997 = arith.index_cast %add3A_971 : i32 to index
        %swap3A_998 = arith.constant 48 : index
        %swap3A_999 = tpu.vector_load %arg10[%swap3A_997, %swap3A_998] {strides = array<i32>} : memref<128x128xf32, #tpu.memory_space<vmem>>, vector<16xf32>,
        tpu.vector_store %arg10[%swap3A_997, %swap3A_998], %mul3A_996 {strides = array<i32>} : memref<128x128xf32, #tpu.memory_space<vmem>>, vector<16xf32>,
        %get3A_1000 = arith.index_cast %add3A_971 : i32 to index
        %get3A_1001 = arith.constant 64 : index
        %get3A_1002 = tpu.vector_load %arg10[%get3A_1000, %get3A_1001] {strides = array<i32>} : memref<128x128xf32, #tpu.memory_space<vmem>>, vector<16xf32>,
        %mul3A_1003 = arith.mulf %get3A_1002, %broadcast_in_dim3A_967 : vector<16xf32>
        %swap3A_1004 = arith.index_cast %add3A_971 : i32 to index
        %swap3A_1005 = arith.constant 64 : index
        %swap3A_1006 = tpu.vector_load %arg10[%swap3A_1004, %swap3A_1005] {strides = array<i32>} : memref<128x128xf32, #tpu.memory_space<vmem>>, vector<16xf32>,
        tpu.vector_store %arg10[%swap3A_1004, %swap3A_1005], %mul3A_1003 {strides = array<i32>} : memref<128x128xf32, #tpu.memory_space<vmem>>, vector<16xf32>,
        %get3A_1007 = arith.index_cast %add3A_971 : i32 to index
        %get3A_1008 = arith.constant 80 : index
        %get3A_1009 = tpu.vector_load %arg10[%get3A_1007, %get3A_1008] {strides = array<i32>} : memref<128x128xf32, #tpu.memory_space<vmem>>, vector<16xf32>,
        %mul3A_1010 = arith.mulf %get3A_1009, %broadcast_in_dim3A_967 : vector<16xf32>
        %swap3A_1011 = arith.index_cast %add3A_971 : i32 to index
        %swap3A_1012 = arith.constant 80 : index
        %swap3A_1013 = tpu.vector_load %arg10[%swap3A_1011, %swap3A_1012] {strides = array<i32>} : memref<128x128xf32, #tpu.memory_space<vmem>>, vector<16xf32>,
        tpu.vector_store %arg10[%swap3A_1011, %swap3A_1012], %mul3A_1010 {strides = array<i32>} : memref<128x128xf32, #tpu.memory_space<vmem>>, vector<16xf32>,
        %get3A_1014 = arith.index_cast %add3A_971 : i32 to index
        %get3A_1015 = arith.constant 96 : index
        %get3A_1016 = tpu.vector_load %arg10[%get3A_1014, %get3A_1015] {strides = array<i32>} : memref<128x128xf32, #tpu.memory_space<vmem>>, vector<16xf32>,
        %mul3A_1017 = arith.mulf %get3A_1016, %broadcast_in_dim3A_967 : vector<16xf32>
        %swap3A_1018 = arith.index_cast %add3A_971 : i32 to index
        %swap3A_1019 = arith.constant 96 : index
        %swap3A_1020 = tpu.vector_load %arg10[%swap3A_1018, %swap3A_1019] {strides = array<i32>} : memref<128x128xf32, #tpu.memory_space<vmem>>, vector<16xf32>,
        tpu.vector_store %arg10[%swap3A_1018, %swap3A_1019], %mul3A_1017 {strides = array<i32>} : memref<128x128xf32, #tpu.memory_space<vmem>>, vector<16xf32>,
        %get3A_1021 = arith.index_cast %add3A_971 : i32 to index
        %get3A_1022 = arith.constant 112 : index
        %get3A_1023 = tpu.vector_load %arg10[%get3A_1021, %get3A_1022] {strides = array<i32>} : memref<128x128xf32, #tpu.memory_space<vmem>>, vector<16xf32>,
        %mul3A_1024 = arith.mulf %get3A_1023, %broadcast_in_dim3A_967 : vector<16xf32>
        %swap3A_1025 = arith.index_cast %add3A_971 : i32 to index
        %swap3A_1026 = arith.constant 112 : index
        %swap3A_1027 = tpu.vector_load %arg10[%swap3A_1025, %swap3A_1026] {strides = array<i32>} : memref<128x128xf32, #tpu.memory_space<vmem>>, vector<16xf32>,
        tpu.vector_store %arg10[%swap3A_1025, %swap3A_1026], %mul3A_1024 {strides = array<i32>} : memref<128x128xf32, #tpu.memory_space<vmem>>, vector<16xf32>,
        %slice3A_1028 = vector.extract_strided_slice %get3A_149 {offsets = [14], sizes = [1], strides = [1]} : vector<16xf32> to vector<1xf32>
        %squeeze3A_1029 = vector.extract %slice3A_1028[0] : f32 from vector<1xf32>
        %broadcast_in_dim3A_1030 = vector.broadcast %squeeze3A_1029 : f32 to vector<16xf32>
        %mul3A_1031 = arith.constant 16 : i32
        %mul3A_1032 = arith.muli %scan3A_144, %mul3A_1031 : i32
        %add3A_1033 = arith.constant 14 : i32
        %add3A_1034 = arith.addi %mul3A_1032, %add3A_1033 : i32
        %get3A_1035 = arith.index_cast %add3A_1034 : i32 to index
        %get3A_1036 = arith.constant 0 : index
        %get3A_1037 = tpu.vector_load %arg10[%get3A_1035, %get3A_1036] {strides = array<i32>} : memref<128x128xf32, #tpu.memory_space<vmem>>, vector<16xf32>,
        %mul3A_1038 = arith.mulf %get3A_1037, %broadcast_in_dim3A_1030 : vector<16xf32>
        %swap3A_1039 = arith.index_cast %add3A_1034 : i32 to index
        %swap3A_1040 = arith.constant 0 : index
        %swap3A_1041 = tpu.vector_load %arg10[%swap3A_1039, %swap3A_1040] {strides = array<i32>} : memref<128x128xf32, #tpu.memory_space<vmem>>, vector<16xf32>,
        tpu.vector_store %arg10[%swap3A_1039, %swap3A_1040], %mul3A_1038 {strides = array<i32>} : memref<128x128xf32, #tpu.memory_space<vmem>>, vector<16xf32>,
        %get3A_1042 = arith.index_cast %add3A_1034 : i32 to index
        %get3A_1043 = arith.constant 16 : index
        %get3A_1044 = tpu.vector_load %arg10[%get3A_1042, %get3A_1043] {strides = array<i32>} : memref<128x128xf32, #tpu.memory_space<vmem>>, vector<16xf32>,
        %mul3A_1045 = arith.mulf %get3A_1044, %broadcast_in_dim3A_1030 : vector<16xf32>
        %swap3A_1046 = arith.index_cast %add3A_1034 : i32 to index
        %swap3A_1047 = arith.constant 16 : index
        %swap3A_1048 = tpu.vector_load %arg10[%swap3A_1046, %swap3A_1047] {strides = array<i32>} : memref<128x128xf32, #tpu.memory_space<vmem>>, vector<16xf32>,
        tpu.vector_store %arg10[%swap3A_1046, %swap3A_1047], %mul3A_1045 {strides = array<i32>} : memref<128x128xf32, #tpu.memory_space<vmem>>, vector<16xf32>,
        %get3A_1049 = arith.index_cast %add3A_1034 : i32 to index
        %get3A_1050 = arith.constant 32 : index
        %get3A_1051 = tpu.vector_load %arg10[%get3A_1049, %get3A_1050] {strides = array<i32>} : memref<128x128xf32, #tpu.memory_space<vmem>>, vector<16xf32>,
        %mul3A_1052 = arith.mulf %get3A_1051, %broadcast_in_dim3A_1030 : vector<16xf32>
        %swap3A_1053 = arith.index_cast %add3A_1034 : i32 to index
        %swap3A_1054 = arith.constant 32 : index
        %swap3A_1055 = tpu.vector_load %arg10[%swap3A_1053, %swap3A_1054] {strides = array<i32>} : memref<128x128xf32, #tpu.memory_space<vmem>>, vector<16xf32>,
        tpu.vector_store %arg10[%swap3A_1053, %swap3A_1054], %mul3A_1052 {strides = array<i32>} : memref<128x128xf32, #tpu.memory_space<vmem>>, vector<16xf32>,
        %get3A_1056 = arith.index_cast %add3A_1034 : i32 to index
        %get3A_1057 = arith.constant 48 : index
        %get3A_1058 = tpu.vector_load %arg10[%get3A_1056, %get3A_1057] {strides = array<i32>} : memref<128x128xf32, #tpu.memory_space<vmem>>, vector<16xf32>,
        %mul3A_1059 = arith.mulf %get3A_1058, %broadcast_in_dim3A_1030 : vector<16xf32>
        %swap3A_1060 = arith.index_cast %add3A_1034 : i32 to index
        %swap3A_1061 = arith.constant 48 : index
        %swap3A_1062 = tpu.vector_load %arg10[%swap3A_1060, %swap3A_1061] {strides = array<i32>} : memref<128x128xf32, #tpu.memory_space<vmem>>, vector<16xf32>,
        tpu.vector_store %arg10[%swap3A_1060, %swap3A_1061], %mul3A_1059 {strides = array<i32>} : memref<128x128xf32, #tpu.memory_space<vmem>>, vector<16xf32>,
        %get3A_1063 = arith.index_cast %add3A_1034 : i32 to index
        %get3A_1064 = arith.constant 64 : index
        %get3A_1065 = tpu.vector_load %arg10[%get3A_1063, %get3A_1064] {strides = array<i32>} : memref<128x128xf32, #tpu.memory_space<vmem>>, vector<16xf32>,
        %mul3A_1066 = arith.mulf %get3A_1065, %broadcast_in_dim3A_1030 : vector<16xf32>
        %swap3A_1067 = arith.index_cast %add3A_1034 : i32 to index
        %swap3A_1068 = arith.constant 64 : index
        %swap3A_1069 = tpu.vector_load %arg10[%swap3A_1067, %swap3A_1068] {strides = array<i32>} : memref<128x128xf32, #tpu.memory_space<vmem>>, vector<16xf32>,
        tpu.vector_store %arg10[%swap3A_1067, %swap3A_1068], %mul3A_1066 {strides = array<i32>} : memref<128x128xf32, #tpu.memory_space<vmem>>, vector<16xf32>,
        %get3A_1070 = arith.index_cast %add3A_1034 : i32 to index
        %get3A_1071 = arith.constant 80 : index
        %get3A_1072 = tpu.vector_load %arg10[%get3A_1070, %get3A_1071] {strides = array<i32>} : memref<128x128xf32, #tpu.memory_space<vmem>>, vector<16xf32>,
        %mul3A_1073 = arith.mulf %get3A_1072, %broadcast_in_dim3A_1030 : vector<16xf32>
        %swap3A_1074 = arith.index_cast %add3A_1034 : i32 to index
        %swap3A_1075 = arith.constant 80 : index
        %swap3A_1076 = tpu.vector_load %arg10[%swap3A_1074, %swap3A_1075] {strides = array<i32>} : memref<128x128xf32, #tpu.memory_space<vmem>>, vector<16xf32>,
        tpu.vector_store %arg10[%swap3A_1074, %swap3A_1075], %mul3A_1073 {strides = array<i32>} : memref<128x128xf32, #tpu.memory_space<vmem>>, vector<16xf32>,
        %get3A_1077 = arith.index_cast %add3A_1034 : i32 to index
        %get3A_1078 = arith.constant 96 : index
        %get3A_1079 = tpu.vector_load %arg10[%get3A_1077, %get3A_1078] {strides = array<i32>} : memref<128x128xf32, #tpu.memory_space<vmem>>, vector<16xf32>,
        %mul3A_1080 = arith.mulf %get3A_1079, %broadcast_in_dim3A_1030 : vector<16xf32>
        %swap3A_1081 = arith.index_cast %add3A_1034 : i32 to index
        %swap3A_1082 = arith.constant 96 : index
        %swap3A_1083 = tpu.vector_load %arg10[%swap3A_1081, %swap3A_1082] {strides = array<i32>} : memref<128x128xf32, #tpu.memory_space<vmem>>, vector<16xf32>,
        tpu.vector_store %arg10[%swap3A_1081, %swap3A_1082], %mul3A_1080 {strides = array<i32>} : memref<128x128xf32, #tpu.memory_space<vmem>>, vector<16xf32>,
        %get3A_1084 = arith.index_cast %add3A_1034 : i32 to index
        %get3A_1085 = arith.constant 112 : index
        %get3A_1086 = tpu.vector_load %arg10[%get3A_1084, %get3A_1085] {strides = array<i32>} : memref<128x128xf32, #tpu.memory_space<vmem>>, vector<16xf32>,
        %mul3A_1087 = arith.mulf %get3A_1086, %broadcast_in_dim3A_1030 : vector<16xf32>
        %swap3A_1088 = arith.index_cast %add3A_1034 : i32 to index
        %swap3A_1089 = arith.constant 112 : index
        %swap3A_1090 = tpu.vector_load %arg10[%swap3A_1088, %swap3A_1089] {strides = array<i32>} : memref<128x128xf32, #tpu.memory_space<vmem>>, vector<16xf32>,
        tpu.vector_store %arg10[%swap3A_1088, %swap3A_1089], %mul3A_1087 {strides = array<i32>} : memref<128x128xf32, #tpu.memory_space<vmem>>, vector<16xf32>,
        %slice3A_1091 = vector.extract_strided_slice %get3A_149 {offsets = [15], sizes = [1], strides = [1]} : vector<16xf32> to vector<1xf32>
        %squeeze3A_1092 = vector.extract %slice3A_1091[0] : f32 from vector<1xf32>
        %broadcast_in_dim3A_1093 = vector.broadcast %squeeze3A_1092 : f32 to vector<16xf32>
        %mul3A_1094 = arith.constant 16 : i32
        %mul3A_1095 = arith.muli %scan3A_144, %mul3A_1094 : i32
        %add3A_1096 = arith.constant 15 : i32
        %add3A_1097 = arith.addi %mul3A_1095, %add3A_1096 : i32
        %get3A_1098 = arith.index_cast %add3A_1097 : i32 to index
        %get3A_1099 = arith.constant 0 : index
        %get3A_1100 = tpu.vector_load %arg10[%get3A_1098, %get3A_1099] {strides = array<i32>} : memref<128x128xf32, #tpu.memory_space<vmem>>, vector<16xf32>,
        %mul3A_1101 = arith.mulf %get3A_1100, %broadcast_in_dim3A_1093 : vector<16xf32>
        %swap3A_1102 = arith.index_cast %add3A_1097 : i32 to index
        %swap3A_1103 = arith.constant 0 : index
        %swap3A_1104 = tpu.vector_load %arg10[%swap3A_1102, %swap3A_1103] {strides = array<i32>} : memref<128x128xf32, #tpu.memory_space<vmem>>, vector<16xf32>,
        tpu.vector_store %arg10[%swap3A_1102, %swap3A_1103], %mul3A_1101 {strides = array<i32>} : memref<128x128xf32, #tpu.memory_space<vmem>>, vector<16xf32>,
        %get3A_1105 = arith.index_cast %add3A_1097 : i32 to index
        %get3A_1106 = arith.constant 16 : index
        %get3A_1107 = tpu.vector_load %arg10[%get3A_1105, %get3A_1106] {strides = array<i32>} : memref<128x128xf32, #tpu.memory_space<vmem>>, vector<16xf32>,
        %mul3A_1108 = arith.mulf %get3A_1107, %broadcast_in_dim3A_1093 : vector<16xf32>
        %swap3A_1109 = arith.index_cast %add3A_1097 : i32 to index
        %swap3A_1110 = arith.constant 16 : index
        %swap3A_1111 = tpu.vector_load %arg10[%swap3A_1109, %swap3A_1110] {strides = array<i32>} : memref<128x128xf32, #tpu.memory_space<vmem>>, vector<16xf32>,
        tpu.vector_store %arg10[%swap3A_1109, %swap3A_1110], %mul3A_1108 {strides = array<i32>} : memref<128x128xf32, #tpu.memory_space<vmem>>, vector<16xf32>,
        %get3A_1112 = arith.index_cast %add3A_1097 : i32 to index
        %get3A_1113 = arith.constant 32 : index
        %get3A_1114 = tpu.vector_load %arg10[%get3A_1112, %get3A_1113] {strides = array<i32>} : memref<128x128xf32, #tpu.memory_space<vmem>>, vector<16xf32>,
        %mul3A_1115 = arith.mulf %get3A_1114, %broadcast_in_dim3A_1093 : vector<16xf32>
        %swap3A_1116 = arith.index_cast %add3A_1097 : i32 to index
        %swap3A_1117 = arith.constant 32 : index
        %swap3A_1118 = tpu.vector_load %arg10[%swap3A_1116, %swap3A_1117] {strides = array<i32>} : memref<128x128xf32, #tpu.memory_space<vmem>>, vector<16xf32>,
        tpu.vector_store %arg10[%swap3A_1116, %swap3A_1117], %mul3A_1115 {strides = array<i32>} : memref<128x128xf32, #tpu.memory_space<vmem>>, vector<16xf32>,
        %get3A_1119 = arith.index_cast %add3A_1097 : i32 to index
        %get3A_1120 = arith.constant 48 : index
        %get3A_1121 = tpu.vector_load %arg10[%get3A_1119, %get3A_1120] {strides = array<i32>} : memref<128x128xf32, #tpu.memory_space<vmem>>, vector<16xf32>,
        %mul3A_1122 = arith.mulf %get3A_1121, %broadcast_in_dim3A_1093 : vector<16xf32>
        %swap3A_1123 = arith.index_cast %add3A_1097 : i32 to index
        %swap3A_1124 = arith.constant 48 : index
        %swap3A_1125 = tpu.vector_load %arg10[%swap3A_1123, %swap3A_1124] {strides = array<i32>} : memref<128x128xf32, #tpu.memory_space<vmem>>, vector<16xf32>,
        tpu.vector_store %arg10[%swap3A_1123, %swap3A_1124], %mul3A_1122 {strides = array<i32>} : memref<128x128xf32, #tpu.memory_space<vmem>>, vector<16xf32>,
        %get3A_1126 = arith.index_cast %add3A_1097 : i32 to index
        %get3A_1127 = arith.constant 64 : index
        %get3A_1128 = tpu.vector_load %arg10[%get3A_1126, %get3A_1127] {strides = array<i32>} : memref<128x128xf32, #tpu.memory_space<vmem>>, vector<16xf32>,
        %mul3A_1129 = arith.mulf %get3A_1128, %broadcast_in_dim3A_1093 : vector<16xf32>
        %swap3A_1130 = arith.index_cast %add3A_1097 : i32 to index
        %swap3A_1131 = arith.constant 64 : index
        %swap3A_1132 = tpu.vector_load %arg10[%swap3A_1130, %swap3A_1131] {strides = array<i32>} : memref<128x128xf32, #tpu.memory_space<vmem>>, vector<16xf32>,
        tpu.vector_store %arg10[%swap3A_1130, %swap3A_1131], %mul3A_1129 {strides = array<i32>} : memref<128x128xf32, #tpu.memory_space<vmem>>, vector<16xf32>,
        %get3A_1133 = arith.index_cast %add3A_1097 : i32 to index
        %get3A_1134 = arith.constant 80 : index
        %get3A_1135 = tpu.vector_load %arg10[%get3A_1133, %get3A_1134] {strides = array<i32>} : memref<128x128xf32, #tpu.memory_space<vmem>>, vector<16xf32>,
        %mul3A_1136 = arith.mulf %get3A_1135, %broadcast_in_dim3A_1093 : vector<16xf32>
        %swap3A_1137 = arith.index_cast %add3A_1097 : i32 to index
        %swap3A_1138 = arith.constant 80 : index
        %swap3A_1139 = tpu.vector_load %arg10[%swap3A_1137, %swap3A_1138] {strides = array<i32>} : memref<128x128xf32, #tpu.memory_space<vmem>>, vector<16xf32>,
        tpu.vector_store %arg10[%swap3A_1137, %swap3A_1138], %mul3A_1136 {strides = array<i32>} : memref<128x128xf32, #tpu.memory_space<vmem>>, vector<16xf32>,
        %get3A_1140 = arith.index_cast %add3A_1097 : i32 to index
        %get3A_1141 = arith.constant 96 : index
        %get3A_1142 = tpu.vector_load %arg10[%get3A_1140, %get3A_1141] {strides = array<i32>} : memref<128x128xf32, #tpu.memory_space<vmem>>, vector<16xf32>,
        %mul3A_1143 = arith.mulf %get3A_1142, %broadcast_in_dim3A_1093 : vector<16xf32>
        %swap3A_1144 = arith.index_cast %add3A_1097 : i32 to index
        %swap3A_1145 = arith.constant 96 : index
        %swap3A_1146 = tpu.vector_load %arg10[%swap3A_1144, %swap3A_1145] {strides = array<i32>} : memref<128x128xf32, #tpu.memory_space<vmem>>, vector<16xf32>,
        tpu.vector_store %arg10[%swap3A_1144, %swap3A_1145], %mul3A_1143 {strides = array<i32>} : memref<128x128xf32, #tpu.memory_space<vmem>>, vector<16xf32>,
        %get3A_1147 = arith.index_cast %add3A_1097 : i32 to index
        %get3A_1148 = arith.constant 112 : index
        %get3A_1149 = tpu.vector_load %arg10[%get3A_1147, %get3A_1148] {strides = array<i32>} : memref<128x128xf32, #tpu.memory_space<vmem>>, vector<16xf32>,
        %mul3A_1150 = arith.mulf %get3A_1149, %broadcast_in_dim3A_1093 : vector<16xf32>
        %swap3A_1151 = arith.index_cast %add3A_1097 : i32 to index
        %swap3A_1152 = arith.constant 112 : index
        %swap3A_1153 = tpu.vector_load %arg10[%swap3A_1151, %swap3A_1152] {strides = array<i32>} : memref<128x128xf32, #tpu.memory_space<vmem>>, vector<16xf32>,
        tpu.vector_store %arg10[%swap3A_1151, %swap3A_1152], %mul3A_1150 {strides = array<i32>} : memref<128x128xf32, #tpu.memory_space<vmem>>, vector<16xf32>,
        %scan3A_1154 = arith.constant 0 : i32
        scf.yield %scan3A_1154 : i32
      }
      %scan3A_142 = arith.constant 8 : i32
      "tpu.region"() ({
        %run_scoped3A = tpu.sem_alloc : memref<!tpu.dma_semaphore, #tpu.memory_space<semaphore_mem>>
        %dma_start3A_144 = arith.constant 0 : i32
        %dma_start3A_145 = tpu.memref_slice %arg8[%scan3A_124, %dma_start3A_144] : memref<81x128xi32, #tpu.memory_space<vmem>> -> memref<1x128xi32, #tpu.memory_space<vmem>>
        %dma_start3A_146 = tpu.memref_squeeze %dma_start3A_145 : memref<1x128xi32, #tpu.memory_space<vmem>> -> memref<128xi32, #tpu.memory_space<vmem>>
        %dma_start3A_147 = arith.constant 0 : i32
        %dma_start3A_148 = arith.constant 0 : i32
        %dma_start3A_149 = tpu.memref_slice %arg12[%dma_start3A_147, %dma_start3A_148] : memref<10000x128xf32, #tpu.memory_space<vmem_shared>> -> memref<10000x128xf32, #tpu.memory_space<vmem_shared>>
        tpu.enqueue_indirect_dma source(%arg10 : memref<128x128xf32, #tpu.memory_space<vmem>>) target(%dma_start3A_149 : memref<10000x128xf32, #tpu.memory_space<vmem_shared>>) offsets(%dma_start3A_146 : memref<128xi32, #tpu.memory_space<vmem>>) semaphore(%run_scoped3A : memref<!tpu.dma_semaphore, #tpu.memory_space<semaphore_mem>>) {add = true}
        %dma_wait3A_150 = arith.constant 0 : i32
        %dma_wait3A_151 = tpu.memref_slice %arg8[%scan3A_124, %dma_wait3A_150] : memref<81x128xi32, #tpu.memory_space<vmem>> -> memref<1x128xi32, #tpu.memory_space<vmem>>
        %dma_wait3A_152 = tpu.memref_squeeze %dma_wait3A_151 : memref<1x128xi32, #tpu.memory_space<vmem>> -> memref<128xi32, #tpu.memory_space<vmem>>
        %dma_wait3A_153 = arith.constant 0 : i32
        %dma_wait3A_154 = arith.constant 0 : i32
        %dma_wait3A_155 = tpu.memref_slice %arg12[%dma_wait3A_153, %dma_wait3A_154] : memref<10000x128xf32, #tpu.memory_space<vmem_shared>> -> memref<10000x128xf32, #tpu.memory_space<vmem_shared>>
        tpu.wait_indirect_dma semaphore(%run_scoped3A : memref<!tpu.dma_semaphore, #tpu.memory_space<semaphore_mem>>) src(%arg10 : memref<128x128xf32, #tpu.memory_space<vmem>>) dst(%dma_wait3A_155 : memref<10000x128xf32, #tpu.memory_space<vmem_shared>>)
        tpu.yield
      }) : () -> ()
      %scan3A_143 = arith.constant 0 : i32
      scf.yield %scan3A_143 : i32
    }
    %scan3A_66 = arith.constant 81 : i32
    %barrier3A_67 = arith.constant 0 : index
    tpu.barrier barrier_id(%barrier3A_67)
    %add3A_68 = arith.constant 0 : i32
    %add3A_69 = arith.addi %add3A_68, %arg1 : i32
    %lt3A_70 = arith.constant 125 : i32
    %lt3A_71 = arith.cmpi slt, %add3A_69, %lt3A_70 : i32
    %convert_element_type3A_72 = arith.extui %lt3A_71 : i1 to i32
    %cond3A_73 = arith.constant 0 : i32
    %cond3A_74 = arith.cmpi ne, %convert_element_type3A_72, %cond3A_73 : i32
    scf.if %cond3A_74 {
      %mul3A_124 = arith.constant 80 : i32
      %mul3A_125 = arith.muli %add3A_69, %mul3A_124 : i32
      "tpu.region"() ({
        %run_scoped3A = tpu.sem_alloc : memref<!tpu.dma_semaphore, #tpu.memory_space<semaphore_mem>>
        %dma_start3A = arith.constant 0 : i32
        %dma_start3A_126 = tpu.memref_slice %arg6[%arg0, %mul3A_125, %dma_start3A] : memref<2x10000x128xf32, #tpu.memory_space<hbm>> -> memref<1x80x128xf32, #tpu.memory_space<hbm>>
        %dma_start3A_127 = tpu.memref_squeeze %dma_start3A_126 : memref<1x80x128xf32, #tpu.memory_space<hbm>> -> memref<80x128xf32, #tpu.memory_space<hbm>>
        %dma_start3A_128 = arith.constant 0 : i32
        %dma_start3A_129 = tpu.memref_slice %arg12[%mul3A_125, %dma_start3A_128] : memref<10000x128xf32, #tpu.memory_space<vmem_shared>> -> memref<80x128xf32, #tpu.memory_space<vmem_shared>>
        tpu.enqueue_dma source(%dma_start3A_129 : memref<80x128xf32, #tpu.memory_space<vmem_shared>>) target(%dma_start3A_127 : memref<80x128xf32, #tpu.memory_space<hbm>>) target_semaphore(%run_scoped3A : memref<!tpu.dma_semaphore, #tpu.memory_space<semaphore_mem>>)
        %dma_wait3A = arith.constant 0 : i32
        %dma_wait3A_130 = tpu.memref_slice %arg6[%arg0, %mul3A_125, %dma_wait3A] : memref<2x10000x128xf32, #tpu.memory_space<hbm>> -> memref<1x80x128xf32, #tpu.memory_space<hbm>>
        %dma_wait3A_131 = tpu.memref_squeeze %dma_wait3A_130 : memref<1x80x128xf32, #tpu.memory_space<hbm>> -> memref<80x128xf32, #tpu.memory_space<hbm>>
        %dma_wait3A_132 = arith.constant 0 : i32
        %dma_wait3A_133 = tpu.memref_slice %arg12[%mul3A_125, %dma_wait3A_132] : memref<10000x128xf32, #tpu.memory_space<vmem_shared>> -> memref<80x128xf32, #tpu.memory_space<vmem_shared>>
        tpu.wait_dma2 semaphore(%run_scoped3A : memref<!tpu.dma_semaphore, #tpu.memory_space<semaphore_mem>>) src(%dma_wait3A_133 : memref<80x128xf32, #tpu.memory_space<vmem_shared>>) dst(%dma_wait3A_131 : memref<80x128xf32, #tpu.memory_space<hbm>>)
        tpu.yield
      }) : () -> ()
    } else {
    }
    %add3A_75 = arith.constant 16 : i32
    %add3A_76 = arith.addi %add3A_75, %arg1 : i32
    %lt3A_77 = arith.constant 125 : i32
    %lt3A_78 = arith.cmpi slt, %add3A_76, %lt3A_77 : i32
    %convert_element_type3A_79 = arith.extui %lt3A_78 : i1 to i32
    %cond3A_80 = arith.constant 0 : i32
    %cond3A_81 = arith.cmpi ne, %convert_element_type3A_79, %cond3A_80 : i32
    scf.if %cond3A_81 {
      %mul3A_124 = arith.constant 80 : i32
      %mul3A_125 = arith.muli %add3A_76, %mul3A_124 : i32
      "tpu.region"() ({
        %run_scoped3A = tpu.sem_alloc : memref<!tpu.dma_semaphore, #tpu.memory_space<semaphore_mem>>
        %dma_start3A = arith.constant 0 : i32
        %dma_start3A_126 = tpu.memref_slice %arg6[%arg0, %mul3A_125, %dma_start3A] : memref<2x10000x128xf32, #tpu.memory_space<hbm>> -> memref<1x80x128xf32, #tpu.memory_space<hbm>>
        %dma_start3A_127 = tpu.memref_squeeze %dma_start3A_126 : memref<1x80x128xf32, #tpu.memory_space<hbm>> -> memref<80x128xf32, #tpu.memory_space<hbm>>
        %dma_start3A_128 = arith.constant 0 : i32
        %dma_start3A_129 = tpu.memref_slice %arg12[%mul3A_125, %dma_start3A_128] : memref<10000x128xf32, #tpu.memory_space<vmem_shared>> -> memref<80x128xf32, #tpu.memory_space<vmem_shared>>
        tpu.enqueue_dma source(%dma_start3A_129 : memref<80x128xf32, #tpu.memory_space<vmem_shared>>) target(%dma_start3A_127 : memref<80x128xf32, #tpu.memory_space<hbm>>) target_semaphore(%run_scoped3A : memref<!tpu.dma_semaphore, #tpu.memory_space<semaphore_mem>>)
        %dma_wait3A = arith.constant 0 : i32
        %dma_wait3A_130 = tpu.memref_slice %arg6[%arg0, %mul3A_125, %dma_wait3A] : memref<2x10000x128xf32, #tpu.memory_space<hbm>> -> memref<1x80x128xf32, #tpu.memory_space<hbm>>
        %dma_wait3A_131 = tpu.memref_squeeze %dma_wait3A_130 : memref<1x80x128xf32, #tpu.memory_space<hbm>> -> memref<80x128xf32, #tpu.memory_space<hbm>>
        %dma_wait3A_132 = arith.constant 0 : i32
        %dma_wait3A_133 = tpu.memref_slice %arg12[%mul3A_125, %dma_wait3A_132] : memref<10000x128xf32, #tpu.memory_space<vmem_shared>> -> memref<80x128xf32, #tpu.memory_space<vmem_shared>>
        tpu.wait_dma2 semaphore(%run_scoped3A : memref<!tpu.dma_semaphore, #tpu.memory_space<semaphore_mem>>) src(%dma_wait3A_133 : memref<80x128xf32, #tpu.memory_space<vmem_shared>>) dst(%dma_wait3A_131 : memref<80x128xf32, #tpu.memory_space<hbm>>)
        tpu.yield
      }) : () -> ()
    } else {
    }
    %add3A_82 = arith.constant 32 : i32
    %add3A_83 = arith.addi %add3A_82, %arg1 : i32
    %lt3A_84 = arith.constant 125 : i32
    %lt3A_85 = arith.cmpi slt, %add3A_83, %lt3A_84 : i32
    %convert_element_type3A_86 = arith.extui %lt3A_85 : i1 to i32
    %cond3A_87 = arith.constant 0 : i32
    %cond3A_88 = arith.cmpi ne, %convert_element_type3A_86, %cond3A_87 : i32
    scf.if %cond3A_88 {
      %mul3A_124 = arith.constant 80 : i32
      %mul3A_125 = arith.muli %add3A_83, %mul3A_124 : i32
      "tpu.region"() ({
        %run_scoped3A = tpu.sem_alloc : memref<!tpu.dma_semaphore, #tpu.memory_space<semaphore_mem>>
        %dma_start3A = arith.constant 0 : i32
        %dma_start3A_126 = tpu.memref_slice %arg6[%arg0, %mul3A_125, %dma_start3A] : memref<2x10000x128xf32, #tpu.memory_space<hbm>> -> memref<1x80x128xf32, #tpu.memory_space<hbm>>
        %dma_start3A_127 = tpu.memref_squeeze %dma_start3A_126 : memref<1x80x128xf32, #tpu.memory_space<hbm>> -> memref<80x128xf32, #tpu.memory_space<hbm>>
        %dma_start3A_128 = arith.constant 0 : i32
        %dma_start3A_129 = tpu.memref_slice %arg12[%mul3A_125, %dma_start3A_128] : memref<10000x128xf32, #tpu.memory_space<vmem_shared>> -> memref<80x128xf32, #tpu.memory_space<vmem_shared>>
        tpu.enqueue_dma source(%dma_start3A_129 : memref<80x128xf32, #tpu.memory_space<vmem_shared>>) target(%dma_start3A_127 : memref<80x128xf32, #tpu.memory_space<hbm>>) target_semaphore(%run_scoped3A : memref<!tpu.dma_semaphore, #tpu.memory_space<semaphore_mem>>)
        %dma_wait3A = arith.constant 0 : i32
        %dma_wait3A_130 = tpu.memref_slice %arg6[%arg0, %mul3A_125, %dma_wait3A] : memref<2x10000x128xf32, #tpu.memory_space<hbm>> -> memref<1x80x128xf32, #tpu.memory_space<hbm>>
        %dma_wait3A_131 = tpu.memref_squeeze %dma_wait3A_130 : memref<1x80x128xf32, #tpu.memory_space<hbm>> -> memref<80x128xf32, #tpu.memory_space<hbm>>
        %dma_wait3A_132 = arith.constant 0 : i32
        %dma_wait3A_133 = tpu.memref_slice %arg12[%mul3A_125, %dma_wait3A_132] : memref<10000x128xf32, #tpu.memory_space<vmem_shared>> -> memref<80x128xf32, #tpu.memory_space<vmem_shared>>
        tpu.wait_dma2 semaphore(%run_scoped3A : memref<!tpu.dma_semaphore, #tpu.memory_space<semaphore_mem>>) src(%dma_wait3A_133 : memref<80x128xf32, #tpu.memory_space<vmem_shared>>) dst(%dma_wait3A_131 : memref<80x128xf32, #tpu.memory_space<hbm>>)
        tpu.yield
      }) : () -> ()
    } else {
    }
    %add3A_89 = arith.constant 48 : i32
    %add3A_90 = arith.addi %add3A_89, %arg1 : i32
    %lt3A_91 = arith.constant 125 : i32
    %lt3A_92 = arith.cmpi slt, %add3A_90, %lt3A_91 : i32
    %convert_element_type3A_93 = arith.extui %lt3A_92 : i1 to i32
    %cond3A_94 = arith.constant 0 : i32
    %cond3A_95 = arith.cmpi ne, %convert_element_type3A_93, %cond3A_94 : i32
    scf.if %cond3A_95 {
      %mul3A_124 = arith.constant 80 : i32
      %mul3A_125 = arith.muli %add3A_90, %mul3A_124 : i32
      "tpu.region"() ({
        %run_scoped3A = tpu.sem_alloc : memref<!tpu.dma_semaphore, #tpu.memory_space<semaphore_mem>>
        %dma_start3A = arith.constant 0 : i32
        %dma_start3A_126 = tpu.memref_slice %arg6[%arg0, %mul3A_125, %dma_start3A] : memref<2x10000x128xf32, #tpu.memory_space<hbm>> -> memref<1x80x128xf32, #tpu.memory_space<hbm>>
        %dma_start3A_127 = tpu.memref_squeeze %dma_start3A_126 : memref<1x80x128xf32, #tpu.memory_space<hbm>> -> memref<80x128xf32, #tpu.memory_space<hbm>>
        %dma_start3A_128 = arith.constant 0 : i32
        %dma_start3A_129 = tpu.memref_slice %arg12[%mul3A_125, %dma_start3A_128] : memref<10000x128xf32, #tpu.memory_space<vmem_shared>> -> memref<80x128xf32, #tpu.memory_space<vmem_shared>>
        tpu.enqueue_dma source(%dma_start3A_129 : memref<80x128xf32, #tpu.memory_space<vmem_shared>>) target(%dma_start3A_127 : memref<80x128xf32, #tpu.memory_space<hbm>>) target_semaphore(%run_scoped3A : memref<!tpu.dma_semaphore, #tpu.memory_space<semaphore_mem>>)
        %dma_wait3A = arith.constant 0 : i32
        %dma_wait3A_130 = tpu.memref_slice %arg6[%arg0, %mul3A_125, %dma_wait3A] : memref<2x10000x128xf32, #tpu.memory_space<hbm>> -> memref<1x80x128xf32, #tpu.memory_space<hbm>>
        %dma_wait3A_131 = tpu.memref_squeeze %dma_wait3A_130 : memref<1x80x128xf32, #tpu.memory_space<hbm>> -> memref<80x128xf32, #tpu.memory_space<hbm>>
        %dma_wait3A_132 = arith.constant 0 : i32
        %dma_wait3A_133 = tpu.memref_slice %arg12[%mul3A_125, %dma_wait3A_132] : memref<10000x128xf32, #tpu.memory_space<vmem_shared>> -> memref<80x128xf32, #tpu.memory_space<vmem_shared>>
        tpu.wait_dma2 semaphore(%run_scoped3A : memref<!tpu.dma_semaphore, #tpu.memory_space<semaphore_mem>>) src(%dma_wait3A_133 : memref<80x128xf32, #tpu.memory_space<vmem_shared>>) dst(%dma_wait3A_131 : memref<80x128xf32, #tpu.memory_space<hbm>>)
        tpu.yield
      }) : () -> ()
    } else {
    }
    %add3A_96 = arith.constant 64 : i32
    %add3A_97 = arith.addi %add3A_96, %arg1 : i32
    %lt3A_98 = arith.constant 125 : i32
    %lt3A_99 = arith.cmpi slt, %add3A_97, %lt3A_98 : i32
    %convert_element_type3A_100 = arith.extui %lt3A_99 : i1 to i32
    %cond3A_101 = arith.constant 0 : i32
    %cond3A_102 = arith.cmpi ne, %convert_element_type3A_100, %cond3A_101 : i32
    scf.if %cond3A_102 {
      %mul3A_124 = arith.constant 80 : i32
      %mul3A_125 = arith.muli %add3A_97, %mul3A_124 : i32
      "tpu.region"() ({
        %run_scoped3A = tpu.sem_alloc : memref<!tpu.dma_semaphore, #tpu.memory_space<semaphore_mem>>
        %dma_start3A = arith.constant 0 : i32
        %dma_start3A_126 = tpu.memref_slice %arg6[%arg0, %mul3A_125, %dma_start3A] : memref<2x10000x128xf32, #tpu.memory_space<hbm>> -> memref<1x80x128xf32, #tpu.memory_space<hbm>>
        %dma_start3A_127 = tpu.memref_squeeze %dma_start3A_126 : memref<1x80x128xf32, #tpu.memory_space<hbm>> -> memref<80x128xf32, #tpu.memory_space<hbm>>
        %dma_start3A_128 = arith.constant 0 : i32
        %dma_start3A_129 = tpu.memref_slice %arg12[%mul3A_125, %dma_start3A_128] : memref<10000x128xf32, #tpu.memory_space<vmem_shared>> -> memref<80x128xf32, #tpu.memory_space<vmem_shared>>
        tpu.enqueue_dma source(%dma_start3A_129 : memref<80x128xf32, #tpu.memory_space<vmem_shared>>) target(%dma_start3A_127 : memref<80x128xf32, #tpu.memory_space<hbm>>) target_semaphore(%run_scoped3A : memref<!tpu.dma_semaphore, #tpu.memory_space<semaphore_mem>>)
        %dma_wait3A = arith.constant 0 : i32
        %dma_wait3A_130 = tpu.memref_slice %arg6[%arg0, %mul3A_125, %dma_wait3A] : memref<2x10000x128xf32, #tpu.memory_space<hbm>> -> memref<1x80x128xf32, #tpu.memory_space<hbm>>
        %dma_wait3A_131 = tpu.memref_squeeze %dma_wait3A_130 : memref<1x80x128xf32, #tpu.memory_space<hbm>> -> memref<80x128xf32, #tpu.memory_space<hbm>>
        %dma_wait3A_132 = arith.constant 0 : i32
        %dma_wait3A_133 = tpu.memref_slice %arg12[%mul3A_125, %dma_wait3A_132] : memref<10000x128xf32, #tpu.memory_space<vmem_shared>> -> memref<80x128xf32, #tpu.memory_space<vmem_shared>>
        tpu.wait_dma2 semaphore(%run_scoped3A : memref<!tpu.dma_semaphore, #tpu.memory_space<semaphore_mem>>) src(%dma_wait3A_133 : memref<80x128xf32, #tpu.memory_space<vmem_shared>>) dst(%dma_wait3A_131 : memref<80x128xf32, #tpu.memory_space<hbm>>)
        tpu.yield
      }) : () -> ()
    } else {
    }
    %add3A_103 = arith.constant 80 : i32
    %add3A_104 = arith.addi %add3A_103, %arg1 : i32
    %lt3A_105 = arith.constant 125 : i32
    %lt3A_106 = arith.cmpi slt, %add3A_104, %lt3A_105 : i32
    %convert_element_type3A_107 = arith.extui %lt3A_106 : i1 to i32
    %cond3A_108 = arith.constant 0 : i32
    %cond3A_109 = arith.cmpi ne, %convert_element_type3A_107, %cond3A_108 : i32
    scf.if %cond3A_109 {
      %mul3A_124 = arith.constant 80 : i32
      %mul3A_125 = arith.muli %add3A_104, %mul3A_124 : i32
      "tpu.region"() ({
        %run_scoped3A = tpu.sem_alloc : memref<!tpu.dma_semaphore, #tpu.memory_space<semaphore_mem>>
        %dma_start3A = arith.constant 0 : i32
        %dma_start3A_126 = tpu.memref_slice %arg6[%arg0, %mul3A_125, %dma_start3A] : memref<2x10000x128xf32, #tpu.memory_space<hbm>> -> memref<1x80x128xf32, #tpu.memory_space<hbm>>
        %dma_start3A_127 = tpu.memref_squeeze %dma_start3A_126 : memref<1x80x128xf32, #tpu.memory_space<hbm>> -> memref<80x128xf32, #tpu.memory_space<hbm>>
        %dma_start3A_128 = arith.constant 0 : i32
        %dma_start3A_129 = tpu.memref_slice %arg12[%mul3A_125, %dma_start3A_128] : memref<10000x128xf32, #tpu.memory_space<vmem_shared>> -> memref<80x128xf32, #tpu.memory_space<vmem_shared>>
        tpu.enqueue_dma source(%dma_start3A_129 : memref<80x128xf32, #tpu.memory_space<vmem_shared>>) target(%dma_start3A_127 : memref<80x128xf32, #tpu.memory_space<hbm>>) target_semaphore(%run_scoped3A : memref<!tpu.dma_semaphore, #tpu.memory_space<semaphore_mem>>)
        %dma_wait3A = arith.constant 0 : i32
        %dma_wait3A_130 = tpu.memref_slice %arg6[%arg0, %mul3A_125, %dma_wait3A] : memref<2x10000x128xf32, #tpu.memory_space<hbm>> -> memref<1x80x128xf32, #tpu.memory_space<hbm>>
        %dma_wait3A_131 = tpu.memref_squeeze %dma_wait3A_130 : memref<1x80x128xf32, #tpu.memory_space<hbm>> -> memref<80x128xf32, #tpu.memory_space<hbm>>
        %dma_wait3A_132 = arith.constant 0 : i32
        %dma_wait3A_133 = tpu.memref_slice %arg12[%mul3A_125, %dma_wait3A_132] : memref<10000x128xf32, #tpu.memory_space<vmem_shared>> -> memref<80x128xf32, #tpu.memory_space<vmem_shared>>
        tpu.wait_dma2 semaphore(%run_scoped3A : memref<!tpu.dma_semaphore, #tpu.memory_space<semaphore_mem>>) src(%dma_wait3A_133 : memref<80x128xf32, #tpu.memory_space<vmem_shared>>) dst(%dma_wait3A_131 : memref<80x128xf32, #tpu.memory_space<hbm>>)
        tpu.yield
      }) : () -> ()
    } else {
    }
    %add3A_110 = arith.constant 96 : i32
    %add3A_111 = arith.addi %add3A_110, %arg1 : i32
    %lt3A_112 = arith.constant 125 : i32
    %lt3A_113 = arith.cmpi slt, %add3A_111, %lt3A_112 : i32
    %convert_element_type3A_114 = arith.extui %lt3A_113 : i1 to i32
    %cond3A_115 = arith.constant 0 : i32
    %cond3A_116 = arith.cmpi ne, %convert_element_type3A_114, %cond3A_115 : i32
    scf.if %cond3A_116 {
      %mul3A_124 = arith.constant 80 : i32
      %mul3A_125 = arith.muli %add3A_111, %mul3A_124 : i32
      "tpu.region"() ({
        %run_scoped3A = tpu.sem_alloc : memref<!tpu.dma_semaphore, #tpu.memory_space<semaphore_mem>>
        %dma_start3A = arith.constant 0 : i32
        %dma_start3A_126 = tpu.memref_slice %arg6[%arg0, %mul3A_125, %dma_start3A] : memref<2x10000x128xf32, #tpu.memory_space<hbm>> -> memref<1x80x128xf32, #tpu.memory_space<hbm>>
        %dma_start3A_127 = tpu.memref_squeeze %dma_start3A_126 : memref<1x80x128xf32, #tpu.memory_space<hbm>> -> memref<80x128xf32, #tpu.memory_space<hbm>>
        %dma_start3A_128 = arith.constant 0 : i32
        %dma_start3A_129 = tpu.memref_slice %arg12[%mul3A_125, %dma_start3A_128] : memref<10000x128xf32, #tpu.memory_space<vmem_shared>> -> memref<80x128xf32, #tpu.memory_space<vmem_shared>>
        tpu.enqueue_dma source(%dma_start3A_129 : memref<80x128xf32, #tpu.memory_space<vmem_shared>>) target(%dma_start3A_127 : memref<80x128xf32, #tpu.memory_space<hbm>>) target_semaphore(%run_scoped3A : memref<!tpu.dma_semaphore, #tpu.memory_space<semaphore_mem>>)
        %dma_wait3A = arith.constant 0 : i32
        %dma_wait3A_130 = tpu.memref_slice %arg6[%arg0, %mul3A_125, %dma_wait3A] : memref<2x10000x128xf32, #tpu.memory_space<hbm>> -> memref<1x80x128xf32, #tpu.memory_space<hbm>>
        %dma_wait3A_131 = tpu.memref_squeeze %dma_wait3A_130 : memref<1x80x128xf32, #tpu.memory_space<hbm>> -> memref<80x128xf32, #tpu.memory_space<hbm>>
        %dma_wait3A_132 = arith.constant 0 : i32
        %dma_wait3A_133 = tpu.memref_slice %arg12[%mul3A_125, %dma_wait3A_132] : memref<10000x128xf32, #tpu.memory_space<vmem_shared>> -> memref<80x128xf32, #tpu.memory_space<vmem_shared>>
        tpu.wait_dma2 semaphore(%run_scoped3A : memref<!tpu.dma_semaphore, #tpu.memory_space<semaphore_mem>>) src(%dma_wait3A_133 : memref<80x128xf32, #tpu.memory_space<vmem_shared>>) dst(%dma_wait3A_131 : memref<80x128xf32, #tpu.memory_space<hbm>>)
        tpu.yield
      }) : () -> ()
    } else {
    }
    %add3A_117 = arith.constant 112 : i32
    %add3A_118 = arith.addi %add3A_117, %arg1 : i32
    %lt3A_119 = arith.constant 125 : i32
    %lt3A_120 = arith.cmpi slt, %add3A_118, %lt3A_119 : i32
    %convert_element_type3A_121 = arith.extui %lt3A_120 : i1 to i32
    %cond3A_122 = arith.constant 0 : i32
    %cond3A_123 = arith.cmpi ne, %convert_element_type3A_121, %cond3A_122 : i32
    scf.if %cond3A_123 {
      %mul3A_124 = arith.constant 80 : i32
      %mul3A_125 = arith.muli %add3A_118, %mul3A_124 : i32
      "tpu.region"() ({
        %run_scoped3A = tpu.sem_alloc : memref<!tpu.dma_semaphore, #tpu.memory_space<semaphore_mem>>
        %dma_start3A = arith.constant 0 : i32
        %dma_start3A_126 = tpu.memref_slice %arg6[%arg0, %mul3A_125, %dma_start3A] : memref<2x10000x128xf32, #tpu.memory_space<hbm>> -> memref<1x80x128xf32, #tpu.memory_space<hbm>>
        %dma_start3A_127 = tpu.memref_squeeze %dma_start3A_126 : memref<1x80x128xf32, #tpu.memory_space<hbm>> -> memref<80x128xf32, #tpu.memory_space<hbm>>
        %dma_start3A_128 = arith.constant 0 : i32
        %dma_start3A_129 = tpu.memref_slice %arg12[%mul3A_125, %dma_start3A_128] : memref<10000x128xf32, #tpu.memory_space<vmem_shared>> -> memref<80x128xf32, #tpu.memory_space<vmem_shared>>
        tpu.enqueue_dma source(%dma_start3A_129 : memref<80x128xf32, #tpu.memory_space<vmem_shared>>) target(%dma_start3A_127 : memref<80x128xf32, #tpu.memory_space<hbm>>) target_semaphore(%run_scoped3A : memref<!tpu.dma_semaphore, #tpu.memory_space<semaphore_mem>>)
        %dma_wait3A = arith.constant 0 : i32
        %dma_wait3A_130 = tpu.memref_slice %arg6[%arg0, %mul3A_125, %dma_wait3A] : memref<2x10000x128xf32, #tpu.memory_space<hbm>> -> memref<1x80x128xf32, #tpu.memory_space<hbm>>
        %dma_wait3A_131 = tpu.memref_squeeze %dma_wait3A_130 : memref<1x80x128xf32, #tpu.memory_space<hbm>> -> memref<80x128xf32, #tpu.memory_space<hbm>>
        %dma_wait3A_132 = arith.constant 0 : i32
        %dma_wait3A_133 = tpu.memref_slice %arg12[%mul3A_125, %dma_wait3A_132] : memref<10000x128xf32, #tpu.memory_space<vmem_shared>> -> memref<80x128xf32, #tpu.memory_space<vmem_shared>>
        tpu.wait_dma2 semaphore(%run_scoped3A : memref<!tpu.dma_semaphore, #tpu.memory_space<semaphore_mem>>) src(%dma_wait3A_133 : memref<80x128xf32, #tpu.memory_space<vmem_shared>>) dst(%dma_wait3A_131 : memref<80x128xf32, #tpu.memory_space<hbm>>)
        tpu.yield
      }) : () -> ()
    } else {
    }
    return
  }
}

#map = affine_map<(d0, d1) -> (0, 0)>
#map1 = affine_map<(d0, d1) -> (0, 0, 0)>
module attributes {stable_mosaic.version = 14 : i64} {
  func.func @_layer_kernel(%arg0: i32, %arg1: i32, %arg2: memref<10000x128xf32, #tpu.memory_space<hbm>>, %arg3: memref<32x81x128xi32, #tpu.memory_space<hbm>>, %arg4: memref<32x81x128xi32, #tpu.memory_space<hbm>>, %arg5: memref<32x81x128xf32, #tpu.memory_space<hbm>>, %arg6: memref<2x10000x128xf32, #tpu.memory_space<hbm>>, %arg7: memref<81x128xi32, #tpu.memory_space<vmem>>, %arg8: memref<81x128xi32, #tpu.memory_space<vmem>>, %arg9: memref<81x128xf32, #tpu.memory_space<vmem>>, %arg10: memref<128x128xf32, #tpu.memory_space<vmem>>, %arg11: memref<!tpu.dma_semaphore, #tpu.memory_space<semaphore_mem>>, %arg12: memref<10000x128xf32, #tpu.memory_space<vmem_shared>>) attributes {dimension_semantics = [#tpu.dimension_semantics<core_parallel>, #tpu.dimension_semantics<subcore_parallel>], iteration_bounds = array<i64: 2, 16>, scalar_prefetch = 0 : i64, scratch_operands = 6 : i64, tpu.core_type = #tpu.core_type<sc_vector_subcore>, window_params = [{transform_indices = #map}, {transform_indices = #map1}, {transform_indices = #map1}, {transform_indices = #map1}, {transform_indices = #map1}]} {
    %mul3A = arith.constant 2 : i32
    %mul3A_0 = arith.muli %arg1, %mul3A : i32
    %add3A = arith.addi %mul3A_0, %arg0 : i32
    "tpu.region"() ({
      %run_scoped3A = tpu.sem_alloc : memref<!tpu.dma_semaphore, #tpu.memory_space<semaphore_mem>>
      %dma_start3A = arith.constant 0 : i32
      %dma_start3A_124 = arith.constant 0 : i32
      %dma_start3A_125 = tpu.memref_slice %arg3[%add3A, %dma_start3A, %dma_start3A_124] : memref<32x81x128xi32, #tpu.memory_space<hbm>> -> memref<1x81x128xi32, #tpu.memory_space<hbm>>
      %dma_start3A_126 = tpu.memref_squeeze %dma_start3A_125 : memref<1x81x128xi32, #tpu.memory_space<hbm>> -> memref<81x128xi32, #tpu.memory_space<hbm>>
      %dma_start3A_127 = arith.constant 0 : i32
      %dma_start3A_128 = arith.constant 0 : i32
      %dma_start3A_129 = tpu.memref_slice %arg3[%add3A, %dma_start3A_127, %dma_start3A_128] : memref<32x81x128xi32, #tpu.memory_space<hbm>> -> memref<1x81x128xi32, #tpu.memory_space<hbm>>
      %dma_start3A_130 = tpu.memref_squeeze %dma_start3A_129 : memref<1x81x128xi32, #tpu.memory_space<hbm>> -> memref<81x128xi32, #tpu.memory_space<hbm>>
      tpu.enqueue_dma source(%dma_start3A_130 : memref<81x128xi32, #tpu.memory_space<hbm>>) target(%arg7 : memref<81x128xi32, #tpu.memory_space<vmem>>) target_semaphore(%run_scoped3A : memref<!tpu.dma_semaphore, #tpu.memory_space<semaphore_mem>>)
      %dma_wait3A = arith.constant 0 : i32
      %dma_wait3A_131 = arith.constant 0 : i32
      %dma_wait3A_132 = tpu.memref_slice %arg3[%add3A, %dma_wait3A, %dma_wait3A_131] : memref<32x81x128xi32, #tpu.memory_space<hbm>> -> memref<1x81x128xi32, #tpu.memory_space<hbm>>
      %dma_wait3A_133 = tpu.memref_squeeze %dma_wait3A_132 : memref<1x81x128xi32, #tpu.memory_space<hbm>> -> memref<81x128xi32, #tpu.memory_space<hbm>>
      %dma_wait3A_134 = arith.constant 0 : i32
      %dma_wait3A_135 = arith.constant 0 : i32
      %dma_wait3A_136 = tpu.memref_slice %arg3[%add3A, %dma_wait3A_134, %dma_wait3A_135] : memref<32x81x128xi32, #tpu.memory_space<hbm>> -> memref<1x81x128xi32, #tpu.memory_space<hbm>>
      %dma_wait3A_137 = tpu.memref_squeeze %dma_wait3A_136 : memref<1x81x128xi32, #tpu.memory_space<hbm>> -> memref<81x128xi32, #tpu.memory_space<hbm>>
      tpu.wait_dma2 semaphore(%run_scoped3A : memref<!tpu.dma_semaphore, #tpu.memory_space<semaphore_mem>>) src(%dma_wait3A_137 : memref<81x128xi32, #tpu.memory_space<hbm>>) dst(%arg7 : memref<81x128xi32, #tpu.memory_space<vmem>>)
      tpu.yield
    }) : () -> ()
    "tpu.region"() ({
      %run_scoped3A = tpu.sem_alloc : memref<!tpu.dma_semaphore, #tpu.memory_space<semaphore_mem>>
      %dma_start3A = arith.constant 0 : i32
      %dma_start3A_124 = arith.constant 0 : i32
      %dma_start3A_125 = tpu.memref_slice %arg4[%add3A, %dma_start3A, %dma_start3A_124] : memref<32x81x128xi32, #tpu.memory_space<hbm>> -> memref<1x81x128xi32, #tpu.memory_space<hbm>>
      %dma_start3A_126 = tpu.memref_squeeze %dma_start3A_125 : memref<1x81x128xi32, #tpu.memory_space<hbm>> -> memref<81x128xi32, #tpu.memory_space<hbm>>
      %dma_start3A_127 = arith.constant 0 : i32
      %dma_start3A_128 = arith.constant 0 : i32
      %dma_start3A_129 = tpu.memref_slice %arg4[%add3A, %dma_start3A_127, %dma_start3A_128] : memref<32x81x128xi32, #tpu.memory_space<hbm>> -> memref<1x81x128xi32, #tpu.memory_space<hbm>>
      %dma_start3A_130 = tpu.memref_squeeze %dma_start3A_129 : memref<1x81x128xi32, #tpu.memory_space<hbm>> -> memref<81x128xi32, #tpu.memory_space<hbm>>
      tpu.enqueue_dma source(%dma_start3A_130 : memref<81x128xi32, #tpu.memory_space<hbm>>) target(%arg8 : memref<81x128xi32, #tpu.memory_space<vmem>>) target_semaphore(%run_scoped3A : memref<!tpu.dma_semaphore, #tpu.memory_space<semaphore_mem>>)
      %dma_wait3A = arith.constant 0 : i32
      %dma_wait3A_131 = arith.constant 0 : i32
      %dma_wait3A_132 = tpu.memref_slice %arg4[%add3A, %dma_wait3A, %dma_wait3A_131] : memref<32x81x128xi32, #tpu.memory_space<hbm>> -> memref<1x81x128xi32, #tpu.memory_space<hbm>>
      %dma_wait3A_133 = tpu.memref_squeeze %dma_wait3A_132 : memref<1x81x128xi32, #tpu.memory_space<hbm>> -> memref<81x128xi32, #tpu.memory_space<hbm>>
      %dma_wait3A_134 = arith.constant 0 : i32
      %dma_wait3A_135 = arith.constant 0 : i32
      %dma_wait3A_136 = tpu.memref_slice %arg4[%add3A, %dma_wait3A_134, %dma_wait3A_135] : memref<32x81x128xi32, #tpu.memory_space<hbm>> -> memref<1x81x128xi32, #tpu.memory_space<hbm>>
      %dma_wait3A_137 = tpu.memref_squeeze %dma_wait3A_136 : memref<1x81x128xi32, #tpu.memory_space<hbm>> -> memref<81x128xi32, #tpu.memory_space<hbm>>
      tpu.wait_dma2 semaphore(%run_scoped3A : memref<!tpu.dma_semaphore, #tpu.memory_space<semaphore_mem>>) src(%dma_wait3A_137 : memref<81x128xi32, #tpu.memory_space<hbm>>) dst(%arg8 : memref<81x128xi32, #tpu.memory_space<vmem>>)
      tpu.yield
    }) : () -> ()
    "tpu.region"() ({
      %run_scoped3A = tpu.sem_alloc : memref<!tpu.dma_semaphore, #tpu.memory_space<semaphore_mem>>
      %dma_start3A = arith.constant 0 : i32
      %dma_start3A_124 = arith.constant 0 : i32
      %dma_start3A_125 = tpu.memref_slice %arg5[%add3A, %dma_start3A, %dma_start3A_124] : memref<32x81x128xf32, #tpu.memory_space<hbm>> -> memref<1x81x128xf32, #tpu.memory_space<hbm>>
      %dma_start3A_126 = tpu.memref_squeeze %dma_start3A_125 : memref<1x81x128xf32, #tpu.memory_space<hbm>> -> memref<81x128xf32, #tpu.memory_space<hbm>>
      %dma_start3A_127 = arith.constant 0 : i32
      %dma_start3A_128 = arith.constant 0 : i32
      %dma_start3A_129 = tpu.memref_slice %arg5[%add3A, %dma_start3A_127, %dma_start3A_128] : memref<32x81x128xf32, #tpu.memory_space<hbm>> -> memref<1x81x128xf32, #tpu.memory_space<hbm>>
      %dma_start3A_130 = tpu.memref_squeeze %dma_start3A_129 : memref<1x81x128xf32, #tpu.memory_space<hbm>> -> memref<81x128xf32, #tpu.memory_space<hbm>>
      tpu.enqueue_dma source(%dma_start3A_130 : memref<81x128xf32, #tpu.memory_space<hbm>>) target(%arg9 : memref<81x128xf32, #tpu.memory_space<vmem>>) target_semaphore(%run_scoped3A : memref<!tpu.dma_semaphore, #tpu.memory_space<semaphore_mem>>)
      %dma_wait3A = arith.constant 0 : i32
      %dma_wait3A_131 = arith.constant 0 : i32
      %dma_wait3A_132 = tpu.memref_slice %arg5[%add3A, %dma_wait3A, %dma_wait3A_131] : memref<32x81x128xf32, #tpu.memory_space<hbm>> -> memref<1x81x128xf32, #tpu.memory_space<hbm>>
      %dma_wait3A_133 = tpu.memref_squeeze %dma_wait3A_132 : memref<1x81x128xf32, #tpu.memory_space<hbm>> -> memref<81x128xf32, #tpu.memory_space<hbm>>
      %dma_wait3A_134 = arith.constant 0 : i32
      %dma_wait3A_135 = arith.constant 0 : i32
      %dma_wait3A_136 = tpu.memref_slice %arg5[%add3A, %dma_wait3A_134, %dma_wait3A_135] : memref<32x81x128xf32, #tpu.memory_space<hbm>> -> memref<1x81x128xf32, #tpu.memory_space<hbm>>
      %dma_wait3A_137 = tpu.memref_squeeze %dma_wait3A_136 : memref<1x81x128xf32, #tpu.memory_space<hbm>> -> memref<81x128xf32, #tpu.memory_space<hbm>>
      tpu.wait_dma2 semaphore(%run_scoped3A : memref<!tpu.dma_semaphore, #tpu.memory_space<semaphore_mem>>) src(%dma_wait3A_137 : memref<81x128xf32, #tpu.memory_space<hbm>>) dst(%arg9 : memref<81x128xf32, #tpu.memory_space<vmem>>)
      tpu.yield
    }) : () -> ()
    %scan3A = arith.constant 0 : i32
    %scan3A_1 = arith.constant 0 : i32
    %scan3A_2 = arith.constant 128 : i32
    %scan3A_3 = arith.addi %scan3A_1, %scan3A_2 : i32
    %scan3A_4 = arith.constant 1 : i32
    %scan3A_5 = scf.for %scan3A_124 = %scan3A_1 to %scan3A_3 step %scan3A_4 iter_args(%scan3A_125 = %scan3A) -> (i32)  : i32 {
      %broadcast_in_dim3A = arith.constant 0.000000e+00 : f32
      %broadcast_in_dim3A_126 = vector.broadcast %broadcast_in_dim3A : f32 to vector<16xf32>
      %swap3A = arith.index_cast %scan3A_124 : i32 to index
      %swap3A_127 = arith.constant 0 : index
      %swap3A_128 = tpu.vector_load %arg10[%swap3A, %swap3A_127] {strides = array<i32>} : memref<128x128xf32, #tpu.memory_space<vmem>>, vector<16xf32>,
      tpu.vector_store %arg10[%swap3A, %swap3A_127], %broadcast_in_dim3A_126 {strides = array<i32>} : memref<128x128xf32, #tpu.memory_space<vmem>>, vector<16xf32>,
      %broadcast_in_dim3A_129 = arith.constant 0.000000e+00 : f32
      %broadcast_in_dim3A_130 = vector.broadcast %broadcast_in_dim3A_129 : f32 to vector<16xf32>
      %swap3A_131 = arith.index_cast %scan3A_124 : i32 to index
      %swap3A_132 = arith.constant 16 : index
      %swap3A_133 = tpu.vector_load %arg10[%swap3A_131, %swap3A_132] {strides = array<i32>} : memref<128x128xf32, #tpu.memory_space<vmem>>, vector<16xf32>,
      tpu.vector_store %arg10[%swap3A_131, %swap3A_132], %broadcast_in_dim3A_130 {strides = array<i32>} : memref<128x128xf32, #tpu.memory_space<vmem>>, vector<16xf32>,
      %broadcast_in_dim3A_134 = arith.constant 0.000000e+00 : f32
      %broadcast_in_dim3A_135 = vector.broadcast %broadcast_in_dim3A_134 : f32 to vector<16xf32>
      %swap3A_136 = arith.index_cast %scan3A_124 : i32 to index
      %swap3A_137 = arith.constant 32 : index
      %swap3A_138 = tpu.vector_load %arg10[%swap3A_136, %swap3A_137] {strides = array<i32>} : memref<128x128xf32, #tpu.memory_space<vmem>>, vector<16xf32>,
      tpu.vector_store %arg10[%swap3A_136, %swap3A_137], %broadcast_in_dim3A_135 {strides = array<i32>} : memref<128x128xf32, #tpu.memory_space<vmem>>, vector<16xf32>,
      %broadcast_in_dim3A_139 = arith.constant 0.000000e+00 : f32
      %broadcast_in_dim3A_140 = vector.broadcast %broadcast_in_dim3A_139 : f32 to vector<16xf32>
      %swap3A_141 = arith.index_cast %scan3A_124 : i32 to index
      %swap3A_142 = arith.constant 48 : index
      %swap3A_143 = tpu.vector_load %arg10[%swap3A_141, %swap3A_142] {strides = array<i32>} : memref<128x128xf32, #tpu.memory_space<vmem>>, vector<16xf32>,
      tpu.vector_store %arg10[%swap3A_141, %swap3A_142], %broadcast_in_dim3A_140 {strides = array<i32>} : memref<128x128xf32, #tpu.memory_space<vmem>>, vector<16xf32>,
      %broadcast_in_dim3A_144 = arith.constant 0.000000e+00 : f32
      %broadcast_in_dim3A_145 = vector.broadcast %broadcast_in_dim3A_144 : f32 to vector<16xf32>
      %swap3A_146 = arith.index_cast %scan3A_124 : i32 to index
      %swap3A_147 = arith.constant 64 : index
      %swap3A_148 = tpu.vector_load %arg10[%swap3A_146, %swap3A_147] {strides = array<i32>} : memref<128x128xf32, #tpu.memory_space<vmem>>, vector<16xf32>,
      tpu.vector_store %arg10[%swap3A_146, %swap3A_147], %broadcast_in_dim3A_145 {strides = array<i32>} : memref<128x128xf32, #tpu.memory_space<vmem>>, vector<16xf32>,
      %broadcast_in_dim3A_149 = arith.constant 0.000000e+00 : f32
      %broadcast_in_dim3A_150 = vector.broadcast %broadcast_in_dim3A_149 : f32 to vector<16xf32>
      %swap3A_151 = arith.index_cast %scan3A_124 : i32 to index
      %swap3A_152 = arith.constant 80 : index
      %swap3A_153 = tpu.vector_load %arg10[%swap3A_151, %swap3A_152] {strides = array<i32>} : memref<128x128xf32, #tpu.memory_space<vmem>>, vector<16xf32>,
      tpu.vector_store %arg10[%swap3A_151, %swap3A_152], %broadcast_in_dim3A_150 {strides = array<i32>} : memref<128x128xf32, #tpu.memory_space<vmem>>, vector<16xf32>,
      %broadcast_in_dim3A_154 = arith.constant 0.000000e+00 : f32
      %broadcast_in_dim3A_155 = vector.broadcast %broadcast_in_dim3A_154 : f32 to vector<16xf32>
      %swap3A_156 = arith.index_cast %scan3A_124 : i32 to index
      %swap3A_157 = arith.constant 96 : index
      %swap3A_158 = tpu.vector_load %arg10[%swap3A_156, %swap3A_157] {strides = array<i32>} : memref<128x128xf32, #tpu.memory_space<vmem>>, vector<16xf32>,
      tpu.vector_store %arg10[%swap3A_156, %swap3A_157], %broadcast_in_dim3A_155 {strides = array<i32>} : memref<128x128xf32, #tpu.memory_space<vmem>>, vector<16xf32>,
      %broadcast_in_dim3A_159 = arith.constant 0.000000e+00 : f32
      %broadcast_in_dim3A_160 = vector.broadcast %broadcast_in_dim3A_159 : f32 to vector<16xf32>
      %swap3A_161 = arith.index_cast %scan3A_124 : i32 to index
      %swap3A_162 = arith.constant 112 : index
      %swap3A_163 = tpu.vector_load %arg10[%swap3A_161, %swap3A_162] {strides = array<i32>} : memref<128x128xf32, #tpu.memory_space<vmem>>, vector<16xf32>,
      tpu.vector_store %arg10[%swap3A_161, %swap3A_162], %broadcast_in_dim3A_160 {strides = array<i32>} : memref<128x128xf32, #tpu.memory_space<vmem>>, vector<16xf32>,
      %scan3A_164 = arith.constant 0 : i32
      scf.yield %scan3A_164 : i32
    }
    %scan3A_6 = arith.constant 128 : i32
    %add3A_7 = arith.constant 0 : i32
    %add3A_8 = arith.addi %add3A_7, %arg1 : i32
    %lt3A = arith.constant 125 : i32
    %lt3A_9 = arith.cmpi slt, %add3A_8, %lt3A : i32
    %convert_element_type3A = arith.extui %lt3A_9 : i1 to i32
    %cond3A = arith.constant 0 : i32
    %cond3A_10 = arith.cmpi ne, %convert_element_type3A, %cond3A : i32
    scf.if %cond3A_10 {
      %mul3A_124 = arith.constant 80 : i32
      %mul3A_125 = arith.muli %add3A_8, %mul3A_124 : i32
      "tpu.region"() ({
        %run_scoped3A = tpu.sem_alloc : memref<!tpu.dma_semaphore, #tpu.memory_space<semaphore_mem>>
        %dma_start3A = arith.constant 0 : i32
        %dma_start3A_126 = arith.constant 0 : i32
        %dma_start3A_127 = tpu.memref_slice %arg10[%dma_start3A, %dma_start3A_126] : memref<128x128xf32, #tpu.memory_space<vmem>> -> memref<80x128xf32, #tpu.memory_space<vmem>>
        %dma_start3A_128 = arith.constant 0 : i32
        %dma_start3A_129 = tpu.memref_slice %arg12[%mul3A_125, %dma_start3A_128] : memref<10000x128xf32, #tpu.memory_space<vmem_shared>> -> memref<80x128xf32, #tpu.memory_space<vmem_shared>>
        %dma_start3A_130 = arith.constant 0 : i32
        %dma_start3A_131 = tpu.memref_slice %arg12[%mul3A_125, %dma_start3A_130] : memref<10000x128xf32, #tpu.memory_space<vmem_shared>> -> memref<80x128xf32, #tpu.memory_space<vmem_shared>>
        %dma_start3A_132 = arith.constant 0 : i32
        %dma_start3A_133 = arith.constant 0 : i32
        %dma_start3A_134 = tpu.memref_slice %arg10[%dma_start3A_132, %dma_start3A_133] : memref<128x128xf32, #tpu.memory_space<vmem>> -> memref<80x128xf32, #tpu.memory_space<vmem>>
        tpu.enqueue_dma source(%dma_start3A_134 : memref<80x128xf32, #tpu.memory_space<vmem>>) target(%dma_start3A_131 : memref<80x128xf32, #tpu.memory_space<vmem_shared>>) target_semaphore(%run_scoped3A : memref<!tpu.dma_semaphore, #tpu.memory_space<semaphore_mem>>)
        %dma_wait3A = arith.constant 0 : i32
        %dma_wait3A_135 = arith.constant 0 : i32
        %dma_wait3A_136 = tpu.memref_slice %arg10[%dma_wait3A, %dma_wait3A_135] : memref<128x128xf32, #tpu.memory_space<vmem>> -> memref<80x128xf32, #tpu.memory_space<vmem>>
        %dma_wait3A_137 = arith.constant 0 : i32
        %dma_wait3A_138 = tpu.memref_slice %arg12[%mul3A_125, %dma_wait3A_137] : memref<10000x128xf32, #tpu.memory_space<vmem_shared>> -> memref<80x128xf32, #tpu.memory_space<vmem_shared>>
        %dma_wait3A_139 = arith.constant 0 : i32
        %dma_wait3A_140 = tpu.memref_slice %arg12[%mul3A_125, %dma_wait3A_139] : memref<10000x128xf32, #tpu.memory_space<vmem_shared>> -> memref<80x128xf32, #tpu.memory_space<vmem_shared>>
        %dma_wait3A_141 = arith.constant 0 : i32
        %dma_wait3A_142 = arith.constant 0 : i32
        %dma_wait3A_143 = tpu.memref_slice %arg10[%dma_wait3A_141, %dma_wait3A_142] : memref<128x128xf32, #tpu.memory_space<vmem>> -> memref<80x128xf32, #tpu.memory_space<vmem>>
        tpu.wait_dma2 semaphore(%run_scoped3A : memref<!tpu.dma_semaphore, #tpu.memory_space<semaphore_mem>>) src(%dma_wait3A_143 : memref<80x128xf32, #tpu.memory_space<vmem>>) dst(%dma_wait3A_140 : memref<80x128xf32, #tpu.memory_space<vmem_shared>>)
        tpu.yield
      }) : () -> ()
    } else {
    }
    %add3A_11 = arith.constant 16 : i32
    %add3A_12 = arith.addi %add3A_11, %arg1 : i32
    %lt3A_13 = arith.constant 125 : i32
    %lt3A_14 = arith.cmpi slt, %add3A_12, %lt3A_13 : i32
    %convert_element_type3A_15 = arith.extui %lt3A_14 : i1 to i32
    %cond3A_16 = arith.constant 0 : i32
    %cond3A_17 = arith.cmpi ne, %convert_element_type3A_15, %cond3A_16 : i32
    scf.if %cond3A_17 {
      %mul3A_124 = arith.constant 80 : i32
      %mul3A_125 = arith.muli %add3A_12, %mul3A_124 : i32
      "tpu.region"() ({
        %run_scoped3A = tpu.sem_alloc : memref<!tpu.dma_semaphore, #tpu.memory_space<semaphore_mem>>
        %dma_start3A = arith.constant 0 : i32
        %dma_start3A_126 = arith.constant 0 : i32
        %dma_start3A_127 = tpu.memref_slice %arg10[%dma_start3A, %dma_start3A_126] : memref<128x128xf32, #tpu.memory_space<vmem>> -> memref<80x128xf32, #tpu.memory_space<vmem>>
        %dma_start3A_128 = arith.constant 0 : i32
        %dma_start3A_129 = tpu.memref_slice %arg12[%mul3A_125, %dma_start3A_128] : memref<10000x128xf32, #tpu.memory_space<vmem_shared>> -> memref<80x128xf32, #tpu.memory_space<vmem_shared>>
        %dma_start3A_130 = arith.constant 0 : i32
        %dma_start3A_131 = tpu.memref_slice %arg12[%mul3A_125, %dma_start3A_130] : memref<10000x128xf32, #tpu.memory_space<vmem_shared>> -> memref<80x128xf32, #tpu.memory_space<vmem_shared>>
        %dma_start3A_132 = arith.constant 0 : i32
        %dma_start3A_133 = arith.constant 0 : i32
        %dma_start3A_134 = tpu.memref_slice %arg10[%dma_start3A_132, %dma_start3A_133] : memref<128x128xf32, #tpu.memory_space<vmem>> -> memref<80x128xf32, #tpu.memory_space<vmem>>
        tpu.enqueue_dma source(%dma_start3A_134 : memref<80x128xf32, #tpu.memory_space<vmem>>) target(%dma_start3A_131 : memref<80x128xf32, #tpu.memory_space<vmem_shared>>) target_semaphore(%run_scoped3A : memref<!tpu.dma_semaphore, #tpu.memory_space<semaphore_mem>>)
        %dma_wait3A = arith.constant 0 : i32
        %dma_wait3A_135 = arith.constant 0 : i32
        %dma_wait3A_136 = tpu.memref_slice %arg10[%dma_wait3A, %dma_wait3A_135] : memref<128x128xf32, #tpu.memory_space<vmem>> -> memref<80x128xf32, #tpu.memory_space<vmem>>
        %dma_wait3A_137 = arith.constant 0 : i32
        %dma_wait3A_138 = tpu.memref_slice %arg12[%mul3A_125, %dma_wait3A_137] : memref<10000x128xf32, #tpu.memory_space<vmem_shared>> -> memref<80x128xf32, #tpu.memory_space<vmem_shared>>
        %dma_wait3A_139 = arith.constant 0 : i32
        %dma_wait3A_140 = tpu.memref_slice %arg12[%mul3A_125, %dma_wait3A_139] : memref<10000x128xf32, #tpu.memory_space<vmem_shared>> -> memref<80x128xf32, #tpu.memory_space<vmem_shared>>
        %dma_wait3A_141 = arith.constant 0 : i32
        %dma_wait3A_142 = arith.constant 0 : i32
        %dma_wait3A_143 = tpu.memref_slice %arg10[%dma_wait3A_141, %dma_wait3A_142] : memref<128x128xf32, #tpu.memory_space<vmem>> -> memref<80x128xf32, #tpu.memory_space<vmem>>
        tpu.wait_dma2 semaphore(%run_scoped3A : memref<!tpu.dma_semaphore, #tpu.memory_space<semaphore_mem>>) src(%dma_wait3A_143 : memref<80x128xf32, #tpu.memory_space<vmem>>) dst(%dma_wait3A_140 : memref<80x128xf32, #tpu.memory_space<vmem_shared>>)
        tpu.yield
      }) : () -> ()
    } else {
    }
    %add3A_18 = arith.constant 32 : i32
    %add3A_19 = arith.addi %add3A_18, %arg1 : i32
    %lt3A_20 = arith.constant 125 : i32
    %lt3A_21 = arith.cmpi slt, %add3A_19, %lt3A_20 : i32
    %convert_element_type3A_22 = arith.extui %lt3A_21 : i1 to i32
    %cond3A_23 = arith.constant 0 : i32
    %cond3A_24 = arith.cmpi ne, %convert_element_type3A_22, %cond3A_23 : i32
    scf.if %cond3A_24 {
      %mul3A_124 = arith.constant 80 : i32
      %mul3A_125 = arith.muli %add3A_19, %mul3A_124 : i32
      "tpu.region"() ({
        %run_scoped3A = tpu.sem_alloc : memref<!tpu.dma_semaphore, #tpu.memory_space<semaphore_mem>>
        %dma_start3A = arith.constant 0 : i32
        %dma_start3A_126 = arith.constant 0 : i32
        %dma_start3A_127 = tpu.memref_slice %arg10[%dma_start3A, %dma_start3A_126] : memref<128x128xf32, #tpu.memory_space<vmem>> -> memref<80x128xf32, #tpu.memory_space<vmem>>
        %dma_start3A_128 = arith.constant 0 : i32
        %dma_start3A_129 = tpu.memref_slice %arg12[%mul3A_125, %dma_start3A_128] : memref<10000x128xf32, #tpu.memory_space<vmem_shared>> -> memref<80x128xf32, #tpu.memory_space<vmem_shared>>
        %dma_start3A_130 = arith.constant 0 : i32
        %dma_start3A_131 = tpu.memref_slice %arg12[%mul3A_125, %dma_start3A_130] : memref<10000x128xf32, #tpu.memory_space<vmem_shared>> -> memref<80x128xf32, #tpu.memory_space<vmem_shared>>
        %dma_start3A_132 = arith.constant 0 : i32
        %dma_start3A_133 = arith.constant 0 : i32
        %dma_start3A_134 = tpu.memref_slice %arg10[%dma_start3A_132, %dma_start3A_133] : memref<128x128xf32, #tpu.memory_space<vmem>> -> memref<80x128xf32, #tpu.memory_space<vmem>>
        tpu.enqueue_dma source(%dma_start3A_134 : memref<80x128xf32, #tpu.memory_space<vmem>>) target(%dma_start3A_131 : memref<80x128xf32, #tpu.memory_space<vmem_shared>>) target_semaphore(%run_scoped3A : memref<!tpu.dma_semaphore, #tpu.memory_space<semaphore_mem>>)
        %dma_wait3A = arith.constant 0 : i32
        %dma_wait3A_135 = arith.constant 0 : i32
        %dma_wait3A_136 = tpu.memref_slice %arg10[%dma_wait3A, %dma_wait3A_135] : memref<128x128xf32, #tpu.memory_space<vmem>> -> memref<80x128xf32, #tpu.memory_space<vmem>>
        %dma_wait3A_137 = arith.constant 0 : i32
        %dma_wait3A_138 = tpu.memref_slice %arg12[%mul3A_125, %dma_wait3A_137] : memref<10000x128xf32, #tpu.memory_space<vmem_shared>> -> memref<80x128xf32, #tpu.memory_space<vmem_shared>>
        %dma_wait3A_139 = arith.constant 0 : i32
        %dma_wait3A_140 = tpu.memref_slice %arg12[%mul3A_125, %dma_wait3A_139] : memref<10000x128xf32, #tpu.memory_space<vmem_shared>> -> memref<80x128xf32, #tpu.memory_space<vmem_shared>>
        %dma_wait3A_141 = arith.constant 0 : i32
        %dma_wait3A_142 = arith.constant 0 : i32
        %dma_wait3A_143 = tpu.memref_slice %arg10[%dma_wait3A_141, %dma_wait3A_142] : memref<128x128xf32, #tpu.memory_space<vmem>> -> memref<80x128xf32, #tpu.memory_space<vmem>>
        tpu.wait_dma2 semaphore(%run_scoped3A : memref<!tpu.dma_semaphore, #tpu.memory_space<semaphore_mem>>) src(%dma_wait3A_143 : memref<80x128xf32, #tpu.memory_space<vmem>>) dst(%dma_wait3A_140 : memref<80x128xf32, #tpu.memory_space<vmem_shared>>)
        tpu.yield
      }) : () -> ()
    } else {
    }
    %add3A_25 = arith.constant 48 : i32
    %add3A_26 = arith.addi %add3A_25, %arg1 : i32
    %lt3A_27 = arith.constant 125 : i32
    %lt3A_28 = arith.cmpi slt, %add3A_26, %lt3A_27 : i32
    %convert_element_type3A_29 = arith.extui %lt3A_28 : i1 to i32
    %cond3A_30 = arith.constant 0 : i32
    %cond3A_31 = arith.cmpi ne, %convert_element_type3A_29, %cond3A_30 : i32
    scf.if %cond3A_31 {
      %mul3A_124 = arith.constant 80 : i32
      %mul3A_125 = arith.muli %add3A_26, %mul3A_124 : i32
      "tpu.region"() ({
        %run_scoped3A = tpu.sem_alloc : memref<!tpu.dma_semaphore, #tpu.memory_space<semaphore_mem>>
        %dma_start3A = arith.constant 0 : i32
        %dma_start3A_126 = arith.constant 0 : i32
        %dma_start3A_127 = tpu.memref_slice %arg10[%dma_start3A, %dma_start3A_126] : memref<128x128xf32, #tpu.memory_space<vmem>> -> memref<80x128xf32, #tpu.memory_space<vmem>>
        %dma_start3A_128 = arith.constant 0 : i32
        %dma_start3A_129 = tpu.memref_slice %arg12[%mul3A_125, %dma_start3A_128] : memref<10000x128xf32, #tpu.memory_space<vmem_shared>> -> memref<80x128xf32, #tpu.memory_space<vmem_shared>>
        %dma_start3A_130 = arith.constant 0 : i32
        %dma_start3A_131 = tpu.memref_slice %arg12[%mul3A_125, %dma_start3A_130] : memref<10000x128xf32, #tpu.memory_space<vmem_shared>> -> memref<80x128xf32, #tpu.memory_space<vmem_shared>>
        %dma_start3A_132 = arith.constant 0 : i32
        %dma_start3A_133 = arith.constant 0 : i32
        %dma_start3A_134 = tpu.memref_slice %arg10[%dma_start3A_132, %dma_start3A_133] : memref<128x128xf32, #tpu.memory_space<vmem>> -> memref<80x128xf32, #tpu.memory_space<vmem>>
        tpu.enqueue_dma source(%dma_start3A_134 : memref<80x128xf32, #tpu.memory_space<vmem>>) target(%dma_start3A_131 : memref<80x128xf32, #tpu.memory_space<vmem_shared>>) target_semaphore(%run_scoped3A : memref<!tpu.dma_semaphore, #tpu.memory_space<semaphore_mem>>)
        %dma_wait3A = arith.constant 0 : i32
        %dma_wait3A_135 = arith.constant 0 : i32
        %dma_wait3A_136 = tpu.memref_slice %arg10[%dma_wait3A, %dma_wait3A_135] : memref<128x128xf32, #tpu.memory_space<vmem>> -> memref<80x128xf32, #tpu.memory_space<vmem>>
        %dma_wait3A_137 = arith.constant 0 : i32
        %dma_wait3A_138 = tpu.memref_slice %arg12[%mul3A_125, %dma_wait3A_137] : memref<10000x128xf32, #tpu.memory_space<vmem_shared>> -> memref<80x128xf32, #tpu.memory_space<vmem_shared>>
        %dma_wait3A_139 = arith.constant 0 : i32
        %dma_wait3A_140 = tpu.memref_slice %arg12[%mul3A_125, %dma_wait3A_139] : memref<10000x128xf32, #tpu.memory_space<vmem_shared>> -> memref<80x128xf32, #tpu.memory_space<vmem_shared>>
        %dma_wait3A_141 = arith.constant 0 : i32
        %dma_wait3A_142 = arith.constant 0 : i32
        %dma_wait3A_143 = tpu.memref_slice %arg10[%dma_wait3A_141, %dma_wait3A_142] : memref<128x128xf32, #tpu.memory_space<vmem>> -> memref<80x128xf32, #tpu.memory_space<vmem>>
        tpu.wait_dma2 semaphore(%run_scoped3A : memref<!tpu.dma_semaphore, #tpu.memory_space<semaphore_mem>>) src(%dma_wait3A_143 : memref<80x128xf32, #tpu.memory_space<vmem>>) dst(%dma_wait3A_140 : memref<80x128xf32, #tpu.memory_space<vmem_shared>>)
        tpu.yield
      }) : () -> ()
    } else {
    }
    %add3A_32 = arith.constant 64 : i32
    %add3A_33 = arith.addi %add3A_32, %arg1 : i32
    %lt3A_34 = arith.constant 125 : i32
    %lt3A_35 = arith.cmpi slt, %add3A_33, %lt3A_34 : i32
    %convert_element_type3A_36 = arith.extui %lt3A_35 : i1 to i32
    %cond3A_37 = arith.constant 0 : i32
    %cond3A_38 = arith.cmpi ne, %convert_element_type3A_36, %cond3A_37 : i32
    scf.if %cond3A_38 {
      %mul3A_124 = arith.constant 80 : i32
      %mul3A_125 = arith.muli %add3A_33, %mul3A_124 : i32
      "tpu.region"() ({
        %run_scoped3A = tpu.sem_alloc : memref<!tpu.dma_semaphore, #tpu.memory_space<semaphore_mem>>
        %dma_start3A = arith.constant 0 : i32
        %dma_start3A_126 = arith.constant 0 : i32
        %dma_start3A_127 = tpu.memref_slice %arg10[%dma_start3A, %dma_start3A_126] : memref<128x128xf32, #tpu.memory_space<vmem>> -> memref<80x128xf32, #tpu.memory_space<vmem>>
        %dma_start3A_128 = arith.constant 0 : i32
        %dma_start3A_129 = tpu.memref_slice %arg12[%mul3A_125, %dma_start3A_128] : memref<10000x128xf32, #tpu.memory_space<vmem_shared>> -> memref<80x128xf32, #tpu.memory_space<vmem_shared>>
        %dma_start3A_130 = arith.constant 0 : i32
        %dma_start3A_131 = tpu.memref_slice %arg12[%mul3A_125, %dma_start3A_130] : memref<10000x128xf32, #tpu.memory_space<vmem_shared>> -> memref<80x128xf32, #tpu.memory_space<vmem_shared>>
        %dma_start3A_132 = arith.constant 0 : i32
        %dma_start3A_133 = arith.constant 0 : i32
        %dma_start3A_134 = tpu.memref_slice %arg10[%dma_start3A_132, %dma_start3A_133] : memref<128x128xf32, #tpu.memory_space<vmem>> -> memref<80x128xf32, #tpu.memory_space<vmem>>
        tpu.enqueue_dma source(%dma_start3A_134 : memref<80x128xf32, #tpu.memory_space<vmem>>) target(%dma_start3A_131 : memref<80x128xf32, #tpu.memory_space<vmem_shared>>) target_semaphore(%run_scoped3A : memref<!tpu.dma_semaphore, #tpu.memory_space<semaphore_mem>>)
        %dma_wait3A = arith.constant 0 : i32
        %dma_wait3A_135 = arith.constant 0 : i32
        %dma_wait3A_136 = tpu.memref_slice %arg10[%dma_wait3A, %dma_wait3A_135] : memref<128x128xf32, #tpu.memory_space<vmem>> -> memref<80x128xf32, #tpu.memory_space<vmem>>
        %dma_wait3A_137 = arith.constant 0 : i32
        %dma_wait3A_138 = tpu.memref_slice %arg12[%mul3A_125, %dma_wait3A_137] : memref<10000x128xf32, #tpu.memory_space<vmem_shared>> -> memref<80x128xf32, #tpu.memory_space<vmem_shared>>
        %dma_wait3A_139 = arith.constant 0 : i32
        %dma_wait3A_140 = tpu.memref_slice %arg12[%mul3A_125, %dma_wait3A_139] : memref<10000x128xf32, #tpu.memory_space<vmem_shared>> -> memref<80x128xf32, #tpu.memory_space<vmem_shared>>
        %dma_wait3A_141 = arith.constant 0 : i32
        %dma_wait3A_142 = arith.constant 0 : i32
        %dma_wait3A_143 = tpu.memref_slice %arg10[%dma_wait3A_141, %dma_wait3A_142] : memref<128x128xf32, #tpu.memory_space<vmem>> -> memref<80x128xf32, #tpu.memory_space<vmem>>
        tpu.wait_dma2 semaphore(%run_scoped3A : memref<!tpu.dma_semaphore, #tpu.memory_space<semaphore_mem>>) src(%dma_wait3A_143 : memref<80x128xf32, #tpu.memory_space<vmem>>) dst(%dma_wait3A_140 : memref<80x128xf32, #tpu.memory_space<vmem_shared>>)
        tpu.yield
      }) : () -> ()
    } else {
    }
    %add3A_39 = arith.constant 80 : i32
    %add3A_40 = arith.addi %add3A_39, %arg1 : i32
    %lt3A_41 = arith.constant 125 : i32
    %lt3A_42 = arith.cmpi slt, %add3A_40, %lt3A_41 : i32
    %convert_element_type3A_43 = arith.extui %lt3A_42 : i1 to i32
    %cond3A_44 = arith.constant 0 : i32
    %cond3A_45 = arith.cmpi ne, %convert_element_type3A_43, %cond3A_44 : i32
    scf.if %cond3A_45 {
      %mul3A_124 = arith.constant 80 : i32
      %mul3A_125 = arith.muli %add3A_40, %mul3A_124 : i32
      "tpu.region"() ({
        %run_scoped3A = tpu.sem_alloc : memref<!tpu.dma_semaphore, #tpu.memory_space<semaphore_mem>>
        %dma_start3A = arith.constant 0 : i32
        %dma_start3A_126 = arith.constant 0 : i32
        %dma_start3A_127 = tpu.memref_slice %arg10[%dma_start3A, %dma_start3A_126] : memref<128x128xf32, #tpu.memory_space<vmem>> -> memref<80x128xf32, #tpu.memory_space<vmem>>
        %dma_start3A_128 = arith.constant 0 : i32
        %dma_start3A_129 = tpu.memref_slice %arg12[%mul3A_125, %dma_start3A_128] : memref<10000x128xf32, #tpu.memory_space<vmem_shared>> -> memref<80x128xf32, #tpu.memory_space<vmem_shared>>
        %dma_start3A_130 = arith.constant 0 : i32
        %dma_start3A_131 = tpu.memref_slice %arg12[%mul3A_125, %dma_start3A_130] : memref<10000x128xf32, #tpu.memory_space<vmem_shared>> -> memref<80x128xf32, #tpu.memory_space<vmem_shared>>
        %dma_start3A_132 = arith.constant 0 : i32
        %dma_start3A_133 = arith.constant 0 : i32
        %dma_start3A_134 = tpu.memref_slice %arg10[%dma_start3A_132, %dma_start3A_133] : memref<128x128xf32, #tpu.memory_space<vmem>> -> memref<80x128xf32, #tpu.memory_space<vmem>>
        tpu.enqueue_dma source(%dma_start3A_134 : memref<80x128xf32, #tpu.memory_space<vmem>>) target(%dma_start3A_131 : memref<80x128xf32, #tpu.memory_space<vmem_shared>>) target_semaphore(%run_scoped3A : memref<!tpu.dma_semaphore, #tpu.memory_space<semaphore_mem>>)
        %dma_wait3A = arith.constant 0 : i32
        %dma_wait3A_135 = arith.constant 0 : i32
        %dma_wait3A_136 = tpu.memref_slice %arg10[%dma_wait3A, %dma_wait3A_135] : memref<128x128xf32, #tpu.memory_space<vmem>> -> memref<80x128xf32, #tpu.memory_space<vmem>>
        %dma_wait3A_137 = arith.constant 0 : i32
        %dma_wait3A_138 = tpu.memref_slice %arg12[%mul3A_125, %dma_wait3A_137] : memref<10000x128xf32, #tpu.memory_space<vmem_shared>> -> memref<80x128xf32, #tpu.memory_space<vmem_shared>>
        %dma_wait3A_139 = arith.constant 0 : i32
        %dma_wait3A_140 = tpu.memref_slice %arg12[%mul3A_125, %dma_wait3A_139] : memref<10000x128xf32, #tpu.memory_space<vmem_shared>> -> memref<80x128xf32, #tpu.memory_space<vmem_shared>>
        %dma_wait3A_141 = arith.constant 0 : i32
        %dma_wait3A_142 = arith.constant 0 : i32
        %dma_wait3A_143 = tpu.memref_slice %arg10[%dma_wait3A_141, %dma_wait3A_142] : memref<128x128xf32, #tpu.memory_space<vmem>> -> memref<80x128xf32, #tpu.memory_space<vmem>>
        tpu.wait_dma2 semaphore(%run_scoped3A : memref<!tpu.dma_semaphore, #tpu.memory_space<semaphore_mem>>) src(%dma_wait3A_143 : memref<80x128xf32, #tpu.memory_space<vmem>>) dst(%dma_wait3A_140 : memref<80x128xf32, #tpu.memory_space<vmem_shared>>)
        tpu.yield
      }) : () -> ()
    } else {
    }
    %add3A_46 = arith.constant 96 : i32
    %add3A_47 = arith.addi %add3A_46, %arg1 : i32
    %lt3A_48 = arith.constant 125 : i32
    %lt3A_49 = arith.cmpi slt, %add3A_47, %lt3A_48 : i32
    %convert_element_type3A_50 = arith.extui %lt3A_49 : i1 to i32
    %cond3A_51 = arith.constant 0 : i32
    %cond3A_52 = arith.cmpi ne, %convert_element_type3A_50, %cond3A_51 : i32
    scf.if %cond3A_52 {
      %mul3A_124 = arith.constant 80 : i32
      %mul3A_125 = arith.muli %add3A_47, %mul3A_124 : i32
      "tpu.region"() ({
        %run_scoped3A = tpu.sem_alloc : memref<!tpu.dma_semaphore, #tpu.memory_space<semaphore_mem>>
        %dma_start3A = arith.constant 0 : i32
        %dma_start3A_126 = arith.constant 0 : i32
        %dma_start3A_127 = tpu.memref_slice %arg10[%dma_start3A, %dma_start3A_126] : memref<128x128xf32, #tpu.memory_space<vmem>> -> memref<80x128xf32, #tpu.memory_space<vmem>>
        %dma_start3A_128 = arith.constant 0 : i32
        %dma_start3A_129 = tpu.memref_slice %arg12[%mul3A_125, %dma_start3A_128] : memref<10000x128xf32, #tpu.memory_space<vmem_shared>> -> memref<80x128xf32, #tpu.memory_space<vmem_shared>>
        %dma_start3A_130 = arith.constant 0 : i32
        %dma_start3A_131 = tpu.memref_slice %arg12[%mul3A_125, %dma_start3A_130] : memref<10000x128xf32, #tpu.memory_space<vmem_shared>> -> memref<80x128xf32, #tpu.memory_space<vmem_shared>>
        %dma_start3A_132 = arith.constant 0 : i32
        %dma_start3A_133 = arith.constant 0 : i32
        %dma_start3A_134 = tpu.memref_slice %arg10[%dma_start3A_132, %dma_start3A_133] : memref<128x128xf32, #tpu.memory_space<vmem>> -> memref<80x128xf32, #tpu.memory_space<vmem>>
        tpu.enqueue_dma source(%dma_start3A_134 : memref<80x128xf32, #tpu.memory_space<vmem>>) target(%dma_start3A_131 : memref<80x128xf32, #tpu.memory_space<vmem_shared>>) target_semaphore(%run_scoped3A : memref<!tpu.dma_semaphore, #tpu.memory_space<semaphore_mem>>)
        %dma_wait3A = arith.constant 0 : i32
        %dma_wait3A_135 = arith.constant 0 : i32
        %dma_wait3A_136 = tpu.memref_slice %arg10[%dma_wait3A, %dma_wait3A_135] : memref<128x128xf32, #tpu.memory_space<vmem>> -> memref<80x128xf32, #tpu.memory_space<vmem>>
        %dma_wait3A_137 = arith.constant 0 : i32
        %dma_wait3A_138 = tpu.memref_slice %arg12[%mul3A_125, %dma_wait3A_137] : memref<10000x128xf32, #tpu.memory_space<vmem_shared>> -> memref<80x128xf32, #tpu.memory_space<vmem_shared>>
        %dma_wait3A_139 = arith.constant 0 : i32
        %dma_wait3A_140 = tpu.memref_slice %arg12[%mul3A_125, %dma_wait3A_139] : memref<10000x128xf32, #tpu.memory_space<vmem_shared>> -> memref<80x128xf32, #tpu.memory_space<vmem_shared>>
        %dma_wait3A_141 = arith.constant 0 : i32
        %dma_wait3A_142 = arith.constant 0 : i32
        %dma_wait3A_143 = tpu.memref_slice %arg10[%dma_wait3A_141, %dma_wait3A_142] : memref<128x128xf32, #tpu.memory_space<vmem>> -> memref<80x128xf32, #tpu.memory_space<vmem>>
        tpu.wait_dma2 semaphore(%run_scoped3A : memref<!tpu.dma_semaphore, #tpu.memory_space<semaphore_mem>>) src(%dma_wait3A_143 : memref<80x128xf32, #tpu.memory_space<vmem>>) dst(%dma_wait3A_140 : memref<80x128xf32, #tpu.memory_space<vmem_shared>>)
        tpu.yield
      }) : () -> ()
    } else {
    }
    %add3A_53 = arith.constant 112 : i32
    %add3A_54 = arith.addi %add3A_53, %arg1 : i32
    %lt3A_55 = arith.constant 125 : i32
    %lt3A_56 = arith.cmpi slt, %add3A_54, %lt3A_55 : i32
    %convert_element_type3A_57 = arith.extui %lt3A_56 : i1 to i32
    %cond3A_58 = arith.constant 0 : i32
    %cond3A_59 = arith.cmpi ne, %convert_element_type3A_57, %cond3A_58 : i32
    scf.if %cond3A_59 {
      %mul3A_124 = arith.constant 80 : i32
      %mul3A_125 = arith.muli %add3A_54, %mul3A_124 : i32
      "tpu.region"() ({
        %run_scoped3A = tpu.sem_alloc : memref<!tpu.dma_semaphore, #tpu.memory_space<semaphore_mem>>
        %dma_start3A = arith.constant 0 : i32
        %dma_start3A_126 = arith.constant 0 : i32
        %dma_start3A_127 = tpu.memref_slice %arg10[%dma_start3A, %dma_start3A_126] : memref<128x128xf32, #tpu.memory_space<vmem>> -> memref<80x128xf32, #tpu.memory_space<vmem>>
        %dma_start3A_128 = arith.constant 0 : i32
        %dma_start3A_129 = tpu.memref_slice %arg12[%mul3A_125, %dma_start3A_128] : memref<10000x128xf32, #tpu.memory_space<vmem_shared>> -> memref<80x128xf32, #tpu.memory_space<vmem_shared>>
        %dma_start3A_130 = arith.constant 0 : i32
        %dma_start3A_131 = tpu.memref_slice %arg12[%mul3A_125, %dma_start3A_130] : memref<10000x128xf32, #tpu.memory_space<vmem_shared>> -> memref<80x128xf32, #tpu.memory_space<vmem_shared>>
        %dma_start3A_132 = arith.constant 0 : i32
        %dma_start3A_133 = arith.constant 0 : i32
        %dma_start3A_134 = tpu.memref_slice %arg10[%dma_start3A_132, %dma_start3A_133] : memref<128x128xf32, #tpu.memory_space<vmem>> -> memref<80x128xf32, #tpu.memory_space<vmem>>
        tpu.enqueue_dma source(%dma_start3A_134 : memref<80x128xf32, #tpu.memory_space<vmem>>) target(%dma_start3A_131 : memref<80x128xf32, #tpu.memory_space<vmem_shared>>) target_semaphore(%run_scoped3A : memref<!tpu.dma_semaphore, #tpu.memory_space<semaphore_mem>>)
        %dma_wait3A = arith.constant 0 : i32
        %dma_wait3A_135 = arith.constant 0 : i32
        %dma_wait3A_136 = tpu.memref_slice %arg10[%dma_wait3A, %dma_wait3A_135] : memref<128x128xf32, #tpu.memory_space<vmem>> -> memref<80x128xf32, #tpu.memory_space<vmem>>
        %dma_wait3A_137 = arith.constant 0 : i32
        %dma_wait3A_138 = tpu.memref_slice %arg12[%mul3A_125, %dma_wait3A_137] : memref<10000x128xf32, #tpu.memory_space<vmem_shared>> -> memref<80x128xf32, #tpu.memory_space<vmem_shared>>
        %dma_wait3A_139 = arith.constant 0 : i32
        %dma_wait3A_140 = tpu.memref_slice %arg12[%mul3A_125, %dma_wait3A_139] : memref<10000x128xf32, #tpu.memory_space<vmem_shared>> -> memref<80x128xf32, #tpu.memory_space<vmem_shared>>
        %dma_wait3A_141 = arith.constant 0 : i32
        %dma_wait3A_142 = arith.constant 0 : i32
        %dma_wait3A_143 = tpu.memref_slice %arg10[%dma_wait3A_141, %dma_wait3A_142] : memref<128x128xf32, #tpu.memory_space<vmem>> -> memref<80x128xf32, #tpu.memory_space<vmem>>
        tpu.wait_dma2 semaphore(%run_scoped3A : memref<!tpu.dma_semaphore, #tpu.memory_space<semaphore_mem>>) src(%dma_wait3A_143 : memref<80x128xf32, #tpu.memory_space<vmem>>) dst(%dma_wait3A_140 : memref<80x128xf32, #tpu.memory_space<vmem_shared>>)
        tpu.yield
      }) : () -> ()
    } else {
    }
    %barrier3A = arith.constant 0 : index
    tpu.barrier barrier_id(%barrier3A)
    %scan3A_60 = arith.constant 0 : i32
    %scan3A_61 = arith.constant 0 : i32
    %scan3A_62 = arith.constant 81 : i32
    %scan3A_63 = arith.addi %scan3A_61, %scan3A_62 : i32
    %scan3A_64 = arith.constant 1 : i32
    %scan3A_65 = scf.for %scan3A_124 = %scan3A_61 to %scan3A_63 step %scan3A_64 iter_args(%scan3A_125 = %scan3A_60) -> (i32)  : i32 {
      %dma_start3A = arith.constant 0 : i32
      %dma_start3A_126 = tpu.memref_slice %arg7[%scan3A_124, %dma_start3A] : memref<81x128xi32, #tpu.memory_space<vmem>> -> memref<1x128xi32, #tpu.memory_space<vmem>>
      %dma_start3A_127 = tpu.memref_squeeze %dma_start3A_126 : memref<1x128xi32, #tpu.memory_space<vmem>> -> memref<128xi32, #tpu.memory_space<vmem>>
      %dma_start3A_128 = arith.constant 0 : i32
      %dma_start3A_129 = arith.constant 0 : i32
      %dma_start3A_130 = tpu.memref_slice %arg2[%dma_start3A_128, %dma_start3A_129] : memref<10000x128xf32, #tpu.memory_space<hbm>> -> memref<10000x128xf32, #tpu.memory_space<hbm>>
      tpu.enqueue_indirect_dma source(%dma_start3A_130 : memref<10000x128xf32, #tpu.memory_space<hbm>>) target(%arg10 : memref<128x128xf32, #tpu.memory_space<vmem>>) offsets(%dma_start3A_127 : memref<128xi32, #tpu.memory_space<vmem>>) semaphore(%arg11 : memref<!tpu.dma_semaphore, #tpu.memory_space<semaphore_mem>>)
      %dma_wait3A = arith.constant 0 : i32
      %dma_wait3A_131 = tpu.memref_slice %arg7[%scan3A_124, %dma_wait3A] : memref<81x128xi32, #tpu.memory_space<vmem>> -> memref<1x128xi32, #tpu.memory_space<vmem>>
      %dma_wait3A_132 = tpu.memref_squeeze %dma_wait3A_131 : memref<1x128xi32, #tpu.memory_space<vmem>> -> memref<128xi32, #tpu.memory_space<vmem>>
      %dma_wait3A_133 = arith.constant 0 : i32
      %dma_wait3A_134 = arith.constant 0 : i32
      %dma_wait3A_135 = tpu.memref_slice %arg2[%dma_wait3A_133, %dma_wait3A_134] : memref<10000x128xf32, #tpu.memory_space<hbm>> -> memref<10000x128xf32, #tpu.memory_space<hbm>>
      tpu.wait_indirect_dma semaphore(%arg11 : memref<!tpu.dma_semaphore, #tpu.memory_space<semaphore_mem>>) src(%dma_wait3A_135 : memref<10000x128xf32, #tpu.memory_space<hbm>>) dst(%arg10 : memref<128x128xf32, #tpu.memory_space<vmem>>)
      %scan3A_136 = arith.constant 0 : i32
      %scan3A_137 = arith.constant 0 : i32
      %scan3A_138 = arith.constant 8 : i32
      %scan3A_139 = arith.addi %scan3A_137, %scan3A_138 : i32
      %scan3A_140 = arith.constant 1 : i32
      %scan3A_141 = scf.for %scan3A_144 = %scan3A_137 to %scan3A_139 step %scan3A_140 iter_args(%scan3A_145 = %scan3A_136) -> (i32)  : i32 {
        %mul3A_146 = arith.constant 16 : i32
        %mul3A_147 = arith.muli %scan3A_144, %mul3A_146 : i32
        %get3A = arith.index_cast %scan3A_124 : i32 to index
        %get3A_148 = arith.index_cast %mul3A_147 : i32 to index
        %get3A_149 = tpu.vector_load %arg9[%get3A, %get3A_148] {strides = array<i32>} : memref<81x128xf32, #tpu.memory_space<vmem>>, vector<16xf32>,
        %slice3A = vector.extract_strided_slice %get3A_149 {offsets = [0], sizes = [1], strides = [1]} : vector<16xf32> to vector<1xf32>
        %squeeze3A = vector.extract %slice3A[0] : f32 from vector<1xf32>
        %broadcast_in_dim3A = vector.broadcast %squeeze3A : f32 to vector<16xf32>
        %mul3A_150 = arith.constant 16 : i32
        %mul3A_151 = arith.muli %scan3A_144, %mul3A_150 : i32
        %add3A_152 = arith.constant 0 : i32
        %add3A_153 = arith.addi %mul3A_151, %add3A_152 : i32
        %get3A_154 = arith.index_cast %add3A_153 : i32 to index
        %get3A_155 = arith.constant 0 : index
        %get3A_156 = tpu.vector_load %arg10[%get3A_154, %get3A_155] {strides = array<i32>} : memref<128x128xf32, #tpu.memory_space<vmem>>, vector<16xf32>,
        %mul3A_157 = arith.mulf %get3A_156, %broadcast_in_dim3A : vector<16xf32>
        %swap3A = arith.index_cast %add3A_153 : i32 to index
        %swap3A_158 = arith.constant 0 : index
        %swap3A_159 = tpu.vector_load %arg10[%swap3A, %swap3A_158] {strides = array<i32>} : memref<128x128xf32, #tpu.memory_space<vmem>>, vector<16xf32>,
        tpu.vector_store %arg10[%swap3A, %swap3A_158], %mul3A_157 {strides = array<i32>} : memref<128x128xf32, #tpu.memory_space<vmem>>, vector<16xf32>,
        %get3A_160 = arith.index_cast %add3A_153 : i32 to index
        %get3A_161 = arith.constant 16 : index
        %get3A_162 = tpu.vector_load %arg10[%get3A_160, %get3A_161] {strides = array<i32>} : memref<128x128xf32, #tpu.memory_space<vmem>>, vector<16xf32>,
        %mul3A_163 = arith.mulf %get3A_162, %broadcast_in_dim3A : vector<16xf32>
        %swap3A_164 = arith.index_cast %add3A_153 : i32 to index
        %swap3A_165 = arith.constant 16 : index
        %swap3A_166 = tpu.vector_load %arg10[%swap3A_164, %swap3A_165] {strides = array<i32>} : memref<128x128xf32, #tpu.memory_space<vmem>>, vector<16xf32>,
        tpu.vector_store %arg10[%swap3A_164, %swap3A_165], %mul3A_163 {strides = array<i32>} : memref<128x128xf32, #tpu.memory_space<vmem>>, vector<16xf32>,
        %get3A_167 = arith.index_cast %add3A_153 : i32 to index
        %get3A_168 = arith.constant 32 : index
        %get3A_169 = tpu.vector_load %arg10[%get3A_167, %get3A_168] {strides = array<i32>} : memref<128x128xf32, #tpu.memory_space<vmem>>, vector<16xf32>,
        %mul3A_170 = arith.mulf %get3A_169, %broadcast_in_dim3A : vector<16xf32>
        %swap3A_171 = arith.index_cast %add3A_153 : i32 to index
        %swap3A_172 = arith.constant 32 : index
        %swap3A_173 = tpu.vector_load %arg10[%swap3A_171, %swap3A_172] {strides = array<i32>} : memref<128x128xf32, #tpu.memory_space<vmem>>, vector<16xf32>,
        tpu.vector_store %arg10[%swap3A_171, %swap3A_172], %mul3A_170 {strides = array<i32>} : memref<128x128xf32, #tpu.memory_space<vmem>>, vector<16xf32>,
        %get3A_174 = arith.index_cast %add3A_153 : i32 to index
        %get3A_175 = arith.constant 48 : index
        %get3A_176 = tpu.vector_load %arg10[%get3A_174, %get3A_175] {strides = array<i32>} : memref<128x128xf32, #tpu.memory_space<vmem>>, vector<16xf32>,
        %mul3A_177 = arith.mulf %get3A_176, %broadcast_in_dim3A : vector<16xf32>
        %swap3A_178 = arith.index_cast %add3A_153 : i32 to index
        %swap3A_179 = arith.constant 48 : index
        %swap3A_180 = tpu.vector_load %arg10[%swap3A_178, %swap3A_179] {strides = array<i32>} : memref<128x128xf32, #tpu.memory_space<vmem>>, vector<16xf32>,
        tpu.vector_store %arg10[%swap3A_178, %swap3A_179], %mul3A_177 {strides = array<i32>} : memref<128x128xf32, #tpu.memory_space<vmem>>, vector<16xf32>,
        %get3A_181 = arith.index_cast %add3A_153 : i32 to index
        %get3A_182 = arith.constant 64 : index
        %get3A_183 = tpu.vector_load %arg10[%get3A_181, %get3A_182] {strides = array<i32>} : memref<128x128xf32, #tpu.memory_space<vmem>>, vector<16xf32>,
        %mul3A_184 = arith.mulf %get3A_183, %broadcast_in_dim3A : vector<16xf32>
        %swap3A_185 = arith.index_cast %add3A_153 : i32 to index
        %swap3A_186 = arith.constant 64 : index
        %swap3A_187 = tpu.vector_load %arg10[%swap3A_185, %swap3A_186] {strides = array<i32>} : memref<128x128xf32, #tpu.memory_space<vmem>>, vector<16xf32>,
        tpu.vector_store %arg10[%swap3A_185, %swap3A_186], %mul3A_184 {strides = array<i32>} : memref<128x128xf32, #tpu.memory_space<vmem>>, vector<16xf32>,
        %get3A_188 = arith.index_cast %add3A_153 : i32 to index
        %get3A_189 = arith.constant 80 : index
        %get3A_190 = tpu.vector_load %arg10[%get3A_188, %get3A_189] {strides = array<i32>} : memref<128x128xf32, #tpu.memory_space<vmem>>, vector<16xf32>,
        %mul3A_191 = arith.mulf %get3A_190, %broadcast_in_dim3A : vector<16xf32>
        %swap3A_192 = arith.index_cast %add3A_153 : i32 to index
        %swap3A_193 = arith.constant 80 : index
        %swap3A_194 = tpu.vector_load %arg10[%swap3A_192, %swap3A_193] {strides = array<i32>} : memref<128x128xf32, #tpu.memory_space<vmem>>, vector<16xf32>,
        tpu.vector_store %arg10[%swap3A_192, %swap3A_193], %mul3A_191 {strides = array<i32>} : memref<128x128xf32, #tpu.memory_space<vmem>>, vector<16xf32>,
        %get3A_195 = arith.index_cast %add3A_153 : i32 to index
        %get3A_196 = arith.constant 96 : index
        %get3A_197 = tpu.vector_load %arg10[%get3A_195, %get3A_196] {strides = array<i32>} : memref<128x128xf32, #tpu.memory_space<vmem>>, vector<16xf32>,
        %mul3A_198 = arith.mulf %get3A_197, %broadcast_in_dim3A : vector<16xf32>
        %swap3A_199 = arith.index_cast %add3A_153 : i32 to index
        %swap3A_200 = arith.constant 96 : index
        %swap3A_201 = tpu.vector_load %arg10[%swap3A_199, %swap3A_200] {strides = array<i32>} : memref<128x128xf32, #tpu.memory_space<vmem>>, vector<16xf32>,
        tpu.vector_store %arg10[%swap3A_199, %swap3A_200], %mul3A_198 {strides = array<i32>} : memref<128x128xf32, #tpu.memory_space<vmem>>, vector<16xf32>,
        %get3A_202 = arith.index_cast %add3A_153 : i32 to index
        %get3A_203 = arith.constant 112 : index
        %get3A_204 = tpu.vector_load %arg10[%get3A_202, %get3A_203] {strides = array<i32>} : memref<128x128xf32, #tpu.memory_space<vmem>>, vector<16xf32>,
        %mul3A_205 = arith.mulf %get3A_204, %broadcast_in_dim3A : vector<16xf32>
        %swap3A_206 = arith.index_cast %add3A_153 : i32 to index
        %swap3A_207 = arith.constant 112 : index
        %swap3A_208 = tpu.vector_load %arg10[%swap3A_206, %swap3A_207] {strides = array<i32>} : memref<128x128xf32, #tpu.memory_space<vmem>>, vector<16xf32>,
        tpu.vector_store %arg10[%swap3A_206, %swap3A_207], %mul3A_205 {strides = array<i32>} : memref<128x128xf32, #tpu.memory_space<vmem>>, vector<16xf32>,
        %slice3A_209 = vector.extract_strided_slice %get3A_149 {offsets = [1], sizes = [1], strides = [1]} : vector<16xf32> to vector<1xf32>
        %squeeze3A_210 = vector.extract %slice3A_209[0] : f32 from vector<1xf32>
        %broadcast_in_dim3A_211 = vector.broadcast %squeeze3A_210 : f32 to vector<16xf32>
        %mul3A_212 = arith.constant 16 : i32
        %mul3A_213 = arith.muli %scan3A_144, %mul3A_212 : i32
        %add3A_214 = arith.constant 1 : i32
        %add3A_215 = arith.addi %mul3A_213, %add3A_214 : i32
        %get3A_216 = arith.index_cast %add3A_215 : i32 to index
        %get3A_217 = arith.constant 0 : index
        %get3A_218 = tpu.vector_load %arg10[%get3A_216, %get3A_217] {strides = array<i32>} : memref<128x128xf32, #tpu.memory_space<vmem>>, vector<16xf32>,
        %mul3A_219 = arith.mulf %get3A_218, %broadcast_in_dim3A_211 : vector<16xf32>
        %swap3A_220 = arith.index_cast %add3A_215 : i32 to index
        %swap3A_221 = arith.constant 0 : index
        %swap3A_222 = tpu.vector_load %arg10[%swap3A_220, %swap3A_221] {strides = array<i32>} : memref<128x128xf32, #tpu.memory_space<vmem>>, vector<16xf32>,
        tpu.vector_store %arg10[%swap3A_220, %swap3A_221], %mul3A_219 {strides = array<i32>} : memref<128x128xf32, #tpu.memory_space<vmem>>, vector<16xf32>,
        %get3A_223 = arith.index_cast %add3A_215 : i32 to index
        %get3A_224 = arith.constant 16 : index
        %get3A_225 = tpu.vector_load %arg10[%get3A_223, %get3A_224] {strides = array<i32>} : memref<128x128xf32, #tpu.memory_space<vmem>>, vector<16xf32>,
        %mul3A_226 = arith.mulf %get3A_225, %broadcast_in_dim3A_211 : vector<16xf32>
        %swap3A_227 = arith.index_cast %add3A_215 : i32 to index
        %swap3A_228 = arith.constant 16 : index
        %swap3A_229 = tpu.vector_load %arg10[%swap3A_227, %swap3A_228] {strides = array<i32>} : memref<128x128xf32, #tpu.memory_space<vmem>>, vector<16xf32>,
        tpu.vector_store %arg10[%swap3A_227, %swap3A_228], %mul3A_226 {strides = array<i32>} : memref<128x128xf32, #tpu.memory_space<vmem>>, vector<16xf32>,
        %get3A_230 = arith.index_cast %add3A_215 : i32 to index
        %get3A_231 = arith.constant 32 : index
        %get3A_232 = tpu.vector_load %arg10[%get3A_230, %get3A_231] {strides = array<i32>} : memref<128x128xf32, #tpu.memory_space<vmem>>, vector<16xf32>,
        %mul3A_233 = arith.mulf %get3A_232, %broadcast_in_dim3A_211 : vector<16xf32>
        %swap3A_234 = arith.index_cast %add3A_215 : i32 to index
        %swap3A_235 = arith.constant 32 : index
        %swap3A_236 = tpu.vector_load %arg10[%swap3A_234, %swap3A_235] {strides = array<i32>} : memref<128x128xf32, #tpu.memory_space<vmem>>, vector<16xf32>,
        tpu.vector_store %arg10[%swap3A_234, %swap3A_235], %mul3A_233 {strides = array<i32>} : memref<128x128xf32, #tpu.memory_space<vmem>>, vector<16xf32>,
        %get3A_237 = arith.index_cast %add3A_215 : i32 to index
        %get3A_238 = arith.constant 48 : index
        %get3A_239 = tpu.vector_load %arg10[%get3A_237, %get3A_238] {strides = array<i32>} : memref<128x128xf32, #tpu.memory_space<vmem>>, vector<16xf32>,
        %mul3A_240 = arith.mulf %get3A_239, %broadcast_in_dim3A_211 : vector<16xf32>
        %swap3A_241 = arith.index_cast %add3A_215 : i32 to index
        %swap3A_242 = arith.constant 48 : index
        %swap3A_243 = tpu.vector_load %arg10[%swap3A_241, %swap3A_242] {strides = array<i32>} : memref<128x128xf32, #tpu.memory_space<vmem>>, vector<16xf32>,
        tpu.vector_store %arg10[%swap3A_241, %swap3A_242], %mul3A_240 {strides = array<i32>} : memref<128x128xf32, #tpu.memory_space<vmem>>, vector<16xf32>,
        %get3A_244 = arith.index_cast %add3A_215 : i32 to index
        %get3A_245 = arith.constant 64 : index
        %get3A_246 = tpu.vector_load %arg10[%get3A_244, %get3A_245] {strides = array<i32>} : memref<128x128xf32, #tpu.memory_space<vmem>>, vector<16xf32>,
        %mul3A_247 = arith.mulf %get3A_246, %broadcast_in_dim3A_211 : vector<16xf32>
        %swap3A_248 = arith.index_cast %add3A_215 : i32 to index
        %swap3A_249 = arith.constant 64 : index
        %swap3A_250 = tpu.vector_load %arg10[%swap3A_248, %swap3A_249] {strides = array<i32>} : memref<128x128xf32, #tpu.memory_space<vmem>>, vector<16xf32>,
        tpu.vector_store %arg10[%swap3A_248, %swap3A_249], %mul3A_247 {strides = array<i32>} : memref<128x128xf32, #tpu.memory_space<vmem>>, vector<16xf32>,
        %get3A_251 = arith.index_cast %add3A_215 : i32 to index
        %get3A_252 = arith.constant 80 : index
        %get3A_253 = tpu.vector_load %arg10[%get3A_251, %get3A_252] {strides = array<i32>} : memref<128x128xf32, #tpu.memory_space<vmem>>, vector<16xf32>,
        %mul3A_254 = arith.mulf %get3A_253, %broadcast_in_dim3A_211 : vector<16xf32>
        %swap3A_255 = arith.index_cast %add3A_215 : i32 to index
        %swap3A_256 = arith.constant 80 : index
        %swap3A_257 = tpu.vector_load %arg10[%swap3A_255, %swap3A_256] {strides = array<i32>} : memref<128x128xf32, #tpu.memory_space<vmem>>, vector<16xf32>,
        tpu.vector_store %arg10[%swap3A_255, %swap3A_256], %mul3A_254 {strides = array<i32>} : memref<128x128xf32, #tpu.memory_space<vmem>>, vector<16xf32>,
        %get3A_258 = arith.index_cast %add3A_215 : i32 to index
        %get3A_259 = arith.constant 96 : index
        %get3A_260 = tpu.vector_load %arg10[%get3A_258, %get3A_259] {strides = array<i32>} : memref<128x128xf32, #tpu.memory_space<vmem>>, vector<16xf32>,
        %mul3A_261 = arith.mulf %get3A_260, %broadcast_in_dim3A_211 : vector<16xf32>
        %swap3A_262 = arith.index_cast %add3A_215 : i32 to index
        %swap3A_263 = arith.constant 96 : index
        %swap3A_264 = tpu.vector_load %arg10[%swap3A_262, %swap3A_263] {strides = array<i32>} : memref<128x128xf32, #tpu.memory_space<vmem>>, vector<16xf32>,
        tpu.vector_store %arg10[%swap3A_262, %swap3A_263], %mul3A_261 {strides = array<i32>} : memref<128x128xf32, #tpu.memory_space<vmem>>, vector<16xf32>,
        %get3A_265 = arith.index_cast %add3A_215 : i32 to index
        %get3A_266 = arith.constant 112 : index
        %get3A_267 = tpu.vector_load %arg10[%get3A_265, %get3A_266] {strides = array<i32>} : memref<128x128xf32, #tpu.memory_space<vmem>>, vector<16xf32>,
        %mul3A_268 = arith.mulf %get3A_267, %broadcast_in_dim3A_211 : vector<16xf32>
        %swap3A_269 = arith.index_cast %add3A_215 : i32 to index
        %swap3A_270 = arith.constant 112 : index
        %swap3A_271 = tpu.vector_load %arg10[%swap3A_269, %swap3A_270] {strides = array<i32>} : memref<128x128xf32, #tpu.memory_space<vmem>>, vector<16xf32>,
        tpu.vector_store %arg10[%swap3A_269, %swap3A_270], %mul3A_268 {strides = array<i32>} : memref<128x128xf32, #tpu.memory_space<vmem>>, vector<16xf32>,
        %slice3A_272 = vector.extract_strided_slice %get3A_149 {offsets = [2], sizes = [1], strides = [1]} : vector<16xf32> to vector<1xf32>
        %squeeze3A_273 = vector.extract %slice3A_272[0] : f32 from vector<1xf32>
        %broadcast_in_dim3A_274 = vector.broadcast %squeeze3A_273 : f32 to vector<16xf32>
        %mul3A_275 = arith.constant 16 : i32
        %mul3A_276 = arith.muli %scan3A_144, %mul3A_275 : i32
        %add3A_277 = arith.constant 2 : i32
        %add3A_278 = arith.addi %mul3A_276, %add3A_277 : i32
        %get3A_279 = arith.index_cast %add3A_278 : i32 to index
        %get3A_280 = arith.constant 0 : index
        %get3A_281 = tpu.vector_load %arg10[%get3A_279, %get3A_280] {strides = array<i32>} : memref<128x128xf32, #tpu.memory_space<vmem>>, vector<16xf32>,
        %mul3A_282 = arith.mulf %get3A_281, %broadcast_in_dim3A_274 : vector<16xf32>
        %swap3A_283 = arith.index_cast %add3A_278 : i32 to index
        %swap3A_284 = arith.constant 0 : index
        %swap3A_285 = tpu.vector_load %arg10[%swap3A_283, %swap3A_284] {strides = array<i32>} : memref<128x128xf32, #tpu.memory_space<vmem>>, vector<16xf32>,
        tpu.vector_store %arg10[%swap3A_283, %swap3A_284], %mul3A_282 {strides = array<i32>} : memref<128x128xf32, #tpu.memory_space<vmem>>, vector<16xf32>,
        %get3A_286 = arith.index_cast %add3A_278 : i32 to index
        %get3A_287 = arith.constant 16 : index
        %get3A_288 = tpu.vector_load %arg10[%get3A_286, %get3A_287] {strides = array<i32>} : memref<128x128xf32, #tpu.memory_space<vmem>>, vector<16xf32>,
        %mul3A_289 = arith.mulf %get3A_288, %broadcast_in_dim3A_274 : vector<16xf32>
        %swap3A_290 = arith.index_cast %add3A_278 : i32 to index
        %swap3A_291 = arith.constant 16 : index
        %swap3A_292 = tpu.vector_load %arg10[%swap3A_290, %swap3A_291] {strides = array<i32>} : memref<128x128xf32, #tpu.memory_space<vmem>>, vector<16xf32>,
        tpu.vector_store %arg10[%swap3A_290, %swap3A_291], %mul3A_289 {strides = array<i32>} : memref<128x128xf32, #tpu.memory_space<vmem>>, vector<16xf32>,
        %get3A_293 = arith.index_cast %add3A_278 : i32 to index
        %get3A_294 = arith.constant 32 : index
        %get3A_295 = tpu.vector_load %arg10[%get3A_293, %get3A_294] {strides = array<i32>} : memref<128x128xf32, #tpu.memory_space<vmem>>, vector<16xf32>,
        %mul3A_296 = arith.mulf %get3A_295, %broadcast_in_dim3A_274 : vector<16xf32>
        %swap3A_297 = arith.index_cast %add3A_278 : i32 to index
        %swap3A_298 = arith.constant 32 : index
        %swap3A_299 = tpu.vector_load %arg10[%swap3A_297, %swap3A_298] {strides = array<i32>} : memref<128x128xf32, #tpu.memory_space<vmem>>, vector<16xf32>,
        tpu.vector_store %arg10[%swap3A_297, %swap3A_298], %mul3A_296 {strides = array<i32>} : memref<128x128xf32, #tpu.memory_space<vmem>>, vector<16xf32>,
        %get3A_300 = arith.index_cast %add3A_278 : i32 to index
        %get3A_301 = arith.constant 48 : index
        %get3A_302 = tpu.vector_load %arg10[%get3A_300, %get3A_301] {strides = array<i32>} : memref<128x128xf32, #tpu.memory_space<vmem>>, vector<16xf32>,
        %mul3A_303 = arith.mulf %get3A_302, %broadcast_in_dim3A_274 : vector<16xf32>
        %swap3A_304 = arith.index_cast %add3A_278 : i32 to index
        %swap3A_305 = arith.constant 48 : index
        %swap3A_306 = tpu.vector_load %arg10[%swap3A_304, %swap3A_305] {strides = array<i32>} : memref<128x128xf32, #tpu.memory_space<vmem>>, vector<16xf32>,
        tpu.vector_store %arg10[%swap3A_304, %swap3A_305], %mul3A_303 {strides = array<i32>} : memref<128x128xf32, #tpu.memory_space<vmem>>, vector<16xf32>,
        %get3A_307 = arith.index_cast %add3A_278 : i32 to index
        %get3A_308 = arith.constant 64 : index
        %get3A_309 = tpu.vector_load %arg10[%get3A_307, %get3A_308] {strides = array<i32>} : memref<128x128xf32, #tpu.memory_space<vmem>>, vector<16xf32>,
        %mul3A_310 = arith.mulf %get3A_309, %broadcast_in_dim3A_274 : vector<16xf32>
        %swap3A_311 = arith.index_cast %add3A_278 : i32 to index
        %swap3A_312 = arith.constant 64 : index
        %swap3A_313 = tpu.vector_load %arg10[%swap3A_311, %swap3A_312] {strides = array<i32>} : memref<128x128xf32, #tpu.memory_space<vmem>>, vector<16xf32>,
        tpu.vector_store %arg10[%swap3A_311, %swap3A_312], %mul3A_310 {strides = array<i32>} : memref<128x128xf32, #tpu.memory_space<vmem>>, vector<16xf32>,
        %get3A_314 = arith.index_cast %add3A_278 : i32 to index
        %get3A_315 = arith.constant 80 : index
        %get3A_316 = tpu.vector_load %arg10[%get3A_314, %get3A_315] {strides = array<i32>} : memref<128x128xf32, #tpu.memory_space<vmem>>, vector<16xf32>,
        %mul3A_317 = arith.mulf %get3A_316, %broadcast_in_dim3A_274 : vector<16xf32>
        %swap3A_318 = arith.index_cast %add3A_278 : i32 to index
        %swap3A_319 = arith.constant 80 : index
        %swap3A_320 = tpu.vector_load %arg10[%swap3A_318, %swap3A_319] {strides = array<i32>} : memref<128x128xf32, #tpu.memory_space<vmem>>, vector<16xf32>,
        tpu.vector_store %arg10[%swap3A_318, %swap3A_319], %mul3A_317 {strides = array<i32>} : memref<128x128xf32, #tpu.memory_space<vmem>>, vector<16xf32>,
        %get3A_321 = arith.index_cast %add3A_278 : i32 to index
        %get3A_322 = arith.constant 96 : index
        %get3A_323 = tpu.vector_load %arg10[%get3A_321, %get3A_322] {strides = array<i32>} : memref<128x128xf32, #tpu.memory_space<vmem>>, vector<16xf32>,
        %mul3A_324 = arith.mulf %get3A_323, %broadcast_in_dim3A_274 : vector<16xf32>
        %swap3A_325 = arith.index_cast %add3A_278 : i32 to index
        %swap3A_326 = arith.constant 96 : index
        %swap3A_327 = tpu.vector_load %arg10[%swap3A_325, %swap3A_326] {strides = array<i32>} : memref<128x128xf32, #tpu.memory_space<vmem>>, vector<16xf32>,
        tpu.vector_store %arg10[%swap3A_325, %swap3A_326], %mul3A_324 {strides = array<i32>} : memref<128x128xf32, #tpu.memory_space<vmem>>, vector<16xf32>,
        %get3A_328 = arith.index_cast %add3A_278 : i32 to index
        %get3A_329 = arith.constant 112 : index
        %get3A_330 = tpu.vector_load %arg10[%get3A_328, %get3A_329] {strides = array<i32>} : memref<128x128xf32, #tpu.memory_space<vmem>>, vector<16xf32>,
        %mul3A_331 = arith.mulf %get3A_330, %broadcast_in_dim3A_274 : vector<16xf32>
        %swap3A_332 = arith.index_cast %add3A_278 : i32 to index
        %swap3A_333 = arith.constant 112 : index
        %swap3A_334 = tpu.vector_load %arg10[%swap3A_332, %swap3A_333] {strides = array<i32>} : memref<128x128xf32, #tpu.memory_space<vmem>>, vector<16xf32>,
        tpu.vector_store %arg10[%swap3A_332, %swap3A_333], %mul3A_331 {strides = array<i32>} : memref<128x128xf32, #tpu.memory_space<vmem>>, vector<16xf32>,
        %slice3A_335 = vector.extract_strided_slice %get3A_149 {offsets = [3], sizes = [1], strides = [1]} : vector<16xf32> to vector<1xf32>
        %squeeze3A_336 = vector.extract %slice3A_335[0] : f32 from vector<1xf32>
        %broadcast_in_dim3A_337 = vector.broadcast %squeeze3A_336 : f32 to vector<16xf32>
        %mul3A_338 = arith.constant 16 : i32
        %mul3A_339 = arith.muli %scan3A_144, %mul3A_338 : i32
        %add3A_340 = arith.constant 3 : i32
        %add3A_341 = arith.addi %mul3A_339, %add3A_340 : i32
        %get3A_342 = arith.index_cast %add3A_341 : i32 to index
        %get3A_343 = arith.constant 0 : index
        %get3A_344 = tpu.vector_load %arg10[%get3A_342, %get3A_343] {strides = array<i32>} : memref<128x128xf32, #tpu.memory_space<vmem>>, vector<16xf32>,
        %mul3A_345 = arith.mulf %get3A_344, %broadcast_in_dim3A_337 : vector<16xf32>
        %swap3A_346 = arith.index_cast %add3A_341 : i32 to index
        %swap3A_347 = arith.constant 0 : index
        %swap3A_348 = tpu.vector_load %arg10[%swap3A_346, %swap3A_347] {strides = array<i32>} : memref<128x128xf32, #tpu.memory_space<vmem>>, vector<16xf32>,
        tpu.vector_store %arg10[%swap3A_346, %swap3A_347], %mul3A_345 {strides = array<i32>} : memref<128x128xf32, #tpu.memory_space<vmem>>, vector<16xf32>,
        %get3A_349 = arith.index_cast %add3A_341 : i32 to index
        %get3A_350 = arith.constant 16 : index
        %get3A_351 = tpu.vector_load %arg10[%get3A_349, %get3A_350] {strides = array<i32>} : memref<128x128xf32, #tpu.memory_space<vmem>>, vector<16xf32>,
        %mul3A_352 = arith.mulf %get3A_351, %broadcast_in_dim3A_337 : vector<16xf32>
        %swap3A_353 = arith.index_cast %add3A_341 : i32 to index
        %swap3A_354 = arith.constant 16 : index
        %swap3A_355 = tpu.vector_load %arg10[%swap3A_353, %swap3A_354] {strides = array<i32>} : memref<128x128xf32, #tpu.memory_space<vmem>>, vector<16xf32>,
        tpu.vector_store %arg10[%swap3A_353, %swap3A_354], %mul3A_352 {strides = array<i32>} : memref<128x128xf32, #tpu.memory_space<vmem>>, vector<16xf32>,
        %get3A_356 = arith.index_cast %add3A_341 : i32 to index
        %get3A_357 = arith.constant 32 : index
        %get3A_358 = tpu.vector_load %arg10[%get3A_356, %get3A_357] {strides = array<i32>} : memref<128x128xf32, #tpu.memory_space<vmem>>, vector<16xf32>,
        %mul3A_359 = arith.mulf %get3A_358, %broadcast_in_dim3A_337 : vector<16xf32>
        %swap3A_360 = arith.index_cast %add3A_341 : i32 to index
        %swap3A_361 = arith.constant 32 : index
        %swap3A_362 = tpu.vector_load %arg10[%swap3A_360, %swap3A_361] {strides = array<i32>} : memref<128x128xf32, #tpu.memory_space<vmem>>, vector<16xf32>,
        tpu.vector_store %arg10[%swap3A_360, %swap3A_361], %mul3A_359 {strides = array<i32>} : memref<128x128xf32, #tpu.memory_space<vmem>>, vector<16xf32>,
        %get3A_363 = arith.index_cast %add3A_341 : i32 to index
        %get3A_364 = arith.constant 48 : index
        %get3A_365 = tpu.vector_load %arg10[%get3A_363, %get3A_364] {strides = array<i32>} : memref<128x128xf32, #tpu.memory_space<vmem>>, vector<16xf32>,
        %mul3A_366 = arith.mulf %get3A_365, %broadcast_in_dim3A_337 : vector<16xf32>
        %swap3A_367 = arith.index_cast %add3A_341 : i32 to index
        %swap3A_368 = arith.constant 48 : index
        %swap3A_369 = tpu.vector_load %arg10[%swap3A_367, %swap3A_368] {strides = array<i32>} : memref<128x128xf32, #tpu.memory_space<vmem>>, vector<16xf32>,
        tpu.vector_store %arg10[%swap3A_367, %swap3A_368], %mul3A_366 {strides = array<i32>} : memref<128x128xf32, #tpu.memory_space<vmem>>, vector<16xf32>,
        %get3A_370 = arith.index_cast %add3A_341 : i32 to index
        %get3A_371 = arith.constant 64 : index
        %get3A_372 = tpu.vector_load %arg10[%get3A_370, %get3A_371] {strides = array<i32>} : memref<128x128xf32, #tpu.memory_space<vmem>>, vector<16xf32>,
        %mul3A_373 = arith.mulf %get3A_372, %broadcast_in_dim3A_337 : vector<16xf32>
        %swap3A_374 = arith.index_cast %add3A_341 : i32 to index
        %swap3A_375 = arith.constant 64 : index
        %swap3A_376 = tpu.vector_load %arg10[%swap3A_374, %swap3A_375] {strides = array<i32>} : memref<128x128xf32, #tpu.memory_space<vmem>>, vector<16xf32>,
        tpu.vector_store %arg10[%swap3A_374, %swap3A_375], %mul3A_373 {strides = array<i32>} : memref<128x128xf32, #tpu.memory_space<vmem>>, vector<16xf32>,
        %get3A_377 = arith.index_cast %add3A_341 : i32 to index
        %get3A_378 = arith.constant 80 : index
        %get3A_379 = tpu.vector_load %arg10[%get3A_377, %get3A_378] {strides = array<i32>} : memref<128x128xf32, #tpu.memory_space<vmem>>, vector<16xf32>,
        %mul3A_380 = arith.mulf %get3A_379, %broadcast_in_dim3A_337 : vector<16xf32>
        %swap3A_381 = arith.index_cast %add3A_341 : i32 to index
        %swap3A_382 = arith.constant 80 : index
        %swap3A_383 = tpu.vector_load %arg10[%swap3A_381, %swap3A_382] {strides = array<i32>} : memref<128x128xf32, #tpu.memory_space<vmem>>, vector<16xf32>,
        tpu.vector_store %arg10[%swap3A_381, %swap3A_382], %mul3A_380 {strides = array<i32>} : memref<128x128xf32, #tpu.memory_space<vmem>>, vector<16xf32>,
        %get3A_384 = arith.index_cast %add3A_341 : i32 to index
        %get3A_385 = arith.constant 96 : index
        %get3A_386 = tpu.vector_load %arg10[%get3A_384, %get3A_385] {strides = array<i32>} : memref<128x128xf32, #tpu.memory_space<vmem>>, vector<16xf32>,
        %mul3A_387 = arith.mulf %get3A_386, %broadcast_in_dim3A_337 : vector<16xf32>
        %swap3A_388 = arith.index_cast %add3A_341 : i32 to index
        %swap3A_389 = arith.constant 96 : index
        %swap3A_390 = tpu.vector_load %arg10[%swap3A_388, %swap3A_389] {strides = array<i32>} : memref<128x128xf32, #tpu.memory_space<vmem>>, vector<16xf32>,
        tpu.vector_store %arg10[%swap3A_388, %swap3A_389], %mul3A_387 {strides = array<i32>} : memref<128x128xf32, #tpu.memory_space<vmem>>, vector<16xf32>,
        %get3A_391 = arith.index_cast %add3A_341 : i32 to index
        %get3A_392 = arith.constant 112 : index
        %get3A_393 = tpu.vector_load %arg10[%get3A_391, %get3A_392] {strides = array<i32>} : memref<128x128xf32, #tpu.memory_space<vmem>>, vector<16xf32>,
        %mul3A_394 = arith.mulf %get3A_393, %broadcast_in_dim3A_337 : vector<16xf32>
        %swap3A_395 = arith.index_cast %add3A_341 : i32 to index
        %swap3A_396 = arith.constant 112 : index
        %swap3A_397 = tpu.vector_load %arg10[%swap3A_395, %swap3A_396] {strides = array<i32>} : memref<128x128xf32, #tpu.memory_space<vmem>>, vector<16xf32>,
        tpu.vector_store %arg10[%swap3A_395, %swap3A_396], %mul3A_394 {strides = array<i32>} : memref<128x128xf32, #tpu.memory_space<vmem>>, vector<16xf32>,
        %slice3A_398 = vector.extract_strided_slice %get3A_149 {offsets = [4], sizes = [1], strides = [1]} : vector<16xf32> to vector<1xf32>
        %squeeze3A_399 = vector.extract %slice3A_398[0] : f32 from vector<1xf32>
        %broadcast_in_dim3A_400 = vector.broadcast %squeeze3A_399 : f32 to vector<16xf32>
        %mul3A_401 = arith.constant 16 : i32
        %mul3A_402 = arith.muli %scan3A_144, %mul3A_401 : i32
        %add3A_403 = arith.constant 4 : i32
        %add3A_404 = arith.addi %mul3A_402, %add3A_403 : i32
        %get3A_405 = arith.index_cast %add3A_404 : i32 to index
        %get3A_406 = arith.constant 0 : index
        %get3A_407 = tpu.vector_load %arg10[%get3A_405, %get3A_406] {strides = array<i32>} : memref<128x128xf32, #tpu.memory_space<vmem>>, vector<16xf32>,
        %mul3A_408 = arith.mulf %get3A_407, %broadcast_in_dim3A_400 : vector<16xf32>
        %swap3A_409 = arith.index_cast %add3A_404 : i32 to index
        %swap3A_410 = arith.constant 0 : index
        %swap3A_411 = tpu.vector_load %arg10[%swap3A_409, %swap3A_410] {strides = array<i32>} : memref<128x128xf32, #tpu.memory_space<vmem>>, vector<16xf32>,
        tpu.vector_store %arg10[%swap3A_409, %swap3A_410], %mul3A_408 {strides = array<i32>} : memref<128x128xf32, #tpu.memory_space<vmem>>, vector<16xf32>,
        %get3A_412 = arith.index_cast %add3A_404 : i32 to index
        %get3A_413 = arith.constant 16 : index
        %get3A_414 = tpu.vector_load %arg10[%get3A_412, %get3A_413] {strides = array<i32>} : memref<128x128xf32, #tpu.memory_space<vmem>>, vector<16xf32>,
        %mul3A_415 = arith.mulf %get3A_414, %broadcast_in_dim3A_400 : vector<16xf32>
        %swap3A_416 = arith.index_cast %add3A_404 : i32 to index
        %swap3A_417 = arith.constant 16 : index
        %swap3A_418 = tpu.vector_load %arg10[%swap3A_416, %swap3A_417] {strides = array<i32>} : memref<128x128xf32, #tpu.memory_space<vmem>>, vector<16xf32>,
        tpu.vector_store %arg10[%swap3A_416, %swap3A_417], %mul3A_415 {strides = array<i32>} : memref<128x128xf32, #tpu.memory_space<vmem>>, vector<16xf32>,
        %get3A_419 = arith.index_cast %add3A_404 : i32 to index
        %get3A_420 = arith.constant 32 : index
        %get3A_421 = tpu.vector_load %arg10[%get3A_419, %get3A_420] {strides = array<i32>} : memref<128x128xf32, #tpu.memory_space<vmem>>, vector<16xf32>,
        %mul3A_422 = arith.mulf %get3A_421, %broadcast_in_dim3A_400 : vector<16xf32>
        %swap3A_423 = arith.index_cast %add3A_404 : i32 to index
        %swap3A_424 = arith.constant 32 : index
        %swap3A_425 = tpu.vector_load %arg10[%swap3A_423, %swap3A_424] {strides = array<i32>} : memref<128x128xf32, #tpu.memory_space<vmem>>, vector<16xf32>,
        tpu.vector_store %arg10[%swap3A_423, %swap3A_424], %mul3A_422 {strides = array<i32>} : memref<128x128xf32, #tpu.memory_space<vmem>>, vector<16xf32>,
        %get3A_426 = arith.index_cast %add3A_404 : i32 to index
        %get3A_427 = arith.constant 48 : index
        %get3A_428 = tpu.vector_load %arg10[%get3A_426, %get3A_427] {strides = array<i32>} : memref<128x128xf32, #tpu.memory_space<vmem>>, vector<16xf32>,
        %mul3A_429 = arith.mulf %get3A_428, %broadcast_in_dim3A_400 : vector<16xf32>
        %swap3A_430 = arith.index_cast %add3A_404 : i32 to index
        %swap3A_431 = arith.constant 48 : index
        %swap3A_432 = tpu.vector_load %arg10[%swap3A_430, %swap3A_431] {strides = array<i32>} : memref<128x128xf32, #tpu.memory_space<vmem>>, vector<16xf32>,
        tpu.vector_store %arg10[%swap3A_430, %swap3A_431], %mul3A_429 {strides = array<i32>} : memref<128x128xf32, #tpu.memory_space<vmem>>, vector<16xf32>,
        %get3A_433 = arith.index_cast %add3A_404 : i32 to index
        %get3A_434 = arith.constant 64 : index
        %get3A_435 = tpu.vector_load %arg10[%get3A_433, %get3A_434] {strides = array<i32>} : memref<128x128xf32, #tpu.memory_space<vmem>>, vector<16xf32>,
        %mul3A_436 = arith.mulf %get3A_435, %broadcast_in_dim3A_400 : vector<16xf32>
        %swap3A_437 = arith.index_cast %add3A_404 : i32 to index
        %swap3A_438 = arith.constant 64 : index
        %swap3A_439 = tpu.vector_load %arg10[%swap3A_437, %swap3A_438] {strides = array<i32>} : memref<128x128xf32, #tpu.memory_space<vmem>>, vector<16xf32>,
        tpu.vector_store %arg10[%swap3A_437, %swap3A_438], %mul3A_436 {strides = array<i32>} : memref<128x128xf32, #tpu.memory_space<vmem>>, vector<16xf32>,
        %get3A_440 = arith.index_cast %add3A_404 : i32 to index
        %get3A_441 = arith.constant 80 : index
        %get3A_442 = tpu.vector_load %arg10[%get3A_440, %get3A_441] {strides = array<i32>} : memref<128x128xf32, #tpu.memory_space<vmem>>, vector<16xf32>,
        %mul3A_443 = arith.mulf %get3A_442, %broadcast_in_dim3A_400 : vector<16xf32>
        %swap3A_444 = arith.index_cast %add3A_404 : i32 to index
        %swap3A_445 = arith.constant 80 : index
        %swap3A_446 = tpu.vector_load %arg10[%swap3A_444, %swap3A_445] {strides = array<i32>} : memref<128x128xf32, #tpu.memory_space<vmem>>, vector<16xf32>,
        tpu.vector_store %arg10[%swap3A_444, %swap3A_445], %mul3A_443 {strides = array<i32>} : memref<128x128xf32, #tpu.memory_space<vmem>>, vector<16xf32>,
        %get3A_447 = arith.index_cast %add3A_404 : i32 to index
        %get3A_448 = arith.constant 96 : index
        %get3A_449 = tpu.vector_load %arg10[%get3A_447, %get3A_448] {strides = array<i32>} : memref<128x128xf32, #tpu.memory_space<vmem>>, vector<16xf32>,
        %mul3A_450 = arith.mulf %get3A_449, %broadcast_in_dim3A_400 : vector<16xf32>
        %swap3A_451 = arith.index_cast %add3A_404 : i32 to index
        %swap3A_452 = arith.constant 96 : index
        %swap3A_453 = tpu.vector_load %arg10[%swap3A_451, %swap3A_452] {strides = array<i32>} : memref<128x128xf32, #tpu.memory_space<vmem>>, vector<16xf32>,
        tpu.vector_store %arg10[%swap3A_451, %swap3A_452], %mul3A_450 {strides = array<i32>} : memref<128x128xf32, #tpu.memory_space<vmem>>, vector<16xf32>,
        %get3A_454 = arith.index_cast %add3A_404 : i32 to index
        %get3A_455 = arith.constant 112 : index
        %get3A_456 = tpu.vector_load %arg10[%get3A_454, %get3A_455] {strides = array<i32>} : memref<128x128xf32, #tpu.memory_space<vmem>>, vector<16xf32>,
        %mul3A_457 = arith.mulf %get3A_456, %broadcast_in_dim3A_400 : vector<16xf32>
        %swap3A_458 = arith.index_cast %add3A_404 : i32 to index
        %swap3A_459 = arith.constant 112 : index
        %swap3A_460 = tpu.vector_load %arg10[%swap3A_458, %swap3A_459] {strides = array<i32>} : memref<128x128xf32, #tpu.memory_space<vmem>>, vector<16xf32>,
        tpu.vector_store %arg10[%swap3A_458, %swap3A_459], %mul3A_457 {strides = array<i32>} : memref<128x128xf32, #tpu.memory_space<vmem>>, vector<16xf32>,
        %slice3A_461 = vector.extract_strided_slice %get3A_149 {offsets = [5], sizes = [1], strides = [1]} : vector<16xf32> to vector<1xf32>
        %squeeze3A_462 = vector.extract %slice3A_461[0] : f32 from vector<1xf32>
        %broadcast_in_dim3A_463 = vector.broadcast %squeeze3A_462 : f32 to vector<16xf32>
        %mul3A_464 = arith.constant 16 : i32
        %mul3A_465 = arith.muli %scan3A_144, %mul3A_464 : i32
        %add3A_466 = arith.constant 5 : i32
        %add3A_467 = arith.addi %mul3A_465, %add3A_466 : i32
        %get3A_468 = arith.index_cast %add3A_467 : i32 to index
        %get3A_469 = arith.constant 0 : index
        %get3A_470 = tpu.vector_load %arg10[%get3A_468, %get3A_469] {strides = array<i32>} : memref<128x128xf32, #tpu.memory_space<vmem>>, vector<16xf32>,
        %mul3A_471 = arith.mulf %get3A_470, %broadcast_in_dim3A_463 : vector<16xf32>
        %swap3A_472 = arith.index_cast %add3A_467 : i32 to index
        %swap3A_473 = arith.constant 0 : index
        %swap3A_474 = tpu.vector_load %arg10[%swap3A_472, %swap3A_473] {strides = array<i32>} : memref<128x128xf32, #tpu.memory_space<vmem>>, vector<16xf32>,
        tpu.vector_store %arg10[%swap3A_472, %swap3A_473], %mul3A_471 {strides = array<i32>} : memref<128x128xf32, #tpu.memory_space<vmem>>, vector<16xf32>,
        %get3A_475 = arith.index_cast %add3A_467 : i32 to index
        %get3A_476 = arith.constant 16 : index
        %get3A_477 = tpu.vector_load %arg10[%get3A_475, %get3A_476] {strides = array<i32>} : memref<128x128xf32, #tpu.memory_space<vmem>>, vector<16xf32>,
        %mul3A_478 = arith.mulf %get3A_477, %broadcast_in_dim3A_463 : vector<16xf32>
        %swap3A_479 = arith.index_cast %add3A_467 : i32 to index
        %swap3A_480 = arith.constant 16 : index
        %swap3A_481 = tpu.vector_load %arg10[%swap3A_479, %swap3A_480] {strides = array<i32>} : memref<128x128xf32, #tpu.memory_space<vmem>>, vector<16xf32>,
        tpu.vector_store %arg10[%swap3A_479, %swap3A_480], %mul3A_478 {strides = array<i32>} : memref<128x128xf32, #tpu.memory_space<vmem>>, vector<16xf32>,
        %get3A_482 = arith.index_cast %add3A_467 : i32 to index
        %get3A_483 = arith.constant 32 : index
        %get3A_484 = tpu.vector_load %arg10[%get3A_482, %get3A_483] {strides = array<i32>} : memref<128x128xf32, #tpu.memory_space<vmem>>, vector<16xf32>,
        %mul3A_485 = arith.mulf %get3A_484, %broadcast_in_dim3A_463 : vector<16xf32>
        %swap3A_486 = arith.index_cast %add3A_467 : i32 to index
        %swap3A_487 = arith.constant 32 : index
        %swap3A_488 = tpu.vector_load %arg10[%swap3A_486, %swap3A_487] {strides = array<i32>} : memref<128x128xf32, #tpu.memory_space<vmem>>, vector<16xf32>,
        tpu.vector_store %arg10[%swap3A_486, %swap3A_487], %mul3A_485 {strides = array<i32>} : memref<128x128xf32, #tpu.memory_space<vmem>>, vector<16xf32>,
        %get3A_489 = arith.index_cast %add3A_467 : i32 to index
        %get3A_490 = arith.constant 48 : index
        %get3A_491 = tpu.vector_load %arg10[%get3A_489, %get3A_490] {strides = array<i32>} : memref<128x128xf32, #tpu.memory_space<vmem>>, vector<16xf32>,
        %mul3A_492 = arith.mulf %get3A_491, %broadcast_in_dim3A_463 : vector<16xf32>
        %swap3A_493 = arith.index_cast %add3A_467 : i32 to index
        %swap3A_494 = arith.constant 48 : index
        %swap3A_495 = tpu.vector_load %arg10[%swap3A_493, %swap3A_494] {strides = array<i32>} : memref<128x128xf32, #tpu.memory_space<vmem>>, vector<16xf32>,
        tpu.vector_store %arg10[%swap3A_493, %swap3A_494], %mul3A_492 {strides = array<i32>} : memref<128x128xf32, #tpu.memory_space<vmem>>, vector<16xf32>,
        %get3A_496 = arith.index_cast %add3A_467 : i32 to index
        %get3A_497 = arith.constant 64 : index
        %get3A_498 = tpu.vector_load %arg10[%get3A_496, %get3A_497] {strides = array<i32>} : memref<128x128xf32, #tpu.memory_space<vmem>>, vector<16xf32>,
        %mul3A_499 = arith.mulf %get3A_498, %broadcast_in_dim3A_463 : vector<16xf32>
        %swap3A_500 = arith.index_cast %add3A_467 : i32 to index
        %swap3A_501 = arith.constant 64 : index
        %swap3A_502 = tpu.vector_load %arg10[%swap3A_500, %swap3A_501] {strides = array<i32>} : memref<128x128xf32, #tpu.memory_space<vmem>>, vector<16xf32>,
        tpu.vector_store %arg10[%swap3A_500, %swap3A_501], %mul3A_499 {strides = array<i32>} : memref<128x128xf32, #tpu.memory_space<vmem>>, vector<16xf32>,
        %get3A_503 = arith.index_cast %add3A_467 : i32 to index
        %get3A_504 = arith.constant 80 : index
        %get3A_505 = tpu.vector_load %arg10[%get3A_503, %get3A_504] {strides = array<i32>} : memref<128x128xf32, #tpu.memory_space<vmem>>, vector<16xf32>,
        %mul3A_506 = arith.mulf %get3A_505, %broadcast_in_dim3A_463 : vector<16xf32>
        %swap3A_507 = arith.index_cast %add3A_467 : i32 to index
        %swap3A_508 = arith.constant 80 : index
        %swap3A_509 = tpu.vector_load %arg10[%swap3A_507, %swap3A_508] {strides = array<i32>} : memref<128x128xf32, #tpu.memory_space<vmem>>, vector<16xf32>,
        tpu.vector_store %arg10[%swap3A_507, %swap3A_508], %mul3A_506 {strides = array<i32>} : memref<128x128xf32, #tpu.memory_space<vmem>>, vector<16xf32>,
        %get3A_510 = arith.index_cast %add3A_467 : i32 to index
        %get3A_511 = arith.constant 96 : index
        %get3A_512 = tpu.vector_load %arg10[%get3A_510, %get3A_511] {strides = array<i32>} : memref<128x128xf32, #tpu.memory_space<vmem>>, vector<16xf32>,
        %mul3A_513 = arith.mulf %get3A_512, %broadcast_in_dim3A_463 : vector<16xf32>
        %swap3A_514 = arith.index_cast %add3A_467 : i32 to index
        %swap3A_515 = arith.constant 96 : index
        %swap3A_516 = tpu.vector_load %arg10[%swap3A_514, %swap3A_515] {strides = array<i32>} : memref<128x128xf32, #tpu.memory_space<vmem>>, vector<16xf32>,
        tpu.vector_store %arg10[%swap3A_514, %swap3A_515], %mul3A_513 {strides = array<i32>} : memref<128x128xf32, #tpu.memory_space<vmem>>, vector<16xf32>,
        %get3A_517 = arith.index_cast %add3A_467 : i32 to index
        %get3A_518 = arith.constant 112 : index
        %get3A_519 = tpu.vector_load %arg10[%get3A_517, %get3A_518] {strides = array<i32>} : memref<128x128xf32, #tpu.memory_space<vmem>>, vector<16xf32>,
        %mul3A_520 = arith.mulf %get3A_519, %broadcast_in_dim3A_463 : vector<16xf32>
        %swap3A_521 = arith.index_cast %add3A_467 : i32 to index
        %swap3A_522 = arith.constant 112 : index
        %swap3A_523 = tpu.vector_load %arg10[%swap3A_521, %swap3A_522] {strides = array<i32>} : memref<128x128xf32, #tpu.memory_space<vmem>>, vector<16xf32>,
        tpu.vector_store %arg10[%swap3A_521, %swap3A_522], %mul3A_520 {strides = array<i32>} : memref<128x128xf32, #tpu.memory_space<vmem>>, vector<16xf32>,
        %slice3A_524 = vector.extract_strided_slice %get3A_149 {offsets = [6], sizes = [1], strides = [1]} : vector<16xf32> to vector<1xf32>
        %squeeze3A_525 = vector.extract %slice3A_524[0] : f32 from vector<1xf32>
        %broadcast_in_dim3A_526 = vector.broadcast %squeeze3A_525 : f32 to vector<16xf32>
        %mul3A_527 = arith.constant 16 : i32
        %mul3A_528 = arith.muli %scan3A_144, %mul3A_527 : i32
        %add3A_529 = arith.constant 6 : i32
        %add3A_530 = arith.addi %mul3A_528, %add3A_529 : i32
        %get3A_531 = arith.index_cast %add3A_530 : i32 to index
        %get3A_532 = arith.constant 0 : index
        %get3A_533 = tpu.vector_load %arg10[%get3A_531, %get3A_532] {strides = array<i32>} : memref<128x128xf32, #tpu.memory_space<vmem>>, vector<16xf32>,
        %mul3A_534 = arith.mulf %get3A_533, %broadcast_in_dim3A_526 : vector<16xf32>
        %swap3A_535 = arith.index_cast %add3A_530 : i32 to index
        %swap3A_536 = arith.constant 0 : index
        %swap3A_537 = tpu.vector_load %arg10[%swap3A_535, %swap3A_536] {strides = array<i32>} : memref<128x128xf32, #tpu.memory_space<vmem>>, vector<16xf32>,
        tpu.vector_store %arg10[%swap3A_535, %swap3A_536], %mul3A_534 {strides = array<i32>} : memref<128x128xf32, #tpu.memory_space<vmem>>, vector<16xf32>,
        %get3A_538 = arith.index_cast %add3A_530 : i32 to index
        %get3A_539 = arith.constant 16 : index
        %get3A_540 = tpu.vector_load %arg10[%get3A_538, %get3A_539] {strides = array<i32>} : memref<128x128xf32, #tpu.memory_space<vmem>>, vector<16xf32>,
        %mul3A_541 = arith.mulf %get3A_540, %broadcast_in_dim3A_526 : vector<16xf32>
        %swap3A_542 = arith.index_cast %add3A_530 : i32 to index
        %swap3A_543 = arith.constant 16 : index
        %swap3A_544 = tpu.vector_load %arg10[%swap3A_542, %swap3A_543] {strides = array<i32>} : memref<128x128xf32, #tpu.memory_space<vmem>>, vector<16xf32>,
        tpu.vector_store %arg10[%swap3A_542, %swap3A_543], %mul3A_541 {strides = array<i32>} : memref<128x128xf32, #tpu.memory_space<vmem>>, vector<16xf32>,
        %get3A_545 = arith.index_cast %add3A_530 : i32 to index
        %get3A_546 = arith.constant 32 : index
        %get3A_547 = tpu.vector_load %arg10[%get3A_545, %get3A_546] {strides = array<i32>} : memref<128x128xf32, #tpu.memory_space<vmem>>, vector<16xf32>,
        %mul3A_548 = arith.mulf %get3A_547, %broadcast_in_dim3A_526 : vector<16xf32>
        %swap3A_549 = arith.index_cast %add3A_530 : i32 to index
        %swap3A_550 = arith.constant 32 : index
        %swap3A_551 = tpu.vector_load %arg10[%swap3A_549, %swap3A_550] {strides = array<i32>} : memref<128x128xf32, #tpu.memory_space<vmem>>, vector<16xf32>,
        tpu.vector_store %arg10[%swap3A_549, %swap3A_550], %mul3A_548 {strides = array<i32>} : memref<128x128xf32, #tpu.memory_space<vmem>>, vector<16xf32>,
        %get3A_552 = arith.index_cast %add3A_530 : i32 to index
        %get3A_553 = arith.constant 48 : index
        %get3A_554 = tpu.vector_load %arg10[%get3A_552, %get3A_553] {strides = array<i32>} : memref<128x128xf32, #tpu.memory_space<vmem>>, vector<16xf32>,
        %mul3A_555 = arith.mulf %get3A_554, %broadcast_in_dim3A_526 : vector<16xf32>
        %swap3A_556 = arith.index_cast %add3A_530 : i32 to index
        %swap3A_557 = arith.constant 48 : index
        %swap3A_558 = tpu.vector_load %arg10[%swap3A_556, %swap3A_557] {strides = array<i32>} : memref<128x128xf32, #tpu.memory_space<vmem>>, vector<16xf32>,
        tpu.vector_store %arg10[%swap3A_556, %swap3A_557], %mul3A_555 {strides = array<i32>} : memref<128x128xf32, #tpu.memory_space<vmem>>, vector<16xf32>,
        %get3A_559 = arith.index_cast %add3A_530 : i32 to index
        %get3A_560 = arith.constant 64 : index
        %get3A_561 = tpu.vector_load %arg10[%get3A_559, %get3A_560] {strides = array<i32>} : memref<128x128xf32, #tpu.memory_space<vmem>>, vector<16xf32>,
        %mul3A_562 = arith.mulf %get3A_561, %broadcast_in_dim3A_526 : vector<16xf32>
        %swap3A_563 = arith.index_cast %add3A_530 : i32 to index
        %swap3A_564 = arith.constant 64 : index
        %swap3A_565 = tpu.vector_load %arg10[%swap3A_563, %swap3A_564] {strides = array<i32>} : memref<128x128xf32, #tpu.memory_space<vmem>>, vector<16xf32>,
        tpu.vector_store %arg10[%swap3A_563, %swap3A_564], %mul3A_562 {strides = array<i32>} : memref<128x128xf32, #tpu.memory_space<vmem>>, vector<16xf32>,
        %get3A_566 = arith.index_cast %add3A_530 : i32 to index
        %get3A_567 = arith.constant 80 : index
        %get3A_568 = tpu.vector_load %arg10[%get3A_566, %get3A_567] {strides = array<i32>} : memref<128x128xf32, #tpu.memory_space<vmem>>, vector<16xf32>,
        %mul3A_569 = arith.mulf %get3A_568, %broadcast_in_dim3A_526 : vector<16xf32>
        %swap3A_570 = arith.index_cast %add3A_530 : i32 to index
        %swap3A_571 = arith.constant 80 : index
        %swap3A_572 = tpu.vector_load %arg10[%swap3A_570, %swap3A_571] {strides = array<i32>} : memref<128x128xf32, #tpu.memory_space<vmem>>, vector<16xf32>,
        tpu.vector_store %arg10[%swap3A_570, %swap3A_571], %mul3A_569 {strides = array<i32>} : memref<128x128xf32, #tpu.memory_space<vmem>>, vector<16xf32>,
        %get3A_573 = arith.index_cast %add3A_530 : i32 to index
        %get3A_574 = arith.constant 96 : index
        %get3A_575 = tpu.vector_load %arg10[%get3A_573, %get3A_574] {strides = array<i32>} : memref<128x128xf32, #tpu.memory_space<vmem>>, vector<16xf32>,
        %mul3A_576 = arith.mulf %get3A_575, %broadcast_in_dim3A_526 : vector<16xf32>
        %swap3A_577 = arith.index_cast %add3A_530 : i32 to index
        %swap3A_578 = arith.constant 96 : index
        %swap3A_579 = tpu.vector_load %arg10[%swap3A_577, %swap3A_578] {strides = array<i32>} : memref<128x128xf32, #tpu.memory_space<vmem>>, vector<16xf32>,
        tpu.vector_store %arg10[%swap3A_577, %swap3A_578], %mul3A_576 {strides = array<i32>} : memref<128x128xf32, #tpu.memory_space<vmem>>, vector<16xf32>,
        %get3A_580 = arith.index_cast %add3A_530 : i32 to index
        %get3A_581 = arith.constant 112 : index
        %get3A_582 = tpu.vector_load %arg10[%get3A_580, %get3A_581] {strides = array<i32>} : memref<128x128xf32, #tpu.memory_space<vmem>>, vector<16xf32>,
        %mul3A_583 = arith.mulf %get3A_582, %broadcast_in_dim3A_526 : vector<16xf32>
        %swap3A_584 = arith.index_cast %add3A_530 : i32 to index
        %swap3A_585 = arith.constant 112 : index
        %swap3A_586 = tpu.vector_load %arg10[%swap3A_584, %swap3A_585] {strides = array<i32>} : memref<128x128xf32, #tpu.memory_space<vmem>>, vector<16xf32>,
        tpu.vector_store %arg10[%swap3A_584, %swap3A_585], %mul3A_583 {strides = array<i32>} : memref<128x128xf32, #tpu.memory_space<vmem>>, vector<16xf32>,
        %slice3A_587 = vector.extract_strided_slice %get3A_149 {offsets = [7], sizes = [1], strides = [1]} : vector<16xf32> to vector<1xf32>
        %squeeze3A_588 = vector.extract %slice3A_587[0] : f32 from vector<1xf32>
        %broadcast_in_dim3A_589 = vector.broadcast %squeeze3A_588 : f32 to vector<16xf32>
        %mul3A_590 = arith.constant 16 : i32
        %mul3A_591 = arith.muli %scan3A_144, %mul3A_590 : i32
        %add3A_592 = arith.constant 7 : i32
        %add3A_593 = arith.addi %mul3A_591, %add3A_592 : i32
        %get3A_594 = arith.index_cast %add3A_593 : i32 to index
        %get3A_595 = arith.constant 0 : index
        %get3A_596 = tpu.vector_load %arg10[%get3A_594, %get3A_595] {strides = array<i32>} : memref<128x128xf32, #tpu.memory_space<vmem>>, vector<16xf32>,
        %mul3A_597 = arith.mulf %get3A_596, %broadcast_in_dim3A_589 : vector<16xf32>
        %swap3A_598 = arith.index_cast %add3A_593 : i32 to index
        %swap3A_599 = arith.constant 0 : index
        %swap3A_600 = tpu.vector_load %arg10[%swap3A_598, %swap3A_599] {strides = array<i32>} : memref<128x128xf32, #tpu.memory_space<vmem>>, vector<16xf32>,
        tpu.vector_store %arg10[%swap3A_598, %swap3A_599], %mul3A_597 {strides = array<i32>} : memref<128x128xf32, #tpu.memory_space<vmem>>, vector<16xf32>,
        %get3A_601 = arith.index_cast %add3A_593 : i32 to index
        %get3A_602 = arith.constant 16 : index
        %get3A_603 = tpu.vector_load %arg10[%get3A_601, %get3A_602] {strides = array<i32>} : memref<128x128xf32, #tpu.memory_space<vmem>>, vector<16xf32>,
        %mul3A_604 = arith.mulf %get3A_603, %broadcast_in_dim3A_589 : vector<16xf32>
        %swap3A_605 = arith.index_cast %add3A_593 : i32 to index
        %swap3A_606 = arith.constant 16 : index
        %swap3A_607 = tpu.vector_load %arg10[%swap3A_605, %swap3A_606] {strides = array<i32>} : memref<128x128xf32, #tpu.memory_space<vmem>>, vector<16xf32>,
        tpu.vector_store %arg10[%swap3A_605, %swap3A_606], %mul3A_604 {strides = array<i32>} : memref<128x128xf32, #tpu.memory_space<vmem>>, vector<16xf32>,
        %get3A_608 = arith.index_cast %add3A_593 : i32 to index
        %get3A_609 = arith.constant 32 : index
        %get3A_610 = tpu.vector_load %arg10[%get3A_608, %get3A_609] {strides = array<i32>} : memref<128x128xf32, #tpu.memory_space<vmem>>, vector<16xf32>,
        %mul3A_611 = arith.mulf %get3A_610, %broadcast_in_dim3A_589 : vector<16xf32>
        %swap3A_612 = arith.index_cast %add3A_593 : i32 to index
        %swap3A_613 = arith.constant 32 : index
        %swap3A_614 = tpu.vector_load %arg10[%swap3A_612, %swap3A_613] {strides = array<i32>} : memref<128x128xf32, #tpu.memory_space<vmem>>, vector<16xf32>,
        tpu.vector_store %arg10[%swap3A_612, %swap3A_613], %mul3A_611 {strides = array<i32>} : memref<128x128xf32, #tpu.memory_space<vmem>>, vector<16xf32>,
        %get3A_615 = arith.index_cast %add3A_593 : i32 to index
        %get3A_616 = arith.constant 48 : index
        %get3A_617 = tpu.vector_load %arg10[%get3A_615, %get3A_616] {strides = array<i32>} : memref<128x128xf32, #tpu.memory_space<vmem>>, vector<16xf32>,
        %mul3A_618 = arith.mulf %get3A_617, %broadcast_in_dim3A_589 : vector<16xf32>
        %swap3A_619 = arith.index_cast %add3A_593 : i32 to index
        %swap3A_620 = arith.constant 48 : index
        %swap3A_621 = tpu.vector_load %arg10[%swap3A_619, %swap3A_620] {strides = array<i32>} : memref<128x128xf32, #tpu.memory_space<vmem>>, vector<16xf32>,
        tpu.vector_store %arg10[%swap3A_619, %swap3A_620], %mul3A_618 {strides = array<i32>} : memref<128x128xf32, #tpu.memory_space<vmem>>, vector<16xf32>,
        %get3A_622 = arith.index_cast %add3A_593 : i32 to index
        %get3A_623 = arith.constant 64 : index
        %get3A_624 = tpu.vector_load %arg10[%get3A_622, %get3A_623] {strides = array<i32>} : memref<128x128xf32, #tpu.memory_space<vmem>>, vector<16xf32>,
        %mul3A_625 = arith.mulf %get3A_624, %broadcast_in_dim3A_589 : vector<16xf32>
        %swap3A_626 = arith.index_cast %add3A_593 : i32 to index
        %swap3A_627 = arith.constant 64 : index
        %swap3A_628 = tpu.vector_load %arg10[%swap3A_626, %swap3A_627] {strides = array<i32>} : memref<128x128xf32, #tpu.memory_space<vmem>>, vector<16xf32>,
        tpu.vector_store %arg10[%swap3A_626, %swap3A_627], %mul3A_625 {strides = array<i32>} : memref<128x128xf32, #tpu.memory_space<vmem>>, vector<16xf32>,
        %get3A_629 = arith.index_cast %add3A_593 : i32 to index
        %get3A_630 = arith.constant 80 : index
        %get3A_631 = tpu.vector_load %arg10[%get3A_629, %get3A_630] {strides = array<i32>} : memref<128x128xf32, #tpu.memory_space<vmem>>, vector<16xf32>,
        %mul3A_632 = arith.mulf %get3A_631, %broadcast_in_dim3A_589 : vector<16xf32>
        %swap3A_633 = arith.index_cast %add3A_593 : i32 to index
        %swap3A_634 = arith.constant 80 : index
        %swap3A_635 = tpu.vector_load %arg10[%swap3A_633, %swap3A_634] {strides = array<i32>} : memref<128x128xf32, #tpu.memory_space<vmem>>, vector<16xf32>,
        tpu.vector_store %arg10[%swap3A_633, %swap3A_634], %mul3A_632 {strides = array<i32>} : memref<128x128xf32, #tpu.memory_space<vmem>>, vector<16xf32>,
        %get3A_636 = arith.index_cast %add3A_593 : i32 to index
        %get3A_637 = arith.constant 96 : index
        %get3A_638 = tpu.vector_load %arg10[%get3A_636, %get3A_637] {strides = array<i32>} : memref<128x128xf32, #tpu.memory_space<vmem>>, vector<16xf32>,
        %mul3A_639 = arith.mulf %get3A_638, %broadcast_in_dim3A_589 : vector<16xf32>
        %swap3A_640 = arith.index_cast %add3A_593 : i32 to index
        %swap3A_641 = arith.constant 96 : index
        %swap3A_642 = tpu.vector_load %arg10[%swap3A_640, %swap3A_641] {strides = array<i32>} : memref<128x128xf32, #tpu.memory_space<vmem>>, vector<16xf32>,
        tpu.vector_store %arg10[%swap3A_640, %swap3A_641], %mul3A_639 {strides = array<i32>} : memref<128x128xf32, #tpu.memory_space<vmem>>, vector<16xf32>,
        %get3A_643 = arith.index_cast %add3A_593 : i32 to index
        %get3A_644 = arith.constant 112 : index
        %get3A_645 = tpu.vector_load %arg10[%get3A_643, %get3A_644] {strides = array<i32>} : memref<128x128xf32, #tpu.memory_space<vmem>>, vector<16xf32>,
        %mul3A_646 = arith.mulf %get3A_645, %broadcast_in_dim3A_589 : vector<16xf32>
        %swap3A_647 = arith.index_cast %add3A_593 : i32 to index
        %swap3A_648 = arith.constant 112 : index
        %swap3A_649 = tpu.vector_load %arg10[%swap3A_647, %swap3A_648] {strides = array<i32>} : memref<128x128xf32, #tpu.memory_space<vmem>>, vector<16xf32>,
        tpu.vector_store %arg10[%swap3A_647, %swap3A_648], %mul3A_646 {strides = array<i32>} : memref<128x128xf32, #tpu.memory_space<vmem>>, vector<16xf32>,
        %slice3A_650 = vector.extract_strided_slice %get3A_149 {offsets = [8], sizes = [1], strides = [1]} : vector<16xf32> to vector<1xf32>
        %squeeze3A_651 = vector.extract %slice3A_650[0] : f32 from vector<1xf32>
        %broadcast_in_dim3A_652 = vector.broadcast %squeeze3A_651 : f32 to vector<16xf32>
        %mul3A_653 = arith.constant 16 : i32
        %mul3A_654 = arith.muli %scan3A_144, %mul3A_653 : i32
        %add3A_655 = arith.constant 8 : i32
        %add3A_656 = arith.addi %mul3A_654, %add3A_655 : i32
        %get3A_657 = arith.index_cast %add3A_656 : i32 to index
        %get3A_658 = arith.constant 0 : index
        %get3A_659 = tpu.vector_load %arg10[%get3A_657, %get3A_658] {strides = array<i32>} : memref<128x128xf32, #tpu.memory_space<vmem>>, vector<16xf32>,
        %mul3A_660 = arith.mulf %get3A_659, %broadcast_in_dim3A_652 : vector<16xf32>
        %swap3A_661 = arith.index_cast %add3A_656 : i32 to index
        %swap3A_662 = arith.constant 0 : index
        %swap3A_663 = tpu.vector_load %arg10[%swap3A_661, %swap3A_662] {strides = array<i32>} : memref<128x128xf32, #tpu.memory_space<vmem>>, vector<16xf32>,
        tpu.vector_store %arg10[%swap3A_661, %swap3A_662], %mul3A_660 {strides = array<i32>} : memref<128x128xf32, #tpu.memory_space<vmem>>, vector<16xf32>,
        %get3A_664 = arith.index_cast %add3A_656 : i32 to index
        %get3A_665 = arith.constant 16 : index
        %get3A_666 = tpu.vector_load %arg10[%get3A_664, %get3A_665] {strides = array<i32>} : memref<128x128xf32, #tpu.memory_space<vmem>>, vector<16xf32>,
        %mul3A_667 = arith.mulf %get3A_666, %broadcast_in_dim3A_652 : vector<16xf32>
        %swap3A_668 = arith.index_cast %add3A_656 : i32 to index
        %swap3A_669 = arith.constant 16 : index
        %swap3A_670 = tpu.vector_load %arg10[%swap3A_668, %swap3A_669] {strides = array<i32>} : memref<128x128xf32, #tpu.memory_space<vmem>>, vector<16xf32>,
        tpu.vector_store %arg10[%swap3A_668, %swap3A_669], %mul3A_667 {strides = array<i32>} : memref<128x128xf32, #tpu.memory_space<vmem>>, vector<16xf32>,
        %get3A_671 = arith.index_cast %add3A_656 : i32 to index
        %get3A_672 = arith.constant 32 : index
        %get3A_673 = tpu.vector_load %arg10[%get3A_671, %get3A_672] {strides = array<i32>} : memref<128x128xf32, #tpu.memory_space<vmem>>, vector<16xf32>,
        %mul3A_674 = arith.mulf %get3A_673, %broadcast_in_dim3A_652 : vector<16xf32>
        %swap3A_675 = arith.index_cast %add3A_656 : i32 to index
        %swap3A_676 = arith.constant 32 : index
        %swap3A_677 = tpu.vector_load %arg10[%swap3A_675, %swap3A_676] {strides = array<i32>} : memref<128x128xf32, #tpu.memory_space<vmem>>, vector<16xf32>,
        tpu.vector_store %arg10[%swap3A_675, %swap3A_676], %mul3A_674 {strides = array<i32>} : memref<128x128xf32, #tpu.memory_space<vmem>>, vector<16xf32>,
        %get3A_678 = arith.index_cast %add3A_656 : i32 to index
        %get3A_679 = arith.constant 48 : index
        %get3A_680 = tpu.vector_load %arg10[%get3A_678, %get3A_679] {strides = array<i32>} : memref<128x128xf32, #tpu.memory_space<vmem>>, vector<16xf32>,
        %mul3A_681 = arith.mulf %get3A_680, %broadcast_in_dim3A_652 : vector<16xf32>
        %swap3A_682 = arith.index_cast %add3A_656 : i32 to index
        %swap3A_683 = arith.constant 48 : index
        %swap3A_684 = tpu.vector_load %arg10[%swap3A_682, %swap3A_683] {strides = array<i32>} : memref<128x128xf32, #tpu.memory_space<vmem>>, vector<16xf32>,
        tpu.vector_store %arg10[%swap3A_682, %swap3A_683], %mul3A_681 {strides = array<i32>} : memref<128x128xf32, #tpu.memory_space<vmem>>, vector<16xf32>,
        %get3A_685 = arith.index_cast %add3A_656 : i32 to index
        %get3A_686 = arith.constant 64 : index
        %get3A_687 = tpu.vector_load %arg10[%get3A_685, %get3A_686] {strides = array<i32>} : memref<128x128xf32, #tpu.memory_space<vmem>>, vector<16xf32>,
        %mul3A_688 = arith.mulf %get3A_687, %broadcast_in_dim3A_652 : vector<16xf32>
        %swap3A_689 = arith.index_cast %add3A_656 : i32 to index
        %swap3A_690 = arith.constant 64 : index
        %swap3A_691 = tpu.vector_load %arg10[%swap3A_689, %swap3A_690] {strides = array<i32>} : memref<128x128xf32, #tpu.memory_space<vmem>>, vector<16xf32>,
        tpu.vector_store %arg10[%swap3A_689, %swap3A_690], %mul3A_688 {strides = array<i32>} : memref<128x128xf32, #tpu.memory_space<vmem>>, vector<16xf32>,
        %get3A_692 = arith.index_cast %add3A_656 : i32 to index
        %get3A_693 = arith.constant 80 : index
        %get3A_694 = tpu.vector_load %arg10[%get3A_692, %get3A_693] {strides = array<i32>} : memref<128x128xf32, #tpu.memory_space<vmem>>, vector<16xf32>,
        %mul3A_695 = arith.mulf %get3A_694, %broadcast_in_dim3A_652 : vector<16xf32>
        %swap3A_696 = arith.index_cast %add3A_656 : i32 to index
        %swap3A_697 = arith.constant 80 : index
        %swap3A_698 = tpu.vector_load %arg10[%swap3A_696, %swap3A_697] {strides = array<i32>} : memref<128x128xf32, #tpu.memory_space<vmem>>, vector<16xf32>,
        tpu.vector_store %arg10[%swap3A_696, %swap3A_697], %mul3A_695 {strides = array<i32>} : memref<128x128xf32, #tpu.memory_space<vmem>>, vector<16xf32>,
        %get3A_699 = arith.index_cast %add3A_656 : i32 to index
        %get3A_700 = arith.constant 96 : index
        %get3A_701 = tpu.vector_load %arg10[%get3A_699, %get3A_700] {strides = array<i32>} : memref<128x128xf32, #tpu.memory_space<vmem>>, vector<16xf32>,
        %mul3A_702 = arith.mulf %get3A_701, %broadcast_in_dim3A_652 : vector<16xf32>
        %swap3A_703 = arith.index_cast %add3A_656 : i32 to index
        %swap3A_704 = arith.constant 96 : index
        %swap3A_705 = tpu.vector_load %arg10[%swap3A_703, %swap3A_704] {strides = array<i32>} : memref<128x128xf32, #tpu.memory_space<vmem>>, vector<16xf32>,
        tpu.vector_store %arg10[%swap3A_703, %swap3A_704], %mul3A_702 {strides = array<i32>} : memref<128x128xf32, #tpu.memory_space<vmem>>, vector<16xf32>,
        %get3A_706 = arith.index_cast %add3A_656 : i32 to index
        %get3A_707 = arith.constant 112 : index
        %get3A_708 = tpu.vector_load %arg10[%get3A_706, %get3A_707] {strides = array<i32>} : memref<128x128xf32, #tpu.memory_space<vmem>>, vector<16xf32>,
        %mul3A_709 = arith.mulf %get3A_708, %broadcast_in_dim3A_652 : vector<16xf32>
        %swap3A_710 = arith.index_cast %add3A_656 : i32 to index
        %swap3A_711 = arith.constant 112 : index
        %swap3A_712 = tpu.vector_load %arg10[%swap3A_710, %swap3A_711] {strides = array<i32>} : memref<128x128xf32, #tpu.memory_space<vmem>>, vector<16xf32>,
        tpu.vector_store %arg10[%swap3A_710, %swap3A_711], %mul3A_709 {strides = array<i32>} : memref<128x128xf32, #tpu.memory_space<vmem>>, vector<16xf32>,
        %slice3A_713 = vector.extract_strided_slice %get3A_149 {offsets = [9], sizes = [1], strides = [1]} : vector<16xf32> to vector<1xf32>
        %squeeze3A_714 = vector.extract %slice3A_713[0] : f32 from vector<1xf32>
        %broadcast_in_dim3A_715 = vector.broadcast %squeeze3A_714 : f32 to vector<16xf32>
        %mul3A_716 = arith.constant 16 : i32
        %mul3A_717 = arith.muli %scan3A_144, %mul3A_716 : i32
        %add3A_718 = arith.constant 9 : i32
        %add3A_719 = arith.addi %mul3A_717, %add3A_718 : i32
        %get3A_720 = arith.index_cast %add3A_719 : i32 to index
        %get3A_721 = arith.constant 0 : index
        %get3A_722 = tpu.vector_load %arg10[%get3A_720, %get3A_721] {strides = array<i32>} : memref<128x128xf32, #tpu.memory_space<vmem>>, vector<16xf32>,
        %mul3A_723 = arith.mulf %get3A_722, %broadcast_in_dim3A_715 : vector<16xf32>
        %swap3A_724 = arith.index_cast %add3A_719 : i32 to index
        %swap3A_725 = arith.constant 0 : index
        %swap3A_726 = tpu.vector_load %arg10[%swap3A_724, %swap3A_725] {strides = array<i32>} : memref<128x128xf32, #tpu.memory_space<vmem>>, vector<16xf32>,
        tpu.vector_store %arg10[%swap3A_724, %swap3A_725], %mul3A_723 {strides = array<i32>} : memref<128x128xf32, #tpu.memory_space<vmem>>, vector<16xf32>,
        %get3A_727 = arith.index_cast %add3A_719 : i32 to index
        %get3A_728 = arith.constant 16 : index
        %get3A_729 = tpu.vector_load %arg10[%get3A_727, %get3A_728] {strides = array<i32>} : memref<128x128xf32, #tpu.memory_space<vmem>>, vector<16xf32>,
        %mul3A_730 = arith.mulf %get3A_729, %broadcast_in_dim3A_715 : vector<16xf32>
        %swap3A_731 = arith.index_cast %add3A_719 : i32 to index
        %swap3A_732 = arith.constant 16 : index
        %swap3A_733 = tpu.vector_load %arg10[%swap3A_731, %swap3A_732] {strides = array<i32>} : memref<128x128xf32, #tpu.memory_space<vmem>>, vector<16xf32>,
        tpu.vector_store %arg10[%swap3A_731, %swap3A_732], %mul3A_730 {strides = array<i32>} : memref<128x128xf32, #tpu.memory_space<vmem>>, vector<16xf32>,
        %get3A_734 = arith.index_cast %add3A_719 : i32 to index
        %get3A_735 = arith.constant 32 : index
        %get3A_736 = tpu.vector_load %arg10[%get3A_734, %get3A_735] {strides = array<i32>} : memref<128x128xf32, #tpu.memory_space<vmem>>, vector<16xf32>,
        %mul3A_737 = arith.mulf %get3A_736, %broadcast_in_dim3A_715 : vector<16xf32>
        %swap3A_738 = arith.index_cast %add3A_719 : i32 to index
        %swap3A_739 = arith.constant 32 : index
        %swap3A_740 = tpu.vector_load %arg10[%swap3A_738, %swap3A_739] {strides = array<i32>} : memref<128x128xf32, #tpu.memory_space<vmem>>, vector<16xf32>,
        tpu.vector_store %arg10[%swap3A_738, %swap3A_739], %mul3A_737 {strides = array<i32>} : memref<128x128xf32, #tpu.memory_space<vmem>>, vector<16xf32>,
        %get3A_741 = arith.index_cast %add3A_719 : i32 to index
        %get3A_742 = arith.constant 48 : index
        %get3A_743 = tpu.vector_load %arg10[%get3A_741, %get3A_742] {strides = array<i32>} : memref<128x128xf32, #tpu.memory_space<vmem>>, vector<16xf32>,
        %mul3A_744 = arith.mulf %get3A_743, %broadcast_in_dim3A_715 : vector<16xf32>
        %swap3A_745 = arith.index_cast %add3A_719 : i32 to index
        %swap3A_746 = arith.constant 48 : index
        %swap3A_747 = tpu.vector_load %arg10[%swap3A_745, %swap3A_746] {strides = array<i32>} : memref<128x128xf32, #tpu.memory_space<vmem>>, vector<16xf32>,
        tpu.vector_store %arg10[%swap3A_745, %swap3A_746], %mul3A_744 {strides = array<i32>} : memref<128x128xf32, #tpu.memory_space<vmem>>, vector<16xf32>,
        %get3A_748 = arith.index_cast %add3A_719 : i32 to index
        %get3A_749 = arith.constant 64 : index
        %get3A_750 = tpu.vector_load %arg10[%get3A_748, %get3A_749] {strides = array<i32>} : memref<128x128xf32, #tpu.memory_space<vmem>>, vector<16xf32>,
        %mul3A_751 = arith.mulf %get3A_750, %broadcast_in_dim3A_715 : vector<16xf32>
        %swap3A_752 = arith.index_cast %add3A_719 : i32 to index
        %swap3A_753 = arith.constant 64 : index
        %swap3A_754 = tpu.vector_load %arg10[%swap3A_752, %swap3A_753] {strides = array<i32>} : memref<128x128xf32, #tpu.memory_space<vmem>>, vector<16xf32>,
        tpu.vector_store %arg10[%swap3A_752, %swap3A_753], %mul3A_751 {strides = array<i32>} : memref<128x128xf32, #tpu.memory_space<vmem>>, vector<16xf32>,
        %get3A_755 = arith.index_cast %add3A_719 : i32 to index
        %get3A_756 = arith.constant 80 : index
        %get3A_757 = tpu.vector_load %arg10[%get3A_755, %get3A_756] {strides = array<i32>} : memref<128x128xf32, #tpu.memory_space<vmem>>, vector<16xf32>,
        %mul3A_758 = arith.mulf %get3A_757, %broadcast_in_dim3A_715 : vector<16xf32>
        %swap3A_759 = arith.index_cast %add3A_719 : i32 to index
        %swap3A_760 = arith.constant 80 : index
        %swap3A_761 = tpu.vector_load %arg10[%swap3A_759, %swap3A_760] {strides = array<i32>} : memref<128x128xf32, #tpu.memory_space<vmem>>, vector<16xf32>,
        tpu.vector_store %arg10[%swap3A_759, %swap3A_760], %mul3A_758 {strides = array<i32>} : memref<128x128xf32, #tpu.memory_space<vmem>>, vector<16xf32>,
        %get3A_762 = arith.index_cast %add3A_719 : i32 to index
        %get3A_763 = arith.constant 96 : index
        %get3A_764 = tpu.vector_load %arg10[%get3A_762, %get3A_763] {strides = array<i32>} : memref<128x128xf32, #tpu.memory_space<vmem>>, vector<16xf32>,
        %mul3A_765 = arith.mulf %get3A_764, %broadcast_in_dim3A_715 : vector<16xf32>
        %swap3A_766 = arith.index_cast %add3A_719 : i32 to index
        %swap3A_767 = arith.constant 96 : index
        %swap3A_768 = tpu.vector_load %arg10[%swap3A_766, %swap3A_767] {strides = array<i32>} : memref<128x128xf32, #tpu.memory_space<vmem>>, vector<16xf32>,
        tpu.vector_store %arg10[%swap3A_766, %swap3A_767], %mul3A_765 {strides = array<i32>} : memref<128x128xf32, #tpu.memory_space<vmem>>, vector<16xf32>,
        %get3A_769 = arith.index_cast %add3A_719 : i32 to index
        %get3A_770 = arith.constant 112 : index
        %get3A_771 = tpu.vector_load %arg10[%get3A_769, %get3A_770] {strides = array<i32>} : memref<128x128xf32, #tpu.memory_space<vmem>>, vector<16xf32>,
        %mul3A_772 = arith.mulf %get3A_771, %broadcast_in_dim3A_715 : vector<16xf32>
        %swap3A_773 = arith.index_cast %add3A_719 : i32 to index
        %swap3A_774 = arith.constant 112 : index
        %swap3A_775 = tpu.vector_load %arg10[%swap3A_773, %swap3A_774] {strides = array<i32>} : memref<128x128xf32, #tpu.memory_space<vmem>>, vector<16xf32>,
        tpu.vector_store %arg10[%swap3A_773, %swap3A_774], %mul3A_772 {strides = array<i32>} : memref<128x128xf32, #tpu.memory_space<vmem>>, vector<16xf32>,
        %slice3A_776 = vector.extract_strided_slice %get3A_149 {offsets = [10], sizes = [1], strides = [1]} : vector<16xf32> to vector<1xf32>
        %squeeze3A_777 = vector.extract %slice3A_776[0] : f32 from vector<1xf32>
        %broadcast_in_dim3A_778 = vector.broadcast %squeeze3A_777 : f32 to vector<16xf32>
        %mul3A_779 = arith.constant 16 : i32
        %mul3A_780 = arith.muli %scan3A_144, %mul3A_779 : i32
        %add3A_781 = arith.constant 10 : i32
        %add3A_782 = arith.addi %mul3A_780, %add3A_781 : i32
        %get3A_783 = arith.index_cast %add3A_782 : i32 to index
        %get3A_784 = arith.constant 0 : index
        %get3A_785 = tpu.vector_load %arg10[%get3A_783, %get3A_784] {strides = array<i32>} : memref<128x128xf32, #tpu.memory_space<vmem>>, vector<16xf32>,
        %mul3A_786 = arith.mulf %get3A_785, %broadcast_in_dim3A_778 : vector<16xf32>
        %swap3A_787 = arith.index_cast %add3A_782 : i32 to index
        %swap3A_788 = arith.constant 0 : index
        %swap3A_789 = tpu.vector_load %arg10[%swap3A_787, %swap3A_788] {strides = array<i32>} : memref<128x128xf32, #tpu.memory_space<vmem>>, vector<16xf32>,
        tpu.vector_store %arg10[%swap3A_787, %swap3A_788], %mul3A_786 {strides = array<i32>} : memref<128x128xf32, #tpu.memory_space<vmem>>, vector<16xf32>,
        %get3A_790 = arith.index_cast %add3A_782 : i32 to index
        %get3A_791 = arith.constant 16 : index
        %get3A_792 = tpu.vector_load %arg10[%get3A_790, %get3A_791] {strides = array<i32>} : memref<128x128xf32, #tpu.memory_space<vmem>>, vector<16xf32>,
        %mul3A_793 = arith.mulf %get3A_792, %broadcast_in_dim3A_778 : vector<16xf32>
        %swap3A_794 = arith.index_cast %add3A_782 : i32 to index
        %swap3A_795 = arith.constant 16 : index
        %swap3A_796 = tpu.vector_load %arg10[%swap3A_794, %swap3A_795] {strides = array<i32>} : memref<128x128xf32, #tpu.memory_space<vmem>>, vector<16xf32>,
        tpu.vector_store %arg10[%swap3A_794, %swap3A_795], %mul3A_793 {strides = array<i32>} : memref<128x128xf32, #tpu.memory_space<vmem>>, vector<16xf32>,
        %get3A_797 = arith.index_cast %add3A_782 : i32 to index
        %get3A_798 = arith.constant 32 : index
        %get3A_799 = tpu.vector_load %arg10[%get3A_797, %get3A_798] {strides = array<i32>} : memref<128x128xf32, #tpu.memory_space<vmem>>, vector<16xf32>,
        %mul3A_800 = arith.mulf %get3A_799, %broadcast_in_dim3A_778 : vector<16xf32>
        %swap3A_801 = arith.index_cast %add3A_782 : i32 to index
        %swap3A_802 = arith.constant 32 : index
        %swap3A_803 = tpu.vector_load %arg10[%swap3A_801, %swap3A_802] {strides = array<i32>} : memref<128x128xf32, #tpu.memory_space<vmem>>, vector<16xf32>,
        tpu.vector_store %arg10[%swap3A_801, %swap3A_802], %mul3A_800 {strides = array<i32>} : memref<128x128xf32, #tpu.memory_space<vmem>>, vector<16xf32>,
        %get3A_804 = arith.index_cast %add3A_782 : i32 to index
        %get3A_805 = arith.constant 48 : index
        %get3A_806 = tpu.vector_load %arg10[%get3A_804, %get3A_805] {strides = array<i32>} : memref<128x128xf32, #tpu.memory_space<vmem>>, vector<16xf32>,
        %mul3A_807 = arith.mulf %get3A_806, %broadcast_in_dim3A_778 : vector<16xf32>
        %swap3A_808 = arith.index_cast %add3A_782 : i32 to index
        %swap3A_809 = arith.constant 48 : index
        %swap3A_810 = tpu.vector_load %arg10[%swap3A_808, %swap3A_809] {strides = array<i32>} : memref<128x128xf32, #tpu.memory_space<vmem>>, vector<16xf32>,
        tpu.vector_store %arg10[%swap3A_808, %swap3A_809], %mul3A_807 {strides = array<i32>} : memref<128x128xf32, #tpu.memory_space<vmem>>, vector<16xf32>,
        %get3A_811 = arith.index_cast %add3A_782 : i32 to index
        %get3A_812 = arith.constant 64 : index
        %get3A_813 = tpu.vector_load %arg10[%get3A_811, %get3A_812] {strides = array<i32>} : memref<128x128xf32, #tpu.memory_space<vmem>>, vector<16xf32>,
        %mul3A_814 = arith.mulf %get3A_813, %broadcast_in_dim3A_778 : vector<16xf32>
        %swap3A_815 = arith.index_cast %add3A_782 : i32 to index
        %swap3A_816 = arith.constant 64 : index
        %swap3A_817 = tpu.vector_load %arg10[%swap3A_815, %swap3A_816] {strides = array<i32>} : memref<128x128xf32, #tpu.memory_space<vmem>>, vector<16xf32>,
        tpu.vector_store %arg10[%swap3A_815, %swap3A_816], %mul3A_814 {strides = array<i32>} : memref<128x128xf32, #tpu.memory_space<vmem>>, vector<16xf32>,
        %get3A_818 = arith.index_cast %add3A_782 : i32 to index
        %get3A_819 = arith.constant 80 : index
        %get3A_820 = tpu.vector_load %arg10[%get3A_818, %get3A_819] {strides = array<i32>} : memref<128x128xf32, #tpu.memory_space<vmem>>, vector<16xf32>,
        %mul3A_821 = arith.mulf %get3A_820, %broadcast_in_dim3A_778 : vector<16xf32>
        %swap3A_822 = arith.index_cast %add3A_782 : i32 to index
        %swap3A_823 = arith.constant 80 : index
        %swap3A_824 = tpu.vector_load %arg10[%swap3A_822, %swap3A_823] {strides = array<i32>} : memref<128x128xf32, #tpu.memory_space<vmem>>, vector<16xf32>,
        tpu.vector_store %arg10[%swap3A_822, %swap3A_823], %mul3A_821 {strides = array<i32>} : memref<128x128xf32, #tpu.memory_space<vmem>>, vector<16xf32>,
        %get3A_825 = arith.index_cast %add3A_782 : i32 to index
        %get3A_826 = arith.constant 96 : index
        %get3A_827 = tpu.vector_load %arg10[%get3A_825, %get3A_826] {strides = array<i32>} : memref<128x128xf32, #tpu.memory_space<vmem>>, vector<16xf32>,
        %mul3A_828 = arith.mulf %get3A_827, %broadcast_in_dim3A_778 : vector<16xf32>
        %swap3A_829 = arith.index_cast %add3A_782 : i32 to index
        %swap3A_830 = arith.constant 96 : index
        %swap3A_831 = tpu.vector_load %arg10[%swap3A_829, %swap3A_830] {strides = array<i32>} : memref<128x128xf32, #tpu.memory_space<vmem>>, vector<16xf32>,
        tpu.vector_store %arg10[%swap3A_829, %swap3A_830], %mul3A_828 {strides = array<i32>} : memref<128x128xf32, #tpu.memory_space<vmem>>, vector<16xf32>,
        %get3A_832 = arith.index_cast %add3A_782 : i32 to index
        %get3A_833 = arith.constant 112 : index
        %get3A_834 = tpu.vector_load %arg10[%get3A_832, %get3A_833] {strides = array<i32>} : memref<128x128xf32, #tpu.memory_space<vmem>>, vector<16xf32>,
        %mul3A_835 = arith.mulf %get3A_834, %broadcast_in_dim3A_778 : vector<16xf32>
        %swap3A_836 = arith.index_cast %add3A_782 : i32 to index
        %swap3A_837 = arith.constant 112 : index
        %swap3A_838 = tpu.vector_load %arg10[%swap3A_836, %swap3A_837] {strides = array<i32>} : memref<128x128xf32, #tpu.memory_space<vmem>>, vector<16xf32>,
        tpu.vector_store %arg10[%swap3A_836, %swap3A_837], %mul3A_835 {strides = array<i32>} : memref<128x128xf32, #tpu.memory_space<vmem>>, vector<16xf32>,
        %slice3A_839 = vector.extract_strided_slice %get3A_149 {offsets = [11], sizes = [1], strides = [1]} : vector<16xf32> to vector<1xf32>
        %squeeze3A_840 = vector.extract %slice3A_839[0] : f32 from vector<1xf32>
        %broadcast_in_dim3A_841 = vector.broadcast %squeeze3A_840 : f32 to vector<16xf32>
        %mul3A_842 = arith.constant 16 : i32
        %mul3A_843 = arith.muli %scan3A_144, %mul3A_842 : i32
        %add3A_844 = arith.constant 11 : i32
        %add3A_845 = arith.addi %mul3A_843, %add3A_844 : i32
        %get3A_846 = arith.index_cast %add3A_845 : i32 to index
        %get3A_847 = arith.constant 0 : index
        %get3A_848 = tpu.vector_load %arg10[%get3A_846, %get3A_847] {strides = array<i32>} : memref<128x128xf32, #tpu.memory_space<vmem>>, vector<16xf32>,
        %mul3A_849 = arith.mulf %get3A_848, %broadcast_in_dim3A_841 : vector<16xf32>
        %swap3A_850 = arith.index_cast %add3A_845 : i32 to index
        %swap3A_851 = arith.constant 0 : index
        %swap3A_852 = tpu.vector_load %arg10[%swap3A_850, %swap3A_851] {strides = array<i32>} : memref<128x128xf32, #tpu.memory_space<vmem>>, vector<16xf32>,
        tpu.vector_store %arg10[%swap3A_850, %swap3A_851], %mul3A_849 {strides = array<i32>} : memref<128x128xf32, #tpu.memory_space<vmem>>, vector<16xf32>,
        %get3A_853 = arith.index_cast %add3A_845 : i32 to index
        %get3A_854 = arith.constant 16 : index
        %get3A_855 = tpu.vector_load %arg10[%get3A_853, %get3A_854] {strides = array<i32>} : memref<128x128xf32, #tpu.memory_space<vmem>>, vector<16xf32>,
        %mul3A_856 = arith.mulf %get3A_855, %broadcast_in_dim3A_841 : vector<16xf32>
        %swap3A_857 = arith.index_cast %add3A_845 : i32 to index
        %swap3A_858 = arith.constant 16 : index
        %swap3A_859 = tpu.vector_load %arg10[%swap3A_857, %swap3A_858] {strides = array<i32>} : memref<128x128xf32, #tpu.memory_space<vmem>>, vector<16xf32>,
        tpu.vector_store %arg10[%swap3A_857, %swap3A_858], %mul3A_856 {strides = array<i32>} : memref<128x128xf32, #tpu.memory_space<vmem>>, vector<16xf32>,
        %get3A_860 = arith.index_cast %add3A_845 : i32 to index
        %get3A_861 = arith.constant 32 : index
        %get3A_862 = tpu.vector_load %arg10[%get3A_860, %get3A_861] {strides = array<i32>} : memref<128x128xf32, #tpu.memory_space<vmem>>, vector<16xf32>,
        %mul3A_863 = arith.mulf %get3A_862, %broadcast_in_dim3A_841 : vector<16xf32>
        %swap3A_864 = arith.index_cast %add3A_845 : i32 to index
        %swap3A_865 = arith.constant 32 : index
        %swap3A_866 = tpu.vector_load %arg10[%swap3A_864, %swap3A_865] {strides = array<i32>} : memref<128x128xf32, #tpu.memory_space<vmem>>, vector<16xf32>,
        tpu.vector_store %arg10[%swap3A_864, %swap3A_865], %mul3A_863 {strides = array<i32>} : memref<128x128xf32, #tpu.memory_space<vmem>>, vector<16xf32>,
        %get3A_867 = arith.index_cast %add3A_845 : i32 to index
        %get3A_868 = arith.constant 48 : index
        %get3A_869 = tpu.vector_load %arg10[%get3A_867, %get3A_868] {strides = array<i32>} : memref<128x128xf32, #tpu.memory_space<vmem>>, vector<16xf32>,
        %mul3A_870 = arith.mulf %get3A_869, %broadcast_in_dim3A_841 : vector<16xf32>
        %swap3A_871 = arith.index_cast %add3A_845 : i32 to index
        %swap3A_872 = arith.constant 48 : index
        %swap3A_873 = tpu.vector_load %arg10[%swap3A_871, %swap3A_872] {strides = array<i32>} : memref<128x128xf32, #tpu.memory_space<vmem>>, vector<16xf32>,
        tpu.vector_store %arg10[%swap3A_871, %swap3A_872], %mul3A_870 {strides = array<i32>} : memref<128x128xf32, #tpu.memory_space<vmem>>, vector<16xf32>,
        %get3A_874 = arith.index_cast %add3A_845 : i32 to index
        %get3A_875 = arith.constant 64 : index
        %get3A_876 = tpu.vector_load %arg10[%get3A_874, %get3A_875] {strides = array<i32>} : memref<128x128xf32, #tpu.memory_space<vmem>>, vector<16xf32>,
        %mul3A_877 = arith.mulf %get3A_876, %broadcast_in_dim3A_841 : vector<16xf32>
        %swap3A_878 = arith.index_cast %add3A_845 : i32 to index
        %swap3A_879 = arith.constant 64 : index
        %swap3A_880 = tpu.vector_load %arg10[%swap3A_878, %swap3A_879] {strides = array<i32>} : memref<128x128xf32, #tpu.memory_space<vmem>>, vector<16xf32>,
        tpu.vector_store %arg10[%swap3A_878, %swap3A_879], %mul3A_877 {strides = array<i32>} : memref<128x128xf32, #tpu.memory_space<vmem>>, vector<16xf32>,
        %get3A_881 = arith.index_cast %add3A_845 : i32 to index
        %get3A_882 = arith.constant 80 : index
        %get3A_883 = tpu.vector_load %arg10[%get3A_881, %get3A_882] {strides = array<i32>} : memref<128x128xf32, #tpu.memory_space<vmem>>, vector<16xf32>,
        %mul3A_884 = arith.mulf %get3A_883, %broadcast_in_dim3A_841 : vector<16xf32>
        %swap3A_885 = arith.index_cast %add3A_845 : i32 to index
        %swap3A_886 = arith.constant 80 : index
        %swap3A_887 = tpu.vector_load %arg10[%swap3A_885, %swap3A_886] {strides = array<i32>} : memref<128x128xf32, #tpu.memory_space<vmem>>, vector<16xf32>,
        tpu.vector_store %arg10[%swap3A_885, %swap3A_886], %mul3A_884 {strides = array<i32>} : memref<128x128xf32, #tpu.memory_space<vmem>>, vector<16xf32>,
        %get3A_888 = arith.index_cast %add3A_845 : i32 to index
        %get3A_889 = arith.constant 96 : index
        %get3A_890 = tpu.vector_load %arg10[%get3A_888, %get3A_889] {strides = array<i32>} : memref<128x128xf32, #tpu.memory_space<vmem>>, vector<16xf32>,
        %mul3A_891 = arith.mulf %get3A_890, %broadcast_in_dim3A_841 : vector<16xf32>
        %swap3A_892 = arith.index_cast %add3A_845 : i32 to index
        %swap3A_893 = arith.constant 96 : index
        %swap3A_894 = tpu.vector_load %arg10[%swap3A_892, %swap3A_893] {strides = array<i32>} : memref<128x128xf32, #tpu.memory_space<vmem>>, vector<16xf32>,
        tpu.vector_store %arg10[%swap3A_892, %swap3A_893], %mul3A_891 {strides = array<i32>} : memref<128x128xf32, #tpu.memory_space<vmem>>, vector<16xf32>,
        %get3A_895 = arith.index_cast %add3A_845 : i32 to index
        %get3A_896 = arith.constant 112 : index
        %get3A_897 = tpu.vector_load %arg10[%get3A_895, %get3A_896] {strides = array<i32>} : memref<128x128xf32, #tpu.memory_space<vmem>>, vector<16xf32>,
        %mul3A_898 = arith.mulf %get3A_897, %broadcast_in_dim3A_841 : vector<16xf32>
        %swap3A_899 = arith.index_cast %add3A_845 : i32 to index
        %swap3A_900 = arith.constant 112 : index
        %swap3A_901 = tpu.vector_load %arg10[%swap3A_899, %swap3A_900] {strides = array<i32>} : memref<128x128xf32, #tpu.memory_space<vmem>>, vector<16xf32>,
        tpu.vector_store %arg10[%swap3A_899, %swap3A_900], %mul3A_898 {strides = array<i32>} : memref<128x128xf32, #tpu.memory_space<vmem>>, vector<16xf32>,
        %slice3A_902 = vector.extract_strided_slice %get3A_149 {offsets = [12], sizes = [1], strides = [1]} : vector<16xf32> to vector<1xf32>
        %squeeze3A_903 = vector.extract %slice3A_902[0] : f32 from vector<1xf32>
        %broadcast_in_dim3A_904 = vector.broadcast %squeeze3A_903 : f32 to vector<16xf32>
        %mul3A_905 = arith.constant 16 : i32
        %mul3A_906 = arith.muli %scan3A_144, %mul3A_905 : i32
        %add3A_907 = arith.constant 12 : i32
        %add3A_908 = arith.addi %mul3A_906, %add3A_907 : i32
        %get3A_909 = arith.index_cast %add3A_908 : i32 to index
        %get3A_910 = arith.constant 0 : index
        %get3A_911 = tpu.vector_load %arg10[%get3A_909, %get3A_910] {strides = array<i32>} : memref<128x128xf32, #tpu.memory_space<vmem>>, vector<16xf32>,
        %mul3A_912 = arith.mulf %get3A_911, %broadcast_in_dim3A_904 : vector<16xf32>
        %swap3A_913 = arith.index_cast %add3A_908 : i32 to index
        %swap3A_914 = arith.constant 0 : index
        %swap3A_915 = tpu.vector_load %arg10[%swap3A_913, %swap3A_914] {strides = array<i32>} : memref<128x128xf32, #tpu.memory_space<vmem>>, vector<16xf32>,
        tpu.vector_store %arg10[%swap3A_913, %swap3A_914], %mul3A_912 {strides = array<i32>} : memref<128x128xf32, #tpu.memory_space<vmem>>, vector<16xf32>,
        %get3A_916 = arith.index_cast %add3A_908 : i32 to index
        %get3A_917 = arith.constant 16 : index
        %get3A_918 = tpu.vector_load %arg10[%get3A_916, %get3A_917] {strides = array<i32>} : memref<128x128xf32, #tpu.memory_space<vmem>>, vector<16xf32>,
        %mul3A_919 = arith.mulf %get3A_918, %broadcast_in_dim3A_904 : vector<16xf32>
        %swap3A_920 = arith.index_cast %add3A_908 : i32 to index
        %swap3A_921 = arith.constant 16 : index
        %swap3A_922 = tpu.vector_load %arg10[%swap3A_920, %swap3A_921] {strides = array<i32>} : memref<128x128xf32, #tpu.memory_space<vmem>>, vector<16xf32>,
        tpu.vector_store %arg10[%swap3A_920, %swap3A_921], %mul3A_919 {strides = array<i32>} : memref<128x128xf32, #tpu.memory_space<vmem>>, vector<16xf32>,
        %get3A_923 = arith.index_cast %add3A_908 : i32 to index
        %get3A_924 = arith.constant 32 : index
        %get3A_925 = tpu.vector_load %arg10[%get3A_923, %get3A_924] {strides = array<i32>} : memref<128x128xf32, #tpu.memory_space<vmem>>, vector<16xf32>,
        %mul3A_926 = arith.mulf %get3A_925, %broadcast_in_dim3A_904 : vector<16xf32>
        %swap3A_927 = arith.index_cast %add3A_908 : i32 to index
        %swap3A_928 = arith.constant 32 : index
        %swap3A_929 = tpu.vector_load %arg10[%swap3A_927, %swap3A_928] {strides = array<i32>} : memref<128x128xf32, #tpu.memory_space<vmem>>, vector<16xf32>,
        tpu.vector_store %arg10[%swap3A_927, %swap3A_928], %mul3A_926 {strides = array<i32>} : memref<128x128xf32, #tpu.memory_space<vmem>>, vector<16xf32>,
        %get3A_930 = arith.index_cast %add3A_908 : i32 to index
        %get3A_931 = arith.constant 48 : index
        %get3A_932 = tpu.vector_load %arg10[%get3A_930, %get3A_931] {strides = array<i32>} : memref<128x128xf32, #tpu.memory_space<vmem>>, vector<16xf32>,
        %mul3A_933 = arith.mulf %get3A_932, %broadcast_in_dim3A_904 : vector<16xf32>
        %swap3A_934 = arith.index_cast %add3A_908 : i32 to index
        %swap3A_935 = arith.constant 48 : index
        %swap3A_936 = tpu.vector_load %arg10[%swap3A_934, %swap3A_935] {strides = array<i32>} : memref<128x128xf32, #tpu.memory_space<vmem>>, vector<16xf32>,
        tpu.vector_store %arg10[%swap3A_934, %swap3A_935], %mul3A_933 {strides = array<i32>} : memref<128x128xf32, #tpu.memory_space<vmem>>, vector<16xf32>,
        %get3A_937 = arith.index_cast %add3A_908 : i32 to index
        %get3A_938 = arith.constant 64 : index
        %get3A_939 = tpu.vector_load %arg10[%get3A_937, %get3A_938] {strides = array<i32>} : memref<128x128xf32, #tpu.memory_space<vmem>>, vector<16xf32>,
        %mul3A_940 = arith.mulf %get3A_939, %broadcast_in_dim3A_904 : vector<16xf32>
        %swap3A_941 = arith.index_cast %add3A_908 : i32 to index
        %swap3A_942 = arith.constant 64 : index
        %swap3A_943 = tpu.vector_load %arg10[%swap3A_941, %swap3A_942] {strides = array<i32>} : memref<128x128xf32, #tpu.memory_space<vmem>>, vector<16xf32>,
        tpu.vector_store %arg10[%swap3A_941, %swap3A_942], %mul3A_940 {strides = array<i32>} : memref<128x128xf32, #tpu.memory_space<vmem>>, vector<16xf32>,
        %get3A_944 = arith.index_cast %add3A_908 : i32 to index
        %get3A_945 = arith.constant 80 : index
        %get3A_946 = tpu.vector_load %arg10[%get3A_944, %get3A_945] {strides = array<i32>} : memref<128x128xf32, #tpu.memory_space<vmem>>, vector<16xf32>,
        %mul3A_947 = arith.mulf %get3A_946, %broadcast_in_dim3A_904 : vector<16xf32>
        %swap3A_948 = arith.index_cast %add3A_908 : i32 to index
        %swap3A_949 = arith.constant 80 : index
        %swap3A_950 = tpu.vector_load %arg10[%swap3A_948, %swap3A_949] {strides = array<i32>} : memref<128x128xf32, #tpu.memory_space<vmem>>, vector<16xf32>,
        tpu.vector_store %arg10[%swap3A_948, %swap3A_949], %mul3A_947 {strides = array<i32>} : memref<128x128xf32, #tpu.memory_space<vmem>>, vector<16xf32>,
        %get3A_951 = arith.index_cast %add3A_908 : i32 to index
        %get3A_952 = arith.constant 96 : index
        %get3A_953 = tpu.vector_load %arg10[%get3A_951, %get3A_952] {strides = array<i32>} : memref<128x128xf32, #tpu.memory_space<vmem>>, vector<16xf32>,
        %mul3A_954 = arith.mulf %get3A_953, %broadcast_in_dim3A_904 : vector<16xf32>
        %swap3A_955 = arith.index_cast %add3A_908 : i32 to index
        %swap3A_956 = arith.constant 96 : index
        %swap3A_957 = tpu.vector_load %arg10[%swap3A_955, %swap3A_956] {strides = array<i32>} : memref<128x128xf32, #tpu.memory_space<vmem>>, vector<16xf32>,
        tpu.vector_store %arg10[%swap3A_955, %swap3A_956], %mul3A_954 {strides = array<i32>} : memref<128x128xf32, #tpu.memory_space<vmem>>, vector<16xf32>,
        %get3A_958 = arith.index_cast %add3A_908 : i32 to index
        %get3A_959 = arith.constant 112 : index
        %get3A_960 = tpu.vector_load %arg10[%get3A_958, %get3A_959] {strides = array<i32>} : memref<128x128xf32, #tpu.memory_space<vmem>>, vector<16xf32>,
        %mul3A_961 = arith.mulf %get3A_960, %broadcast_in_dim3A_904 : vector<16xf32>
        %swap3A_962 = arith.index_cast %add3A_908 : i32 to index
        %swap3A_963 = arith.constant 112 : index
        %swap3A_964 = tpu.vector_load %arg10[%swap3A_962, %swap3A_963] {strides = array<i32>} : memref<128x128xf32, #tpu.memory_space<vmem>>, vector<16xf32>,
        tpu.vector_store %arg10[%swap3A_962, %swap3A_963], %mul3A_961 {strides = array<i32>} : memref<128x128xf32, #tpu.memory_space<vmem>>, vector<16xf32>,
        %slice3A_965 = vector.extract_strided_slice %get3A_149 {offsets = [13], sizes = [1], strides = [1]} : vector<16xf32> to vector<1xf32>
        %squeeze3A_966 = vector.extract %slice3A_965[0] : f32 from vector<1xf32>
        %broadcast_in_dim3A_967 = vector.broadcast %squeeze3A_966 : f32 to vector<16xf32>
        %mul3A_968 = arith.constant 16 : i32
        %mul3A_969 = arith.muli %scan3A_144, %mul3A_968 : i32
        %add3A_970 = arith.constant 13 : i32
        %add3A_971 = arith.addi %mul3A_969, %add3A_970 : i32
        %get3A_972 = arith.index_cast %add3A_971 : i32 to index
        %get3A_973 = arith.constant 0 : index
        %get3A_974 = tpu.vector_load %arg10[%get3A_972, %get3A_973] {strides = array<i32>} : memref<128x128xf32, #tpu.memory_space<vmem>>, vector<16xf32>,
        %mul3A_975 = arith.mulf %get3A_974, %broadcast_in_dim3A_967 : vector<16xf32>
        %swap3A_976 = arith.index_cast %add3A_971 : i32 to index
        %swap3A_977 = arith.constant 0 : index
        %swap3A_978 = tpu.vector_load %arg10[%swap3A_976, %swap3A_977] {strides = array<i32>} : memref<128x128xf32, #tpu.memory_space<vmem>>, vector<16xf32>,
        tpu.vector_store %arg10[%swap3A_976, %swap3A_977], %mul3A_975 {strides = array<i32>} : memref<128x128xf32, #tpu.memory_space<vmem>>, vector<16xf32>,
        %get3A_979 = arith.index_cast %add3A_971 : i32 to index
        %get3A_980 = arith.constant 16 : index
        %get3A_981 = tpu.vector_load %arg10[%get3A_979, %get3A_980] {strides = array<i32>} : memref<128x128xf32, #tpu.memory_space<vmem>>, vector<16xf32>,
        %mul3A_982 = arith.mulf %get3A_981, %broadcast_in_dim3A_967 : vector<16xf32>
        %swap3A_983 = arith.index_cast %add3A_971 : i32 to index
        %swap3A_984 = arith.constant 16 : index
        %swap3A_985 = tpu.vector_load %arg10[%swap3A_983, %swap3A_984] {strides = array<i32>} : memref<128x128xf32, #tpu.memory_space<vmem>>, vector<16xf32>,
        tpu.vector_store %arg10[%swap3A_983, %swap3A_984], %mul3A_982 {strides = array<i32>} : memref<128x128xf32, #tpu.memory_space<vmem>>, vector<16xf32>,
        %get3A_986 = arith.index_cast %add3A_971 : i32 to index
        %get3A_987 = arith.constant 32 : index
        %get3A_988 = tpu.vector_load %arg10[%get3A_986, %get3A_987] {strides = array<i32>} : memref<128x128xf32, #tpu.memory_space<vmem>>, vector<16xf32>,
        %mul3A_989 = arith.mulf %get3A_988, %broadcast_in_dim3A_967 : vector<16xf32>
        %swap3A_990 = arith.index_cast %add3A_971 : i32 to index
        %swap3A_991 = arith.constant 32 : index
        %swap3A_992 = tpu.vector_load %arg10[%swap3A_990, %swap3A_991] {strides = array<i32>} : memref<128x128xf32, #tpu.memory_space<vmem>>, vector<16xf32>,
        tpu.vector_store %arg10[%swap3A_990, %swap3A_991], %mul3A_989 {strides = array<i32>} : memref<128x128xf32, #tpu.memory_space<vmem>>, vector<16xf32>,
        %get3A_993 = arith.index_cast %add3A_971 : i32 to index
        %get3A_994 = arith.constant 48 : index
        %get3A_995 = tpu.vector_load %arg10[%get3A_993, %get3A_994] {strides = array<i32>} : memref<128x128xf32, #tpu.memory_space<vmem>>, vector<16xf32>,
        %mul3A_996 = arith.mulf %get3A_995, %broadcast_in_dim3A_967 : vector<16xf32>
        %swap3A_997 = arith.index_cast %add3A_971 : i32 to index
        %swap3A_998 = arith.constant 48 : index
        %swap3A_999 = tpu.vector_load %arg10[%swap3A_997, %swap3A_998] {strides = array<i32>} : memref<128x128xf32, #tpu.memory_space<vmem>>, vector<16xf32>,
        tpu.vector_store %arg10[%swap3A_997, %swap3A_998], %mul3A_996 {strides = array<i32>} : memref<128x128xf32, #tpu.memory_space<vmem>>, vector<16xf32>,
        %get3A_1000 = arith.index_cast %add3A_971 : i32 to index
        %get3A_1001 = arith.constant 64 : index
        %get3A_1002 = tpu.vector_load %arg10[%get3A_1000, %get3A_1001] {strides = array<i32>} : memref<128x128xf32, #tpu.memory_space<vmem>>, vector<16xf32>,
        %mul3A_1003 = arith.mulf %get3A_1002, %broadcast_in_dim3A_967 : vector<16xf32>
        %swap3A_1004 = arith.index_cast %add3A_971 : i32 to index
        %swap3A_1005 = arith.constant 64 : index
        %swap3A_1006 = tpu.vector_load %arg10[%swap3A_1004, %swap3A_1005] {strides = array<i32>} : memref<128x128xf32, #tpu.memory_space<vmem>>, vector<16xf32>,
        tpu.vector_store %arg10[%swap3A_1004, %swap3A_1005], %mul3A_1003 {strides = array<i32>} : memref<128x128xf32, #tpu.memory_space<vmem>>, vector<16xf32>,
        %get3A_1007 = arith.index_cast %add3A_971 : i32 to index
        %get3A_1008 = arith.constant 80 : index
        %get3A_1009 = tpu.vector_load %arg10[%get3A_1007, %get3A_1008] {strides = array<i32>} : memref<128x128xf32, #tpu.memory_space<vmem>>, vector<16xf32>,
        %mul3A_1010 = arith.mulf %get3A_1009, %broadcast_in_dim3A_967 : vector<16xf32>
        %swap3A_1011 = arith.index_cast %add3A_971 : i32 to index
        %swap3A_1012 = arith.constant 80 : index
        %swap3A_1013 = tpu.vector_load %arg10[%swap3A_1011, %swap3A_1012] {strides = array<i32>} : memref<128x128xf32, #tpu.memory_space<vmem>>, vector<16xf32>,
        tpu.vector_store %arg10[%swap3A_1011, %swap3A_1012], %mul3A_1010 {strides = array<i32>} : memref<128x128xf32, #tpu.memory_space<vmem>>, vector<16xf32>,
        %get3A_1014 = arith.index_cast %add3A_971 : i32 to index
        %get3A_1015 = arith.constant 96 : index
        %get3A_1016 = tpu.vector_load %arg10[%get3A_1014, %get3A_1015] {strides = array<i32>} : memref<128x128xf32, #tpu.memory_space<vmem>>, vector<16xf32>,
        %mul3A_1017 = arith.mulf %get3A_1016, %broadcast_in_dim3A_967 : vector<16xf32>
        %swap3A_1018 = arith.index_cast %add3A_971 : i32 to index
        %swap3A_1019 = arith.constant 96 : index
        %swap3A_1020 = tpu.vector_load %arg10[%swap3A_1018, %swap3A_1019] {strides = array<i32>} : memref<128x128xf32, #tpu.memory_space<vmem>>, vector<16xf32>,
        tpu.vector_store %arg10[%swap3A_1018, %swap3A_1019], %mul3A_1017 {strides = array<i32>} : memref<128x128xf32, #tpu.memory_space<vmem>>, vector<16xf32>,
        %get3A_1021 = arith.index_cast %add3A_971 : i32 to index
        %get3A_1022 = arith.constant 112 : index
        %get3A_1023 = tpu.vector_load %arg10[%get3A_1021, %get3A_1022] {strides = array<i32>} : memref<128x128xf32, #tpu.memory_space<vmem>>, vector<16xf32>,
        %mul3A_1024 = arith.mulf %get3A_1023, %broadcast_in_dim3A_967 : vector<16xf32>
        %swap3A_1025 = arith.index_cast %add3A_971 : i32 to index
        %swap3A_1026 = arith.constant 112 : index
        %swap3A_1027 = tpu.vector_load %arg10[%swap3A_1025, %swap3A_1026] {strides = array<i32>} : memref<128x128xf32, #tpu.memory_space<vmem>>, vector<16xf32>,
        tpu.vector_store %arg10[%swap3A_1025, %swap3A_1026], %mul3A_1024 {strides = array<i32>} : memref<128x128xf32, #tpu.memory_space<vmem>>, vector<16xf32>,
        %slice3A_1028 = vector.extract_strided_slice %get3A_149 {offsets = [14], sizes = [1], strides = [1]} : vector<16xf32> to vector<1xf32>
        %squeeze3A_1029 = vector.extract %slice3A_1028[0] : f32 from vector<1xf32>
        %broadcast_in_dim3A_1030 = vector.broadcast %squeeze3A_1029 : f32 to vector<16xf32>
        %mul3A_1031 = arith.constant 16 : i32
        %mul3A_1032 = arith.muli %scan3A_144, %mul3A_1031 : i32
        %add3A_1033 = arith.constant 14 : i32
        %add3A_1034 = arith.addi %mul3A_1032, %add3A_1033 : i32
        %get3A_1035 = arith.index_cast %add3A_1034 : i32 to index
        %get3A_1036 = arith.constant 0 : index
        %get3A_1037 = tpu.vector_load %arg10[%get3A_1035, %get3A_1036] {strides = array<i32>} : memref<128x128xf32, #tpu.memory_space<vmem>>, vector<16xf32>,
        %mul3A_1038 = arith.mulf %get3A_1037, %broadcast_in_dim3A_1030 : vector<16xf32>
        %swap3A_1039 = arith.index_cast %add3A_1034 : i32 to index
        %swap3A_1040 = arith.constant 0 : index
        %swap3A_1041 = tpu.vector_load %arg10[%swap3A_1039, %swap3A_1040] {strides = array<i32>} : memref<128x128xf32, #tpu.memory_space<vmem>>, vector<16xf32>,
        tpu.vector_store %arg10[%swap3A_1039, %swap3A_1040], %mul3A_1038 {strides = array<i32>} : memref<128x128xf32, #tpu.memory_space<vmem>>, vector<16xf32>,
        %get3A_1042 = arith.index_cast %add3A_1034 : i32 to index
        %get3A_1043 = arith.constant 16 : index
        %get3A_1044 = tpu.vector_load %arg10[%get3A_1042, %get3A_1043] {strides = array<i32>} : memref<128x128xf32, #tpu.memory_space<vmem>>, vector<16xf32>,
        %mul3A_1045 = arith.mulf %get3A_1044, %broadcast_in_dim3A_1030 : vector<16xf32>
        %swap3A_1046 = arith.index_cast %add3A_1034 : i32 to index
        %swap3A_1047 = arith.constant 16 : index
        %swap3A_1048 = tpu.vector_load %arg10[%swap3A_1046, %swap3A_1047] {strides = array<i32>} : memref<128x128xf32, #tpu.memory_space<vmem>>, vector<16xf32>,
        tpu.vector_store %arg10[%swap3A_1046, %swap3A_1047], %mul3A_1045 {strides = array<i32>} : memref<128x128xf32, #tpu.memory_space<vmem>>, vector<16xf32>,
        %get3A_1049 = arith.index_cast %add3A_1034 : i32 to index
        %get3A_1050 = arith.constant 32 : index
        %get3A_1051 = tpu.vector_load %arg10[%get3A_1049, %get3A_1050] {strides = array<i32>} : memref<128x128xf32, #tpu.memory_space<vmem>>, vector<16xf32>,
        %mul3A_1052 = arith.mulf %get3A_1051, %broadcast_in_dim3A_1030 : vector<16xf32>
        %swap3A_1053 = arith.index_cast %add3A_1034 : i32 to index
        %swap3A_1054 = arith.constant 32 : index
        %swap3A_1055 = tpu.vector_load %arg10[%swap3A_1053, %swap3A_1054] {strides = array<i32>} : memref<128x128xf32, #tpu.memory_space<vmem>>, vector<16xf32>,
        tpu.vector_store %arg10[%swap3A_1053, %swap3A_1054], %mul3A_1052 {strides = array<i32>} : memref<128x128xf32, #tpu.memory_space<vmem>>, vector<16xf32>,
        %get3A_1056 = arith.index_cast %add3A_1034 : i32 to index
        %get3A_1057 = arith.constant 48 : index
        %get3A_1058 = tpu.vector_load %arg10[%get3A_1056, %get3A_1057] {strides = array<i32>} : memref<128x128xf32, #tpu.memory_space<vmem>>, vector<16xf32>,
        %mul3A_1059 = arith.mulf %get3A_1058, %broadcast_in_dim3A_1030 : vector<16xf32>
        %swap3A_1060 = arith.index_cast %add3A_1034 : i32 to index
        %swap3A_1061 = arith.constant 48 : index
        %swap3A_1062 = tpu.vector_load %arg10[%swap3A_1060, %swap3A_1061] {strides = array<i32>} : memref<128x128xf32, #tpu.memory_space<vmem>>, vector<16xf32>,
        tpu.vector_store %arg10[%swap3A_1060, %swap3A_1061], %mul3A_1059 {strides = array<i32>} : memref<128x128xf32, #tpu.memory_space<vmem>>, vector<16xf32>,
        %get3A_1063 = arith.index_cast %add3A_1034 : i32 to index
        %get3A_1064 = arith.constant 64 : index
        %get3A_1065 = tpu.vector_load %arg10[%get3A_1063, %get3A_1064] {strides = array<i32>} : memref<128x128xf32, #tpu.memory_space<vmem>>, vector<16xf32>,
        %mul3A_1066 = arith.mulf %get3A_1065, %broadcast_in_dim3A_1030 : vector<16xf32>
        %swap3A_1067 = arith.index_cast %add3A_1034 : i32 to index
        %swap3A_1068 = arith.constant 64 : index
        %swap3A_1069 = tpu.vector_load %arg10[%swap3A_1067, %swap3A_1068] {strides = array<i32>} : memref<128x128xf32, #tpu.memory_space<vmem>>, vector<16xf32>,
        tpu.vector_store %arg10[%swap3A_1067, %swap3A_1068], %mul3A_1066 {strides = array<i32>} : memref<128x128xf32, #tpu.memory_space<vmem>>, vector<16xf32>,
        %get3A_1070 = arith.index_cast %add3A_1034 : i32 to index
        %get3A_1071 = arith.constant 80 : index
        %get3A_1072 = tpu.vector_load %arg10[%get3A_1070, %get3A_1071] {strides = array<i32>} : memref<128x128xf32, #tpu.memory_space<vmem>>, vector<16xf32>,
        %mul3A_1073 = arith.mulf %get3A_1072, %broadcast_in_dim3A_1030 : vector<16xf32>
        %swap3A_1074 = arith.index_cast %add3A_1034 : i32 to index
        %swap3A_1075 = arith.constant 80 : index
        %swap3A_1076 = tpu.vector_load %arg10[%swap3A_1074, %swap3A_1075] {strides = array<i32>} : memref<128x128xf32, #tpu.memory_space<vmem>>, vector<16xf32>,
        tpu.vector_store %arg10[%swap3A_1074, %swap3A_1075], %mul3A_1073 {strides = array<i32>} : memref<128x128xf32, #tpu.memory_space<vmem>>, vector<16xf32>,
        %get3A_1077 = arith.index_cast %add3A_1034 : i32 to index
        %get3A_1078 = arith.constant 96 : index
        %get3A_1079 = tpu.vector_load %arg10[%get3A_1077, %get3A_1078] {strides = array<i32>} : memref<128x128xf32, #tpu.memory_space<vmem>>, vector<16xf32>,
        %mul3A_1080 = arith.mulf %get3A_1079, %broadcast_in_dim3A_1030 : vector<16xf32>
        %swap3A_1081 = arith.index_cast %add3A_1034 : i32 to index
        %swap3A_1082 = arith.constant 96 : index
        %swap3A_1083 = tpu.vector_load %arg10[%swap3A_1081, %swap3A_1082] {strides = array<i32>} : memref<128x128xf32, #tpu.memory_space<vmem>>, vector<16xf32>,
        tpu.vector_store %arg10[%swap3A_1081, %swap3A_1082], %mul3A_1080 {strides = array<i32>} : memref<128x128xf32, #tpu.memory_space<vmem>>, vector<16xf32>,
        %get3A_1084 = arith.index_cast %add3A_1034 : i32 to index
        %get3A_1085 = arith.constant 112 : index
        %get3A_1086 = tpu.vector_load %arg10[%get3A_1084, %get3A_1085] {strides = array<i32>} : memref<128x128xf32, #tpu.memory_space<vmem>>, vector<16xf32>,
        %mul3A_1087 = arith.mulf %get3A_1086, %broadcast_in_dim3A_1030 : vector<16xf32>
        %swap3A_1088 = arith.index_cast %add3A_1034 : i32 to index
        %swap3A_1089 = arith.constant 112 : index
        %swap3A_1090 = tpu.vector_load %arg10[%swap3A_1088, %swap3A_1089] {strides = array<i32>} : memref<128x128xf32, #tpu.memory_space<vmem>>, vector<16xf32>,
        tpu.vector_store %arg10[%swap3A_1088, %swap3A_1089], %mul3A_1087 {strides = array<i32>} : memref<128x128xf32, #tpu.memory_space<vmem>>, vector<16xf32>,
        %slice3A_1091 = vector.extract_strided_slice %get3A_149 {offsets = [15], sizes = [1], strides = [1]} : vector<16xf32> to vector<1xf32>
        %squeeze3A_1092 = vector.extract %slice3A_1091[0] : f32 from vector<1xf32>
        %broadcast_in_dim3A_1093 = vector.broadcast %squeeze3A_1092 : f32 to vector<16xf32>
        %mul3A_1094 = arith.constant 16 : i32
        %mul3A_1095 = arith.muli %scan3A_144, %mul3A_1094 : i32
        %add3A_1096 = arith.constant 15 : i32
        %add3A_1097 = arith.addi %mul3A_1095, %add3A_1096 : i32
        %get3A_1098 = arith.index_cast %add3A_1097 : i32 to index
        %get3A_1099 = arith.constant 0 : index
        %get3A_1100 = tpu.vector_load %arg10[%get3A_1098, %get3A_1099] {strides = array<i32>} : memref<128x128xf32, #tpu.memory_space<vmem>>, vector<16xf32>,
        %mul3A_1101 = arith.mulf %get3A_1100, %broadcast_in_dim3A_1093 : vector<16xf32>
        %swap3A_1102 = arith.index_cast %add3A_1097 : i32 to index
        %swap3A_1103 = arith.constant 0 : index
        %swap3A_1104 = tpu.vector_load %arg10[%swap3A_1102, %swap3A_1103] {strides = array<i32>} : memref<128x128xf32, #tpu.memory_space<vmem>>, vector<16xf32>,
        tpu.vector_store %arg10[%swap3A_1102, %swap3A_1103], %mul3A_1101 {strides = array<i32>} : memref<128x128xf32, #tpu.memory_space<vmem>>, vector<16xf32>,
        %get3A_1105 = arith.index_cast %add3A_1097 : i32 to index
        %get3A_1106 = arith.constant 16 : index
        %get3A_1107 = tpu.vector_load %arg10[%get3A_1105, %get3A_1106] {strides = array<i32>} : memref<128x128xf32, #tpu.memory_space<vmem>>, vector<16xf32>,
        %mul3A_1108 = arith.mulf %get3A_1107, %broadcast_in_dim3A_1093 : vector<16xf32>
        %swap3A_1109 = arith.index_cast %add3A_1097 : i32 to index
        %swap3A_1110 = arith.constant 16 : index
        %swap3A_1111 = tpu.vector_load %arg10[%swap3A_1109, %swap3A_1110] {strides = array<i32>} : memref<128x128xf32, #tpu.memory_space<vmem>>, vector<16xf32>,
        tpu.vector_store %arg10[%swap3A_1109, %swap3A_1110], %mul3A_1108 {strides = array<i32>} : memref<128x128xf32, #tpu.memory_space<vmem>>, vector<16xf32>,
        %get3A_1112 = arith.index_cast %add3A_1097 : i32 to index
        %get3A_1113 = arith.constant 32 : index
        %get3A_1114 = tpu.vector_load %arg10[%get3A_1112, %get3A_1113] {strides = array<i32>} : memref<128x128xf32, #tpu.memory_space<vmem>>, vector<16xf32>,
        %mul3A_1115 = arith.mulf %get3A_1114, %broadcast_in_dim3A_1093 : vector<16xf32>
        %swap3A_1116 = arith.index_cast %add3A_1097 : i32 to index
        %swap3A_1117 = arith.constant 32 : index
        %swap3A_1118 = tpu.vector_load %arg10[%swap3A_1116, %swap3A_1117] {strides = array<i32>} : memref<128x128xf32, #tpu.memory_space<vmem>>, vector<16xf32>,
        tpu.vector_store %arg10[%swap3A_1116, %swap3A_1117], %mul3A_1115 {strides = array<i32>} : memref<128x128xf32, #tpu.memory_space<vmem>>, vector<16xf32>,
        %get3A_1119 = arith.index_cast %add3A_1097 : i32 to index
        %get3A_1120 = arith.constant 48 : index
        %get3A_1121 = tpu.vector_load %arg10[%get3A_1119, %get3A_1120] {strides = array<i32>} : memref<128x128xf32, #tpu.memory_space<vmem>>, vector<16xf32>,
        %mul3A_1122 = arith.mulf %get3A_1121, %broadcast_in_dim3A_1093 : vector<16xf32>
        %swap3A_1123 = arith.index_cast %add3A_1097 : i32 to index
        %swap3A_1124 = arith.constant 48 : index
        %swap3A_1125 = tpu.vector_load %arg10[%swap3A_1123, %swap3A_1124] {strides = array<i32>} : memref<128x128xf32, #tpu.memory_space<vmem>>, vector<16xf32>,
        tpu.vector_store %arg10[%swap3A_1123, %swap3A_1124], %mul3A_1122 {strides = array<i32>} : memref<128x128xf32, #tpu.memory_space<vmem>>, vector<16xf32>,
        %get3A_1126 = arith.index_cast %add3A_1097 : i32 to index
        %get3A_1127 = arith.constant 64 : index
        %get3A_1128 = tpu.vector_load %arg10[%get3A_1126, %get3A_1127] {strides = array<i32>} : memref<128x128xf32, #tpu.memory_space<vmem>>, vector<16xf32>,
        %mul3A_1129 = arith.mulf %get3A_1128, %broadcast_in_dim3A_1093 : vector<16xf32>
        %swap3A_1130 = arith.index_cast %add3A_1097 : i32 to index
        %swap3A_1131 = arith.constant 64 : index
        %swap3A_1132 = tpu.vector_load %arg10[%swap3A_1130, %swap3A_1131] {strides = array<i32>} : memref<128x128xf32, #tpu.memory_space<vmem>>, vector<16xf32>,
        tpu.vector_store %arg10[%swap3A_1130, %swap3A_1131], %mul3A_1129 {strides = array<i32>} : memref<128x128xf32, #tpu.memory_space<vmem>>, vector<16xf32>,
        %get3A_1133 = arith.index_cast %add3A_1097 : i32 to index
        %get3A_1134 = arith.constant 80 : index
        %get3A_1135 = tpu.vector_load %arg10[%get3A_1133, %get3A_1134] {strides = array<i32>} : memref<128x128xf32, #tpu.memory_space<vmem>>, vector<16xf32>,
        %mul3A_1136 = arith.mulf %get3A_1135, %broadcast_in_dim3A_1093 : vector<16xf32>
        %swap3A_1137 = arith.index_cast %add3A_1097 : i32 to index
        %swap3A_1138 = arith.constant 80 : index
        %swap3A_1139 = tpu.vector_load %arg10[%swap3A_1137, %swap3A_1138] {strides = array<i32>} : memref<128x128xf32, #tpu.memory_space<vmem>>, vector<16xf32>,
        tpu.vector_store %arg10[%swap3A_1137, %swap3A_1138], %mul3A_1136 {strides = array<i32>} : memref<128x128xf32, #tpu.memory_space<vmem>>, vector<16xf32>,
        %get3A_1140 = arith.index_cast %add3A_1097 : i32 to index
        %get3A_1141 = arith.constant 96 : index
        %get3A_1142 = tpu.vector_load %arg10[%get3A_1140, %get3A_1141] {strides = array<i32>} : memref<128x128xf32, #tpu.memory_space<vmem>>, vector<16xf32>,
        %mul3A_1143 = arith.mulf %get3A_1142, %broadcast_in_dim3A_1093 : vector<16xf32>
        %swap3A_1144 = arith.index_cast %add3A_1097 : i32 to index
        %swap3A_1145 = arith.constant 96 : index
        %swap3A_1146 = tpu.vector_load %arg10[%swap3A_1144, %swap3A_1145] {strides = array<i32>} : memref<128x128xf32, #tpu.memory_space<vmem>>, vector<16xf32>,
        tpu.vector_store %arg10[%swap3A_1144, %swap3A_1145], %mul3A_1143 {strides = array<i32>} : memref<128x128xf32, #tpu.memory_space<vmem>>, vector<16xf32>,
        %get3A_1147 = arith.index_cast %add3A_1097 : i32 to index
        %get3A_1148 = arith.constant 112 : index
        %get3A_1149 = tpu.vector_load %arg10[%get3A_1147, %get3A_1148] {strides = array<i32>} : memref<128x128xf32, #tpu.memory_space<vmem>>, vector<16xf32>,
        %mul3A_1150 = arith.mulf %get3A_1149, %broadcast_in_dim3A_1093 : vector<16xf32>
        %swap3A_1151 = arith.index_cast %add3A_1097 : i32 to index
        %swap3A_1152 = arith.constant 112 : index
        %swap3A_1153 = tpu.vector_load %arg10[%swap3A_1151, %swap3A_1152] {strides = array<i32>} : memref<128x128xf32, #tpu.memory_space<vmem>>, vector<16xf32>,
        tpu.vector_store %arg10[%swap3A_1151, %swap3A_1152], %mul3A_1150 {strides = array<i32>} : memref<128x128xf32, #tpu.memory_space<vmem>>, vector<16xf32>,
        %scan3A_1154 = arith.constant 0 : i32
        scf.yield %scan3A_1154 : i32
      }
      %scan3A_142 = arith.constant 8 : i32
      "tpu.region"() ({
        %run_scoped3A = tpu.sem_alloc : memref<!tpu.dma_semaphore, #tpu.memory_space<semaphore_mem>>
        %dma_start3A_144 = arith.constant 0 : i32
        %dma_start3A_145 = tpu.memref_slice %arg8[%scan3A_124, %dma_start3A_144] : memref<81x128xi32, #tpu.memory_space<vmem>> -> memref<1x128xi32, #tpu.memory_space<vmem>>
        %dma_start3A_146 = tpu.memref_squeeze %dma_start3A_145 : memref<1x128xi32, #tpu.memory_space<vmem>> -> memref<128xi32, #tpu.memory_space<vmem>>
        %dma_start3A_147 = arith.constant 0 : i32
        %dma_start3A_148 = arith.constant 0 : i32
        %dma_start3A_149 = tpu.memref_slice %arg12[%dma_start3A_147, %dma_start3A_148] : memref<10000x128xf32, #tpu.memory_space<vmem_shared>> -> memref<10000x128xf32, #tpu.memory_space<vmem_shared>>
        tpu.enqueue_indirect_dma source(%arg10 : memref<128x128xf32, #tpu.memory_space<vmem>>) target(%dma_start3A_149 : memref<10000x128xf32, #tpu.memory_space<vmem_shared>>) offsets(%dma_start3A_146 : memref<128xi32, #tpu.memory_space<vmem>>) semaphore(%run_scoped3A : memref<!tpu.dma_semaphore, #tpu.memory_space<semaphore_mem>>) {add = true}
        %dma_wait3A_150 = arith.constant 0 : i32
        %dma_wait3A_151 = tpu.memref_slice %arg8[%scan3A_124, %dma_wait3A_150] : memref<81x128xi32, #tpu.memory_space<vmem>> -> memref<1x128xi32, #tpu.memory_space<vmem>>
        %dma_wait3A_152 = tpu.memref_squeeze %dma_wait3A_151 : memref<1x128xi32, #tpu.memory_space<vmem>> -> memref<128xi32, #tpu.memory_space<vmem>>
        %dma_wait3A_153 = arith.constant 0 : i32
        %dma_wait3A_154 = arith.constant 0 : i32
        %dma_wait3A_155 = tpu.memref_slice %arg12[%dma_wait3A_153, %dma_wait3A_154] : memref<10000x128xf32, #tpu.memory_space<vmem_shared>> -> memref<10000x128xf32, #tpu.memory_space<vmem_shared>>
        tpu.wait_indirect_dma semaphore(%run_scoped3A : memref<!tpu.dma_semaphore, #tpu.memory_space<semaphore_mem>>) src(%arg10 : memref<128x128xf32, #tpu.memory_space<vmem>>) dst(%dma_wait3A_155 : memref<10000x128xf32, #tpu.memory_space<vmem_shared>>)
        tpu.yield
      }) : () -> ()
      %scan3A_143 = arith.constant 0 : i32
      scf.yield %scan3A_143 : i32
    }
    %scan3A_66 = arith.constant 81 : i32
    %barrier3A_67 = arith.constant 0 : index
    tpu.barrier barrier_id(%barrier3A_67)
    %add3A_68 = arith.constant 0 : i32
    %add3A_69 = arith.addi %add3A_68, %arg1 : i32
    %lt3A_70 = arith.constant 125 : i32
    %lt3A_71 = arith.cmpi slt, %add3A_69, %lt3A_70 : i32
    %convert_element_type3A_72 = arith.extui %lt3A_71 : i1 to i32
    %cond3A_73 = arith.constant 0 : i32
    %cond3A_74 = arith.cmpi ne, %convert_element_type3A_72, %cond3A_73 : i32
    scf.if %cond3A_74 {
      %mul3A_124 = arith.constant 80 : i32
      %mul3A_125 = arith.muli %add3A_69, %mul3A_124 : i32
      "tpu.region"() ({
        %run_scoped3A = tpu.sem_alloc : memref<!tpu.dma_semaphore, #tpu.memory_space<semaphore_mem>>
        %dma_start3A = arith.constant 0 : i32
        %dma_start3A_126 = tpu.memref_slice %arg6[%arg0, %mul3A_125, %dma_start3A] : memref<2x10000x128xf32, #tpu.memory_space<hbm>> -> memref<1x80x128xf32, #tpu.memory_space<hbm>>
        %dma_start3A_127 = tpu.memref_squeeze %dma_start3A_126 : memref<1x80x128xf32, #tpu.memory_space<hbm>> -> memref<80x128xf32, #tpu.memory_space<hbm>>
        %dma_start3A_128 = arith.constant 0 : i32
        %dma_start3A_129 = tpu.memref_slice %arg12[%mul3A_125, %dma_start3A_128] : memref<10000x128xf32, #tpu.memory_space<vmem_shared>> -> memref<80x128xf32, #tpu.memory_space<vmem_shared>>
        tpu.enqueue_dma source(%dma_start3A_129 : memref<80x128xf32, #tpu.memory_space<vmem_shared>>) target(%dma_start3A_127 : memref<80x128xf32, #tpu.memory_space<hbm>>) target_semaphore(%run_scoped3A : memref<!tpu.dma_semaphore, #tpu.memory_space<semaphore_mem>>)
        %dma_wait3A = arith.constant 0 : i32
        %dma_wait3A_130 = tpu.memref_slice %arg6[%arg0, %mul3A_125, %dma_wait3A] : memref<2x10000x128xf32, #tpu.memory_space<hbm>> -> memref<1x80x128xf32, #tpu.memory_space<hbm>>
        %dma_wait3A_131 = tpu.memref_squeeze %dma_wait3A_130 : memref<1x80x128xf32, #tpu.memory_space<hbm>> -> memref<80x128xf32, #tpu.memory_space<hbm>>
        %dma_wait3A_132 = arith.constant 0 : i32
        %dma_wait3A_133 = tpu.memref_slice %arg12[%mul3A_125, %dma_wait3A_132] : memref<10000x128xf32, #tpu.memory_space<vmem_shared>> -> memref<80x128xf32, #tpu.memory_space<vmem_shared>>
        tpu.wait_dma2 semaphore(%run_scoped3A : memref<!tpu.dma_semaphore, #tpu.memory_space<semaphore_mem>>) src(%dma_wait3A_133 : memref<80x128xf32, #tpu.memory_space<vmem_shared>>) dst(%dma_wait3A_131 : memref<80x128xf32, #tpu.memory_space<hbm>>)
        tpu.yield
      }) : () -> ()
    } else {
    }
    %add3A_75 = arith.constant 16 : i32
    %add3A_76 = arith.addi %add3A_75, %arg1 : i32
    %lt3A_77 = arith.constant 125 : i32
    %lt3A_78 = arith.cmpi slt, %add3A_76, %lt3A_77 : i32
    %convert_element_type3A_79 = arith.extui %lt3A_78 : i1 to i32
    %cond3A_80 = arith.constant 0 : i32
    %cond3A_81 = arith.cmpi ne, %convert_element_type3A_79, %cond3A_80 : i32
    scf.if %cond3A_81 {
      %mul3A_124 = arith.constant 80 : i32
      %mul3A_125 = arith.muli %add3A_76, %mul3A_124 : i32
      "tpu.region"() ({
        %run_scoped3A = tpu.sem_alloc : memref<!tpu.dma_semaphore, #tpu.memory_space<semaphore_mem>>
        %dma_start3A = arith.constant 0 : i32
        %dma_start3A_126 = tpu.memref_slice %arg6[%arg0, %mul3A_125, %dma_start3A] : memref<2x10000x128xf32, #tpu.memory_space<hbm>> -> memref<1x80x128xf32, #tpu.memory_space<hbm>>
        %dma_start3A_127 = tpu.memref_squeeze %dma_start3A_126 : memref<1x80x128xf32, #tpu.memory_space<hbm>> -> memref<80x128xf32, #tpu.memory_space<hbm>>
        %dma_start3A_128 = arith.constant 0 : i32
        %dma_start3A_129 = tpu.memref_slice %arg12[%mul3A_125, %dma_start3A_128] : memref<10000x128xf32, #tpu.memory_space<vmem_shared>> -> memref<80x128xf32, #tpu.memory_space<vmem_shared>>
        tpu.enqueue_dma source(%dma_start3A_129 : memref<80x128xf32, #tpu.memory_space<vmem_shared>>) target(%dma_start3A_127 : memref<80x128xf32, #tpu.memory_space<hbm>>) target_semaphore(%run_scoped3A : memref<!tpu.dma_semaphore, #tpu.memory_space<semaphore_mem>>)
        %dma_wait3A = arith.constant 0 : i32
        %dma_wait3A_130 = tpu.memref_slice %arg6[%arg0, %mul3A_125, %dma_wait3A] : memref<2x10000x128xf32, #tpu.memory_space<hbm>> -> memref<1x80x128xf32, #tpu.memory_space<hbm>>
        %dma_wait3A_131 = tpu.memref_squeeze %dma_wait3A_130 : memref<1x80x128xf32, #tpu.memory_space<hbm>> -> memref<80x128xf32, #tpu.memory_space<hbm>>
        %dma_wait3A_132 = arith.constant 0 : i32
        %dma_wait3A_133 = tpu.memref_slice %arg12[%mul3A_125, %dma_wait3A_132] : memref<10000x128xf32, #tpu.memory_space<vmem_shared>> -> memref<80x128xf32, #tpu.memory_space<vmem_shared>>
        tpu.wait_dma2 semaphore(%run_scoped3A : memref<!tpu.dma_semaphore, #tpu.memory_space<semaphore_mem>>) src(%dma_wait3A_133 : memref<80x128xf32, #tpu.memory_space<vmem_shared>>) dst(%dma_wait3A_131 : memref<80x128xf32, #tpu.memory_space<hbm>>)
        tpu.yield
      }) : () -> ()
    } else {
    }
    %add3A_82 = arith.constant 32 : i32
    %add3A_83 = arith.addi %add3A_82, %arg1 : i32
    %lt3A_84 = arith.constant 125 : i32
    %lt3A_85 = arith.cmpi slt, %add3A_83, %lt3A_84 : i32
    %convert_element_type3A_86 = arith.extui %lt3A_85 : i1 to i32
    %cond3A_87 = arith.constant 0 : i32
    %cond3A_88 = arith.cmpi ne, %convert_element_type3A_86, %cond3A_87 : i32
    scf.if %cond3A_88 {
      %mul3A_124 = arith.constant 80 : i32
      %mul3A_125 = arith.muli %add3A_83, %mul3A_124 : i32
      "tpu.region"() ({
        %run_scoped3A = tpu.sem_alloc : memref<!tpu.dma_semaphore, #tpu.memory_space<semaphore_mem>>
        %dma_start3A = arith.constant 0 : i32
        %dma_start3A_126 = tpu.memref_slice %arg6[%arg0, %mul3A_125, %dma_start3A] : memref<2x10000x128xf32, #tpu.memory_space<hbm>> -> memref<1x80x128xf32, #tpu.memory_space<hbm>>
        %dma_start3A_127 = tpu.memref_squeeze %dma_start3A_126 : memref<1x80x128xf32, #tpu.memory_space<hbm>> -> memref<80x128xf32, #tpu.memory_space<hbm>>
        %dma_start3A_128 = arith.constant 0 : i32
        %dma_start3A_129 = tpu.memref_slice %arg12[%mul3A_125, %dma_start3A_128] : memref<10000x128xf32, #tpu.memory_space<vmem_shared>> -> memref<80x128xf32, #tpu.memory_space<vmem_shared>>
        tpu.enqueue_dma source(%dma_start3A_129 : memref<80x128xf32, #tpu.memory_space<vmem_shared>>) target(%dma_start3A_127 : memref<80x128xf32, #tpu.memory_space<hbm>>) target_semaphore(%run_scoped3A : memref<!tpu.dma_semaphore, #tpu.memory_space<semaphore_mem>>)
        %dma_wait3A = arith.constant 0 : i32
        %dma_wait3A_130 = tpu.memref_slice %arg6[%arg0, %mul3A_125, %dma_wait3A] : memref<2x10000x128xf32, #tpu.memory_space<hbm>> -> memref<1x80x128xf32, #tpu.memory_space<hbm>>
        %dma_wait3A_131 = tpu.memref_squeeze %dma_wait3A_130 : memref<1x80x128xf32, #tpu.memory_space<hbm>> -> memref<80x128xf32, #tpu.memory_space<hbm>>
        %dma_wait3A_132 = arith.constant 0 : i32
        %dma_wait3A_133 = tpu.memref_slice %arg12[%mul3A_125, %dma_wait3A_132] : memref<10000x128xf32, #tpu.memory_space<vmem_shared>> -> memref<80x128xf32, #tpu.memory_space<vmem_shared>>
        tpu.wait_dma2 semaphore(%run_scoped3A : memref<!tpu.dma_semaphore, #tpu.memory_space<semaphore_mem>>) src(%dma_wait3A_133 : memref<80x128xf32, #tpu.memory_space<vmem_shared>>) dst(%dma_wait3A_131 : memref<80x128xf32, #tpu.memory_space<hbm>>)
        tpu.yield
      }) : () -> ()
    } else {
    }
    %add3A_89 = arith.constant 48 : i32
    %add3A_90 = arith.addi %add3A_89, %arg1 : i32
    %lt3A_91 = arith.constant 125 : i32
    %lt3A_92 = arith.cmpi slt, %add3A_90, %lt3A_91 : i32
    %convert_element_type3A_93 = arith.extui %lt3A_92 : i1 to i32
    %cond3A_94 = arith.constant 0 : i32
    %cond3A_95 = arith.cmpi ne, %convert_element_type3A_93, %cond3A_94 : i32
    scf.if %cond3A_95 {
      %mul3A_124 = arith.constant 80 : i32
      %mul3A_125 = arith.muli %add3A_90, %mul3A_124 : i32
      "tpu.region"() ({
        %run_scoped3A = tpu.sem_alloc : memref<!tpu.dma_semaphore, #tpu.memory_space<semaphore_mem>>
        %dma_start3A = arith.constant 0 : i32
        %dma_start3A_126 = tpu.memref_slice %arg6[%arg0, %mul3A_125, %dma_start3A] : memref<2x10000x128xf32, #tpu.memory_space<hbm>> -> memref<1x80x128xf32, #tpu.memory_space<hbm>>
        %dma_start3A_127 = tpu.memref_squeeze %dma_start3A_126 : memref<1x80x128xf32, #tpu.memory_space<hbm>> -> memref<80x128xf32, #tpu.memory_space<hbm>>
        %dma_start3A_128 = arith.constant 0 : i32
        %dma_start3A_129 = tpu.memref_slice %arg12[%mul3A_125, %dma_start3A_128] : memref<10000x128xf32, #tpu.memory_space<vmem_shared>> -> memref<80x128xf32, #tpu.memory_space<vmem_shared>>
        tpu.enqueue_dma source(%dma_start3A_129 : memref<80x128xf32, #tpu.memory_space<vmem_shared>>) target(%dma_start3A_127 : memref<80x128xf32, #tpu.memory_space<hbm>>) target_semaphore(%run_scoped3A : memref<!tpu.dma_semaphore, #tpu.memory_space<semaphore_mem>>)
        %dma_wait3A = arith.constant 0 : i32
        %dma_wait3A_130 = tpu.memref_slice %arg6[%arg0, %mul3A_125, %dma_wait3A] : memref<2x10000x128xf32, #tpu.memory_space<hbm>> -> memref<1x80x128xf32, #tpu.memory_space<hbm>>
        %dma_wait3A_131 = tpu.memref_squeeze %dma_wait3A_130 : memref<1x80x128xf32, #tpu.memory_space<hbm>> -> memref<80x128xf32, #tpu.memory_space<hbm>>
        %dma_wait3A_132 = arith.constant 0 : i32
        %dma_wait3A_133 = tpu.memref_slice %arg12[%mul3A_125, %dma_wait3A_132] : memref<10000x128xf32, #tpu.memory_space<vmem_shared>> -> memref<80x128xf32, #tpu.memory_space<vmem_shared>>
        tpu.wait_dma2 semaphore(%run_scoped3A : memref<!tpu.dma_semaphore, #tpu.memory_space<semaphore_mem>>) src(%dma_wait3A_133 : memref<80x128xf32, #tpu.memory_space<vmem_shared>>) dst(%dma_wait3A_131 : memref<80x128xf32, #tpu.memory_space<hbm>>)
        tpu.yield
      }) : () -> ()
    } else {
    }
    %add3A_96 = arith.constant 64 : i32
    %add3A_97 = arith.addi %add3A_96, %arg1 : i32
    %lt3A_98 = arith.constant 125 : i32
    %lt3A_99 = arith.cmpi slt, %add3A_97, %lt3A_98 : i32
    %convert_element_type3A_100 = arith.extui %lt3A_99 : i1 to i32
    %cond3A_101 = arith.constant 0 : i32
    %cond3A_102 = arith.cmpi ne, %convert_element_type3A_100, %cond3A_101 : i32
    scf.if %cond3A_102 {
      %mul3A_124 = arith.constant 80 : i32
      %mul3A_125 = arith.muli %add3A_97, %mul3A_124 : i32
      "tpu.region"() ({
        %run_scoped3A = tpu.sem_alloc : memref<!tpu.dma_semaphore, #tpu.memory_space<semaphore_mem>>
        %dma_start3A = arith.constant 0 : i32
        %dma_start3A_126 = tpu.memref_slice %arg6[%arg0, %mul3A_125, %dma_start3A] : memref<2x10000x128xf32, #tpu.memory_space<hbm>> -> memref<1x80x128xf32, #tpu.memory_space<hbm>>
        %dma_start3A_127 = tpu.memref_squeeze %dma_start3A_126 : memref<1x80x128xf32, #tpu.memory_space<hbm>> -> memref<80x128xf32, #tpu.memory_space<hbm>>
        %dma_start3A_128 = arith.constant 0 : i32
        %dma_start3A_129 = tpu.memref_slice %arg12[%mul3A_125, %dma_start3A_128] : memref<10000x128xf32, #tpu.memory_space<vmem_shared>> -> memref<80x128xf32, #tpu.memory_space<vmem_shared>>
        tpu.enqueue_dma source(%dma_start3A_129 : memref<80x128xf32, #tpu.memory_space<vmem_shared>>) target(%dma_start3A_127 : memref<80x128xf32, #tpu.memory_space<hbm>>) target_semaphore(%run_scoped3A : memref<!tpu.dma_semaphore, #tpu.memory_space<semaphore_mem>>)
        %dma_wait3A = arith.constant 0 : i32
        %dma_wait3A_130 = tpu.memref_slice %arg6[%arg0, %mul3A_125, %dma_wait3A] : memref<2x10000x128xf32, #tpu.memory_space<hbm>> -> memref<1x80x128xf32, #tpu.memory_space<hbm>>
        %dma_wait3A_131 = tpu.memref_squeeze %dma_wait3A_130 : memref<1x80x128xf32, #tpu.memory_space<hbm>> -> memref<80x128xf32, #tpu.memory_space<hbm>>
        %dma_wait3A_132 = arith.constant 0 : i32
        %dma_wait3A_133 = tpu.memref_slice %arg12[%mul3A_125, %dma_wait3A_132] : memref<10000x128xf32, #tpu.memory_space<vmem_shared>> -> memref<80x128xf32, #tpu.memory_space<vmem_shared>>
        tpu.wait_dma2 semaphore(%run_scoped3A : memref<!tpu.dma_semaphore, #tpu.memory_space<semaphore_mem>>) src(%dma_wait3A_133 : memref<80x128xf32, #tpu.memory_space<vmem_shared>>) dst(%dma_wait3A_131 : memref<80x128xf32, #tpu.memory_space<hbm>>)
        tpu.yield
      }) : () -> ()
    } else {
    }
    %add3A_103 = arith.constant 80 : i32
    %add3A_104 = arith.addi %add3A_103, %arg1 : i32
    %lt3A_105 = arith.constant 125 : i32
    %lt3A_106 = arith.cmpi slt, %add3A_104, %lt3A_105 : i32
    %convert_element_type3A_107 = arith.extui %lt3A_106 : i1 to i32
    %cond3A_108 = arith.constant 0 : i32
    %cond3A_109 = arith.cmpi ne, %convert_element_type3A_107, %cond3A_108 : i32
    scf.if %cond3A_109 {
      %mul3A_124 = arith.constant 80 : i32
      %mul3A_125 = arith.muli %add3A_104, %mul3A_124 : i32
      "tpu.region"() ({
        %run_scoped3A = tpu.sem_alloc : memref<!tpu.dma_semaphore, #tpu.memory_space<semaphore_mem>>
        %dma_start3A = arith.constant 0 : i32
        %dma_start3A_126 = tpu.memref_slice %arg6[%arg0, %mul3A_125, %dma_start3A] : memref<2x10000x128xf32, #tpu.memory_space<hbm>> -> memref<1x80x128xf32, #tpu.memory_space<hbm>>
        %dma_start3A_127 = tpu.memref_squeeze %dma_start3A_126 : memref<1x80x128xf32, #tpu.memory_space<hbm>> -> memref<80x128xf32, #tpu.memory_space<hbm>>
        %dma_start3A_128 = arith.constant 0 : i32
        %dma_start3A_129 = tpu.memref_slice %arg12[%mul3A_125, %dma_start3A_128] : memref<10000x128xf32, #tpu.memory_space<vmem_shared>> -> memref<80x128xf32, #tpu.memory_space<vmem_shared>>
        tpu.enqueue_dma source(%dma_start3A_129 : memref<80x128xf32, #tpu.memory_space<vmem_shared>>) target(%dma_start3A_127 : memref<80x128xf32, #tpu.memory_space<hbm>>) target_semaphore(%run_scoped3A : memref<!tpu.dma_semaphore, #tpu.memory_space<semaphore_mem>>)
        %dma_wait3A = arith.constant 0 : i32
        %dma_wait3A_130 = tpu.memref_slice %arg6[%arg0, %mul3A_125, %dma_wait3A] : memref<2x10000x128xf32, #tpu.memory_space<hbm>> -> memref<1x80x128xf32, #tpu.memory_space<hbm>>
        %dma_wait3A_131 = tpu.memref_squeeze %dma_wait3A_130 : memref<1x80x128xf32, #tpu.memory_space<hbm>> -> memref<80x128xf32, #tpu.memory_space<hbm>>
        %dma_wait3A_132 = arith.constant 0 : i32
        %dma_wait3A_133 = tpu.memref_slice %arg12[%mul3A_125, %dma_wait3A_132] : memref<10000x128xf32, #tpu.memory_space<vmem_shared>> -> memref<80x128xf32, #tpu.memory_space<vmem_shared>>
        tpu.wait_dma2 semaphore(%run_scoped3A : memref<!tpu.dma_semaphore, #tpu.memory_space<semaphore_mem>>) src(%dma_wait3A_133 : memref<80x128xf32, #tpu.memory_space<vmem_shared>>) dst(%dma_wait3A_131 : memref<80x128xf32, #tpu.memory_space<hbm>>)
        tpu.yield
      }) : () -> ()
    } else {
    }
    %add3A_110 = arith.constant 96 : i32
    %add3A_111 = arith.addi %add3A_110, %arg1 : i32
    %lt3A_112 = arith.constant 125 : i32
    %lt3A_113 = arith.cmpi slt, %add3A_111, %lt3A_112 : i32
    %convert_element_type3A_114 = arith.extui %lt3A_113 : i1 to i32
    %cond3A_115 = arith.constant 0 : i32
    %cond3A_116 = arith.cmpi ne, %convert_element_type3A_114, %cond3A_115 : i32
    scf.if %cond3A_116 {
      %mul3A_124 = arith.constant 80 : i32
      %mul3A_125 = arith.muli %add3A_111, %mul3A_124 : i32
      "tpu.region"() ({
        %run_scoped3A = tpu.sem_alloc : memref<!tpu.dma_semaphore, #tpu.memory_space<semaphore_mem>>
        %dma_start3A = arith.constant 0 : i32
        %dma_start3A_126 = tpu.memref_slice %arg6[%arg0, %mul3A_125, %dma_start3A] : memref<2x10000x128xf32, #tpu.memory_space<hbm>> -> memref<1x80x128xf32, #tpu.memory_space<hbm>>
        %dma_start3A_127 = tpu.memref_squeeze %dma_start3A_126 : memref<1x80x128xf32, #tpu.memory_space<hbm>> -> memref<80x128xf32, #tpu.memory_space<hbm>>
        %dma_start3A_128 = arith.constant 0 : i32
        %dma_start3A_129 = tpu.memref_slice %arg12[%mul3A_125, %dma_start3A_128] : memref<10000x128xf32, #tpu.memory_space<vmem_shared>> -> memref<80x128xf32, #tpu.memory_space<vmem_shared>>
        tpu.enqueue_dma source(%dma_start3A_129 : memref<80x128xf32, #tpu.memory_space<vmem_shared>>) target(%dma_start3A_127 : memref<80x128xf32, #tpu.memory_space<hbm>>) target_semaphore(%run_scoped3A : memref<!tpu.dma_semaphore, #tpu.memory_space<semaphore_mem>>)
        %dma_wait3A = arith.constant 0 : i32
        %dma_wait3A_130 = tpu.memref_slice %arg6[%arg0, %mul3A_125, %dma_wait3A] : memref<2x10000x128xf32, #tpu.memory_space<hbm>> -> memref<1x80x128xf32, #tpu.memory_space<hbm>>
        %dma_wait3A_131 = tpu.memref_squeeze %dma_wait3A_130 : memref<1x80x128xf32, #tpu.memory_space<hbm>> -> memref<80x128xf32, #tpu.memory_space<hbm>>
        %dma_wait3A_132 = arith.constant 0 : i32
        %dma_wait3A_133 = tpu.memref_slice %arg12[%mul3A_125, %dma_wait3A_132] : memref<10000x128xf32, #tpu.memory_space<vmem_shared>> -> memref<80x128xf32, #tpu.memory_space<vmem_shared>>
        tpu.wait_dma2 semaphore(%run_scoped3A : memref<!tpu.dma_semaphore, #tpu.memory_space<semaphore_mem>>) src(%dma_wait3A_133 : memref<80x128xf32, #tpu.memory_space<vmem_shared>>) dst(%dma_wait3A_131 : memref<80x128xf32, #tpu.memory_space<hbm>>)
        tpu.yield
      }) : () -> ()
    } else {
    }
    %add3A_117 = arith.constant 112 : i32
    %add3A_118 = arith.addi %add3A_117, %arg1 : i32
    %lt3A_119 = arith.constant 125 : i32
    %lt3A_120 = arith.cmpi slt, %add3A_118, %lt3A_119 : i32
    %convert_element_type3A_121 = arith.extui %lt3A_120 : i1 to i32
    %cond3A_122 = arith.constant 0 : i32
    %cond3A_123 = arith.cmpi ne, %convert_element_type3A_121, %cond3A_122 : i32
    scf.if %cond3A_123 {
      %mul3A_124 = arith.constant 80 : i32
      %mul3A_125 = arith.muli %add3A_118, %mul3A_124 : i32
      "tpu.region"() ({
        %run_scoped3A = tpu.sem_alloc : memref<!tpu.dma_semaphore, #tpu.memory_space<semaphore_mem>>
        %dma_start3A = arith.constant 0 : i32
        %dma_start3A_126 = tpu.memref_slice %arg6[%arg0, %mul3A_125, %dma_start3A] : memref<2x10000x128xf32, #tpu.memory_space<hbm>> -> memref<1x80x128xf32, #tpu.memory_space<hbm>>
        %dma_start3A_127 = tpu.memref_squeeze %dma_start3A_126 : memref<1x80x128xf32, #tpu.memory_space<hbm>> -> memref<80x128xf32, #tpu.memory_space<hbm>>
        %dma_start3A_128 = arith.constant 0 : i32
        %dma_start3A_129 = tpu.memref_slice %arg12[%mul3A_125, %dma_start3A_128] : memref<10000x128xf32, #tpu.memory_space<vmem_shared>> -> memref<80x128xf32, #tpu.memory_space<vmem_shared>>
        tpu.enqueue_dma source(%dma_start3A_129 : memref<80x128xf32, #tpu.memory_space<vmem_shared>>) target(%dma_start3A_127 : memref<80x128xf32, #tpu.memory_space<hbm>>) target_semaphore(%run_scoped3A : memref<!tpu.dma_semaphore, #tpu.memory_space<semaphore_mem>>)
        %dma_wait3A = arith.constant 0 : i32
        %dma_wait3A_130 = tpu.memref_slice %arg6[%arg0, %mul3A_125, %dma_wait3A] : memref<2x10000x128xf32, #tpu.memory_space<hbm>> -> memref<1x80x128xf32, #tpu.memory_space<hbm>>
        %dma_wait3A_131 = tpu.memref_squeeze %dma_wait3A_130 : memref<1x80x128xf32, #tpu.memory_space<hbm>> -> memref<80x128xf32, #tpu.memory_space<hbm>>
        %dma_wait3A_132 = arith.constant 0 : i32
        %dma_wait3A_133 = tpu.memref_slice %arg12[%mul3A_125, %dma_wait3A_132] : memref<10000x128xf32, #tpu.memory_space<vmem_shared>> -> memref<80x128xf32, #tpu.memory_space<vmem_shared>>
        tpu.wait_dma2 semaphore(%run_scoped3A : memref<!tpu.dma_semaphore, #tpu.memory_space<semaphore_mem>>) src(%dma_wait3A_133 : memref<80x128xf32, #tpu.memory_space<vmem_shared>>) dst(%dma_wait3A_131 : memref<80x128xf32, #tpu.memory_space<hbm>>)
        tpu.yield
      }) : () -> ()
    } else {
    }
    return
  }
}

#map = affine_map<(d0, d1) -> (0, 0, 0)>
#map1 = affine_map<(d0, d1) -> (0, 0)>
module attributes {stable_mosaic.version = 14 : i64} {
  func.func @_deg_kernel(%arg0: i32, %arg1: i32, %arg2: memref<32x81x128xi32, #tpu.memory_space<hbm>>, %arg3: memref<32x81x128xf32, #tpu.memory_space<hbm>>, %arg4: memref<32x81x128xf32, #tpu.memory_space<hbm>>, %arg5: memref<2x10240xf32, #tpu.memory_space<hbm>>, %arg6: memref<32x81x128xf32, #tpu.memory_space<hbm>>, %arg7: memref<81x128xi32, #tpu.memory_space<vmem>>, %arg8: memref<81x128xf32, #tpu.memory_space<vmem>>, %arg9: memref<81x128xf32, #tpu.memory_space<vmem>>, %arg10: memref<10240xf32, #tpu.memory_space<vmem>>, %arg11: memref<16x640xf32, #tpu.memory_space<vmem>>, %arg12: memref<16x10240xf32, #tpu.memory_space<vmem_shared>>) attributes {dimension_semantics = [#tpu.dimension_semantics<core_parallel>, #tpu.dimension_semantics<subcore_parallel>], iteration_bounds = array<i64: 2, 16>, scalar_prefetch = 0 : i64, scratch_operands = 6 : i64, tpu.core_type = #tpu.core_type<sc_vector_subcore>, window_params = [{transform_indices = #map}, {transform_indices = #map}, {transform_indices = #map}, {transform_indices = #map1}, {transform_indices = #map}]} {
    %mul3A = arith.constant 2 : i32
    %mul3A_0 = arith.muli %arg1, %mul3A : i32
    %add3A = arith.addi %mul3A_0, %arg0 : i32
    "tpu.region"() ({
      %run_scoped3A_32 = tpu.sem_alloc : memref<!tpu.dma_semaphore, #tpu.memory_space<semaphore_mem>>
      %dma_start3A = arith.constant 0 : i32
      %dma_start3A_33 = arith.constant 0 : i32
      %dma_start3A_34 = tpu.memref_slice %arg2[%add3A, %dma_start3A, %dma_start3A_33] : memref<32x81x128xi32, #tpu.memory_space<hbm>> -> memref<1x81x128xi32, #tpu.memory_space<hbm>>
      %dma_start3A_35 = tpu.memref_squeeze %dma_start3A_34 : memref<1x81x128xi32, #tpu.memory_space<hbm>> -> memref<81x128xi32, #tpu.memory_space<hbm>>
      %dma_start3A_36 = arith.constant 0 : i32
      %dma_start3A_37 = arith.constant 0 : i32
      %dma_start3A_38 = tpu.memref_slice %arg2[%add3A, %dma_start3A_36, %dma_start3A_37] : memref<32x81x128xi32, #tpu.memory_space<hbm>> -> memref<1x81x128xi32, #tpu.memory_space<hbm>>
      %dma_start3A_39 = tpu.memref_squeeze %dma_start3A_38 : memref<1x81x128xi32, #tpu.memory_space<hbm>> -> memref<81x128xi32, #tpu.memory_space<hbm>>
      tpu.enqueue_dma source(%dma_start3A_39 : memref<81x128xi32, #tpu.memory_space<hbm>>) target(%arg7 : memref<81x128xi32, #tpu.memory_space<vmem>>) target_semaphore(%run_scoped3A_32 : memref<!tpu.dma_semaphore, #tpu.memory_space<semaphore_mem>>)
      %dma_wait3A = arith.constant 0 : i32
      %dma_wait3A_40 = arith.constant 0 : i32
      %dma_wait3A_41 = tpu.memref_slice %arg2[%add3A, %dma_wait3A, %dma_wait3A_40] : memref<32x81x128xi32, #tpu.memory_space<hbm>> -> memref<1x81x128xi32, #tpu.memory_space<hbm>>
      %dma_wait3A_42 = tpu.memref_squeeze %dma_wait3A_41 : memref<1x81x128xi32, #tpu.memory_space<hbm>> -> memref<81x128xi32, #tpu.memory_space<hbm>>
      %dma_wait3A_43 = arith.constant 0 : i32
      %dma_wait3A_44 = arith.constant 0 : i32
      %dma_wait3A_45 = tpu.memref_slice %arg2[%add3A, %dma_wait3A_43, %dma_wait3A_44] : memref<32x81x128xi32, #tpu.memory_space<hbm>> -> memref<1x81x128xi32, #tpu.memory_space<hbm>>
      %dma_wait3A_46 = tpu.memref_squeeze %dma_wait3A_45 : memref<1x81x128xi32, #tpu.memory_space<hbm>> -> memref<81x128xi32, #tpu.memory_space<hbm>>
      tpu.wait_dma2 semaphore(%run_scoped3A_32 : memref<!tpu.dma_semaphore, #tpu.memory_space<semaphore_mem>>) src(%dma_wait3A_46 : memref<81x128xi32, #tpu.memory_space<hbm>>) dst(%arg7 : memref<81x128xi32, #tpu.memory_space<vmem>>)
      tpu.yield
    }) : () -> ()
    "tpu.region"() ({
      %run_scoped3A_32 = tpu.sem_alloc : memref<!tpu.dma_semaphore, #tpu.memory_space<semaphore_mem>>
      %dma_start3A = arith.constant 0 : i32
      %dma_start3A_33 = arith.constant 0 : i32
      %dma_start3A_34 = tpu.memref_slice %arg3[%add3A, %dma_start3A, %dma_start3A_33] : memref<32x81x128xf32, #tpu.memory_space<hbm>> -> memref<1x81x128xf32, #tpu.memory_space<hbm>>
      %dma_start3A_35 = tpu.memref_squeeze %dma_start3A_34 : memref<1x81x128xf32, #tpu.memory_space<hbm>> -> memref<81x128xf32, #tpu.memory_space<hbm>>
      %dma_start3A_36 = arith.constant 0 : i32
      %dma_start3A_37 = arith.constant 0 : i32
      %dma_start3A_38 = tpu.memref_slice %arg3[%add3A, %dma_start3A_36, %dma_start3A_37] : memref<32x81x128xf32, #tpu.memory_space<hbm>> -> memref<1x81x128xf32, #tpu.memory_space<hbm>>
      %dma_start3A_39 = tpu.memref_squeeze %dma_start3A_38 : memref<1x81x128xf32, #tpu.memory_space<hbm>> -> memref<81x128xf32, #tpu.memory_space<hbm>>
      tpu.enqueue_dma source(%dma_start3A_39 : memref<81x128xf32, #tpu.memory_space<hbm>>) target(%arg8 : memref<81x128xf32, #tpu.memory_space<vmem>>) target_semaphore(%run_scoped3A_32 : memref<!tpu.dma_semaphore, #tpu.memory_space<semaphore_mem>>)
      %dma_wait3A = arith.constant 0 : i32
      %dma_wait3A_40 = arith.constant 0 : i32
      %dma_wait3A_41 = tpu.memref_slice %arg3[%add3A, %dma_wait3A, %dma_wait3A_40] : memref<32x81x128xf32, #tpu.memory_space<hbm>> -> memref<1x81x128xf32, #tpu.memory_space<hbm>>
      %dma_wait3A_42 = tpu.memref_squeeze %dma_wait3A_41 : memref<1x81x128xf32, #tpu.memory_space<hbm>> -> memref<81x128xf32, #tpu.memory_space<hbm>>
      %dma_wait3A_43 = arith.constant 0 : i32
      %dma_wait3A_44 = arith.constant 0 : i32
      %dma_wait3A_45 = tpu.memref_slice %arg3[%add3A, %dma_wait3A_43, %dma_wait3A_44] : memref<32x81x128xf32, #tpu.memory_space<hbm>> -> memref<1x81x128xf32, #tpu.memory_space<hbm>>
      %dma_wait3A_46 = tpu.memref_squeeze %dma_wait3A_45 : memref<1x81x128xf32, #tpu.memory_space<hbm>> -> memref<81x128xf32, #tpu.memory_space<hbm>>
      tpu.wait_dma2 semaphore(%run_scoped3A_32 : memref<!tpu.dma_semaphore, #tpu.memory_space<semaphore_mem>>) src(%dma_wait3A_46 : memref<81x128xf32, #tpu.memory_space<hbm>>) dst(%arg8 : memref<81x128xf32, #tpu.memory_space<vmem>>)
      tpu.yield
    }) : () -> ()
    "tpu.region"() ({
      %run_scoped3A_32 = tpu.sem_alloc : memref<!tpu.dma_semaphore, #tpu.memory_space<semaphore_mem>>
      %dma_start3A = arith.constant 0 : i32
      %dma_start3A_33 = arith.constant 0 : i32
      %dma_start3A_34 = tpu.memref_slice %arg4[%add3A, %dma_start3A, %dma_start3A_33] : memref<32x81x128xf32, #tpu.memory_space<hbm>> -> memref<1x81x128xf32, #tpu.memory_space<hbm>>
      %dma_start3A_35 = tpu.memref_squeeze %dma_start3A_34 : memref<1x81x128xf32, #tpu.memory_space<hbm>> -> memref<81x128xf32, #tpu.memory_space<hbm>>
      %dma_start3A_36 = arith.constant 0 : i32
      %dma_start3A_37 = arith.constant 0 : i32
      %dma_start3A_38 = tpu.memref_slice %arg4[%add3A, %dma_start3A_36, %dma_start3A_37] : memref<32x81x128xf32, #tpu.memory_space<hbm>> -> memref<1x81x128xf32, #tpu.memory_space<hbm>>
      %dma_start3A_39 = tpu.memref_squeeze %dma_start3A_38 : memref<1x81x128xf32, #tpu.memory_space<hbm>> -> memref<81x128xf32, #tpu.memory_space<hbm>>
      tpu.enqueue_dma source(%dma_start3A_39 : memref<81x128xf32, #tpu.memory_space<hbm>>) target(%arg9 : memref<81x128xf32, #tpu.memory_space<vmem>>) target_semaphore(%run_scoped3A_32 : memref<!tpu.dma_semaphore, #tpu.memory_space<semaphore_mem>>)
      %dma_wait3A = arith.constant 0 : i32
      %dma_wait3A_40 = arith.constant 0 : i32
      %dma_wait3A_41 = tpu.memref_slice %arg4[%add3A, %dma_wait3A, %dma_wait3A_40] : memref<32x81x128xf32, #tpu.memory_space<hbm>> -> memref<1x81x128xf32, #tpu.memory_space<hbm>>
      %dma_wait3A_42 = tpu.memref_squeeze %dma_wait3A_41 : memref<1x81x128xf32, #tpu.memory_space<hbm>> -> memref<81x128xf32, #tpu.memory_space<hbm>>
      %dma_wait3A_43 = arith.constant 0 : i32
      %dma_wait3A_44 = arith.constant 0 : i32
      %dma_wait3A_45 = tpu.memref_slice %arg4[%add3A, %dma_wait3A_43, %dma_wait3A_44] : memref<32x81x128xf32, #tpu.memory_space<hbm>> -> memref<1x81x128xf32, #tpu.memory_space<hbm>>
      %dma_wait3A_46 = tpu.memref_squeeze %dma_wait3A_45 : memref<1x81x128xf32, #tpu.memory_space<hbm>> -> memref<81x128xf32, #tpu.memory_space<hbm>>
      tpu.wait_dma2 semaphore(%run_scoped3A_32 : memref<!tpu.dma_semaphore, #tpu.memory_space<semaphore_mem>>) src(%dma_wait3A_46 : memref<81x128xf32, #tpu.memory_space<hbm>>) dst(%arg9 : memref<81x128xf32, #tpu.memory_space<vmem>>)
      tpu.yield
    }) : () -> ()
    %scan3A = arith.constant 0 : i32
    %scan3A_1 = arith.constant 0 : i32
    %scan3A_2 = arith.constant 81 : i32
    %scan3A_3 = arith.addi %scan3A_1, %scan3A_2 : i32
    %scan3A_4 = arith.constant 1 : i32
    %scan3A_5 = scf.for %scan3A_32 = %scan3A_1 to %scan3A_3 step %scan3A_4 iter_args(%scan3A_33 = %scan3A) -> (i32)  : i32 {
      %get3A = arith.index_cast %scan3A_32 : i32 to index
      %get3A_34 = arith.constant 0 : index
      %get3A_35 = tpu.vector_load %arg8[%get3A, %get3A_34] {strides = array<i32>} : memref<81x128xf32, #tpu.memory_space<vmem>>, vector<16xf32>,
      %get3A_36 = arith.index_cast %scan3A_32 : i32 to index
      %get3A_37 = arith.constant 0 : index
      %get3A_38 = tpu.vector_load %arg9[%get3A_36, %get3A_37] {strides = array<i32>} : memref<81x128xf32, #tpu.memory_space<vmem>>, vector<16xf32>,
      %mul3A_39 = arith.mulf %get3A_35, %get3A_38 : vector<16xf32>
      %swap3A = arith.index_cast %scan3A_32 : i32 to index
      %swap3A_40 = arith.constant 0 : index
      %swap3A_41 = tpu.vector_load %arg8[%swap3A, %swap3A_40] {strides = array<i32>} : memref<81x128xf32, #tpu.memory_space<vmem>>, vector<16xf32>,
      tpu.vector_store %arg8[%swap3A, %swap3A_40], %mul3A_39 {strides = array<i32>} : memref<81x128xf32, #tpu.memory_space<vmem>>, vector<16xf32>,
      %get3A_42 = arith.index_cast %scan3A_32 : i32 to index
      %get3A_43 = arith.constant 16 : index
      %get3A_44 = tpu.vector_load %arg8[%get3A_42, %get3A_43] {strides = array<i32>} : memref<81x128xf32, #tpu.memory_space<vmem>>, vector<16xf32>,
      %get3A_45 = arith.index_cast %scan3A_32 : i32 to index
      %get3A_46 = arith.constant 16 : index
      %get3A_47 = tpu.vector_load %arg9[%get3A_45, %get3A_46] {strides = array<i32>} : memref<81x128xf32, #tpu.memory_space<vmem>>, vector<16xf32>,
      %mul3A_48 = arith.mulf %get3A_44, %get3A_47 : vector<16xf32>
      %swap3A_49 = arith.index_cast %scan3A_32 : i32 to index
      %swap3A_50 = arith.constant 16 : index
      %swap3A_51 = tpu.vector_load %arg8[%swap3A_49, %swap3A_50] {strides = array<i32>} : memref<81x128xf32, #tpu.memory_space<vmem>>, vector<16xf32>,
      tpu.vector_store %arg8[%swap3A_49, %swap3A_50], %mul3A_48 {strides = array<i32>} : memref<81x128xf32, #tpu.memory_space<vmem>>, vector<16xf32>,
      %get3A_52 = arith.index_cast %scan3A_32 : i32 to index
      %get3A_53 = arith.constant 32 : index
      %get3A_54 = tpu.vector_load %arg8[%get3A_52, %get3A_53] {strides = array<i32>} : memref<81x128xf32, #tpu.memory_space<vmem>>, vector<16xf32>,
      %get3A_55 = arith.index_cast %scan3A_32 : i32 to index
      %get3A_56 = arith.constant 32 : index
      %get3A_57 = tpu.vector_load %arg9[%get3A_55, %get3A_56] {strides = array<i32>} : memref<81x128xf32, #tpu.memory_space<vmem>>, vector<16xf32>,
      %mul3A_58 = arith.mulf %get3A_54, %get3A_57 : vector<16xf32>
      %swap3A_59 = arith.index_cast %scan3A_32 : i32 to index
      %swap3A_60 = arith.constant 32 : index
      %swap3A_61 = tpu.vector_load %arg8[%swap3A_59, %swap3A_60] {strides = array<i32>} : memref<81x128xf32, #tpu.memory_space<vmem>>, vector<16xf32>,
      tpu.vector_store %arg8[%swap3A_59, %swap3A_60], %mul3A_58 {strides = array<i32>} : memref<81x128xf32, #tpu.memory_space<vmem>>, vector<16xf32>,
      %get3A_62 = arith.index_cast %scan3A_32 : i32 to index
      %get3A_63 = arith.constant 48 : index
      %get3A_64 = tpu.vector_load %arg8[%get3A_62, %get3A_63] {strides = array<i32>} : memref<81x128xf32, #tpu.memory_space<vmem>>, vector<16xf32>,
      %get3A_65 = arith.index_cast %scan3A_32 : i32 to index
      %get3A_66 = arith.constant 48 : index
      %get3A_67 = tpu.vector_load %arg9[%get3A_65, %get3A_66] {strides = array<i32>} : memref<81x128xf32, #tpu.memory_space<vmem>>, vector<16xf32>,
      %mul3A_68 = arith.mulf %get3A_64, %get3A_67 : vector<16xf32>
      %swap3A_69 = arith.index_cast %scan3A_32 : i32 to index
      %swap3A_70 = arith.constant 48 : index
      %swap3A_71 = tpu.vector_load %arg8[%swap3A_69, %swap3A_70] {strides = array<i32>} : memref<81x128xf32, #tpu.memory_space<vmem>>, vector<16xf32>,
      tpu.vector_store %arg8[%swap3A_69, %swap3A_70], %mul3A_68 {strides = array<i32>} : memref<81x128xf32, #tpu.memory_space<vmem>>, vector<16xf32>,
      %get3A_72 = arith.index_cast %scan3A_32 : i32 to index
      %get3A_73 = arith.constant 64 : index
      %get3A_74 = tpu.vector_load %arg8[%get3A_72, %get3A_73] {strides = array<i32>} : memref<81x128xf32, #tpu.memory_space<vmem>>, vector<16xf32>,
      %get3A_75 = arith.index_cast %scan3A_32 : i32 to index
      %get3A_76 = arith.constant 64 : index
      %get3A_77 = tpu.vector_load %arg9[%get3A_75, %get3A_76] {strides = array<i32>} : memref<81x128xf32, #tpu.memory_space<vmem>>, vector<16xf32>,
      %mul3A_78 = arith.mulf %get3A_74, %get3A_77 : vector<16xf32>
      %swap3A_79 = arith.index_cast %scan3A_32 : i32 to index
      %swap3A_80 = arith.constant 64 : index
      %swap3A_81 = tpu.vector_load %arg8[%swap3A_79, %swap3A_80] {strides = array<i32>} : memref<81x128xf32, #tpu.memory_space<vmem>>, vector<16xf32>,
      tpu.vector_store %arg8[%swap3A_79, %swap3A_80], %mul3A_78 {strides = array<i32>} : memref<81x128xf32, #tpu.memory_space<vmem>>, vector<16xf32>,
      %get3A_82 = arith.index_cast %scan3A_32 : i32 to index
      %get3A_83 = arith.constant 80 : index
      %get3A_84 = tpu.vector_load %arg8[%get3A_82, %get3A_83] {strides = array<i32>} : memref<81x128xf32, #tpu.memory_space<vmem>>, vector<16xf32>,
      %get3A_85 = arith.index_cast %scan3A_32 : i32 to index
      %get3A_86 = arith.constant 80 : index
      %get3A_87 = tpu.vector_load %arg9[%get3A_85, %get3A_86] {strides = array<i32>} : memref<81x128xf32, #tpu.memory_space<vmem>>, vector<16xf32>,
      %mul3A_88 = arith.mulf %get3A_84, %get3A_87 : vector<16xf32>
      %swap3A_89 = arith.index_cast %scan3A_32 : i32 to index
      %swap3A_90 = arith.constant 80 : index
      %swap3A_91 = tpu.vector_load %arg8[%swap3A_89, %swap3A_90] {strides = array<i32>} : memref<81x128xf32, #tpu.memory_space<vmem>>, vector<16xf32>,
      tpu.vector_store %arg8[%swap3A_89, %swap3A_90], %mul3A_88 {strides = array<i32>} : memref<81x128xf32, #tpu.memory_space<vmem>>, vector<16xf32>,
      %get3A_92 = arith.index_cast %scan3A_32 : i32 to index
      %get3A_93 = arith.constant 96 : index
      %get3A_94 = tpu.vector_load %arg8[%get3A_92, %get3A_93] {strides = array<i32>} : memref<81x128xf32, #tpu.memory_space<vmem>>, vector<16xf32>,
      %get3A_95 = arith.index_cast %scan3A_32 : i32 to index
      %get3A_96 = arith.constant 96 : index
      %get3A_97 = tpu.vector_load %arg9[%get3A_95, %get3A_96] {strides = array<i32>} : memref<81x128xf32, #tpu.memory_space<vmem>>, vector<16xf32>,
      %mul3A_98 = arith.mulf %get3A_94, %get3A_97 : vector<16xf32>
      %swap3A_99 = arith.index_cast %scan3A_32 : i32 to index
      %swap3A_100 = arith.constant 96 : index
      %swap3A_101 = tpu.vector_load %arg8[%swap3A_99, %swap3A_100] {strides = array<i32>} : memref<81x128xf32, #tpu.memory_space<vmem>>, vector<16xf32>,
      tpu.vector_store %arg8[%swap3A_99, %swap3A_100], %mul3A_98 {strides = array<i32>} : memref<81x128xf32, #tpu.memory_space<vmem>>, vector<16xf32>,
      %get3A_102 = arith.index_cast %scan3A_32 : i32 to index
      %get3A_103 = arith.constant 112 : index
      %get3A_104 = tpu.vector_load %arg8[%get3A_102, %get3A_103] {strides = array<i32>} : memref<81x128xf32, #tpu.memory_space<vmem>>, vector<16xf32>,
      %get3A_105 = arith.index_cast %scan3A_32 : i32 to index
      %get3A_106 = arith.constant 112 : index
      %get3A_107 = tpu.vector_load %arg9[%get3A_105, %get3A_106] {strides = array<i32>} : memref<81x128xf32, #tpu.memory_space<vmem>>, vector<16xf32>,
      %mul3A_108 = arith.mulf %get3A_104, %get3A_107 : vector<16xf32>
      %swap3A_109 = arith.index_cast %scan3A_32 : i32 to index
      %swap3A_110 = arith.constant 112 : index
      %swap3A_111 = tpu.vector_load %arg8[%swap3A_109, %swap3A_110] {strides = array<i32>} : memref<81x128xf32, #tpu.memory_space<vmem>>, vector<16xf32>,
      tpu.vector_store %arg8[%swap3A_109, %swap3A_110], %mul3A_108 {strides = array<i32>} : memref<81x128xf32, #tpu.memory_space<vmem>>, vector<16xf32>,
      %scan3A_112 = arith.constant 0 : i32
      scf.yield %scan3A_112 : i32
    }
    %scan3A_6 = arith.constant 81 : i32
    "tpu.region"() ({
      %run_scoped3A_32 = tpu.sem_alloc : memref<!tpu.dma_semaphore, #tpu.memory_space<semaphore_mem>>
      %dma_start3A = arith.constant 0 : i32
      %dma_start3A_33 = arith.constant 0 : i32
      %dma_start3A_34 = tpu.memref_slice %arg6[%add3A, %dma_start3A, %dma_start3A_33] : memref<32x81x128xf32, #tpu.memory_space<hbm>> -> memref<1x81x128xf32, #tpu.memory_space<hbm>>
      %dma_start3A_35 = tpu.memref_squeeze %dma_start3A_34 : memref<1x81x128xf32, #tpu.memory_space<hbm>> -> memref<81x128xf32, #tpu.memory_space<hbm>>
      %dma_start3A_36 = arith.constant 0 : i32
      %dma_start3A_37 = arith.constant 0 : i32
      %dma_start3A_38 = tpu.memref_slice %arg6[%add3A, %dma_start3A_36, %dma_start3A_37] : memref<32x81x128xf32, #tpu.memory_space<hbm>> -> memref<1x81x128xf32, #tpu.memory_space<hbm>>
      %dma_start3A_39 = tpu.memref_squeeze %dma_start3A_38 : memref<1x81x128xf32, #tpu.memory_space<hbm>> -> memref<81x128xf32, #tpu.memory_space<hbm>>
      tpu.enqueue_dma source(%arg8 : memref<81x128xf32, #tpu.memory_space<vmem>>) target(%dma_start3A_39 : memref<81x128xf32, #tpu.memory_space<hbm>>) target_semaphore(%run_scoped3A_32 : memref<!tpu.dma_semaphore, #tpu.memory_space<semaphore_mem>>)
      %dma_wait3A = arith.constant 0 : i32
      %dma_wait3A_40 = arith.constant 0 : i32
      %dma_wait3A_41 = tpu.memref_slice %arg6[%add3A, %dma_wait3A, %dma_wait3A_40] : memref<32x81x128xf32, #tpu.memory_space<hbm>> -> memref<1x81x128xf32, #tpu.memory_space<hbm>>
      %dma_wait3A_42 = tpu.memref_squeeze %dma_wait3A_41 : memref<1x81x128xf32, #tpu.memory_space<hbm>> -> memref<81x128xf32, #tpu.memory_space<hbm>>
      %dma_wait3A_43 = arith.constant 0 : i32
      %dma_wait3A_44 = arith.constant 0 : i32
      %dma_wait3A_45 = tpu.memref_slice %arg6[%add3A, %dma_wait3A_43, %dma_wait3A_44] : memref<32x81x128xf32, #tpu.memory_space<hbm>> -> memref<1x81x128xf32, #tpu.memory_space<hbm>>
      %dma_wait3A_46 = tpu.memref_squeeze %dma_wait3A_45 : memref<1x81x128xf32, #tpu.memory_space<hbm>> -> memref<81x128xf32, #tpu.memory_space<hbm>>
      tpu.wait_dma2 semaphore(%run_scoped3A_32 : memref<!tpu.dma_semaphore, #tpu.memory_space<semaphore_mem>>) src(%arg8 : memref<81x128xf32, #tpu.memory_space<vmem>>) dst(%dma_wait3A_46 : memref<81x128xf32, #tpu.memory_space<hbm>>)
      tpu.yield
    }) : () -> ()
    %scan3A_7 = arith.constant 0 : i32
    %scan3A_8 = arith.constant 0 : i32
    %scan3A_9 = arith.constant 640 : i32
    %scan3A_10 = arith.addi %scan3A_8, %scan3A_9 : i32
    %scan3A_11 = arith.constant 1 : i32
    %scan3A_12 = scf.for %scan3A_32 = %scan3A_8 to %scan3A_10 step %scan3A_11 iter_args(%scan3A_33 = %scan3A_7) -> (i32)  : i32 {
      %broadcast_in_dim3A = arith.constant 0.000000e+00 : f32
      %broadcast_in_dim3A_34 = vector.broadcast %broadcast_in_dim3A : f32 to vector<16xf32>
      %mul3A_35 = arith.constant 16 : i32
      %mul3A_36 = arith.muli %scan3A_32, %mul3A_35 : i32
      %swap3A = arith.index_cast %mul3A_36 : i32 to index
      %swap3A_37 = tpu.vector_load %arg10[%swap3A] {strides = array<i32>} : memref<10240xf32, #tpu.memory_space<vmem>>, vector<16xf32>,
      tpu.vector_store %arg10[%swap3A], %broadcast_in_dim3A_34 {strides = array<i32>} : memref<10240xf32, #tpu.memory_space<vmem>>, vector<16xf32>,
      %scan3A_38 = arith.constant 0 : i32
      scf.yield %scan3A_38 : i32
    }
    %scan3A_13 = arith.constant 640 : i32
    %scan3A_14 = arith.constant 0 : i32
    %scan3A_15 = arith.constant 0 : i32
    %scan3A_16 = arith.constant 81 : i32
    %scan3A_17 = arith.addi %scan3A_15, %scan3A_16 : i32
    %scan3A_18 = arith.constant 1 : i32
    %scan3A_19 = scf.for %scan3A_32 = %scan3A_15 to %scan3A_17 step %scan3A_18 iter_args(%scan3A_33 = %scan3A_14) -> (i32)  : i32 {
      %scan3A_34 = arith.constant 0 : i32
      %scan3A_35 = arith.constant 0 : i32
      %scan3A_36 = arith.constant 8 : i32
      %scan3A_37 = arith.addi %scan3A_35, %scan3A_36 : i32
      %scan3A_38 = arith.constant 1 : i32
      %scan3A_39 = scf.for %scan3A_42 = %scan3A_35 to %scan3A_37 step %scan3A_38 iter_args(%scan3A_43 = %scan3A_34) -> (i32)  : i32 {
        %mul3A_44 = arith.constant 16 : i32
        %mul3A_45 = arith.muli %scan3A_42, %mul3A_44 : i32
        %get3A = arith.index_cast %scan3A_32 : i32 to index
        %get3A_46 = arith.index_cast %mul3A_45 : i32 to index
        %get3A_47 = tpu.vector_load %arg7[%get3A, %get3A_46] {strides = array<i32>} : memref<81x128xi32, #tpu.memory_space<vmem>>, vector<16xi32>,
        %get3A_48 = arith.index_cast %scan3A_32 : i32 to index
        %get3A_49 = arith.index_cast %mul3A_45 : i32 to index
        %get3A_50 = tpu.vector_load %arg8[%get3A_48, %get3A_49] {strides = array<i32>} : memref<81x128xf32, #tpu.memory_space<vmem>>, vector<16xf32>,
        tpu.vector_store_idx %arg10[%get3A_47], %get3A_50 {add = true} : memref<10240xf32, #tpu.memory_space<vmem>>[vector<16xi32>], vector<16xf32>,
        %scan3A_51 = arith.constant 0 : i32
        scf.yield %scan3A_51 : i32
      }
      %scan3A_40 = arith.constant 8 : i32
      %scan3A_41 = arith.constant 0 : i32
      scf.yield %scan3A_41 : i32
    }
    %scan3A_20 = arith.constant 81 : i32
    "tpu.region"() ({
      %run_scoped3A_32 = tpu.sem_alloc : memref<!tpu.dma_semaphore, #tpu.memory_space<semaphore_mem>>
      %dma_start3A = arith.constant 0 : i32
      %dma_start3A_33 = tpu.memref_slice %arg12[%arg1, %dma_start3A] : memref<16x10240xf32, #tpu.memory_space<vmem_shared>> -> memref<1x10240xf32, #tpu.memory_space<vmem_shared>>
      %dma_start3A_34 = tpu.memref_squeeze %dma_start3A_33 : memref<1x10240xf32, #tpu.memory_space<vmem_shared>> -> memref<10240xf32, #tpu.memory_space<vmem_shared>>
      %dma_start3A_35 = arith.constant 0 : i32
      %dma_start3A_36 = tpu.memref_slice %arg12[%arg1, %dma_start3A_35] : memref<16x10240xf32, #tpu.memory_space<vmem_shared>> -> memref<1x10240xf32, #tpu.memory_space<vmem_shared>>
      %dma_start3A_37 = tpu.memref_squeeze %dma_start3A_36 : memref<1x10240xf32, #tpu.memory_space<vmem_shared>> -> memref<10240xf32, #tpu.memory_space<vmem_shared>>
      tpu.enqueue_dma source(%arg10 : memref<10240xf32, #tpu.memory_space<vmem>>) target(%dma_start3A_37 : memref<10240xf32, #tpu.memory_space<vmem_shared>>) target_semaphore(%run_scoped3A_32 : memref<!tpu.dma_semaphore, #tpu.memory_space<semaphore_mem>>)
      %dma_wait3A = arith.constant 0 : i32
      %dma_wait3A_38 = tpu.memref_slice %arg12[%arg1, %dma_wait3A] : memref<16x10240xf32, #tpu.memory_space<vmem_shared>> -> memref<1x10240xf32, #tpu.memory_space<vmem_shared>>
      %dma_wait3A_39 = tpu.memref_squeeze %dma_wait3A_38 : memref<1x10240xf32, #tpu.memory_space<vmem_shared>> -> memref<10240xf32, #tpu.memory_space<vmem_shared>>
      %dma_wait3A_40 = arith.constant 0 : i32
      %dma_wait3A_41 = tpu.memref_slice %arg12[%arg1, %dma_wait3A_40] : memref<16x10240xf32, #tpu.memory_space<vmem_shared>> -> memref<1x10240xf32, #tpu.memory_space<vmem_shared>>
      %dma_wait3A_42 = tpu.memref_squeeze %dma_wait3A_41 : memref<1x10240xf32, #tpu.memory_space<vmem_shared>> -> memref<10240xf32, #tpu.memory_space<vmem_shared>>
      tpu.wait_dma2 semaphore(%run_scoped3A_32 : memref<!tpu.dma_semaphore, #tpu.memory_space<semaphore_mem>>) src(%arg10 : memref<10240xf32, #tpu.memory_space<vmem>>) dst(%dma_wait3A_42 : memref<10240xf32, #tpu.memory_space<vmem_shared>>)
      tpu.yield
    }) : () -> ()
    %barrier3A = arith.constant 0 : index
    tpu.barrier barrier_id(%barrier3A)
    %mul3A_21 = arith.constant 640 : i32
    %mul3A_22 = arith.muli %arg1, %mul3A_21 : i32
    "tpu.region"() ({
      %run_scoped3A_32 = tpu.sem_alloc : memref<!tpu.dma_semaphore, #tpu.memory_space<semaphore_mem>>
      %dma_start3A = arith.constant 0 : i32
      %dma_start3A_33 = tpu.memref_slice %arg12[%dma_start3A, %mul3A_22] : memref<16x10240xf32, #tpu.memory_space<vmem_shared>> -> memref<16x640xf32, #tpu.memory_space<vmem_shared>>
      %dma_start3A_34 = arith.constant 0 : i32
      %dma_start3A_35 = tpu.memref_slice %arg12[%dma_start3A_34, %mul3A_22] : memref<16x10240xf32, #tpu.memory_space<vmem_shared>> -> memref<16x640xf32, #tpu.memory_space<vmem_shared>>
      tpu.enqueue_dma source(%dma_start3A_35 : memref<16x640xf32, #tpu.memory_space<vmem_shared>>) target(%arg11 : memref<16x640xf32, #tpu.memory_space<vmem>>) target_semaphore(%run_scoped3A_32 : memref<!tpu.dma_semaphore, #tpu.memory_space<semaphore_mem>>)
      %dma_wait3A = arith.constant 0 : i32
      %dma_wait3A_36 = tpu.memref_slice %arg12[%dma_wait3A, %mul3A_22] : memref<16x10240xf32, #tpu.memory_space<vmem_shared>> -> memref<16x640xf32, #tpu.memory_space<vmem_shared>>
      %dma_wait3A_37 = arith.constant 0 : i32
      %dma_wait3A_38 = tpu.memref_slice %arg12[%dma_wait3A_37, %mul3A_22] : memref<16x10240xf32, #tpu.memory_space<vmem_shared>> -> memref<16x640xf32, #tpu.memory_space<vmem_shared>>
      tpu.wait_dma2 semaphore(%run_scoped3A_32 : memref<!tpu.dma_semaphore, #tpu.memory_space<semaphore_mem>>) src(%dma_wait3A_38 : memref<16x640xf32, #tpu.memory_space<vmem_shared>>) dst(%arg11 : memref<16x640xf32, #tpu.memory_space<vmem>>)
      tpu.yield
    }) : () -> ()
    %scan3A_23 = arith.constant 0 : i32
    %scan3A_24 = arith.constant 0 : i32
    %scan3A_25 = arith.constant 40 : i32
    %scan3A_26 = arith.addi %scan3A_24, %scan3A_25 : i32
    %scan3A_27 = arith.constant 1 : i32
    %scan3A_28 = scf.for %scan3A_32 = %scan3A_24 to %scan3A_26 step %scan3A_27 iter_args(%scan3A_33 = %scan3A_23) -> (i32)  : i32 {
      %mul3A_34 = arith.constant 16 : i32
      %mul3A_35 = arith.muli %scan3A_32, %mul3A_34 : i32
      %get3A = arith.constant 0 : i32
      %get3A_36 = arith.index_cast %get3A : i32 to index
      %get3A_37 = arith.index_cast %mul3A_35 : i32 to index
      %get3A_38 = tpu.vector_load %arg11[%get3A_36, %get3A_37] {strides = array<i32>} : memref<16x640xf32, #tpu.memory_space<vmem>>, vector<16xf32>,
      %get3A_39 = arith.constant 1 : i32
      %get3A_40 = arith.index_cast %get3A_39 : i32 to index
      %get3A_41 = arith.index_cast %mul3A_35 : i32 to index
      %get3A_42 = tpu.vector_load %arg11[%get3A_40, %get3A_41] {strides = array<i32>} : memref<16x640xf32, #tpu.memory_space<vmem>>, vector<16xf32>,
      %add3A_43 = arith.addf %get3A_38, %get3A_42 : vector<16xf32>
      %get3A_44 = arith.constant 2 : i32
      %get3A_45 = arith.index_cast %get3A_44 : i32 to index
      %get3A_46 = arith.index_cast %mul3A_35 : i32 to index
      %get3A_47 = tpu.vector_load %arg11[%get3A_45, %get3A_46] {strides = array<i32>} : memref<16x640xf32, #tpu.memory_space<vmem>>, vector<16xf32>,
      %add3A_48 = arith.addf %add3A_43, %get3A_47 : vector<16xf32>
      %get3A_49 = arith.constant 3 : i32
      %get3A_50 = arith.index_cast %get3A_49 : i32 to index
      %get3A_51 = arith.index_cast %mul3A_35 : i32 to index
      %get3A_52 = tpu.vector_load %arg11[%get3A_50, %get3A_51] {strides = array<i32>} : memref<16x640xf32, #tpu.memory_space<vmem>>, vector<16xf32>,
      %add3A_53 = arith.addf %add3A_48, %get3A_52 : vector<16xf32>
      %get3A_54 = arith.constant 4 : i32
      %get3A_55 = arith.index_cast %get3A_54 : i32 to index
      %get3A_56 = arith.index_cast %mul3A_35 : i32 to index
      %get3A_57 = tpu.vector_load %arg11[%get3A_55, %get3A_56] {strides = array<i32>} : memref<16x640xf32, #tpu.memory_space<vmem>>, vector<16xf32>,
      %add3A_58 = arith.addf %add3A_53, %get3A_57 : vector<16xf32>
      %get3A_59 = arith.constant 5 : i32
      %get3A_60 = arith.index_cast %get3A_59 : i32 to index
      %get3A_61 = arith.index_cast %mul3A_35 : i32 to index
      %get3A_62 = tpu.vector_load %arg11[%get3A_60, %get3A_61] {strides = array<i32>} : memref<16x640xf32, #tpu.memory_space<vmem>>, vector<16xf32>,
      %add3A_63 = arith.addf %add3A_58, %get3A_62 : vector<16xf32>
      %get3A_64 = arith.constant 6 : i32
      %get3A_65 = arith.index_cast %get3A_64 : i32 to index
      %get3A_66 = arith.index_cast %mul3A_35 : i32 to index
      %get3A_67 = tpu.vector_load %arg11[%get3A_65, %get3A_66] {strides = array<i32>} : memref<16x640xf32, #tpu.memory_space<vmem>>, vector<16xf32>,
      %add3A_68 = arith.addf %add3A_63, %get3A_67 : vector<16xf32>
      %get3A_69 = arith.constant 7 : i32
      %get3A_70 = arith.index_cast %get3A_69 : i32 to index
      %get3A_71 = arith.index_cast %mul3A_35 : i32 to index
      %get3A_72 = tpu.vector_load %arg11[%get3A_70, %get3A_71] {strides = array<i32>} : memref<16x640xf32, #tpu.memory_space<vmem>>, vector<16xf32>,
      %add3A_73 = arith.addf %add3A_68, %get3A_72 : vector<16xf32>
      %get3A_74 = arith.constant 8 : i32
      %get3A_75 = arith.index_cast %get3A_74 : i32 to index
      %get3A_76 = arith.index_cast %mul3A_35 : i32 to index
      %get3A_77 = tpu.vector_load %arg11[%get3A_75, %get3A_76] {strides = array<i32>} : memref<16x640xf32, #tpu.memory_space<vmem>>, vector<16xf32>,
      %add3A_78 = arith.addf %add3A_73, %get3A_77 : vector<16xf32>
      %get3A_79 = arith.constant 9 : i32
      %get3A_80 = arith.index_cast %get3A_79 : i32 to index
      %get3A_81 = arith.index_cast %mul3A_35 : i32 to index
      %get3A_82 = tpu.vector_load %arg11[%get3A_80, %get3A_81] {strides = array<i32>} : memref<16x640xf32, #tpu.memory_space<vmem>>, vector<16xf32>,
      %add3A_83 = arith.addf %add3A_78, %get3A_82 : vector<16xf32>
      %get3A_84 = arith.constant 10 : i32
      %get3A_85 = arith.index_cast %get3A_84 : i32 to index
      %get3A_86 = arith.index_cast %mul3A_35 : i32 to index
      %get3A_87 = tpu.vector_load %arg11[%get3A_85, %get3A_86] {strides = array<i32>} : memref<16x640xf32, #tpu.memory_space<vmem>>, vector<16xf32>,
      %add3A_88 = arith.addf %add3A_83, %get3A_87 : vector<16xf32>
      %get3A_89 = arith.constant 11 : i32
      %get3A_90 = arith.index_cast %get3A_89 : i32 to index
      %get3A_91 = arith.index_cast %mul3A_35 : i32 to index
      %get3A_92 = tpu.vector_load %arg11[%get3A_90, %get3A_91] {strides = array<i32>} : memref<16x640xf32, #tpu.memory_space<vmem>>, vector<16xf32>,
      %add3A_93 = arith.addf %add3A_88, %get3A_92 : vector<16xf32>
      %get3A_94 = arith.constant 12 : i32
      %get3A_95 = arith.index_cast %get3A_94 : i32 to index
      %get3A_96 = arith.index_cast %mul3A_35 : i32 to index
      %get3A_97 = tpu.vector_load %arg11[%get3A_95, %get3A_96] {strides = array<i32>} : memref<16x640xf32, #tpu.memory_space<vmem>>, vector<16xf32>,
      %add3A_98 = arith.addf %add3A_93, %get3A_97 : vector<16xf32>
      %get3A_99 = arith.constant 13 : i32
      %get3A_100 = arith.index_cast %get3A_99 : i32 to index
      %get3A_101 = arith.index_cast %mul3A_35 : i32 to index
      %get3A_102 = tpu.vector_load %arg11[%get3A_100, %get3A_101] {strides = array<i32>} : memref<16x640xf32, #tpu.memory_space<vmem>>, vector<16xf32>,
      %add3A_103 = arith.addf %add3A_98, %get3A_102 : vector<16xf32>
      %get3A_104 = arith.constant 14 : i32
      %get3A_105 = arith.index_cast %get3A_104 : i32 to index
      %get3A_106 = arith.index_cast %mul3A_35 : i32 to index
      %get3A_107 = tpu.vector_load %arg11[%get3A_105, %get3A_106] {strides = array<i32>} : memref<16x640xf32, #tpu.memory_space<vmem>>, vector<16xf32>,
      %add3A_108 = arith.addf %add3A_103, %get3A_107 : vector<16xf32>
      %get3A_109 = arith.constant 15 : i32
      %get3A_110 = arith.index_cast %get3A_109 : i32 to index
      %get3A_111 = arith.index_cast %mul3A_35 : i32 to index
      %get3A_112 = tpu.vector_load %arg11[%get3A_110, %get3A_111] {strides = array<i32>} : memref<16x640xf32, #tpu.memory_space<vmem>>, vector<16xf32>,
      %add3A_113 = arith.addf %add3A_108, %get3A_112 : vector<16xf32>
      %swap3A = arith.constant 0 : i32
      %swap3A_114 = arith.index_cast %swap3A : i32 to index
      %swap3A_115 = arith.index_cast %mul3A_35 : i32 to index
      %swap3A_116 = tpu.vector_load %arg11[%swap3A_114, %swap3A_115] {strides = array<i32>} : memref<16x640xf32, #tpu.memory_space<vmem>>, vector<16xf32>,
      tpu.vector_store %arg11[%swap3A_114, %swap3A_115], %add3A_113 {strides = array<i32>} : memref<16x640xf32, #tpu.memory_space<vmem>>, vector<16xf32>,
      %scan3A_117 = arith.constant 0 : i32
      scf.yield %scan3A_117 : i32
    }
    %scan3A_29 = arith.constant 40 : i32
    %mul3A_30 = arith.constant 640 : i32
    %mul3A_31 = arith.muli %arg1, %mul3A_30 : i32
    %run_scoped3A = arith.constant 0 : i32
    "tpu.region"() ({
      %run_scoped3A_32 = tpu.sem_alloc : memref<!tpu.dma_semaphore, #tpu.memory_space<semaphore_mem>>
      %dma_start3A = arith.constant 0 : i32
      %dma_start3A_33 = tpu.memref_slice %arg11[%run_scoped3A, %dma_start3A] : memref<16x640xf32, #tpu.memory_space<vmem>> -> memref<1x640xf32, #tpu.memory_space<vmem>>
      %dma_start3A_34 = tpu.memref_squeeze %dma_start3A_33 : memref<1x640xf32, #tpu.memory_space<vmem>> -> memref<640xf32, #tpu.memory_space<vmem>>
      %dma_start3A_35 = tpu.memref_slice %arg5[%arg0, %mul3A_31] : memref<2x10240xf32, #tpu.memory_space<hbm>> -> memref<1x640xf32, #tpu.memory_space<hbm>>
      %dma_start3A_36 = tpu.memref_squeeze %dma_start3A_35 : memref<1x640xf32, #tpu.memory_space<hbm>> -> memref<640xf32, #tpu.memory_space<hbm>>
      %dma_start3A_37 = tpu.memref_slice %arg5[%arg0, %mul3A_31] : memref<2x10240xf32, #tpu.memory_space<hbm>> -> memref<1x640xf32, #tpu.memory_space<hbm>>
      %dma_start3A_38 = tpu.memref_squeeze %dma_start3A_37 : memref<1x640xf32, #tpu.memory_space<hbm>> -> memref<640xf32, #tpu.memory_space<hbm>>
      %dma_start3A_39 = arith.constant 0 : i32
      %dma_start3A_40 = tpu.memref_slice %arg11[%run_scoped3A, %dma_start3A_39] : memref<16x640xf32, #tpu.memory_space<vmem>> -> memref<1x640xf32, #tpu.memory_space<vmem>>
      %dma_start3A_41 = tpu.memref_squeeze %dma_start3A_40 : memref<1x640xf32, #tpu.memory_space<vmem>> -> memref<640xf32, #tpu.memory_space<vmem>>
      tpu.enqueue_dma source(%dma_start3A_41 : memref<640xf32, #tpu.memory_space<vmem>>) target(%dma_start3A_38 : memref<640xf32, #tpu.memory_space<hbm>>) target_semaphore(%run_scoped3A_32 : memref<!tpu.dma_semaphore, #tpu.memory_space<semaphore_mem>>)
      %dma_wait3A = arith.constant 0 : i32
      %dma_wait3A_42 = tpu.memref_slice %arg11[%run_scoped3A, %dma_wait3A] : memref<16x640xf32, #tpu.memory_space<vmem>> -> memref<1x640xf32, #tpu.memory_space<vmem>>
      %dma_wait3A_43 = tpu.memref_squeeze %dma_wait3A_42 : memref<1x640xf32, #tpu.memory_space<vmem>> -> memref<640xf32, #tpu.memory_space<vmem>>
      %dma_wait3A_44 = tpu.memref_slice %arg5[%arg0, %mul3A_31] : memref<2x10240xf32, #tpu.memory_space<hbm>> -> memref<1x640xf32, #tpu.memory_space<hbm>>
      %dma_wait3A_45 = tpu.memref_squeeze %dma_wait3A_44 : memref<1x640xf32, #tpu.memory_space<hbm>> -> memref<640xf32, #tpu.memory_space<hbm>>
      %dma_wait3A_46 = tpu.memref_slice %arg5[%arg0, %mul3A_31] : memref<2x10240xf32, #tpu.memory_space<hbm>> -> memref<1x640xf32, #tpu.memory_space<hbm>>
      %dma_wait3A_47 = tpu.memref_squeeze %dma_wait3A_46 : memref<1x640xf32, #tpu.memory_space<hbm>> -> memref<640xf32, #tpu.memory_space<hbm>>
      %dma_wait3A_48 = arith.constant 0 : i32
      %dma_wait3A_49 = tpu.memref_slice %arg11[%run_scoped3A, %dma_wait3A_48] : memref<16x640xf32, #tpu.memory_space<vmem>> -> memref<1x640xf32, #tpu.memory_space<vmem>>
      %dma_wait3A_50 = tpu.memref_squeeze %dma_wait3A_49 : memref<1x640xf32, #tpu.memory_space<vmem>> -> memref<640xf32, #tpu.memory_space<vmem>>
      tpu.wait_dma2 semaphore(%run_scoped3A_32 : memref<!tpu.dma_semaphore, #tpu.memory_space<semaphore_mem>>) src(%dma_wait3A_50 : memref<640xf32, #tpu.memory_space<vmem>>) dst(%dma_wait3A_47 : memref<640xf32, #tpu.memory_space<hbm>>)
      tpu.yield
    }) : () -> ()
    return
  }
}

module attributes {stable_mosaic.version = 14 : i64} {
  func.func @_prep_mm_body(%arg0: i32, %arg1: memref<2000x128xf32, #tpu.memory_space<vmem>>, %arg2: memref<2000x128xf32, #tpu.memory_space<vmem>>, %arg3: memref<1x128xf32, #tpu.memory_space<vmem>>, %arg4: memref<2000x1xf32, #tpu.memory_space<vmem>>, %arg5: memref<128x128xf32, #tpu.memory_space<vmem>>, %arg6: memref<2000x128xf32, #tpu.memory_space<vmem>>) attributes {dimension_semantics = [#tpu.dimension_semantics<arbitrary>], iteration_bounds = array<i64: 5>, scalar_prefetch = 0 : i64, scratch_operands = 0 : i64, tpu.core_type = #tpu.core_type<tc>, window_params = [{transform_indices = @transform_0, window_bounds = array<i64: 2000, 128>}, {transform_indices = @transform_1, window_bounds = array<i64: 2000, 128>}, {pipeline_mode = #tpu.pipeline_mode<synchronous>, transform_indices = @transform_2, window_bounds = array<i64: 1, 128>}, {transform_indices = @transform_3, window_bounds = array<i64: 2000, 1>}, {pipeline_mode = #tpu.pipeline_mode<synchronous>, transform_indices = @transform_4, window_bounds = array<i64: 128, 128>}, {transform_indices = @transform_5, window_bounds = array<i64: 2000, 128>}]} {
    %get3A = arith.constant 0 : index
    %get3A_0 = arith.constant 0 : index
    %get3A_1 = vector.load %arg1[%get3A, %get3A_0] : memref<2000x128xf32, #tpu.memory_space<vmem>>, vector<2000x128xf32>
    %get3A_2 = arith.constant 0 : index
    %get3A_3 = arith.constant 0 : index
    %get3A_4 = vector.load %arg3[%get3A_2, %get3A_3] : memref<1x128xf32, #tpu.memory_space<vmem>>, vector<1x128xf32>
    %mul3A = vector.broadcast %get3A_4 : vector<1x128xf32> to vector<2000x128xf32>
    %mul3A_5 = arith.mulf %get3A_1, %mul3A : vector<2000x128xf32>
    %get3A_6 = arith.constant 0 : index
    %get3A_7 = arith.constant 0 : index
    %get3A_8 = vector.load %arg2[%get3A_6, %get3A_7] : memref<2000x128xf32, #tpu.memory_space<vmem>>, vector<2000x128xf32>
    %add3A = arith.addf %mul3A_5, %get3A_8 : vector<2000x128xf32>
    %get3A_9 = arith.constant 0 : index
    %get3A_10 = arith.constant 0 : index
    %get3A_11 = vector.load %arg5[%get3A_9, %get3A_10] : memref<128x128xf32, #tpu.memory_space<vmem>>, vector<128x128xf32>
    %dot_general3A = arith.constant dense<0.000000e+00> : vector<2000x128xf32>
    %dot_general3A_12 = tpu.matmul %add3A, %get3A_11, %dot_general3A {dimension_numbers = #tpu.dot_dimension_numbers<[1], [0], [0], [1], [0, 0, 1, 1], [], []>, transpose_lhs_hint = false} : vector<2000x128xf32>, vector<128x128xf32>, vector<2000x128xf32> -> vector<2000x128xf32>
    %get3A_13 = arith.constant 0 : index
    %get3A_14 = arith.constant 0 : index
    %get3A_15 = vector.load %arg4[%get3A_13, %get3A_14] : memref<2000x1xf32, #tpu.memory_space<vmem>>, vector<2000x1xf32>
    %mul3A_16 = vector.broadcast %get3A_15 : vector<2000x1xf32> to vector<2000x128xf32>
    %mul3A_17 = arith.mulf %dot_general3A_12, %mul3A_16 : vector<2000x128xf32>
    %swap3A = arith.constant 0 : index
    %swap3A_18 = arith.constant 0 : index
    %swap3A_19 = vector.load %arg6[%swap3A, %swap3A_18] : memref<2000x128xf32, #tpu.memory_space<vmem>>, vector<2000x128xf32>
    tpu.vector_store %arg6[%swap3A, %swap3A_18], %mul3A_17 {strides = array<i32>} : memref<2000x128xf32, #tpu.memory_space<vmem>>, vector<2000x128xf32>,
    return
  }
  func.func @transform_0(%arg0: i32) -> (i32, i32) {
    %c0_i32 = arith.constant 0 : i32
    %c0_i32_0 = arith.constant 0 : i32
    return %arg0, %c0_i32 : i32, i32
  }
  func.func @transform_1(%arg0: i32) -> (i32, i32) {
    %c0_i32 = arith.constant 0 : i32
    %c0_i32_0 = arith.constant 0 : i32
    return %arg0, %c0_i32 : i32, i32
  }
  func.func @transform_2(%arg0: i32) -> (i32, i32) {
    %c0_i32 = arith.constant 0 : i32
    %c0_i32_0 = arith.constant 0 : i32
    %c0_i32_1 = arith.constant 0 : i32
    return %c0_i32, %c0_i32_0 : i32, i32
  }
  func.func @transform_3(%arg0: i32) -> (i32, i32) {
    %c0_i32 = arith.constant 0 : i32
    %c0_i32_0 = arith.constant 0 : i32
    return %arg0, %c0_i32 : i32, i32
  }
  func.func @transform_4(%arg0: i32) -> (i32, i32) {
    %c0_i32 = arith.constant 0 : i32
    %c0_i32_0 = arith.constant 0 : i32
    %c0_i32_1 = arith.constant 0 : i32
    return %c0_i32, %c0_i32_0 : i32, i32
  }
  func.func @transform_5(%arg0: i32) -> (i32, i32) {
    %c0_i32 = arith.constant 0 : i32
    %c0_i32_0 = arith.constant 0 : i32
    return %arg0, %c0_i32 : i32, i32
  }
}

module attributes {stable_mosaic.version = 14 : i64} {
  func.func @_mid_body(%arg0: i32, %arg1: memref<1x2000x128xf32, #tpu.memory_space<vmem>>, %arg2: memref<1x2000x128xf32, #tpu.memory_space<vmem>>, %arg3: memref<2000x1xf32, #tpu.memory_space<vmem>>, %arg4: memref<1x128xf32, #tpu.memory_space<vmem>>, %arg5: memref<128x128xf32, #tpu.memory_space<vmem>>, %arg6: memref<2000x128xf32, #tpu.memory_space<vmem>>) attributes {dimension_semantics = [#tpu.dimension_semantics<arbitrary>], iteration_bounds = array<i64: 5>, scalar_prefetch = 0 : i64, scratch_operands = 0 : i64, tpu.core_type = #tpu.core_type<tc>, window_params = [{transform_indices = @transform_0, window_bounds = array<i64: 1, 2000, 128>}, {transform_indices = @transform_1, window_bounds = array<i64: 1, 2000, 128>}, {transform_indices = @transform_2, window_bounds = array<i64: 2000, 1>}, {pipeline_mode = #tpu.pipeline_mode<synchronous>, transform_indices = @transform_3, window_bounds = array<i64: 1, 128>}, {pipeline_mode = #tpu.pipeline_mode<synchronous>, transform_indices = @transform_4, window_bounds = array<i64: 128, 128>}, {transform_indices = @transform_5, window_bounds = array<i64: 2000, 128>}]} {
    %get3A = arith.constant 0 : index
    %get3A_0 = arith.constant 0 : index
    %get3A_1 = arith.constant 0 : index
    %get3A_2 = vector.load %arg1[%get3A, %get3A_0, %get3A_1] : memref<1x2000x128xf32, #tpu.memory_space<vmem>>, vector<1x2000x128xf32>
    %get3A_3 = vector.shape_cast %get3A_2 : vector<1x2000x128xf32> to vector<2000x128xf32>
    %get3A_4 = arith.constant 0 : index
    %get3A_5 = arith.constant 0 : index
    %get3A_6 = arith.constant 0 : index
    %get3A_7 = vector.load %arg2[%get3A_4, %get3A_5, %get3A_6] : memref<1x2000x128xf32, #tpu.memory_space<vmem>>, vector<1x2000x128xf32>
    %get3A_8 = vector.shape_cast %get3A_7 : vector<1x2000x128xf32> to vector<2000x128xf32>
    %add3A = arith.addf %get3A_3, %get3A_8 : vector<2000x128xf32>
    %get3A_9 = arith.constant 0 : index
    %get3A_10 = arith.constant 0 : index
    %get3A_11 = vector.load %arg3[%get3A_9, %get3A_10] : memref<2000x1xf32, #tpu.memory_space<vmem>>, vector<2000x1xf32>
    %mul3A = vector.broadcast %get3A_11 : vector<2000x1xf32> to vector<2000x128xf32>
    %mul3A_12 = arith.mulf %add3A, %mul3A : vector<2000x128xf32>
    %get3A_13 = arith.constant 0 : index
    %get3A_14 = arith.constant 0 : index
    %get3A_15 = vector.load %arg4[%get3A_13, %get3A_14] : memref<1x128xf32, #tpu.memory_space<vmem>>, vector<1x128xf32>
    %add3A_16 = vector.broadcast %get3A_15 : vector<1x128xf32> to vector<2000x128xf32>
    %add3A_17 = arith.addf %mul3A_12, %add3A_16 : vector<2000x128xf32>
    %max3A = arith.constant 0.000000e+00 : f32
    %max3A_18 = vector.broadcast %max3A : f32 to vector<2000x128xf32>
    %max3A_19 = arith.maximumf %add3A_17, %max3A_18 : vector<2000x128xf32>
    %get3A_20 = arith.constant 0 : index
    %get3A_21 = arith.constant 0 : index
    %get3A_22 = vector.load %arg5[%get3A_20, %get3A_21] : memref<128x128xf32, #tpu.memory_space<vmem>>, vector<128x128xf32>
    %dot_general3A = arith.constant dense<0.000000e+00> : vector<2000x128xf32>
    %dot_general3A_23 = tpu.matmul %max3A_19, %get3A_22, %dot_general3A {dimension_numbers = #tpu.dot_dimension_numbers<[1], [0], [0], [1], [0, 0, 1, 1], [], []>, transpose_lhs_hint = false} : vector<2000x128xf32>, vector<128x128xf32>, vector<2000x128xf32> -> vector<2000x128xf32>
    %get3A_24 = arith.constant 0 : index
    %get3A_25 = arith.constant 0 : index
    %get3A_26 = vector.load %arg3[%get3A_24, %get3A_25] : memref<2000x1xf32, #tpu.memory_space<vmem>>, vector<2000x1xf32>
    %mul3A_27 = vector.broadcast %get3A_26 : vector<2000x1xf32> to vector<2000x128xf32>
    %mul3A_28 = arith.mulf %dot_general3A_23, %mul3A_27 : vector<2000x128xf32>
    %swap3A = arith.constant 0 : index
    %swap3A_29 = arith.constant 0 : index
    %swap3A_30 = vector.load %arg6[%swap3A, %swap3A_29] : memref<2000x128xf32, #tpu.memory_space<vmem>>, vector<2000x128xf32>
    tpu.vector_store %arg6[%swap3A, %swap3A_29], %mul3A_28 {strides = array<i32>} : memref<2000x128xf32, #tpu.memory_space<vmem>>, vector<2000x128xf32>,
    return
  }
  func.func @transform_0(%arg0: i32) -> (i32, i32, i32) {
    %c0_i32 = arith.constant 0 : i32
    %c0_i32_0 = arith.constant 0 : i32
    %c0_i32_1 = arith.constant 0 : i32
    return %c0_i32, %arg0, %c0_i32_0 : i32, i32, i32
  }
  func.func @transform_1(%arg0: i32) -> (i32, i32, i32) {
    %c1_i32 = arith.constant 1 : i32
    %c0_i32 = arith.constant 0 : i32
    %c0_i32_0 = arith.constant 0 : i32
    return %c1_i32, %arg0, %c0_i32 : i32, i32, i32
  }
  func.func @transform_2(%arg0: i32) -> (i32, i32) {
    %c0_i32 = arith.constant 0 : i32
    %c0_i32_0 = arith.constant 0 : i32
    return %arg0, %c0_i32 : i32, i32
  }
  func.func @transform_3(%arg0: i32) -> (i32, i32) {
    %c0_i32 = arith.constant 0 : i32
    %c0_i32_0 = arith.constant 0 : i32
    %c0_i32_1 = arith.constant 0 : i32
    return %c0_i32, %c0_i32_0 : i32, i32
  }
  func.func @transform_4(%arg0: i32) -> (i32, i32) {
    %c0_i32 = arith.constant 0 : i32
    %c0_i32_0 = arith.constant 0 : i32
    %c0_i32_1 = arith.constant 0 : i32
    return %c0_i32, %c0_i32_0 : i32, i32
  }
  func.func @transform_5(%arg0: i32) -> (i32, i32) {
    %c0_i32 = arith.constant 0 : i32
    %c0_i32_0 = arith.constant 0 : i32
    return %arg0, %c0_i32 : i32, i32
  }
}

module attributes {stable_mosaic.version = 14 : i64} {
  func.func @_final_body(%arg0: i32, %arg1: memref<1x2000x128xf32, #tpu.memory_space<vmem>>, %arg2: memref<1x2000x128xf32, #tpu.memory_space<vmem>>, %arg3: memref<2000x1xf32, #tpu.memory_space<vmem>>, %arg4: memref<1x128xf32, #tpu.memory_space<vmem>>, %arg5: memref<2000x128xf32, #tpu.memory_space<vmem>>) attributes {dimension_semantics = [#tpu.dimension_semantics<arbitrary>], iteration_bounds = array<i64: 5>, scalar_prefetch = 0 : i64, scratch_operands = 0 : i64, tpu.core_type = #tpu.core_type<tc>, window_params = [{transform_indices = @transform_0, window_bounds = array<i64: 1, 2000, 128>}, {transform_indices = @transform_1, window_bounds = array<i64: 1, 2000, 128>}, {transform_indices = @transform_2, window_bounds = array<i64: 2000, 1>}, {pipeline_mode = #tpu.pipeline_mode<synchronous>, transform_indices = @transform_3, window_bounds = array<i64: 1, 128>}, {transform_indices = @transform_4, window_bounds = array<i64: 2000, 128>}]} {
    %get3A = arith.constant 0 : index
    %get3A_0 = arith.constant 0 : index
    %get3A_1 = arith.constant 0 : index
    %get3A_2 = vector.load %arg1[%get3A, %get3A_0, %get3A_1] : memref<1x2000x128xf32, #tpu.memory_space<vmem>>, vector<1x2000x128xf32>
    %get3A_3 = vector.shape_cast %get3A_2 : vector<1x2000x128xf32> to vector<2000x128xf32>
    %get3A_4 = arith.constant 0 : index
    %get3A_5 = arith.constant 0 : index
    %get3A_6 = arith.constant 0 : index
    %get3A_7 = vector.load %arg2[%get3A_4, %get3A_5, %get3A_6] : memref<1x2000x128xf32, #tpu.memory_space<vmem>>, vector<1x2000x128xf32>
    %get3A_8 = vector.shape_cast %get3A_7 : vector<1x2000x128xf32> to vector<2000x128xf32>
    %add3A = arith.addf %get3A_3, %get3A_8 : vector<2000x128xf32>
    %get3A_9 = arith.constant 0 : index
    %get3A_10 = arith.constant 0 : index
    %get3A_11 = vector.load %arg3[%get3A_9, %get3A_10] : memref<2000x1xf32, #tpu.memory_space<vmem>>, vector<2000x1xf32>
    %mul3A = vector.broadcast %get3A_11 : vector<2000x1xf32> to vector<2000x128xf32>
    %mul3A_12 = arith.mulf %add3A, %mul3A : vector<2000x128xf32>
    %get3A_13 = arith.constant 0 : index
    %get3A_14 = arith.constant 0 : index
    %get3A_15 = vector.load %arg4[%get3A_13, %get3A_14] : memref<1x128xf32, #tpu.memory_space<vmem>>, vector<1x128xf32>
    %add3A_16 = vector.broadcast %get3A_15 : vector<1x128xf32> to vector<2000x128xf32>
    %add3A_17 = arith.addf %mul3A_12, %add3A_16 : vector<2000x128xf32>
    %max3A = arith.constant 0.000000e+00 : f32
    %max3A_18 = vector.broadcast %max3A : f32 to vector<2000x128xf32>
    %max3A_19 = arith.maximumf %add3A_17, %max3A_18 : vector<2000x128xf32>
    %swap3A = arith.constant 0 : index
    %swap3A_20 = arith.constant 0 : index
    %swap3A_21 = vector.load %arg5[%swap3A, %swap3A_20] : memref<2000x128xf32, #tpu.memory_space<vmem>>, vector<2000x128xf32>
    tpu.vector_store %arg5[%swap3A, %swap3A_20], %max3A_19 {strides = array<i32>} : memref<2000x128xf32, #tpu.memory_space<vmem>>, vector<2000x128xf32>,
    return
  }
  func.func @transform_0(%arg0: i32) -> (i32, i32, i32) {
    %c0_i32 = arith.constant 0 : i32
    %c0_i32_0 = arith.constant 0 : i32
    %c0_i32_1 = arith.constant 0 : i32
    return %c0_i32, %arg0, %c0_i32_0 : i32, i32, i32
  }
  func.func @transform_1(%arg0: i32) -> (i32, i32, i32) {
    %c1_i32 = arith.constant 1 : i32
    %c0_i32 = arith.constant 0 : i32
    %c0_i32_0 = arith.constant 0 : i32
    return %c1_i32, %arg0, %c0_i32 : i32, i32, i32
  }
  func.func @transform_2(%arg0: i32) -> (i32, i32) {
    %c0_i32 = arith.constant 0 : i32
    %c0_i32_0 = arith.constant 0 : i32
    return %arg0, %c0_i32 : i32, i32
  }
  func.func @transform_3(%arg0: i32) -> (i32, i32) {
    %c0_i32 = arith.constant 0 : i32
    %c0_i32_0 = arith.constant 0 : i32
    %c0_i32_1 = arith.constant 0 : i32
    return %c0_i32, %c0_i32_0 : i32, i32
  }
  func.func @transform_4(%arg0: i32) -> (i32, i32) {
    %c0_i32 = arith.constant 0 : i32
    %c0_i32_0 = arith.constant 0 : i32
    return %arg0, %c0_i32 : i32, i32
  }
}

</mosaic_0001>

<sc_bundles>
// kernel: kernel.11.cloned.1.call-start
scs
__scs_entry_jumppad:
0x0: {  	(pc) =	sbr.rel $0x88, $3  }
0x1: {  	(tag) =	ssettag $0x0;
	lr =	simm.s32 $0x1  }
0x2: {  	[smem:$0x3F98] =	sst lr;
	_ =	strace $0xD0000000  }
0x3: {  	_ = 	snop  }
0x4: {  	_ = 	snop  }
0x5: {  	_ = 	snop  }
0x6: {  	_ = 	snop  }
0x7: {  	_ = 	snop  }
__scs_overlays_trampoline_lowered:
0x8: {  	[smem:$0x3FA7] =	sst s0  }
0x9: {  	[smem:$0x3FA8] =	sst s1  }
0xa: {  	[smem:$0x3FA9] =	sst s2  }
0xb: {  	[smem:$0x3FAA] =	sst s3  }
0xc: {  	[smem:$0x3FAB] =	sst s4  }
0xd: {  	[smem:$0x3FAC] =	sst s5  }
0xe: {  	[smem:$0x3FAD] =	sst s6  }
0xf: {  	[smem:$0x3FAE] =	sst s7  }
0x10: {  	[smem:$0x3FAF] =	sst s8  }
0x11: {  	[smem:$0x3FB0] =	sst s9;
	s0 =	simm.s32 @!p0 $0x0  }
0x12: {  	s1 =	sld [smem:$0x3F96];
	s0 =	simm.s32 @p0 $0x1  }
0x13: {  	[smem:$0x3FB1] =	sst s0;
	s0 =	simm.s32 @!p1 $0x0  }
0x14: {  	s2 =	sld [smem:$0x3F95];
	s0 =	simm.s32 @p1 $0x1  }
0x15: {  	[smem:$0x3FB2] =	sst s0;
	s0 =	simm.s32 @!p2 $0x0  }
0x16: {  	s3 =	sld [smem:$0x3FDB];
	s0 =	simm.s32 @p2 $0x1  }
0x17: {  	s4 =	simm.s32 $0x1BF5;
	[smem:$0x3FB4] =	sst s0  }
0x18: {  	s0 =	sld [smem:$0x3F97];
	_ =	swait.ge [sflag:s4], $0x0  }
0x19: {  	s7 =	sld [smem:$0x3F98]  }
0x1a: {  	s8 =	sadd.s32 $0xFFFFE003, lr  }
0x1b: {  	s9 =	sadd.s32 $0xFFFFFEF7, lr;
	s5 =	simm.s32 $0xFFFFFFFF;
	p2 =	slt.u32 s8, $0xFFFFF086  }
0x1c: {  	p1 =	slt.u32 s9, $0xF7A;
	s5 =	simm.s32 @!p2 $0x0  }
0x1d: {  	s5 =	simm.s32 @p1 $0x1;
	p0 =	seq.s32 s7, s2  }
0x1e: {  	s7 =	smul.u32 @!p0 $0xF7A, s2;
	p2 =	seq.s32 @!p0 s5, $0x0  }
0x1f: {  	s9 =	smul.u32 $0xF7A, s1;
	s8 =	simm.s32 @!p0 $0x1BF5;
	p2 =	por !p2, p0  }
0x20: {  	[sflag:s8] =	ssyncset.s32 @!p0 $0xFFFFF086;
	s6 =	sadd.s32 @!p0 s3, s7;
	s7 =	simm.s32 @!p0 $0x108  }
0x21: {  	s3 =	sadd.s32 s3, s9;
	s6 =	sadd.s32 @!p0 $0x88, s6;
	s7 =	simm.s32 @p2 $0x1082  }
0x22: {  	[simem:s7], [sflag:s8] =	dma.local @!p0 [hbm:s6], $0xF7A  }
0x23: {  	s9 =	sor.u32 $0xD0000000, s2;
	s6 =	simm.s32 $0x108;
	_ =	swait.ge @!p0 [sflag:s8], $0x0  }
0x24: {  	s3 =	sadd.s32 $0x88, s3;
	s6 =	simm.s32 @!p1 $0x1082;
	[sflag:s4] =	ssyncset.s32 $0xFFFFF086  }
0x25: {  	[simem:s6], [sflag:s4] =	dma.local [hbm:s3], $0xF7A  }
0x26: {  	[smem:$0x3F98] =	sst s1;
	(tag) =	ssettag s2;
	_ =	strace s9  }
0x27: {  	s1 =	sld [smem:$0x3FA8]  }
0x28: {  	s2 =	sld [smem:$0x3FA9]  }
0x29: {  	s4 =	sld [smem:$0x3FAB]  }
0x2a: {  	p0 =	seq.s32 s5, $0x0;
	s5 =	sld [smem:$0x3FAC]  }
0x2b: {  	s6 =	sld [smem:$0x3FAD]  }
0x2c: {  	s7 =	sld [smem:$0x3FAE]  }
0x2d: {  	s3 =	simm.s32 $0x108;
	s8 =	sld [smem:$0x3FAF]  }
0x2e: {  	s3 =	simm.s32 @!p0 $0x1082;
	s9 =	sld [smem:$0x3FB0]  }
0x2f: {  	lr =	sadd.s32 s0, s3;
	s0 =	sld [smem:$0x3FA7]  }
0x30: {  	s3 =	sld [smem:$0x3FAA]  }
0x31: {  	[smem:$0x3FB3] =	sst s10  }
0x32: {  	s10 =	sld [smem:$0x3FB1];
	_ =	sdelay $0x3  }
0x33: {  	p0 =	seq.s32 s10, $0x1;
	s10 =	sld [smem:$0x3FB3];
	_ =	sdelay $0x3  }
0x34: {  	[smem:$0x3FB3] =	sst s10  }
0x35: {  	s10 =	sld [smem:$0x3FB2];
	_ =	sdelay $0x3  }
0x36: {  	p1 =	seq.s32 s10, $0x1;
	s10 =	sld [smem:$0x3FB3];
	_ =	sdelay $0x3  }
0x37: {  	[smem:$0x3FB3] =	sst s10  }
0x38: {  	s10 =	sld [smem:$0x3FB4]  }
0x39: {  	_ = 	snop;
	(pc) =	sbr.ind lr, $3  }
0x3a: {  	_ = 	snop  }
0x3b: {  	_ = 	snop  }
0x3c: {  	p2 =	seq.s32 s10, $0x1;
	s10 =	sld [smem:$0x3FB3]  }
0x3d: {  	_ =	shalt  }
0x3e: {  	_ =	shalt  }
0x3f: {  	_ =	shalt  }
0x40: {  	_ =	shalt  }
0x41: {  	_ =	shalt  }
0x42: {  	_ =	shalt  }
0x43: {  	_ =	shalt  }
0x44: {  	_ =	shalt  }
0x45: {  	_ =	shalt  }
0x46: {  	_ =	shalt  }
0x47: {  	_ =	shalt  }
0x48: {  	_ =	shalt  }
0x49: {  	_ =	shalt  }
0x4a: {  	_ =	shalt  }
0x4b: {  	_ =	shalt  }
0x4c: {  	_ =	shalt  }
0x4d: {  	_ =	shalt  }
0x4e: {  	_ =	shalt  }
0x4f: {  	_ =	shalt  }
0x50: {  	_ =	shalt  }
0x51: {  	_ =	shalt  }
0x52: {  	_ =	shalt  }
0x53: {  	_ =	shalt  }
0x54: {  	_ =	shalt  }
0x55: {  	_ =	shalt  }
0x56: {  	_ =	shalt  }
0x57: {  	_ =	shalt  }
0x58: {  	_ =	shalt  }
0x59: {  	_ =	shalt  }
0x5a: {  	_ =	shalt  }
0x5b: {  	_ =	shalt  }
0x5c: {  	_ =	shalt  }
0x5d: {  	_ =	shalt  }
0x5e: {  	_ =	shalt  }
0x5f: {  	_ =	shalt  }
0x60: {  	_ =	shalt  }
0x61: {  	_ =	shalt  }
0x62: {  	_ =	shalt  }
0x63: {  	_ =	shalt  }
0x64: {  	_ =	shalt  }
0x65: {  	_ =	shalt  }
0x66: {  	_ =	shalt  }
0x67: {  	_ =	shalt  }
0x68: {  	_ =	shalt  }
0x69: {  	_ =	shalt  }
0x6a: {  	_ =	shalt  }
0x6b: {  	_ =	shalt  }
0x6c: {  	_ =	shalt  }
0x6d: {  	_ =	shalt  }
0x6e: {  	_ =	shalt  }
0x6f: {  	_ =	shalt  }
0x70: {  	_ =	shalt  }
0x71: {  	_ =	shalt  }
0x72: {  	_ =	shalt  }
0x73: {  	_ =	shalt  }
0x74: {  	_ =	shalt  }
0x75: {  	_ =	shalt  }
0x76: {  	_ =	shalt  }
0x77: {  	_ =	shalt  }
0x78: {  	_ =	shalt  }
0x79: {  	_ =	shalt  }
0x7a: {  	_ =	shalt  }
0x7b: {  	_ =	shalt  }
0x7c: {  	_ =	shalt  }
0x7d: {  	_ =	shalt  }
0x7e: {  	_ =	shalt  }
0x7f: {  	_ =	shalt  }
0x80: {  	_ =	shalt  }
0x81: {  	_ =	shalt  }
0x82: {  	_ =	shalt  }
0x83: {  	_ =	shalt  }
0x84: {  	_ =	shalt  }
0x85: {  	_ =	shalt  }
0x86: {  	_ =	shalt  }
0x87: {  	_ =	shalt  }
.Lfunc_end0:
.L_simem_size_0:
called_computation.1_lowered:
.L_overlay_start_0:
0x88: {  	s2 =	sld [smem:$0x3FD9]  }
0x89: {  	s3 =	sld [smem:$0x3FFE];
	_ =	sdelay $0x1  }
0x8a: {  	s1 =	srdreg.scid  }
0x8b: {  	s0 =	sand.u32 $0x1, s1  }
0x8c: {  	s17 =	sshll.u32 s0, $0xA;
	s2 =	sadd.s32 s3, s2  }
0x8d: {  	s2 =	sadd.s32 s2, s17  }
0x8e: {  	[smem:$0x3FBF] =	sst s2  }
0x8f: {  	_ = 	snop  }
0x90: {  	s2 =	sld [smem:$0x3FD0];
	(tm) =	ssettm $0x1  }
0x91: {  	s18 =	sld [smem:$0x3FFB];
	_ =	sdelay $0x3  }
0x92: {  	_ =	strace s18  }
0x93: {  	s3 =	sld [smem:$0x3FFC];
	_ =	sdelay $0x3  }
0x94: {  	_ =	strace s3  }
0x95: {  	s3 =	sld [smem:$0x3FFD];
	_ =	sdelay $0x3  }
0x96: {  	_ =	strace s3  }
0x97: {  	_ =	strace $0x8FFFFFFF  }
0x98: {  	s19 =	sld [smem:$0x3FDB];
	_ =	sdelay $0x1  }
0x99: {  	s4 =	simm.s32 $_scs_section_size  }
0x9a: {  	s5 =	simm.s32 $_size__tile_overlayer_lowered;
	s6 =	simm.s32 $_tile_overlayer_lowered  }
0x9b: {  	s22 =	simm.s32 $0x1BFF;
	s21 =	sshll.u32 s6, $0x1;
	s3 =	sadd.s32 s4, s19  }
0x9c: {  	s7 =	simm.s32 $0x0;
	s20 =	sshll.u32 s5, $0x1;
	s5 =	sadd.s32 s21, s3  }
0x9d: {  	[timem:s7], [sflag:s22] =	dma.local [hbm:s5], s20  }
0x9e: {  	_ =	swait.ge [sflag:s22], s20  }
0x9f: {  	s4 =	ssub.s32 $0x0, s20;
	[sflag:s22] =	ssyncset.done $0x0  }
0xa0: {  	[sflag:s22] =	ssyncadd.s32 s4;
	_ =	sdelay $0x1  }
0xa1: {  	s23 =	simm.s32 $0x1B8B  }
0xa2: {  	_ =	swait.ge [sflag:s23], $0x1  }
0xa3: {  	[sflag:s23] =	ssyncset.done $0x0  }
0xa4: {  	s25 =	simm.s32 $0x1B8E;
	s24 =	sld [smem:$0x3FFE];
	[sflag:s23] =	ssyncadd.s32 $0xFFFFFFFF  }
0xa5: {  	s26 =	simm.s32 $execute0_lowered;
	[smem:$0x3FD2] =	sst s25  }
0xa6: {  	s5 =	sshll.u32 s26, $0x1;
	_ =	strace $0x80000049;
	[dreg:$0x1] =	wrdreg $0xFFFFFFFF  }
0xa7: {  	s28 =	simm.s32 $_size_execute0_lowered;
	s3 =	sadd.s32 s3, s5;
	[dreg:$0x0] =	wrdreg $0x0  }
0xa8: {  	s5 =	sshll.u32 s28, $0x1;
	[dreg:$0x2] =	wrdreg s3  }
0xa9: {  	[dreg:$0x3] =	wrdreg s5  }
0xaa: {  	[dreg:$0x4] =	wrdreg $0xC0  }
0xab: {  	_ =	task [dreg:s7], $0x5FFFF  }
0xac: {  	[dreg:$0x1] =	wrdreg $0xFFFFFFFF  }
0xad: {  	[dreg:$0x0] =	wrdreg $0x60  }
0xae: {  	[dreg:$0x2] =	wrdreg s2  }
0xaf: {  	[dreg:$0x3] =	wrdreg s24  }
0xb0: {  	[dreg:$0x4] =	wrdreg $0xC4000  }
0xb1: {  	[dreg:$0x5] =	wrdreg $0x9  }
0xb2: {  	_ =	task.clear_ibuf [dreg:s7], $0x6FFFF;
	_ =	strace $0x90000049  }
0xb3: {  	s29 =	simm.s32 $0x9;
	_ =	strace $0x8000004B  }
0xb4: {  	_ =	swait.ge [sflag:s29], $0x1  }
0xb5: {  	[sflag:s29] =	ssyncadd.s32 $0xFFFFFFFF  }
0xb6: {  	_ =	strace $0x9000004B  }
0xb7: {  	_ =	sfence  }
0xb8: {  	s30 =	sld [smem:$0x0];
	_ =	sdelay $0x2  }
0xb9: {  	s31 =	sshll.u32 s1, $0xD;
	s1 =	sshrl.u32 s1, $0x2  }
0xba: {  	s3 =	sand.u32 $0x4000, s31;
	s1 =	sadd.s32 s1, s30  }
0xbb: {  	s0 =	sor.u32 s3, s0;
	s1 =	sshll.u32 s1, $0x11  }
0xbc: {  	s0 =	sor.u32 s1, s0  }
0xbd: {  	s0 =	sadd.s32 $0x8F2B, s0  }
0xbe: {  	[sflag:s0] =	ssyncadd.remote.s32 $0x1  }
0xbf: {  	_ =	sfence.sel $0xFFFF  }
0xc0: {  	[dreg:$0x0] =	wrdreg $0xFFFFFFFF;
	(pc) =	sbr.abs _section_cstart, $3  }
0xc1: {  	[dreg:$0x1] =	wrdreg $0xFFFFFFFF  }
0xc2: {  	_ =	task.clear_ibuf [dreg:s7], $0x2FFFF;
	_ =	strace $0x9FFFFFFF  }
0xc3: {  	(tm) =	ssettm $0x7FFFFFFF  }
tec
execute0_lowered:
.L_overlay_start_1:
0x0: {  	(tag) =	ssettag $0x1  }
0x1: {  	s31 =	stileid.u32  }
0x2: {  	s5 =	smul.u32 $0xA000, s31  }
0x3: {  	s0 =	srdreg.scid;
	s6 =	sor.u32 $0x10, s31;
	s12 =	smul.u32 $0x2800, s31  }
0x4: {  	s7 =	rddreg [dreg:$0x1];
	s9 =	sor.u32 $0x20, s31;
	s8 =	smul.u32 $0xA000, s6  }
0x5: {  	s3 =	rddreg [dreg:$0x2];
	s0 =	sand.u32 $0x1, s0;
	s10 =	smul.u32 $0xA000, s9  }
0x6: {  	s4 =	simm.s32 $0x0;
	s1 =	sshll.u32 s31, $0x1;
	s11 =	smul.u32 $0x138800, s0  }
0x7: {  	[smem:$0x7FF] =	sst s4;
	s23 =	sadd.s32 $0x2F600, s7;
	s6 =	smul.u32 $0x2800, s6  }
0x8: {  	s13 =	sor.u32 $0x30, s31;
	s16 =	sor.u32 $0x50, s31;
	s28 =	smul.u32 $0x2800, s9  }
0x9: {  	p0 =	sgt.u32 s31, $0xC;
	s1 =	sor.u32 s0, s1;
	s14 =	smul.u32 $0x2800, s13  }
0xa: {  	s0 =	ssub.s32 $0x2, s0;
	s9 =	sor.u32 $0x40, s31;
	s18 =	smul.u32 $0x2800, s16  }
0xb: {  	s2 =	smul.u32 $0x580, s1;
	s1 =	rddreg [dreg:$0x0];
	_ =	strace $0x8000004A  }
0xc: {  	s15 =	sshrl.u32 s0, $0x1;
	s17 =	smul.u32 $0x2800, s9;
	s5 =	sshrl.u32 s5, $0x2  }
0xd: {  	s0 =	ssub.s32 s0, s15;
	s15 =	sor.u32 $0x60, s31;
	s21 =	sadd.s32 s12, s11  }
0xe: {  	s22 =	sadd.s32 s11, s6;
	s24 =	sadd.s32 s11, s28;
	s25 =	sadd.s32 s11, s14  }
0xf: {  	s28 =	sadd.s32 s11, s18;
	s18 =	sshrl.u32 s8, $0x2;
	s20 =	smul.u32 $0x2800, s15  }
0x10: {  	s8 =	sadd.s32 s5, s3;
	s26 =	sadd.s32 s11, s17;
	s17 =	smul.u32 $0xA000, s13  }
0x11: {  	s10 =	sshrl.u32 s10, $0x2;
	s2 =	sadd.s32 s2, s7;
	s13 =	smul.u32 $0xA000, s16  }
0x12: {  	s14 =	smul.u32 $0xA000, s15;
	s10 =	sadd.s32 s10, s3;
	s19 =	sadd.s32 $0x24600, s2  }
0x13: {  	s6 =	sadd.s32 $0xD800, s2;
	s7 =	sadd.s32 $0x19200, s2;
	[dreg:$0x4] =	wrdreg s19  }
0x14: {  	s19 =	sor.u32 $0x70, s31;
	s29 =	sadd.s32 s11, s20;
	s20 =	smul.u32 $0xA000, s9  }
0x15: {  	s9 =	sadd.s32 s18, s3;
	s2 =	sshrl.u32 s17, $0x2;
	s5 =	sshrl.u32 s13, $0x2  }
0x16: {  	s16 =	sshrl.u32 s14, $0x2;
	s31 =	simm.s32 $0x1;
	s12 =	smul.u32 $0x2800, s19  }
0x17: {  	s17 =	smul.u32 $0xA000, s19;
	s13 =	sadd.s32 s5, s3;
	s14 =	sadd.s32 s16, s3  }
0x18: {  	s19 =	sshrl.u32 s21, $0x3;
	s21 =	sshrl.u32 s24, $0x3;
	s24 =	sshrl.u32 s26, $0x3  }
0x19: {  	s26 =	sshrl.u32 s29, $0x3;
	s29 =	simm.s32 $0x8400;
	s15 =	sshrl.u32 s20, $0x2  }
0x1a: {  	s20 =	sshrl.u32 s22, $0x3;
	s16 =	sadd.s32 s23, s19;
	s22 =	sshrl.u32 s25, $0x3  }
0x1b: {  	s25 =	sshrl.u32 s28, $0x3;
	s30 =	sadd.s32 s11, s12;
	s11 =	sadd.s32 s2, s3  }
0x1c: {  	s12 =	sadd.s32 s15, s3;
	s18 =	sshrl.u32 s17, $0x2;
	s17 =	sadd.s32 s23, s20  }
0x1d: {  	s19 =	sadd.s32 s23, s22;
	s20 =	sadd.s32 s23, s24;
	s22 =	sadd.s32 s23, s26  }
0x1e: {  	s24 =	smax.u32 s0, $0x1;
	s2 =	simm.s32 $0x0;
	s15 =	sadd.s32 s18, s3  }
0x1f: {  	s18 =	sadd.s32 s23, s21;
	s28 =	sshrl.u32 s30, $0x3;
	s21 =	sadd.s32 s23, s25  }
0x20: {  	v0 =	vimm.f32 $0.0e+00;
	s25 =	simm.s32 $0x2;
	s30 =	simm.s32 $0x80;
	s23 =	sadd.s32 s23, s28  }
.LBB2_1:
0x21: {  	s0 =	rddreg [dreg:$0x4]  }
0x22: {  	[tilespmem:s4], [sflag:$0x2] =	stream.linear.gather [hbm4b:s0+s4], $0x2880, $0x38;
	[tilespmem:$0x1FC80] =	vst v63  }
0x23: {  	_ =	swait.ge [sflag:s25], $0x2880  }
0x24: {  	[sflag:s25] =	ssyncset.done $0x0  }
0x25: {  	s26 =	simm.s32 $0x2C00;
	[sflag:s25] =	ssyncadd.s32 $0xFFFFD780  }
0x26: {  	[tilespmem:s26], [sflag:$0x2] =	stream.linear.gather [hbm4b:s6+s4], $0x2880, $0x38;
	[tilespmem:$0x1FC80] =	vst v63  }
0x27: {  	_ =	swait.ge [sflag:s25], $0x2880  }
0x28: {  	[sflag:s25] =	ssyncset.done $0x0  }
0x29: {  	s28 =	simm.s32 $0x5800;
	[sflag:s25] =	ssyncadd.s32 $0xFFFFD780  }
0x2a: {  	[tilespmem:s28], [sflag:$0x2] =	stream.linear.gather [hbm4b:s7+s4], $0x2880, $0x38;
	[tilespmem:$0x1FC80] =	vst v63  }
0x2b: {  	_ =	swait.ge [sflag:s25], $0x2880  }
0x2c: {  	[sflag:s25] =	ssyncset.done $0x0  }
0x2d: {  	s5 =	simm.s32 $0x200;
	s0 =	simm.s32 $0x0;
	[sflag:s25] =	ssyncadd.s32 $0xFFFFD780  }
.LBB2_2:
0x2e: {  	p1 =	sne.s32 s5, $0xFE00;
	[tilespmem:s0+$0x8470] =	vst v0  }
0x2f: {  	[tilespmem:s0+$0x8400] =	vst v0  }
0x30: {  	[tilespmem:s0+$0x8410] =	vst v0  }
.Ltmp0:
0x31: {  	[tilespmem:s0+$0x8420] =	vst v0;
	(pc) =	sbr.rel @p1 .LBB2_2-.Ltmp0, $4  }
0x32: {  	[tilespmem:s0+$0x8430] =	vst v0  }
0x33: {  	[tilespmem:s0+$0x8440] =	vst v0  }
0x34: {  	[tilespmem:s0+$0x8450] =	vst v0  }
0x35: {  	[tilespmem:s0+$0x8460] =	vst v0;
	s0 =	sshra.s32 s5, $0x2;
	s5 =	sadd.s32 $0x200, s5  }
0x36: {  	[tilespmem:s0+$0x8470] =	vst v0  }
0x37: {  	[tilespmem:s0+$0x8400] =	vst v0  }
0x38: {  	[tilespmem:s0+$0x8410] =	vst v0  }
0x39: {  	[tilespmem:s0+$0x8420] =	vst v0  }
0x3a: {  	[tilespmem:s0+$0x8430] =	vst v0  }
0x3b: {  	[tilespmem:s0+$0x8440] =	vst v0  }
0x3c: {  	[tilespmem:s0+$0x8450] =	vst v0  }
0x3d: {  	[tilespmem:s0+$0x8460] =	vst v0  }
0x3e: {  	[spmem:s8] =	stream.linear.scatter [tilespmem:s29], [sflag:$0x2], $0x2800, $0x38;
	[tilespmem:$0x1FC80] =	vst v63  }
0x3f: {  	_ =	swait.ge [sflag:s25], $0x2800  }
0x40: {  	[sflag:s25] =	ssyncset.done $0x0  }
0x41: {  	[sflag:s25] =	ssyncadd.s32 $0xFFFFD800  }
0x42: {  	[spmem:s9] =	stream.linear.scatter [tilespmem:s29], [sflag:$0x2], $0x2800, $0x38;
	[tilespmem:$0x1FC80] =	vst v63  }
0x43: {  	_ =	swait.ge [sflag:s25], $0x2800  }
0x44: {  	[sflag:s25] =	ssyncset.done $0x0  }
0x45: {  	[sflag:s25] =	ssyncadd.s32 $0xFFFFD800  }
0x46: {  	[spmem:s10] =	stream.linear.scatter [tilespmem:s29], [sflag:$0x2], $0x2800, $0x38;
	[tilespmem:$0x1FC80] =	vst v63  }
0x47: {  	_ =	swait.ge [sflag:s25], $0x2800  }
0x48: {  	[sflag:s25] =	ssyncset.done $0x0  }
0x49: {  	[sflag:s25] =	ssyncadd.s32 $0xFFFFD800  }
0x4a: {  	[spmem:s11] =	stream.linear.scatter [tilespmem:s29], [sflag:$0x2], $0x2800, $0x38;
	[tilespmem:$0x1FC80] =	vst v63  }
0x4b: {  	_ =	swait.ge [sflag:s25], $0x2800  }
0x4c: {  	[sflag:s25] =	ssyncset.done $0x0  }
0x4d: {  	[sflag:s25] =	ssyncadd.s32 $0xFFFFD800  }
0x4e: {  	[spmem:s12] =	stream.linear.scatter [tilespmem:s29], [sflag:$0x2], $0x2800, $0x38;
	[tilespmem:$0x1FC80] =	vst v63  }
0x4f: {  	_ =	swait.ge [sflag:s25], $0x2800  }
0x50: {  	[sflag:s25] =	ssyncset.done $0x0  }
0x51: {  	[sflag:s25] =	ssyncadd.s32 $0xFFFFD800  }
0x52: {  	[spmem:s13] =	stream.linear.scatter [tilespmem:s29], [sflag:$0x2], $0x2800, $0x38;
	[tilespmem:$0x1FC80] =	vst v63  }
0x53: {  	_ =	swait.ge [sflag:s25], $0x2800  }
0x54: {  	[sflag:s25] =	ssyncset.done $0x0  }
0x55: {  	[sflag:s25] =	ssyncadd.s32 $0xFFFFD800  }
0x56: {  	[spmem:s14] =	stream.linear.scatter [tilespmem:s29], [sflag:$0x2], $0x2800, $0x38;
	[tilespmem:$0x1FC80] =	vst v63  }
0x57: {  	_ =	swait.ge [sflag:s25], $0x2800  }
0x58: {  	[sflag:s25] =	ssyncset.done $0x0  }
0x59: {  	s0 =	simm.s32 @!p0 $0x8400;
	[sflag:s25] =	ssyncadd.s32 $0xFFFFD800  }
0x5a: {  	[spmem:s15] =	stream.linear.scatter @!p0 [tilespmem:s0], [sflag:$0x2], $0x2800, $0x38;
	[tilespmem:$0x1FC80] =	vst v63  }
0x5b: {  	s0 =	simm.s32 @!p0 $0x2  }
0x5c: {  	_ =	swait.ge @!p0 [sflag:s0], $0x2800  }
0x5d: {  	[sflag:s0] =	ssyncset.done @!p0 $0x0  }
0x5e: {  	[sflag:s0] =	ssyncadd.s32 @!p0 $0xFFFFD800  }
0x5f: {  	s26 =	simm.s32 $0x0;
	[bflag:$0x0] =	sbarrier.arrive $0xFFFF  }
.LBB2_4:
0x60: {  	s28 =	sshll.u32 s26, $0x7  }
0x61: {  	[tilespmem:s29], [sflag:$0x1] =	stream.indirect.gather [hbm4b:s1+s30], $0x80, s28, s30, $0xb8;
	[tilespmem:$0x1FC80] =	vst v63  }
0x62: {  	s0 =	sadd.s32 $0x5800, s28  }
0x63: {  	_ =	swait.ge [sflag:s31], $0x4000;
	v1 =	vmov s0  }
0x64: {  	[sflag:s31] =	ssyncset.done $0x0  }
0x65: {  	s0 =	simm.s32 $0x0;
	[sflag:s31] =	ssyncadd.s32 $0xFFFFC000  }
.LBB2_5:
0x66: {  	s5 =	sshll.u32 s0, $0x4  }
0x67: {  	s5 =	sand.u32 $0x3FFFFFF0, s5  }
0x68: {  	v2 =	vld.idx.msk [tilespmem:v1+s5+$0x0 ss:$0x1], $0xffff;
	s5 =	sshll.u32 s0, $0xB  }
0x69: {  	s5 =	sand.u32 $0x3FFFF800, s5  }
0x6a: {  	v3 =	vld [tilespmem:s5+$0x8400]  }
0x6b: {  	v4 =	vld [tilespmem:s5+$0x8410]  }
0x6c: {  	v5 =	vld [tilespmem:s5+$0x8420]  }
0x6d: {  	v7 =	vld [tilespmem:s5+$0x8430];
	v6 =	vbroadcast v2, $0x0  }
0x6e: {  	v8 =	vld [tilespmem:s5+$0x8440]  }
0x6f: {  	v9 =	vld [tilespmem:s5+$0x8450];
	v3 =	vmul.f32 v6, v3  }
0x70: {  	v10 =	vld [tilespmem:s5+$0x8460];
	v4 =	vmul.f32 v4, v6  }
0x71: {  	v24 =	vld [tilespmem:s5+$0x8470];
	[tilespmem:s5+$0x8400] =	vst v3;
	v3 =	vmul.f32 v5, v6  }
0x72: {  	v26 =	vld [tilespmem:s5+$0x8480];
	v25 =	vmul.f32 v7, v6;
	[tilespmem:s5+$0x8410] =	vst v4  }
0x73: {  	v27 =	vld [tilespmem:s5+$0x8490];
	[tilespmem:s5+$0x8420] =	vst v3;
	v3 =	vmul.f32 v8, v6  }
0x74: {  	v29 =	vld [tilespmem:s5+$0x84A0];
	v28 =	vmul.f32 v9, v6;
	[tilespmem:s5+$0x8430] =	vst v25  }
0x75: {  	v11 =	vld [tilespmem:s5+$0x84B0];
	v30 =	vbroadcast v2, $0x1;
	[tilespmem:s5+$0x8440] =	vst v3;
	v3 =	vmul.f32 v10, v6  }
0x76: {  	v32 =	vld [tilespmem:s5+$0x84C0];
	v31 =	vmul.f32 v24, v6;
	[tilespmem:s5+$0x8450] =	vst v28  }
0x77: {  	v33 =	vld [tilespmem:s5+$0x84D0];
	[tilespmem:s5+$0x8460] =	vst v3;
	v3 =	vmul.f32 v26, v30  }
0x78: {  	v35 =	vld [tilespmem:s5+$0x84E0];
	v34 =	vmul.f32 v27, v30;
	[tilespmem:s5+$0x8470] =	vst v31  }
0x79: {  	v36 =	vld [tilespmem:s5+$0x84F0];
	[tilespmem:s5+$0x8480] =	vst v3;
	v3 =	vmul.f32 v29, v30  }
0x7a: {  	v38 =	vld [tilespmem:s5+$0x8500];
	v37 =	vmul.f32 v11, v30;
	[tilespmem:s5+$0x8490] =	vst v34  }
0x7b: {  	v39 =	vld [tilespmem:s5+$0x8510];
	[tilespmem:s5+$0x84A0] =	vst v3;
	v3 =	vmul.f32 v32, v30  }
0x7c: {  	v41 =	vld [tilespmem:s5+$0x8520];
	v40 =	vmul.f32 v33, v30;
	[tilespmem:s5+$0x84B0] =	vst v37  }
0x7d: {  	v43 =	vld [tilespmem:s5+$0x8530];
	v42 =	vbroadcast v2, $0x2;
	[tilespmem:s5+$0x84C0] =	vst v3;
	v3 =	vmul.f32 v35, v30  }
0x7e: {  	v45 =	vld [tilespmem:s5+$0x8540];
	v44 =	vmul.f32 v36, v30;
	[tilespmem:s5+$0x84D0] =	vst v40  }
0x7f: {  	v46 =	vld [tilespmem:s5+$0x8550];
	[tilespmem:s5+$0x84E0] =	vst v3;
	v3 =	vmul.f32 v38, v42  }
0x80: {  	v48 =	vld [tilespmem:s5+$0x8560];
	v47 =	vmul.f32 v39, v42;
	[tilespmem:s5+$0x84F0] =	vst v44  }
0x81: {  	v49 =	vld [tilespmem:s5+$0x8570];
	[tilespmem:s5+$0x8500] =	vst v3;
	v3 =	vmul.f32 v41, v42  }
0x82: {  	v51 =	vld [tilespmem:s5+$0x8580];
	v50 =	vmul.f32 v43, v42;
	[tilespmem:s5+$0x8510] =	vst v47  }
0x83: {  	v52 =	vld [tilespmem:s5+$0x8590];
	[tilespmem:s5+$0x8520] =	vst v3;
	v3 =	vmul.f32 v45, v42  }
0x84: {  	v54 =	vld [tilespmem:s5+$0x85A0];
	v53 =	vmul.f32 v46, v42;
	[tilespmem:s5+$0x8530] =	vst v50  }
0x85: {  	v56 =	vld [tilespmem:s5+$0x85B0];
	v55 =	vbroadcast v2, $0x3;
	[tilespmem:s5+$0x8540] =	vst v3;
	v3 =	vmul.f32 v48, v42  }
0x86: {  	v58 =	vld [tilespmem:s5+$0x85C0];
	v57 =	vmul.f32 v49, v42;
	[tilespmem:s5+$0x8550] =	vst v53  }
0x87: {  	v59 =	vld [tilespmem:s5+$0x85D0];
	[tilespmem:s5+$0x8560] =	vst v3;
	v3 =	vmul.f32 v51, v55  }
0x88: {  	v61 =	vld [tilespmem:s5+$0x85E0];
	v60 =	vmul.f32 v52, v55;
	[tilespmem:s5+$0x8570] =	vst v57  }
0x89: {  	v62 =	vld [tilespmem:s5+$0x85F0];
	[tilespmem:s5+$0x8580] =	vst v3;
	v3 =	vmul.f32 v54, v55  }
0x8a: {  	v12 =	vld [tilespmem:s5+$0x8600];
	v63 =	vmul.f32 v56, v55;
	[tilespmem:s5+$0x8590] =	vst v60  }
0x8b: {  	v13 =	vld [tilespmem:s5+$0x8610];
	[tilespmem:s5+$0x85A0] =	vst v3;
	v3 =	vmul.f32 v58, v55  }
0x8c: {  	v15 =	vld [tilespmem:s5+$0x8620];
	v14 =	vmul.f32 v59, v55;
	[tilespmem:s5+$0x85B0] =	vst v63  }
0x8d: {  	v17 =	vld [tilespmem:s5+$0x8630];
	v16 =	vbroadcast v2, $0x4;
	[tilespmem:s5+$0x85C0] =	vst v3;
	v3 =	vmul.f32 v61, v55  }
0x8e: {  	v19 =	vld [tilespmem:s5+$0x8640];
	v18 =	vmul.f32 v62, v55;
	[tilespmem:s5+$0x85D0] =	vst v14  }
0x8f: {  	v20 =	vld [tilespmem:s5+$0x8650];
	[tilespmem:s5+$0x85E0] =	vst v3;
	v3 =	vmul.f32 v12, v16  }
0x90: {  	v22 =	vld [tilespmem:s5+$0x8660];
	v21 =	vmul.f32 v13, v16;
	[tilespmem:s5+$0x85F0] =	vst v18  }
0x91: {  	v23 =	vld [tilespmem:s5+$0x8670];
	[tilespmem:s5+$0x8600] =	vst v3;
	v3 =	vmul.f32 v15, v16  }
0x92: {  	v24 =	vmul.f32 v17, v16;
	[tilespmem:s5+$0x8610] =	vst v21;
	v25 =	vld [tilespmem:s5+$0x8680]  }
0x93: {  	v33 =	vld [tilespmem:s5+$0x86D0];
	[tilespmem:s5+$0x8620] =	vst v3;
	v3 =	vmul.f32 v19, v16  }
0x94: {  	v27 =	vmul.f32 v20, v16;
	[tilespmem:s5+$0x8630] =	vst v24;
	v28 =	vld [tilespmem:s5+$0x86A0]  }
0x95: {  	v36 =	vld [tilespmem:s5+$0x86F0];
	v29 =	vbroadcast v2, $0x5;
	[tilespmem:s5+$0x8640] =	vst v3;
	v3 =	vmul.f32 v22, v16  }
0x96: {  	[tilespmem:s5+$0x8650] =	vst v27;
	v31 =	vmul.f32 v23, v16;
	v32 =	vld [tilespmem:s5+$0x86C0]  }
0x97: {  	v26 =	vld [tilespmem:s5+$0x8690];
	[tilespmem:s5+$0x8660] =	vst v3;
	v3 =	vmul.f32 v25, v29  }
0x98: {  	[tilespmem:s5+$0x8670] =	vst v31;
	v40 =	vmul.f32 v33, v29;
	v35 =	vld [tilespmem:s5+$0x86E0]  }
0x99: {  	v30 =	vld [tilespmem:s5+$0x86B0];
	[tilespmem:s5+$0x8680] =	vst v3;
	v3 =	vmul.f32 v28, v29  }
0x9a: {  	v44 =	vmul.f32 v36, v29;
	[tilespmem:s5+$0x86D0] =	vst v40;
	v38 =	vld [tilespmem:s5+$0x8700]  }
0x9b: {  	v39 =	vld [tilespmem:s5+$0x8710];
	[tilespmem:s5+$0x86A0] =	vst v3;
	v3 =	vmul.f32 v32, v29  }
0x9c: {  	v34 =	vmul.f32 v26, v29;
	[tilespmem:s5+$0x86F0] =	vst v44;
	v41 =	vld [tilespmem:s5+$0x8720]  }
0x9d: {  	v43 =	vld [tilespmem:s5+$0x8730];
	v42 =	vbroadcast v2, $0x6;
	[tilespmem:s5+$0x86C0] =	vst v3;
	v3 =	vmul.f32 v35, v29  }
0x9e: {  	[tilespmem:s5+$0x8690] =	vst v34;
	v37 =	vmul.f32 v30, v29;
	v45 =	vld [tilespmem:s5+$0x8740]  }
0x9f: {  	v46 =	vld [tilespmem:s5+$0x8750];
	[tilespmem:s5+$0x86E0] =	vst v3;
	v3 =	vmul.f32 v38, v42  }
0xa0: {  	[tilespmem:s5+$0x86B0] =	vst v37;
	v48 =	vld [tilespmem:s5+$0x8760];
	v47 =	vmul.f32 v39, v42  }
0xa1: {  	v49 =	vld [tilespmem:s5+$0x8770];
	[tilespmem:s5+$0x8700] =	vst v3;
	v3 =	vmul.f32 v41, v42  }
0xa2: {  	v50 =	vmul.f32 v43, v42;
	v51 =	vld [tilespmem:s5+$0x8780];
	[tilespmem:s5+$0x8710] =	vst v47  }
0xa3: {  	v52 =	vld [tilespmem:s5+$0x8790];
	[tilespmem:s5+$0x8720] =	vst v3;
	v3 =	vmul.f32 v45, v42  }
0xa4: {  	v53 =	vmul.f32 v46, v42;
	[tilespmem:s5+$0x8730] =	vst v50;
	v54 =	vld [tilespmem:s5+$0x87A0]  }
0xa5: {  	v56 =	vld [tilespmem:s5+$0x87B0];
	v55 =	vbroadcast v2, $0x7;
	[tilespmem:s5+$0x8740] =	vst v3;
	v3 =	vmul.f32 v48, v42  }
0xa6: {  	v57 =	vmul.f32 v49, v42;
	[tilespmem:s5+$0x8750] =	vst v53;
	v58 =	vld [tilespmem:s5+$0x87C0]  }
0xa7: {  	v59 =	vld [tilespmem:s5+$0x87D0];
	[tilespmem:s5+$0x8760] =	vst v3;
	v3 =	vmul.f32 v51, v55  }
0xa8: {  	[tilespmem:s5+$0x8770] =	vst v57;
	v61 =	vld [tilespmem:s5+$0x87E0];
	v60 =	vmul.f32 v52, v55  }
0xa9: {  	v62 =	vld [tilespmem:s5+$0x87F0];
	[tilespmem:s5+$0x8780] =	vst v3;
	v3 =	vmul.f32 v54, v55  }
0xaa: {  	v63 =	vmul.f32 v56, v55;
	v12 =	vld [tilespmem:s5+$0x8800];
	[tilespmem:s5+$0x8790] =	vst v60  }
0xab: {  	v13 =	vld [tilespmem:s5+$0x8810];
	[tilespmem:s5+$0x87A0] =	vst v3;
	v3 =	vmul.f32 v58, v55  }
0xac: {  	v14 =	vmul.f32 v59, v55;
	[tilespmem:s5+$0x87B0] =	vst v63;
	v15 =	vld [tilespmem:s5+$0x8820]  }
0xad: {  	v17 =	vld [tilespmem:s5+$0x8830];
	v16 =	vbroadcast v2, $0x8;
	[tilespmem:s5+$0x87C0] =	vst v3;
	v3 =	vmul.f32 v61, v55  }
0xae: {  	v18 =	vmul.f32 v62, v55;
	[tilespmem:s5+$0x87D0] =	vst v14;
	v19 =	vld [tilespmem:s5+$0x8840]  }
0xaf: {  	v20 =	vld [tilespmem:s5+$0x8850];
	[tilespmem:s5+$0x87E0] =	vst v3;
	v3 =	vmul.f32 v12, v16  }
0xb0: {  	[tilespmem:s5+$0x87F0] =	vst v18;
	v22 =	vld [tilespmem:s5+$0x8860];
	v21 =	vmul.f32 v13, v16  }
0xb1: {  	v23 =	vld [tilespmem:s5+$0x8870];
	[tilespmem:s5+$0x8800] =	vst v3;
	v3 =	vmul.f32 v15, v16  }
0xb2: {  	v24 =	vmul.f32 v17, v16;
	v25 =	vld [tilespmem:s5+$0x8880];
	[tilespmem:s5+$0x8810] =	vst v21  }
0xb3: {  	v26 =	vld [tilespmem:s5+$0x8890];
	[tilespmem:s5+$0x8820] =	vst v3;
	v3 =	vmul.f32 v19, v16  }
0xb4: {  	v27 =	vmul.f32 v20, v16;
	[tilespmem:s5+$0x8830] =	vst v24;
	v28 =	vld [tilespmem:s5+$0x88A0]  }
0xb5: {  	v30 =	vld [tilespmem:s5+$0x88B0];
	v29 =	vbroadcast v2, $0x9;
	[tilespmem:s5+$0x8840] =	vst v3;
	v3 =	vmul.f32 v22, v16  }
0xb6: {  	v31 =	vmul.f32 v23, v16;
	[tilespmem:s5+$0x8850] =	vst v27;
	v32 =	vld [tilespmem:s5+$0x88C0]  }
0xb7: {  	v33 =	vld [tilespmem:s5+$0x88D0];
	[tilespmem:s5+$0x8860] =	vst v3;
	v3 =	vmul.f32 v25, v29  }
0xb8: {  	[tilespmem:s5+$0x8870] =	vst v31;
	v35 =	vld [tilespmem:s5+$0x88E0];
	v34 =	vmul.f32 v26, v29  }
0xb9: {  	v36 =	vld [tilespmem:s5+$0x88F0];
	[tilespmem:s5+$0x8880] =	vst v3;
	v3 =	vmul.f32 v28, v29  }
0xba: {  	v37 =	vmul.f32 v30, v29;
	v38 =	vld [tilespmem:s5+$0x8900];
	[tilespmem:s5+$0x8890] =	vst v34  }
0xbb: {  	v39 =	vld [tilespmem:s5+$0x8910];
	[tilespmem:s5+$0x88A0] =	vst v3;
	v3 =	vmul.f32 v32, v29  }
0xbc: {  	v40 =	vmul.f32 v33, v29;
	[tilespmem:s5+$0x88B0] =	vst v37;
	v41 =	vld [tilespmem:s5+$0x8920]  }
0xbd: {  	v43 =	vld [tilespmem:s5+$0x8930];
	v42 =	vbroadcast v2, $0xA;
	[tilespmem:s5+$0x88C0] =	vst v3;
	v3 =	vmul.f32 v35, v29  }
0xbe: {  	v44 =	vmul.f32 v36, v29;
	[tilespmem:s5+$0x88D0] =	vst v40;
	v45 =	vld [tilespmem:s5+$0x8940]  }
0xbf: {  	v46 =	vld [tilespmem:s5+$0x8950];
	[tilespmem:s5+$0x88E0] =	vst v3;
	v3 =	vmul.f32 v38, v42  }
0xc0: {  	[tilespmem:s5+$0x88F0] =	vst v44;
	v48 =	vld [tilespmem:s5+$0x8960];
	v47 =	vmul.f32 v39, v42  }
0xc1: {  	v49 =	vld [tilespmem:s5+$0x8970];
	[tilespmem:s5+$0x8900] =	vst v3;
	v3 =	vmul.f32 v41, v42  }
0xc2: {  	v50 =	vmul.f32 v43, v42;
	v51 =	vld [tilespmem:s5+$0x8980];
	[tilespmem:s5+$0x8910] =	vst v47  }
0xc3: {  	v52 =	vld [tilespmem:s5+$0x8990];
	[tilespmem:s5+$0x8920] =	vst v3;
	v3 =	vmul.f32 v45, v42  }
0xc4: {  	v53 =	vmul.f32 v46, v42;
	[tilespmem:s5+$0x8930] =	vst v50;
	v54 =	vld [tilespmem:s5+$0x89A0]  }
0xc5: {  	v56 =	vld [tilespmem:s5+$0x89B0];
	v55 =	vbroadcast v2, $0xB;
	[tilespmem:s5+$0x8940] =	vst v3;
	v3 =	vmul.f32 v48, v42  }
0xc6: {  	v57 =	vmul.f32 v49, v42;
	[tilespmem:s5+$0x8950] =	vst v53;
	v58 =	vld [tilespmem:s5+$0x89C0]  }
0xc7: {  	v59 =	vld [tilespmem:s5+$0x89D0];
	[tilespmem:s5+$0x8960] =	vst v3;
	v3 =	vmul.f32 v51, v55  }
0xc8: {  	[tilespmem:s5+$0x8970] =	vst v57;
	v61 =	vld [tilespmem:s5+$0x89E0];
	v60 =	vmul.f32 v52, v55  }
0xc9: {  	v62 =	vld [tilespmem:s5+$0x89F0];
	[tilespmem:s5+$0x8980] =	vst v3;
	v3 =	vmul.f32 v54, v55  }
0xca: {  	v63 =	vmul.f32 v56, v55;
	v12 =	vld [tilespmem:s5+$0x8A00];
	[tilespmem:s5+$0x8990] =	vst v60  }
0xcb: {  	v13 =	vld [tilespmem:s5+$0x8A10];
	[tilespmem:s5+$0x89A0] =	vst v3;
	v3 =	vmul.f32 v58, v55  }
0xcc: {  	v14 =	vmul.f32 v59, v55;
	[tilespmem:s5+$0x89B0] =	vst v63;
	v15 =	vld [tilespmem:s5+$0x8A20]  }
0xcd: {  	v17 =	vld [tilespmem:s5+$0x8A30];
	v16 =	vbroadcast v2, $0xC;
	[tilespmem:s5+$0x89C0] =	vst v3;
	v3 =	vmul.f32 v61, v55  }
0xce: {  	v18 =	vmul.f32 v62, v55;
	[tilespmem:s5+$0x89D0] =	vst v14;
	v19 =	vld [tilespmem:s5+$0x8A40]  }
0xcf: {  	v20 =	vld [tilespmem:s5+$0x8A50];
	[tilespmem:s5+$0x89E0] =	vst v3;
	v3 =	vmul.f32 v12, v16  }
0xd0: {  	[tilespmem:s5+$0x89F0] =	vst v18;
	v22 =	vld [tilespmem:s5+$0x8A60];
	v21 =	vmul.f32 v13, v16  }
0xd1: {  	v23 =	vld [tilespmem:s5+$0x8A70];
	[tilespmem:s5+$0x8A00] =	vst v3;
	v3 =	vmul.f32 v15, v16  }
0xd2: {  	v24 =	vmul.f32 v17, v16;
	v25 =	vld [tilespmem:s5+$0x8A80];
	[tilespmem:s5+$0x8A10] =	vst v21  }
0xd3: {  	v26 =	vld [tilespmem:s5+$0x8A90];
	[tilespmem:s5+$0x8A20] =	vst v3;
	v3 =	vmul.f32 v19, v16  }
0xd4: {  	v27 =	vmul.f32 v20, v16;
	[tilespmem:s5+$0x8A30] =	vst v24;
	v28 =	vld [tilespmem:s5+$0x8AA0]  }
0xd5: {  	v30 =	vld [tilespmem:s5+$0x8AB0];
	v29 =	vbroadcast v2, $0xD;
	[tilespmem:s5+$0x8A40] =	vst v3;
	v3 =	vmul.f32 v22, v16  }
0xd6: {  	v31 =	vmul.f32 v23, v16;
	[tilespmem:s5+$0x8A50] =	vst v27;
	v32 =	vld [tilespmem:s5+$0x8AC0]  }
0xd7: {  	v33 =	vld [tilespmem:s5+$0x8AD0];
	[tilespmem:s5+$0x8A60] =	vst v3;
	v3 =	vmul.f32 v25, v29  }
0xd8: {  	[tilespmem:s5+$0x8A70] =	vst v31;
	v35 =	vld [tilespmem:s5+$0x8AE0];
	v34 =	vmul.f32 v26, v29  }
0xd9: {  	v36 =	vld [tilespmem:s5+$0x8AF0];
	[tilespmem:s5+$0x8A80] =	vst v3;
	v3 =	vmul.f32 v28, v29  }
0xda: {  	v37 =	vmul.f32 v30, v29;
	v38 =	vld [tilespmem:s5+$0x8B00];
	[tilespmem:s5+$0x8A90] =	vst v34  }
0xdb: {  	v39 =	vld [tilespmem:s5+$0x8B10];
	[tilespmem:s5+$0x8AA0] =	vst v3;
	v3 =	vmul.f32 v32, v29  }
0xdc: {  	v40 =	vmul.f32 v33, v29;
	[tilespmem:s5+$0x8AB0] =	vst v37;
	v41 =	vld [tilespmem:s5+$0x8B20]  }
0xdd: {  	v43 =	vld [tilespmem:s5+$0x8B30];
	v42 =	vbroadcast v2, $0xE;
	[tilespmem:s5+$0x8AC0] =	vst v3;
	v3 =	vmul.f32 v35, v29  }
0xde: {  	v44 =	vmul.f32 v36, v29;
	[tilespmem:s5+$0x8AD0] =	vst v40;
	v45 =	vld [tilespmem:s5+$0x8B40]  }
0xdf: {  	v46 =	vld [tilespmem:s5+$0x8B50];
	[tilespmem:s5+$0x8AE0] =	vst v3;
	v3 =	vmul.f32 v38, v42  }
0xe0: {  	[tilespmem:s5+$0x8AF0] =	vst v44;
	v48 =	vld [tilespmem:s5+$0x8B60];
	v47 =	vmul.f32 v39, v42  }
0xe1: {  	v49 =	vld [tilespmem:s5+$0x8B70];
	[tilespmem:s5+$0x8B00] =	vst v3;
	v3 =	vmul.f32 v41, v42  }
0xe2: {  	v50 =	vmul.f32 v43, v42;
	v51 =	vld [tilespmem:s5+$0x8B80];
	[tilespmem:s5+$0x8B10] =	vst v47  }
0xe3: {  	v52 =	vld [tilespmem:s5+$0x8B90];
	[tilespmem:s5+$0x8B20] =	vst v3;
	v3 =	vmul.f32 v45, v42  }
0xe4: {  	v53 =	vmul.f32 v46, v42;
	[tilespmem:s5+$0x8B30] =	vst v50;
	v54 =	vld [tilespmem:s5+$0x8BA0]  }
0xe5: {  	v2 =	vbroadcast v2, $0xF;
	v58 =	vld [tilespmem:s5+$0x8BD0];
	[tilespmem:s5+$0x8B40] =	vst v3;
	v3 =	vmul.f32 v48, v42  }
0xe6: {  	v57 =	vld [tilespmem:s5+$0x8BC0];
	v56 =	vmul.f32 v49, v42;
	[tilespmem:s5+$0x8B50] =	vst v53  }
0xe7: {  	v55 =	vld [tilespmem:s5+$0x8BB0];
	[tilespmem:s5+$0x8B60] =	vst v3;
	v3 =	vmul.f32 v51, v2  }
0xe8: {  	v60 =	vld [tilespmem:s5+$0x8BE0];
	v59 =	vmul.f32 v52, v2;
	[tilespmem:s5+$0x8B70] =	vst v56  }
0xe9: {  	v61 =	vld [tilespmem:s5+$0x8BF0];
	[tilespmem:s5+$0x8B80] =	vst v3;
	v3 =	vmul.f32 v54, v2  }
0xea: {  	[tilespmem:s5+$0x8B90] =	vst v59;
	v63 =	vmul.f32 v58, v2  }
0xeb: {  	p1 =	sne.s32 s0, $0x7;
	[tilespmem:s5+$0x8BA0] =	vst v3;
	v3 =	vmul.f32 v57, v2  }
.Ltmp1:
0xec: {  	v62 =	vmul.f32 v55, v2;
	[tilespmem:s5+$0x8BD0] =	vst v63;
	(pc) =	sbr.rel @p1 .LBB2_5-.Ltmp1, $4  }
0xed: {  	[tilespmem:s5+$0x8BC0] =	vst v3;
	v3 =	vmul.f32 v60, v2  }
0xee: {  	[tilespmem:s5+$0x8BB0] =	vst v62;
	v2 =	vmul.f32 v61, v2  }
0xef: {  	[tilespmem:s5+$0x8BE0] =	vst v3  }
0xf0: {  	s0 =	sadd.s32 $0x1, s0;
	[tilespmem:s5+$0x8BF0] =	vst v2  }
0xf1: {  	s26 =	sadd.s32 $0x1, s26  }
0xf2: {  	p1 =	sne.s32 s26, $0x51  }
.Ltmp2:
0xf3: {  	s0 =	sadd.s32 $0x2C00, s28;
	(pc) =	sbr.rel @p1 .LBB2_4-.Ltmp2, $4  }
0xf4: {  	[spmem:s3] =	stream.indirect.scatter.add.f32 [tilespmem:s29], [sflag:$0x2], $0x80, s0, s30, $0xb8;
	[tilespmem:$0x1FC80] =	vst v63  }
0xf5: {  	_ =	swait.ge [sflag:s25], $0x4000  }
0xf6: {  	[sflag:s25] =	ssyncset.done $0x0  }
0xf7: {  	[sflag:s25] =	ssyncadd.s32 $0xFFFFC000  }
0xf8: {  	s0 =	stileid.u32  }
0xf9: {  	s0 =	sshll.u32 s0, $0x6  }
0xfa: {  	[bflag:$0x0] =	sbarrier.arrive $0xFFFF;
	s5 =	sshrl.u32 s8, $0x3;
	s0 =	sor.u32 $0x1C02, s0  }
0xfb: {  	[hbm:s16], [sflag:s0] =	dma.local [spmem:s5], $0x500  }
0xfc: {  	_ =	swait.ge [sflag:s25], $0x500  }
0xfd: {  	[sflag:s25] =	ssyncset.done $0x0  }
0xfe: {  	s26 =	sshrl.u32 s9, $0x3;
	[sflag:s25] =	ssyncadd.s32 $0xFFFFFB00  }
0xff: {  	[hbm:s17], [sflag:s0] =	dma.local [spmem:s26], $0x500  }
0x100: {  	_ =	swait.ge [sflag:s25], $0x500  }
0x101: {  	[sflag:s25] =	ssyncset.done $0x0  }
0x102: {  	s28 =	sshrl.u32 s10, $0x3;
	[sflag:s25] =	ssyncadd.s32 $0xFFFFFB00  }
0x103: {  	[hbm:s18], [sflag:s0] =	dma.local [spmem:s28], $0x500  }
0x104: {  	_ =	swait.ge [sflag:s25], $0x500  }
0x105: {  	[sflag:s25] =	ssyncset.done $0x0  }
0x106: {  	s26 =	sshrl.u32 s11, $0x3;
	[sflag:s25] =	ssyncadd.s32 $0xFFFFFB00  }
0x107: {  	[hbm:s19], [sflag:s0] =	dma.local [spmem:s26], $0x500  }
0x108: {  	_ =	swait.ge [sflag:s25], $0x500  }
0x109: {  	[sflag:s25] =	ssyncset.done $0x0  }
0x10a: {  	s28 =	sshrl.u32 s12, $0x3;
	[sflag:s25] =	ssyncadd.s32 $0xFFFFFB00  }
0x10b: {  	[hbm:s20], [sflag:s0] =	dma.local [spmem:s28], $0x500  }
0x10c: {  	_ =	swait.ge [sflag:s25], $0x500  }
0x10d: {  	[sflag:s25] =	ssyncset.done $0x0  }
0x10e: {  	s26 =	sshrl.u32 s13, $0x3;
	[sflag:s25] =	ssyncadd.s32 $0xFFFFFB00  }
0x10f: {  	[hbm:s21], [sflag:s0] =	dma.local [spmem:s26], $0x500  }
0x110: {  	_ =	swait.ge [sflag:s25], $0x500  }
0x111: {  	[sflag:s25] =	ssyncset.done $0x0  }
0x112: {  	s28 =	sshrl.u32 s14, $0x3;
	[sflag:s25] =	ssyncadd.s32 $0xFFFFFB00  }
0x113: {  	[hbm:s22], [sflag:s0] =	dma.local [spmem:s28], $0x500  }
0x114: {  	_ =	swait.ge [sflag:s25], $0x500  }
0x115: {  	s2 =	sadd.s32 $0x1, s2;
	[sflag:s25] =	ssyncset.done $0x0  }
0x116: {  	p1 =	sne.s32 s2, s24;
	s5 =	sshrl.u32 @!p0 s15, $0x3;
	[sflag:s25] =	ssyncadd.s32 $0xFFFFFB00  }
0x117: {  	[hbm:s23], [sflag:s0] =	dma.local @!p0 [spmem:s5], $0x500  }
.Ltmp3:
0x118: {  	_ = 	snop;
	(pc) =	sbr.rel @p1 .LBB2_1-.Ltmp3, $4  }
0x119: {  	s0 =	simm.s32 @!p0 $0x2  }
0x11a: {  	_ =	swait.ge @!p0 [sflag:s0], $0x500  }
0x11b: {  	[sflag:s0] =	ssyncset.done @!p0 $0x0  }
0x11c: {  	[sflag:s0] =	ssyncadd.s32 @!p0 $0xFFFFFB00  }
0x11d: {  	_ =	sfence.sel $0x180000  }
0x11e: {  	[bflag:$0x0] =	sbarrier.arrive $0xFFFF  }
0x11f: {  	_ =	strace $0x9000004A  }
0x120: {  	s0 =	stileid.u32;
	[bflag:$0x2] =	sbarrier.arrive $0xFFFF  }
0x121: {  	p0 =	sne.s32 s0, $0x0;
	s0 =	rddreg [dreg:$0x3]  }
0x122: {  	s0 =	sadd.s32 @!p0 $0x100000, s0  }
0x123: {  	[sflag:s0] =	ssyncadd.tile.s32 @!p0 $0x1;
	_ =	shalt  }
.Lfunc_end2:
_tile_overlayer_lowered:
.L_overlay_start_2:
0x124: {  	(tag) =	ssettag $0x2  }
0x125: {  	s0 =	rddreg [dreg:$0x0];
	s2 =	stileid.u32  }
0x126: {  	s1 =	rddreg [dreg:$0x1];
	p0 =	sne.s32 s2, $0x0  }
0x127: {  	s3 =	rddreg [dreg:$0x2];
	[bflag:$0x3] =	sbarrier.arrive $0xFFFF;
	s2 =	simm.s32 @!p0 $0x1C02  }
0x128: {  	[timem:s3], [sflag:s2] =	dma.local @!p0 [hbm:s0], s1  }
0x129: {  	s0 =	simm.s32 @!p0 $0x2  }
0x12a: {  	_ =	swait.ge @!p0 [sflag:s0], s1  }
0x12b: {  	s1 =	ssub.s32 @!p0 $0x0, s1;
	[sflag:s0] =	ssyncset.done @!p0 $0x0  }
0x12c: {  	[sflag:s0] =	ssyncadd.s32 @!p0 s1  }
0x12d: {  	[bflag:$0x3] =	sbarrier.arrive $0xFFFF  }
0x12e: {  	_ =	shalt  }

// kernel: kernel.14.cloned.1.call-start
scs
__scs_entry_jumppad:
0x0: {  	(pc) =	sbr.rel $0x88, $3  }
0x1: {  	(tag) =	ssettag $0x0;
	lr =	simm.s32 $0x1  }
0x2: {  	[smem:$0x3F98] =	sst lr;
	_ =	strace $0xD0000000  }
0x3: {  	_ = 	snop  }
0x4: {  	_ = 	snop  }
0x5: {  	_ = 	snop  }
0x6: {  	_ = 	snop  }
0x7: {  	_ = 	snop  }
__scs_overlays_trampoline_lowered:
0x8: {  	[smem:$0x3FA7] =	sst s0  }
0x9: {  	[smem:$0x3FA8] =	sst s1  }
0xa: {  	[smem:$0x3FA9] =	sst s2  }
0xb: {  	[smem:$0x3FAA] =	sst s3  }
0xc: {  	[smem:$0x3FAB] =	sst s4  }
0xd: {  	[smem:$0x3FAC] =	sst s5  }
0xe: {  	[smem:$0x3FAD] =	sst s6  }
0xf: {  	[smem:$0x3FAE] =	sst s7  }
0x10: {  	[smem:$0x3FAF] =	sst s8  }
0x11: {  	[smem:$0x3FB0] =	sst s9;
	s0 =	simm.s32 @!p0 $0x0  }
0x12: {  	s1 =	sld [smem:$0x3F96];
	s0 =	simm.s32 @p0 $0x1  }
0x13: {  	[smem:$0x3FB1] =	sst s0;
	s0 =	simm.s32 @!p1 $0x0  }
0x14: {  	s2 =	sld [smem:$0x3F95];
	s0 =	simm.s32 @p1 $0x1  }
0x15: {  	[smem:$0x3FB2] =	sst s0;
	s0 =	simm.s32 @!p2 $0x0  }
0x16: {  	s3 =	sld [smem:$0x3FDB];
	s0 =	simm.s32 @p2 $0x1  }
0x17: {  	s4 =	simm.s32 $0x1BF5;
	[smem:$0x3FB4] =	sst s0  }
0x18: {  	s0 =	sld [smem:$0x3F97];
	_ =	swait.ge [sflag:s4], $0x0  }
0x19: {  	s7 =	sld [smem:$0x3F98]  }
0x1a: {  	s8 =	sadd.s32 $0xFFFFE003, lr  }
0x1b: {  	s9 =	sadd.s32 $0xFFFFFEF7, lr;
	s5 =	simm.s32 $0xFFFFFFFF;
	p2 =	slt.u32 s8, $0xFFFFF086  }
0x1c: {  	p1 =	slt.u32 s9, $0xF7A;
	s5 =	simm.s32 @!p2 $0x0  }
0x1d: {  	s5 =	simm.s32 @p1 $0x1;
	p0 =	seq.s32 s7, s2  }
0x1e: {  	s7 =	smul.u32 @!p0 $0xF7A, s2;
	p2 =	seq.s32 @!p0 s5, $0x0  }
0x1f: {  	s9 =	smul.u32 $0xF7A, s1;
	s8 =	simm.s32 @!p0 $0x1BF5;
	p2 =	por !p2, p0  }
0x20: {  	[sflag:s8] =	ssyncset.s32 @!p0 $0xFFFFF086;
	s6 =	sadd.s32 @!p0 s3, s7;
	s7 =	simm.s32 @!p0 $0x108  }
0x21: {  	s3 =	sadd.s32 s3, s9;
	s6 =	sadd.s32 @!p0 $0x88, s6;
	s7 =	simm.s32 @p2 $0x1082  }
0x22: {  	[simem:s7], [sflag:s8] =	dma.local @!p0 [hbm:s6], $0xF7A  }
0x23: {  	s9 =	sor.u32 $0xD0000000, s2;
	s6 =	simm.s32 $0x108;
	_ =	swait.ge @!p0 [sflag:s8], $0x0  }
0x24: {  	s3 =	sadd.s32 $0x88, s3;
	s6 =	simm.s32 @!p1 $0x1082;
	[sflag:s4] =	ssyncset.s32 $0xFFFFF086  }
0x25: {  	[simem:s6], [sflag:s4] =	dma.local [hbm:s3], $0xF7A  }
0x26: {  	[smem:$0x3F98] =	sst s1;
	(tag) =	ssettag s2;
	_ =	strace s9  }
0x27: {  	s1 =	sld [smem:$0x3FA8]  }
0x28: {  	s2 =	sld [smem:$0x3FA9]  }
0x29: {  	s4 =	sld [smem:$0x3FAB]  }
0x2a: {  	p0 =	seq.s32 s5, $0x0;
	s5 =	sld [smem:$0x3FAC]  }
0x2b: {  	s6 =	sld [smem:$0x3FAD]  }
0x2c: {  	s7 =	sld [smem:$0x3FAE]  }
0x2d: {  	s3 =	simm.s32 $0x108;
	s8 =	sld [smem:$0x3FAF]  }
0x2e: {  	s3 =	simm.s32 @!p0 $0x1082;
	s9 =	sld [smem:$0x3FB0]  }
0x2f: {  	lr =	sadd.s32 s0, s3;
	s0 =	sld [smem:$0x3FA7]  }
0x30: {  	s3 =	sld [smem:$0x3FAA]  }
0x31: {  	[smem:$0x3FB3] =	sst s10  }
0x32: {  	s10 =	sld [smem:$0x3FB1];
	_ =	sdelay $0x3  }
0x33: {  	p0 =	seq.s32 s10, $0x1;
	s10 =	sld [smem:$0x3FB3];
	_ =	sdelay $0x3  }
0x34: {  	[smem:$0x3FB3] =	sst s10  }
0x35: {  	s10 =	sld [smem:$0x3FB2];
	_ =	sdelay $0x3  }
0x36: {  	p1 =	seq.s32 s10, $0x1;
	s10 =	sld [smem:$0x3FB3];
	_ =	sdelay $0x3  }
0x37: {  	[smem:$0x3FB3] =	sst s10  }
0x38: {  	s10 =	sld [smem:$0x3FB4]  }
0x39: {  	_ = 	snop;
	(pc) =	sbr.ind lr, $3  }
0x3a: {  	_ = 	snop  }
0x3b: {  	_ = 	snop  }
0x3c: {  	p2 =	seq.s32 s10, $0x1;
	s10 =	sld [smem:$0x3FB3]  }
0x3d: {  	_ =	shalt  }
0x3e: {  	_ =	shalt  }
0x3f: {  	_ =	shalt  }
0x40: {  	_ =	shalt  }
0x41: {  	_ =	shalt  }
0x42: {  	_ =	shalt  }
0x43: {  	_ =	shalt  }
0x44: {  	_ =	shalt  }
0x45: {  	_ =	shalt  }
0x46: {  	_ =	shalt  }
0x47: {  	_ =	shalt  }
0x48: {  	_ =	shalt  }
0x49: {  	_ =	shalt  }
0x4a: {  	_ =	shalt  }
0x4b: {  	_ =	shalt  }
0x4c: {  	_ =	shalt  }
0x4d: {  	_ =	shalt  }
0x4e: {  	_ =	shalt  }
0x4f: {  	_ =	shalt  }
0x50: {  	_ =	shalt  }
0x51: {  	_ =	shalt  }
0x52: {  	_ =	shalt  }
0x53: {  	_ =	shalt  }
0x54: {  	_ =	shalt  }
0x55: {  	_ =	shalt  }
0x56: {  	_ =	shalt  }
0x57: {  	_ =	shalt  }
0x58: {  	_ =	shalt  }
0x59: {  	_ =	shalt  }
0x5a: {  	_ =	shalt  }
0x5b: {  	_ =	shalt  }
0x5c: {  	_ =	shalt  }
0x5d: {  	_ =	shalt  }
0x5e: {  	_ =	shalt  }
0x5f: {  	_ =	shalt  }
0x60: {  	_ =	shalt  }
0x61: {  	_ =	shalt  }
0x62: {  	_ =	shalt  }
0x63: {  	_ =	shalt  }
0x64: {  	_ =	shalt  }
0x65: {  	_ =	shalt  }
0x66: {  	_ =	shalt  }
0x67: {  	_ =	shalt  }
0x68: {  	_ =	shalt  }
0x69: {  	_ =	shalt  }
0x6a: {  	_ =	shalt  }
0x6b: {  	_ =	shalt  }
0x6c: {  	_ =	shalt  }
0x6d: {  	_ =	shalt  }
0x6e: {  	_ =	shalt  }
0x6f: {  	_ =	shalt  }
0x70: {  	_ =	shalt  }
0x71: {  	_ =	shalt  }
0x72: {  	_ =	shalt  }
0x73: {  	_ =	shalt  }
0x74: {  	_ =	shalt  }
0x75: {  	_ =	shalt  }
0x76: {  	_ =	shalt  }
0x77: {  	_ =	shalt  }
0x78: {  	_ =	shalt  }
0x79: {  	_ =	shalt  }
0x7a: {  	_ =	shalt  }
0x7b: {  	_ =	shalt  }
0x7c: {  	_ =	shalt  }
0x7d: {  	_ =	shalt  }
0x7e: {  	_ =	shalt  }
0x7f: {  	_ =	shalt  }
0x80: {  	_ =	shalt  }
0x81: {  	_ =	shalt  }
0x82: {  	_ =	shalt  }
0x83: {  	_ =	shalt  }
0x84: {  	_ =	shalt  }
0x85: {  	_ =	shalt  }
0x86: {  	_ =	shalt  }
0x87: {  	_ =	shalt  }
.Lfunc_end0:
.L_simem_size_0:
called_computation.2_lowered:
.L_overlay_start_0:
0x88: {  	s2 =	sld [smem:$0x3FD9]  }
0x89: {  	s3 =	sld [smem:$0x3FFE];
	_ =	sdelay $0x1  }
0x8a: {  	s1 =	srdreg.scid  }
0x8b: {  	s0 =	sand.u32 $0x1, s1  }
0x8c: {  	s17 =	sshll.u32 s0, $0xA;
	s2 =	sadd.s32 s3, s2  }
0x8d: {  	s2 =	sadd.s32 s2, s17  }
0x8e: {  	[smem:$0x3FBF] =	sst s2  }
0x8f: {  	_ = 	snop  }
0x90: {  	s2 =	sld [smem:$0x3FD0];
	(tm) =	ssettm $0x1  }
0x91: {  	s18 =	sld [smem:$0x3FFB];
	_ =	sdelay $0x3  }
0x92: {  	_ =	strace s18  }
0x93: {  	s3 =	sld [smem:$0x3FFC];
	_ =	sdelay $0x3  }
0x94: {  	_ =	strace s3  }
0x95: {  	s3 =	sld [smem:$0x3FFD];
	_ =	sdelay $0x3  }
0x96: {  	_ =	strace s3  }
0x97: {  	_ =	strace $0x8FFFFFFF  }
0x98: {  	s19 =	sld [smem:$0x3FDB];
	_ =	sdelay $0x1  }
0x99: {  	s4 =	simm.s32 $_scs_section_size  }
0x9a: {  	s5 =	simm.s32 $_size__tile_overlayer_lowered;
	s6 =	simm.s32 $_tile_overlayer_lowered  }
0x9b: {  	s22 =	simm.s32 $0x1BFF;
	s21 =	sshll.u32 s6, $0x1;
	s3 =	sadd.s32 s4, s19  }
0x9c: {  	s7 =	simm.s32 $0x0;
	s20 =	sshll.u32 s5, $0x1;
	s5 =	sadd.s32 s21, s3  }
0x9d: {  	[timem:s7], [sflag:s22] =	dma.local [hbm:s5], s20  }
0x9e: {  	_ =	swait.ge [sflag:s22], s20  }
0x9f: {  	s4 =	ssub.s32 $0x0, s20;
	[sflag:s22] =	ssyncset.done $0x0  }
0xa0: {  	[sflag:s22] =	ssyncadd.s32 s4;
	_ =	sdelay $0x1  }
0xa1: {  	s23 =	simm.s32 $0x1B8B  }
0xa2: {  	_ =	swait.ge [sflag:s23], $0x1  }
0xa3: {  	[sflag:s23] =	ssyncset.done $0x0  }
0xa4: {  	s25 =	simm.s32 $0x1B8E;
	s24 =	sld [smem:$0x3FFE];
	[sflag:s23] =	ssyncadd.s32 $0xFFFFFFFF  }
0xa5: {  	s26 =	simm.s32 $execute0_lowered;
	[smem:$0x3FD2] =	sst s25  }
0xa6: {  	s5 =	sshll.u32 s26, $0x1;
	_ =	strace $0x8000004C;
	[dreg:$0x1] =	wrdreg $0xFFFFFFFF  }
0xa7: {  	s28 =	simm.s32 $_size_execute0_lowered;
	s3 =	sadd.s32 s3, s5;
	[dreg:$0x0] =	wrdreg $0x0  }
0xa8: {  	s5 =	sshll.u32 s28, $0x1;
	[dreg:$0x2] =	wrdreg s3  }
0xa9: {  	[dreg:$0x3] =	wrdreg s5  }
0xaa: {  	[dreg:$0x4] =	wrdreg $0xC0  }
0xab: {  	_ =	task [dreg:s7], $0x5FFFF  }
0xac: {  	[dreg:$0x1] =	wrdreg $0xFFFFFFFF  }
0xad: {  	[dreg:$0x0] =	wrdreg $0x60  }
0xae: {  	[dreg:$0x2] =	wrdreg s2  }
0xaf: {  	[dreg:$0x3] =	wrdreg s24  }
0xb0: {  	[dreg:$0x4] =	wrdreg $0xC4000  }
0xb1: {  	[dreg:$0x5] =	wrdreg $0x9  }
0xb2: {  	_ =	task.clear_ibuf [dreg:s7], $0x6FFFF;
	_ =	strace $0x9000004C  }
0xb3: {  	s29 =	simm.s32 $0x9;
	_ =	strace $0x8000004E  }
0xb4: {  	_ =	swait.ge [sflag:s29], $0x1  }
0xb5: {  	[sflag:s29] =	ssyncadd.s32 $0xFFFFFFFF  }
0xb6: {  	_ =	strace $0x9000004E  }
0xb7: {  	_ =	sfence  }
0xb8: {  	s30 =	sld [smem:$0x0];
	_ =	sdelay $0x2  }
0xb9: {  	s31 =	sshll.u32 s1, $0xD;
	s1 =	sshrl.u32 s1, $0x2  }
0xba: {  	s3 =	sand.u32 $0x4000, s31;
	s1 =	sadd.s32 s1, s30  }
0xbb: {  	s0 =	sor.u32 s3, s0;
	s1 =	sshll.u32 s1, $0x11  }
0xbc: {  	s0 =	sor.u32 s1, s0  }
0xbd: {  	s0 =	sadd.s32 $0x8F2B, s0  }
0xbe: {  	[sflag:s0] =	ssyncadd.remote.s32 $0x1  }
0xbf: {  	_ =	sfence.sel $0xFFFF  }
0xc0: {  	[dreg:$0x0] =	wrdreg $0xFFFFFFFF;
	(pc) =	sbr.abs _section_cstart, $3  }
0xc1: {  	[dreg:$0x1] =	wrdreg $0xFFFFFFFF  }
0xc2: {  	_ =	task.clear_ibuf [dreg:s7], $0x2FFFF;
	_ =	strace $0x9FFFFFFF  }
0xc3: {  	(tm) =	ssettm $0x7FFFFFFF  }
tec
execute0_lowered:
.L_overlay_start_1:
0x0: {  	(tag) =	ssettag $0x1  }
0x1: {  	s31 =	stileid.u32  }
0x2: {  	s5 =	smul.u32 $0xA000, s31  }
0x3: {  	s0 =	srdreg.scid;
	s6 =	sor.u32 $0x10, s31;
	s12 =	smul.u32 $0x2800, s31  }
0x4: {  	s7 =	rddreg [dreg:$0x1];
	s9 =	sor.u32 $0x20, s31;
	s8 =	smul.u32 $0xA000, s6  }
0x5: {  	s3 =	rddreg [dreg:$0x2];
	s0 =	sand.u32 $0x1, s0;
	s10 =	smul.u32 $0xA000, s9  }
0x6: {  	s4 =	simm.s32 $0x0;
	s1 =	sshll.u32 s31, $0x1;
	s11 =	smul.u32 $0x138800, s0  }
0x7: {  	[smem:$0x7FF] =	sst s4;
	s23 =	sadd.s32 $0x2F600, s7;
	s6 =	smul.u32 $0x2800, s6  }
0x8: {  	s13 =	sor.u32 $0x30, s31;
	s16 =	sor.u32 $0x50, s31;
	s28 =	smul.u32 $0x2800, s9  }
0x9: {  	p0 =	sgt.u32 s31, $0xC;
	s1 =	sor.u32 s0, s1;
	s14 =	smul.u32 $0x2800, s13  }
0xa: {  	s0 =	ssub.s32 $0x2, s0;
	s9 =	sor.u32 $0x40, s31;
	s18 =	smul.u32 $0x2800, s16  }
0xb: {  	s2 =	smul.u32 $0x580, s1;
	s1 =	rddreg [dreg:$0x0];
	_ =	strace $0x8000004D  }
0xc: {  	s15 =	sshrl.u32 s0, $0x1;
	s17 =	smul.u32 $0x2800, s9;
	s5 =	sshrl.u32 s5, $0x2  }
0xd: {  	s0 =	ssub.s32 s0, s15;
	s15 =	sor.u32 $0x60, s31;
	s21 =	sadd.s32 s12, s11  }
0xe: {  	s22 =	sadd.s32 s11, s6;
	s24 =	sadd.s32 s11, s28;
	s25 =	sadd.s32 s11, s14  }
0xf: {  	s28 =	sadd.s32 s11, s18;
	s18 =	sshrl.u32 s8, $0x2;
	s20 =	smul.u32 $0x2800, s15  }
0x10: {  	s8 =	sadd.s32 s5, s3;
	s26 =	sadd.s32 s11, s17;
	s17 =	smul.u32 $0xA000, s13  }
0x11: {  	s10 =	sshrl.u32 s10, $0x2;
	s2 =	sadd.s32 s2, s7;
	s13 =	smul.u32 $0xA000, s16  }
0x12: {  	s14 =	smul.u32 $0xA000, s15;
	s10 =	sadd.s32 s10, s3;
	s19 =	sadd.s32 $0x24600, s2  }
0x13: {  	s6 =	sadd.s32 $0xD800, s2;
	s7 =	sadd.s32 $0x19200, s2;
	[dreg:$0x4] =	wrdreg s19  }
0x14: {  	s19 =	sor.u32 $0x70, s31;
	s29 =	sadd.s32 s11, s20;
	s20 =	smul.u32 $0xA000, s9  }
0x15: {  	s9 =	sadd.s32 s18, s3;
	s2 =	sshrl.u32 s17, $0x2;
	s5 =	sshrl.u32 s13, $0x2  }
0x16: {  	s16 =	sshrl.u32 s14, $0x2;
	s31 =	simm.s32 $0x1;
	s12 =	smul.u32 $0x2800, s19  }
0x17: {  	s17 =	smul.u32 $0xA000, s19;
	s13 =	sadd.s32 s5, s3;
	s14 =	sadd.s32 s16, s3  }
0x18: {  	s19 =	sshrl.u32 s21, $0x3;
	s21 =	sshrl.u32 s24, $0x3;
	s24 =	sshrl.u32 s26, $0x3  }
0x19: {  	s26 =	sshrl.u32 s29, $0x3;
	s29 =	simm.s32 $0x8400;
	s15 =	sshrl.u32 s20, $0x2  }
0x1a: {  	s20 =	sshrl.u32 s22, $0x3;
	s16 =	sadd.s32 s23, s19;
	s22 =	sshrl.u32 s25, $0x3  }
0x1b: {  	s25 =	sshrl.u32 s28, $0x3;
	s30 =	sadd.s32 s11, s12;
	s11 =	sadd.s32 s2, s3  }
0x1c: {  	s12 =	sadd.s32 s15, s3;
	s18 =	sshrl.u32 s17, $0x2;
	s17 =	sadd.s32 s23, s20  }
0x1d: {  	s19 =	sadd.s32 s23, s22;
	s20 =	sadd.s32 s23, s24;
	s22 =	sadd.s32 s23, s26  }
0x1e: {  	s24 =	smax.u32 s0, $0x1;
	s2 =	simm.s32 $0x0;
	s15 =	sadd.s32 s18, s3  }
0x1f: {  	s18 =	sadd.s32 s23, s21;
	s28 =	sshrl.u32 s30, $0x3;
	s21 =	sadd.s32 s23, s25  }
0x20: {  	v0 =	vimm.f32 $0.0e+00;
	s25 =	simm.s32 $0x2;
	s30 =	simm.s32 $0x80;
	s23 =	sadd.s32 s23, s28  }
.LBB2_1:
0x21: {  	s0 =	rddreg [dreg:$0x4]  }
0x22: {  	[tilespmem:s4], [sflag:$0x2] =	stream.linear.gather [hbm4b:s0+s4], $0x2880, $0x38;
	[tilespmem:$0x1FC80] =	vst v63  }
0x23: {  	_ =	swait.ge [sflag:s25], $0x2880  }
0x24: {  	[sflag:s25] =	ssyncset.done $0x0  }
0x25: {  	s26 =	simm.s32 $0x2C00;
	[sflag:s25] =	ssyncadd.s32 $0xFFFFD780  }
0x26: {  	[tilespmem:s26], [sflag:$0x2] =	stream.linear.gather [hbm4b:s6+s4], $0x2880, $0x38;
	[tilespmem:$0x1FC80] =	vst v63  }
0x27: {  	_ =	swait.ge [sflag:s25], $0x2880  }
0x28: {  	[sflag:s25] =	ssyncset.done $0x0  }
0x29: {  	s28 =	simm.s32 $0x5800;
	[sflag:s25] =	ssyncadd.s32 $0xFFFFD780  }
0x2a: {  	[tilespmem:s28], [sflag:$0x2] =	stream.linear.gather [hbm4b:s7+s4], $0x2880, $0x38;
	[tilespmem:$0x1FC80] =	vst v63  }
0x2b: {  	_ =	swait.ge [sflag:s25], $0x2880  }
0x2c: {  	[sflag:s25] =	ssyncset.done $0x0  }
0x2d: {  	s5 =	simm.s32 $0x200;
	s0 =	simm.s32 $0x0;
	[sflag:s25] =	ssyncadd.s32 $0xFFFFD780  }
.LBB2_2:
0x2e: {  	p1 =	sne.s32 s5, $0xFE00;
	[tilespmem:s0+$0x8470] =	vst v0  }
0x2f: {  	[tilespmem:s0+$0x8400] =	vst v0  }
0x30: {  	[tilespmem:s0+$0x8410] =	vst v0  }
.Ltmp0:
0x31: {  	[tilespmem:s0+$0x8420] =	vst v0;
	(pc) =	sbr.rel @p1 .LBB2_2-.Ltmp0, $4  }
0x32: {  	[tilespmem:s0+$0x8430] =	vst v0  }
0x33: {  	[tilespmem:s0+$0x8440] =	vst v0  }
0x34: {  	[tilespmem:s0+$0x8450] =	vst v0  }
0x35: {  	[tilespmem:s0+$0x8460] =	vst v0;
	s0 =	sshra.s32 s5, $0x2;
	s5 =	sadd.s32 $0x200, s5  }
0x36: {  	[tilespmem:s0+$0x8470] =	vst v0  }
0x37: {  	[tilespmem:s0+$0x8400] =	vst v0  }
0x38: {  	[tilespmem:s0+$0x8410] =	vst v0  }
0x39: {  	[tilespmem:s0+$0x8420] =	vst v0  }
0x3a: {  	[tilespmem:s0+$0x8430] =	vst v0  }
0x3b: {  	[tilespmem:s0+$0x8440] =	vst v0  }
0x3c: {  	[tilespmem:s0+$0x8450] =	vst v0  }
0x3d: {  	[tilespmem:s0+$0x8460] =	vst v0  }
0x3e: {  	[spmem:s8] =	stream.linear.scatter [tilespmem:s29], [sflag:$0x2], $0x2800, $0x38;
	[tilespmem:$0x1FC80] =	vst v63  }
0x3f: {  	_ =	swait.ge [sflag:s25], $0x2800  }
0x40: {  	[sflag:s25] =	ssyncset.done $0x0  }
0x41: {  	[sflag:s25] =	ssyncadd.s32 $0xFFFFD800  }
0x42: {  	[spmem:s9] =	stream.linear.scatter [tilespmem:s29], [sflag:$0x2], $0x2800, $0x38;
	[tilespmem:$0x1FC80] =	vst v63  }
0x43: {  	_ =	swait.ge [sflag:s25], $0x2800  }
0x44: {  	[sflag:s25] =	ssyncset.done $0x0  }
0x45: {  	[sflag:s25] =	ssyncadd.s32 $0xFFFFD800  }
0x46: {  	[spmem:s10] =	stream.linear.scatter [tilespmem:s29], [sflag:$0x2], $0x2800, $0x38;
	[tilespmem:$0x1FC80] =	vst v63  }
0x47: {  	_ =	swait.ge [sflag:s25], $0x2800  }
0x48: {  	[sflag:s25] =	ssyncset.done $0x0  }
0x49: {  	[sflag:s25] =	ssyncadd.s32 $0xFFFFD800  }
0x4a: {  	[spmem:s11] =	stream.linear.scatter [tilespmem:s29], [sflag:$0x2], $0x2800, $0x38;
	[tilespmem:$0x1FC80] =	vst v63  }
0x4b: {  	_ =	swait.ge [sflag:s25], $0x2800  }
0x4c: {  	[sflag:s25] =	ssyncset.done $0x0  }
0x4d: {  	[sflag:s25] =	ssyncadd.s32 $0xFFFFD800  }
0x4e: {  	[spmem:s12] =	stream.linear.scatter [tilespmem:s29], [sflag:$0x2], $0x2800, $0x38;
	[tilespmem:$0x1FC80] =	vst v63  }
0x4f: {  	_ =	swait.ge [sflag:s25], $0x2800  }
0x50: {  	[sflag:s25] =	ssyncset.done $0x0  }
0x51: {  	[sflag:s25] =	ssyncadd.s32 $0xFFFFD800  }
0x52: {  	[spmem:s13] =	stream.linear.scatter [tilespmem:s29], [sflag:$0x2], $0x2800, $0x38;
	[tilespmem:$0x1FC80] =	vst v63  }
0x53: {  	_ =	swait.ge [sflag:s25], $0x2800  }
0x54: {  	[sflag:s25] =	ssyncset.done $0x0  }
0x55: {  	[sflag:s25] =	ssyncadd.s32 $0xFFFFD800  }
0x56: {  	[spmem:s14] =	stream.linear.scatter [tilespmem:s29], [sflag:$0x2], $0x2800, $0x38;
	[tilespmem:$0x1FC80] =	vst v63  }
0x57: {  	_ =	swait.ge [sflag:s25], $0x2800  }
0x58: {  	[sflag:s25] =	ssyncset.done $0x0  }
0x59: {  	s0 =	simm.s32 @!p0 $0x8400;
	[sflag:s25] =	ssyncadd.s32 $0xFFFFD800  }
0x5a: {  	[spmem:s15] =	stream.linear.scatter @!p0 [tilespmem:s0], [sflag:$0x2], $0x2800, $0x38;
	[tilespmem:$0x1FC80] =	vst v63  }
0x5b: {  	s0 =	simm.s32 @!p0 $0x2  }
0x5c: {  	_ =	swait.ge @!p0 [sflag:s0], $0x2800  }
0x5d: {  	[sflag:s0] =	ssyncset.done @!p0 $0x0  }
0x5e: {  	[sflag:s0] =	ssyncadd.s32 @!p0 $0xFFFFD800  }
0x5f: {  	s26 =	simm.s32 $0x0;
	[bflag:$0x0] =	sbarrier.arrive $0xFFFF  }
.LBB2_4:
0x60: {  	s28 =	sshll.u32 s26, $0x7  }
0x61: {  	[tilespmem:s29], [sflag:$0x1] =	stream.indirect.gather [hbm4b:s1+s30], $0x80, s28, s30, $0xb8;
	[tilespmem:$0x1FC80] =	vst v63  }
0x62: {  	s0 =	sadd.s32 $0x5800, s28  }
0x63: {  	_ =	swait.ge [sflag:s31], $0x4000;
	v1 =	vmov s0  }
0x64: {  	[sflag:s31] =	ssyncset.done $0x0  }
0x65: {  	s0 =	simm.s32 $0x0;
	[sflag:s31] =	ssyncadd.s32 $0xFFFFC000  }
.LBB2_5:
0x66: {  	s5 =	sshll.u32 s0, $0x4  }
0x67: {  	s5 =	sand.u32 $0x3FFFFFF0, s5  }
0x68: {  	v2 =	vld.idx.msk [tilespmem:v1+s5+$0x0 ss:$0x1], $0xffff;
	s5 =	sshll.u32 s0, $0xB  }
0x69: {  	s5 =	sand.u32 $0x3FFFF800, s5  }
0x6a: {  	v3 =	vld [tilespmem:s5+$0x8400]  }
0x6b: {  	v4 =	vld [tilespmem:s5+$0x8410]  }
0x6c: {  	v5 =	vld [tilespmem:s5+$0x8420]  }
0x6d: {  	v7 =	vld [tilespmem:s5+$0x8430];
	v6 =	vbroadcast v2, $0x0  }
0x6e: {  	v8 =	vld [tilespmem:s5+$0x8440]  }
0x6f: {  	v9 =	vld [tilespmem:s5+$0x8450];
	v3 =	vmul.f32 v6, v3  }
0x70: {  	v10 =	vld [tilespmem:s5+$0x8460];
	v4 =	vmul.f32 v4, v6  }
0x71: {  	v24 =	vld [tilespmem:s5+$0x8470];
	[tilespmem:s5+$0x8400] =	vst v3;
	v3 =	vmul.f32 v5, v6  }
0x72: {  	v26 =	vld [tilespmem:s5+$0x8480];
	v25 =	vmul.f32 v7, v6;
	[tilespmem:s5+$0x8410] =	vst v4  }
0x73: {  	v27 =	vld [tilespmem:s5+$0x8490];
	[tilespmem:s5+$0x8420] =	vst v3;
	v3 =	vmul.f32 v8, v6  }
0x74: {  	v29 =	vld [tilespmem:s5+$0x84A0];
	v28 =	vmul.f32 v9, v6;
	[tilespmem:s5+$0x8430] =	vst v25  }
0x75: {  	v11 =	vld [tilespmem:s5+$0x84B0];
	v30 =	vbroadcast v2, $0x1;
	[tilespmem:s5+$0x8440] =	vst v3;
	v3 =	vmul.f32 v10, v6  }
0x76: {  	v32 =	vld [tilespmem:s5+$0x84C0];
	v31 =	vmul.f32 v24, v6;
	[tilespmem:s5+$0x8450] =	vst v28  }
0x77: {  	v33 =	vld [tilespmem:s5+$0x84D0];
	[tilespmem:s5+$0x8460] =	vst v3;
	v3 =	vmul.f32 v26, v30  }
0x78: {  	v35 =	vld [tilespmem:s5+$0x84E0];
	v34 =	vmul.f32 v27, v30;
	[tilespmem:s5+$0x8470] =	vst v31  }
0x79: {  	v36 =	vld [tilespmem:s5+$0x84F0];
	[tilespmem:s5+$0x8480] =	vst v3;
	v3 =	vmul.f32 v29, v30  }
0x7a: {  	v38 =	vld [tilespmem:s5+$0x8500];
	v37 =	vmul.f32 v11, v30;
	[tilespmem:s5+$0x8490] =	vst v34  }
0x7b: {  	v39 =	vld [tilespmem:s5+$0x8510];
	[tilespmem:s5+$0x84A0] =	vst v3;
	v3 =	vmul.f32 v32, v30  }
0x7c: {  	v41 =	vld [tilespmem:s5+$0x8520];
	v40 =	vmul.f32 v33, v30;
	[tilespmem:s5+$0x84B0] =	vst v37  }
0x7d: {  	v43 =	vld [tilespmem:s5+$0x8530];
	v42 =	vbroadcast v2, $0x2;
	[tilespmem:s5+$0x84C0] =	vst v3;
	v3 =	vmul.f32 v35, v30  }
0x7e: {  	v45 =	vld [tilespmem:s5+$0x8540];
	v44 =	vmul.f32 v36, v30;
	[tilespmem:s5+$0x84D0] =	vst v40  }
0x7f: {  	v46 =	vld [tilespmem:s5+$0x8550];
	[tilespmem:s5+$0x84E0] =	vst v3;
	v3 =	vmul.f32 v38, v42  }
0x80: {  	v48 =	vld [tilespmem:s5+$0x8560];
	v47 =	vmul.f32 v39, v42;
	[tilespmem:s5+$0x84F0] =	vst v44  }
0x81: {  	v49 =	vld [tilespmem:s5+$0x8570];
	[tilespmem:s5+$0x8500] =	vst v3;
	v3 =	vmul.f32 v41, v42  }
0x82: {  	v51 =	vld [tilespmem:s5+$0x8580];
	v50 =	vmul.f32 v43, v42;
	[tilespmem:s5+$0x8510] =	vst v47  }
0x83: {  	v52 =	vld [tilespmem:s5+$0x8590];
	[tilespmem:s5+$0x8520] =	vst v3;
	v3 =	vmul.f32 v45, v42  }
0x84: {  	v54 =	vld [tilespmem:s5+$0x85A0];
	v53 =	vmul.f32 v46, v42;
	[tilespmem:s5+$0x8530] =	vst v50  }
0x85: {  	v56 =	vld [tilespmem:s5+$0x85B0];
	v55 =	vbroadcast v2, $0x3;
	[tilespmem:s5+$0x8540] =	vst v3;
	v3 =	vmul.f32 v48, v42  }
0x86: {  	v58 =	vld [tilespmem:s5+$0x85C0];
	v57 =	vmul.f32 v49, v42;
	[tilespmem:s5+$0x8550] =	vst v53  }
0x87: {  	v59 =	vld [tilespmem:s5+$0x85D0];
	[tilespmem:s5+$0x8560] =	vst v3;
	v3 =	vmul.f32 v51, v55  }
0x88: {  	v61 =	vld [tilespmem:s5+$0x85E0];
	v60 =	vmul.f32 v52, v55;
	[tilespmem:s5+$0x8570] =	vst v57  }
0x89: {  	v62 =	vld [tilespmem:s5+$0x85F0];
	[tilespmem:s5+$0x8580] =	vst v3;
	v3 =	vmul.f32 v54, v55  }
0x8a: {  	v12 =	vld [tilespmem:s5+$0x8600];
	v63 =	vmul.f32 v56, v55;
	[tilespmem:s5+$0x8590] =	vst v60  }
0x8b: {  	v13 =	vld [tilespmem:s5+$0x8610];
	[tilespmem:s5+$0x85A0] =	vst v3;
	v3 =	vmul.f32 v58, v55  }
0x8c: {  	v15 =	vld [tilespmem:s5+$0x8620];
	v14 =	vmul.f32 v59, v55;
	[tilespmem:s5+$0x85B0] =	vst v63  }
0x8d: {  	v17 =	vld [tilespmem:s5+$0x8630];
	v16 =	vbroadcast v2, $0x4;
	[tilespmem:s5+$0x85C0] =	vst v3;
	v3 =	vmul.f32 v61, v55  }
0x8e: {  	v19 =	vld [tilespmem:s5+$0x8640];
	v18 =	vmul.f32 v62, v55;
	[tilespmem:s5+$0x85D0] =	vst v14  }
0x8f: {  	v20 =	vld [tilespmem:s5+$0x8650];
	[tilespmem:s5+$0x85E0] =	vst v3;
	v3 =	vmul.f32 v12, v16  }
0x90: {  	v22 =	vld [tilespmem:s5+$0x8660];
	v21 =	vmul.f32 v13, v16;
	[tilespmem:s5+$0x85F0] =	vst v18  }
0x91: {  	v23 =	vld [tilespmem:s5+$0x8670];
	[tilespmem:s5+$0x8600] =	vst v3;
	v3 =	vmul.f32 v15, v16  }
0x92: {  	v24 =	vmul.f32 v17, v16;
	[tilespmem:s5+$0x8610] =	vst v21;
	v25 =	vld [tilespmem:s5+$0x8680]  }
0x93: {  	v33 =	vld [tilespmem:s5+$0x86D0];
	[tilespmem:s5+$0x8620] =	vst v3;
	v3 =	vmul.f32 v19, v16  }
0x94: {  	v27 =	vmul.f32 v20, v16;
	[tilespmem:s5+$0x8630] =	vst v24;
	v28 =	vld [tilespmem:s5+$0x86A0]  }
0x95: {  	v36 =	vld [tilespmem:s5+$0x86F0];
	v29 =	vbroadcast v2, $0x5;
	[tilespmem:s5+$0x8640] =	vst v3;
	v3 =	vmul.f32 v22, v16  }
0x96: {  	[tilespmem:s5+$0x8650] =	vst v27;
	v31 =	vmul.f32 v23, v16;
	v32 =	vld [tilespmem:s5+$0x86C0]  }
0x97: {  	v26 =	vld [tilespmem:s5+$0x8690];
	[tilespmem:s5+$0x8660] =	vst v3;
	v3 =	vmul.f32 v25, v29  }
0x98: {  	[tilespmem:s5+$0x8670] =	vst v31;
	v40 =	vmul.f32 v33, v29;
	v35 =	vld [tilespmem:s5+$0x86E0]  }
0x99: {  	v30 =	vld [tilespmem:s5+$0x86B0];
	[tilespmem:s5+$0x8680] =	vst v3;
	v3 =	vmul.f32 v28, v29  }
0x9a: {  	v44 =	vmul.f32 v36, v29;
	[tilespmem:s5+$0x86D0] =	vst v40;
	v38 =	vld [tilespmem:s5+$0x8700]  }
0x9b: {  	v39 =	vld [tilespmem:s5+$0x8710];
	[tilespmem:s5+$0x86A0] =	vst v3;
	v3 =	vmul.f32 v32, v29  }
0x9c: {  	v34 =	vmul.f32 v26, v29;
	[tilespmem:s5+$0x86F0] =	vst v44;
	v41 =	vld [tilespmem:s5+$0x8720]  }
0x9d: {  	v43 =	vld [tilespmem:s5+$0x8730];
	v42 =	vbroadcast v2, $0x6;
	[tilespmem:s5+$0x86C0] =	vst v3;
	v3 =	vmul.f32 v35, v29  }
0x9e: {  	[tilespmem:s5+$0x8690] =	vst v34;
	v37 =	vmul.f32 v30, v29;
	v45 =	vld [tilespmem:s5+$0x8740]  }
0x9f: {  	v46 =	vld [tilespmem:s5+$0x8750];
	[tilespmem:s5+$0x86E0] =	vst v3;
	v3 =	vmul.f32 v38, v42  }
0xa0: {  	[tilespmem:s5+$0x86B0] =	vst v37;
	v48 =	vld [tilespmem:s5+$0x8760];
	v47 =	vmul.f32 v39, v42  }
0xa1: {  	v49 =	vld [tilespmem:s5+$0x8770];
	[tilespmem:s5+$0x8700] =	vst v3;
	v3 =	vmul.f32 v41, v42  }
0xa2: {  	v50 =	vmul.f32 v43, v42;
	v51 =	vld [tilespmem:s5+$0x8780];
	[tilespmem:s5+$0x8710] =	vst v47  }
0xa3: {  	v52 =	vld [tilespmem:s5+$0x8790];
	[tilespmem:s5+$0x8720] =	vst v3;
	v3 =	vmul.f32 v45, v42  }
0xa4: {  	v53 =	vmul.f32 v46, v42;
	[tilespmem:s5+$0x8730] =	vst v50;
	v54 =	vld [tilespmem:s5+$0x87A0]  }
0xa5: {  	v56 =	vld [tilespmem:s5+$0x87B0];
	v55 =	vbroadcast v2, $0x7;
	[tilespmem:s5+$0x8740] =	vst v3;
	v3 =	vmul.f32 v48, v42  }
0xa6: {  	v57 =	vmul.f32 v49, v42;
	[tilespmem:s5+$0x8750] =	vst v53;
	v58 =	vld [tilespmem:s5+$0x87C0]  }
0xa7: {  	v59 =	vld [tilespmem:s5+$0x87D0];
	[tilespmem:s5+$0x8760] =	vst v3;
	v3 =	vmul.f32 v51, v55  }
0xa8: {  	[tilespmem:s5+$0x8770] =	vst v57;
	v61 =	vld [tilespmem:s5+$0x87E0];
	v60 =	vmul.f32 v52, v55  }
0xa9: {  	v62 =	vld [tilespmem:s5+$0x87F0];
	[tilespmem:s5+$0x8780] =	vst v3;
	v3 =	vmul.f32 v54, v55  }
0xaa: {  	v63 =	vmul.f32 v56, v55;
	v12 =	vld [tilespmem:s5+$0x8800];
	[tilespmem:s5+$0x8790] =	vst v60  }
0xab: {  	v13 =	vld [tilespmem:s5+$0x8810];
	[tilespmem:s5+$0x87A0] =	vst v3;
	v3 =	vmul.f32 v58, v55  }
0xac: {  	v14 =	vmul.f32 v59, v55;
	[tilespmem:s5+$0x87B0] =	vst v63;
	v15 =	vld [tilespmem:s5+$0x8820]  }
0xad: {  	v17 =	vld [tilespmem:s5+$0x8830];
	v16 =	vbroadcast v2, $0x8;
	[tilespmem:s5+$0x87C0] =	vst v3;
	v3 =	vmul.f32 v61, v55  }
0xae: {  	v18 =	vmul.f32 v62, v55;
	[tilespmem:s5+$0x87D0] =	vst v14;
	v19 =	vld [tilespmem:s5+$0x8840]  }
0xaf: {  	v20 =	vld [tilespmem:s5+$0x8850];
	[tilespmem:s5+$0x87E0] =	vst v3;
	v3 =	vmul.f32 v12, v16  }
0xb0: {  	[tilespmem:s5+$0x87F0] =	vst v18;
	v22 =	vld [tilespmem:s5+$0x8860];
	v21 =	vmul.f32 v13, v16  }
0xb1: {  	v23 =	vld [tilespmem:s5+$0x8870];
	[tilespmem:s5+$0x8800] =	vst v3;
	v3 =	vmul.f32 v15, v16  }
0xb2: {  	v24 =	vmul.f32 v17, v16;
	v25 =	vld [tilespmem:s5+$0x8880];
	[tilespmem:s5+$0x8810] =	vst v21  }
0xb3: {  	v26 =	vld [tilespmem:s5+$0x8890];
	[tilespmem:s5+$0x8820] =	vst v3;
	v3 =	vmul.f32 v19, v16  }
0xb4: {  	v27 =	vmul.f32 v20, v16;
	[tilespmem:s5+$0x8830] =	vst v24;
	v28 =	vld [tilespmem:s5+$0x88A0]  }
0xb5: {  	v30 =	vld [tilespmem:s5+$0x88B0];
	v29 =	vbroadcast v2, $0x9;
	[tilespmem:s5+$0x8840] =	vst v3;
	v3 =	vmul.f32 v22, v16  }
0xb6: {  	v31 =	vmul.f32 v23, v16;
	[tilespmem:s5+$0x8850] =	vst v27;
	v32 =	vld [tilespmem:s5+$0x88C0]  }
0xb7: {  	v33 =	vld [tilespmem:s5+$0x88D0];
	[tilespmem:s5+$0x8860] =	vst v3;
	v3 =	vmul.f32 v25, v29  }
0xb8: {  	[tilespmem:s5+$0x8870] =	vst v31;
	v35 =	vld [tilespmem:s5+$0x88E0];
	v34 =	vmul.f32 v26, v29  }
0xb9: {  	v36 =	vld [tilespmem:s5+$0x88F0];
	[tilespmem:s5+$0x8880] =	vst v3;
	v3 =	vmul.f32 v28, v29  }
0xba: {  	v37 =	vmul.f32 v30, v29;
	v38 =	vld [tilespmem:s5+$0x8900];
	[tilespmem:s5+$0x8890] =	vst v34  }
0xbb: {  	v39 =	vld [tilespmem:s5+$0x8910];
	[tilespmem:s5+$0x88A0] =	vst v3;
	v3 =	vmul.f32 v32, v29  }
0xbc: {  	v40 =	vmul.f32 v33, v29;
	[tilespmem:s5+$0x88B0] =	vst v37;
	v41 =	vld [tilespmem:s5+$0x8920]  }
0xbd: {  	v43 =	vld [tilespmem:s5+$0x8930];
	v42 =	vbroadcast v2, $0xA;
	[tilespmem:s5+$0x88C0] =	vst v3;
	v3 =	vmul.f32 v35, v29  }
0xbe: {  	v44 =	vmul.f32 v36, v29;
	[tilespmem:s5+$0x88D0] =	vst v40;
	v45 =	vld [tilespmem:s5+$0x8940]  }
0xbf: {  	v46 =	vld [tilespmem:s5+$0x8950];
	[tilespmem:s5+$0x88E0] =	vst v3;
	v3 =	vmul.f32 v38, v42  }
0xc0: {  	[tilespmem:s5+$0x88F0] =	vst v44;
	v48 =	vld [tilespmem:s5+$0x8960];
	v47 =	vmul.f32 v39, v42  }
0xc1: {  	v49 =	vld [tilespmem:s5+$0x8970];
	[tilespmem:s5+$0x8900] =	vst v3;
	v3 =	vmul.f32 v41, v42  }
0xc2: {  	v50 =	vmul.f32 v43, v42;
	v51 =	vld [tilespmem:s5+$0x8980];
	[tilespmem:s5+$0x8910] =	vst v47  }
0xc3: {  	v52 =	vld [tilespmem:s5+$0x8990];
	[tilespmem:s5+$0x8920] =	vst v3;
	v3 =	vmul.f32 v45, v42  }
0xc4: {  	v53 =	vmul.f32 v46, v42;
	[tilespmem:s5+$0x8930] =	vst v50;
	v54 =	vld [tilespmem:s5+$0x89A0]  }
0xc5: {  	v56 =	vld [tilespmem:s5+$0x89B0];
	v55 =	vbroadcast v2, $0xB;
	[tilespmem:s5+$0x8940] =	vst v3;
	v3 =	vmul.f32 v48, v42  }
0xc6: {  	v57 =	vmul.f32 v49, v42;
	[tilespmem:s5+$0x8950] =	vst v53;
	v58 =	vld [tilespmem:s5+$0x89C0]  }
0xc7: {  	v59 =	vld [tilespmem:s5+$0x89D0];
	[tilespmem:s5+$0x8960] =	vst v3;
	v3 =	vmul.f32 v51, v55  }
0xc8: {  	[tilespmem:s5+$0x8970] =	vst v57;
	v61 =	vld [tilespmem:s5+$0x89E0];
	v60 =	vmul.f32 v52, v55  }
0xc9: {  	v62 =	vld [tilespmem:s5+$0x89F0];
	[tilespmem:s5+$0x8980] =	vst v3;
	v3 =	vmul.f32 v54, v55  }
0xca: {  	v63 =	vmul.f32 v56, v55;
	v12 =	vld [tilespmem:s5+$0x8A00];
	[tilespmem:s5+$0x8990] =	vst v60  }
0xcb: {  	v13 =	vld [tilespmem:s5+$0x8A10];
	[tilespmem:s5+$0x89A0] =	vst v3;
	v3 =	vmul.f32 v58, v55  }
0xcc: {  	v14 =	vmul.f32 v59, v55;
	[tilespmem:s5+$0x89B0] =	vst v63;
	v15 =	vld [tilespmem:s5+$0x8A20]  }
0xcd: {  	v17 =	vld [tilespmem:s5+$0x8A30];
	v16 =	vbroadcast v2, $0xC;
	[tilespmem:s5+$0x89C0] =	vst v3;
	v3 =	vmul.f32 v61, v55  }
0xce: {  	v18 =	vmul.f32 v62, v55;
	[tilespmem:s5+$0x89D0] =	vst v14;
	v19 =	vld [tilespmem:s5+$0x8A40]  }
0xcf: {  	v20 =	vld [tilespmem:s5+$0x8A50];
	[tilespmem:s5+$0x89E0] =	vst v3;
	v3 =	vmul.f32 v12, v16  }
0xd0: {  	[tilespmem:s5+$0x89F0] =	vst v18;
	v22 =	vld [tilespmem:s5+$0x8A60];
	v21 =	vmul.f32 v13, v16  }
0xd1: {  	v23 =	vld [tilespmem:s5+$0x8A70];
	[tilespmem:s5+$0x8A00] =	vst v3;
	v3 =	vmul.f32 v15, v16  }
0xd2: {  	v24 =	vmul.f32 v17, v16;
	v25 =	vld [tilespmem:s5+$0x8A80];
	[tilespmem:s5+$0x8A10] =	vst v21  }
0xd3: {  	v26 =	vld [tilespmem:s5+$0x8A90];
	[tilespmem:s5+$0x8A20] =	vst v3;
	v3 =	vmul.f32 v19, v16  }
0xd4: {  	v27 =	vmul.f32 v20, v16;
	[tilespmem:s5+$0x8A30] =	vst v24;
	v28 =	vld [tilespmem:s5+$0x8AA0]  }
0xd5: {  	v30 =	vld [tilespmem:s5+$0x8AB0];
	v29 =	vbroadcast v2, $0xD;
	[tilespmem:s5+$0x8A40] =	vst v3;
	v3 =	vmul.f32 v22, v16  }
0xd6: {  	v31 =	vmul.f32 v23, v16;
	[tilespmem:s5+$0x8A50] =	vst v27;
	v32 =	vld [tilespmem:s5+$0x8AC0]  }
0xd7: {  	v33 =	vld [tilespmem:s5+$0x8AD0];
	[tilespmem:s5+$0x8A60] =	vst v3;
	v3 =	vmul.f32 v25, v29  }
0xd8: {  	[tilespmem:s5+$0x8A70] =	vst v31;
	v35 =	vld [tilespmem:s5+$0x8AE0];
	v34 =	vmul.f32 v26, v29  }
0xd9: {  	v36 =	vld [tilespmem:s5+$0x8AF0];
	[tilespmem:s5+$0x8A80] =	vst v3;
	v3 =	vmul.f32 v28, v29  }
0xda: {  	v37 =	vmul.f32 v30, v29;
	v38 =	vld [tilespmem:s5+$0x8B00];
	[tilespmem:s5+$0x8A90] =	vst v34  }
0xdb: {  	v39 =	vld [tilespmem:s5+$0x8B10];
	[tilespmem:s5+$0x8AA0] =	vst v3;
	v3 =	vmul.f32 v32, v29  }
0xdc: {  	v40 =	vmul.f32 v33, v29;
	[tilespmem:s5+$0x8AB0] =	vst v37;
	v41 =	vld [tilespmem:s5+$0x8B20]  }
0xdd: {  	v43 =	vld [tilespmem:s5+$0x8B30];
	v42 =	vbroadcast v2, $0xE;
	[tilespmem:s5+$0x8AC0] =	vst v3;
	v3 =	vmul.f32 v35, v29  }
0xde: {  	v44 =	vmul.f32 v36, v29;
	[tilespmem:s5+$0x8AD0] =	vst v40;
	v45 =	vld [tilespmem:s5+$0x8B40]  }
0xdf: {  	v46 =	vld [tilespmem:s5+$0x8B50];
	[tilespmem:s5+$0x8AE0] =	vst v3;
	v3 =	vmul.f32 v38, v42  }
0xe0: {  	[tilespmem:s5+$0x8AF0] =	vst v44;
	v48 =	vld [tilespmem:s5+$0x8B60];
	v47 =	vmul.f32 v39, v42  }
0xe1: {  	v49 =	vld [tilespmem:s5+$0x8B70];
	[tilespmem:s5+$0x8B00] =	vst v3;
	v3 =	vmul.f32 v41, v42  }
0xe2: {  	v50 =	vmul.f32 v43, v42;
	v51 =	vld [tilespmem:s5+$0x8B80];
	[tilespmem:s5+$0x8B10] =	vst v47  }
0xe3: {  	v52 =	vld [tilespmem:s5+$0x8B90];
	[tilespmem:s5+$0x8B20] =	vst v3;
	v3 =	vmul.f32 v45, v42  }
0xe4: {  	v53 =	vmul.f32 v46, v42;
	[tilespmem:s5+$0x8B30] =	vst v50;
	v54 =	vld [tilespmem:s5+$0x8BA0]  }
0xe5: {  	v2 =	vbroadcast v2, $0xF;
	v58 =	vld [tilespmem:s5+$0x8BD0];
	[tilespmem:s5+$0x8B40] =	vst v3;
	v3 =	vmul.f32 v48, v42  }
0xe6: {  	v57 =	vld [tilespmem:s5+$0x8BC0];
	v56 =	vmul.f32 v49, v42;
	[tilespmem:s5+$0x8B50] =	vst v53  }
0xe7: {  	v55 =	vld [tilespmem:s5+$0x8BB0];
	[tilespmem:s5+$0x8B60] =	vst v3;
	v3 =	vmul.f32 v51, v2  }
0xe8: {  	v60 =	vld [tilespmem:s5+$0x8BE0];
	v59 =	vmul.f32 v52, v2;
	[tilespmem:s5+$0x8B70] =	vst v56  }
0xe9: {  	v61 =	vld [tilespmem:s5+$0x8BF0];
	[tilespmem:s5+$0x8B80] =	vst v3;
	v3 =	vmul.f32 v54, v2  }
0xea: {  	[tilespmem:s5+$0x8B90] =	vst v59;
	v63 =	vmul.f32 v58, v2  }
0xeb: {  	p1 =	sne.s32 s0, $0x7;
	[tilespmem:s5+$0x8BA0] =	vst v3;
	v3 =	vmul.f32 v57, v2  }
.Ltmp1:
0xec: {  	v62 =	vmul.f32 v55, v2;
	[tilespmem:s5+$0x8BD0] =	vst v63;
	(pc) =	sbr.rel @p1 .LBB2_5-.Ltmp1, $4  }
0xed: {  	[tilespmem:s5+$0x8BC0] =	vst v3;
	v3 =	vmul.f32 v60, v2  }
0xee: {  	[tilespmem:s5+$0x8BB0] =	vst v62;
	v2 =	vmul.f32 v61, v2  }
0xef: {  	[tilespmem:s5+$0x8BE0] =	vst v3  }
0xf0: {  	s0 =	sadd.s32 $0x1, s0;
	[tilespmem:s5+$0x8BF0] =	vst v2  }
0xf1: {  	s26 =	sadd.s32 $0x1, s26  }
0xf2: {  	p1 =	sne.s32 s26, $0x51  }
.Ltmp2:
0xf3: {  	s0 =	sadd.s32 $0x2C00, s28;
	(pc) =	sbr.rel @p1 .LBB2_4-.Ltmp2, $4  }
0xf4: {  	[spmem:s3] =	stream.indirect.scatter.add.f32 [tilespmem:s29], [sflag:$0x2], $0x80, s0, s30, $0xb8;
	[tilespmem:$0x1FC80] =	vst v63  }
0xf5: {  	_ =	swait.ge [sflag:s25], $0x4000  }
0xf6: {  	[sflag:s25] =	ssyncset.done $0x0  }
0xf7: {  	[sflag:s25] =	ssyncadd.s32 $0xFFFFC000  }
0xf8: {  	s0 =	stileid.u32  }
0xf9: {  	s0 =	sshll.u32 s0, $0x6  }
0xfa: {  	[bflag:$0x0] =	sbarrier.arrive $0xFFFF;
	s5 =	sshrl.u32 s8, $0x3;
	s0 =	sor.u32 $0x1C02, s0  }
0xfb: {  	[hbm:s16], [sflag:s0] =	dma.local [spmem:s5], $0x500  }
0xfc: {  	_ =	swait.ge [sflag:s25], $0x500  }
0xfd: {  	[sflag:s25] =	ssyncset.done $0x0  }
0xfe: {  	s26 =	sshrl.u32 s9, $0x3;
	[sflag:s25] =	ssyncadd.s32 $0xFFFFFB00  }
0xff: {  	[hbm:s17], [sflag:s0] =	dma.local [spmem:s26], $0x500  }
0x100: {  	_ =	swait.ge [sflag:s25], $0x500  }
0x101: {  	[sflag:s25] =	ssyncset.done $0x0  }
0x102: {  	s28 =	sshrl.u32 s10, $0x3;
	[sflag:s25] =	ssyncadd.s32 $0xFFFFFB00  }
0x103: {  	[hbm:s18], [sflag:s0] =	dma.local [spmem:s28], $0x500  }
0x104: {  	_ =	swait.ge [sflag:s25], $0x500  }
0x105: {  	[sflag:s25] =	ssyncset.done $0x0  }
0x106: {  	s26 =	sshrl.u32 s11, $0x3;
	[sflag:s25] =	ssyncadd.s32 $0xFFFFFB00  }
0x107: {  	[hbm:s19], [sflag:s0] =	dma.local [spmem:s26], $0x500  }
0x108: {  	_ =	swait.ge [sflag:s25], $0x500  }
0x109: {  	[sflag:s25] =	ssyncset.done $0x0  }
0x10a: {  	s28 =	sshrl.u32 s12, $0x3;
	[sflag:s25] =	ssyncadd.s32 $0xFFFFFB00  }
0x10b: {  	[hbm:s20], [sflag:s0] =	dma.local [spmem:s28], $0x500  }
0x10c: {  	_ =	swait.ge [sflag:s25], $0x500  }
0x10d: {  	[sflag:s25] =	ssyncset.done $0x0  }
0x10e: {  	s26 =	sshrl.u32 s13, $0x3;
	[sflag:s25] =	ssyncadd.s32 $0xFFFFFB00  }
0x10f: {  	[hbm:s21], [sflag:s0] =	dma.local [spmem:s26], $0x500  }
0x110: {  	_ =	swait.ge [sflag:s25], $0x500  }
0x111: {  	[sflag:s25] =	ssyncset.done $0x0  }
0x112: {  	s28 =	sshrl.u32 s14, $0x3;
	[sflag:s25] =	ssyncadd.s32 $0xFFFFFB00  }
0x113: {  	[hbm:s22], [sflag:s0] =	dma.local [spmem:s28], $0x500  }
0x114: {  	_ =	swait.ge [sflag:s25], $0x500  }
0x115: {  	s2 =	sadd.s32 $0x1, s2;
	[sflag:s25] =	ssyncset.done $0x0  }
0x116: {  	p1 =	sne.s32 s2, s24;
	s5 =	sshrl.u32 @!p0 s15, $0x3;
	[sflag:s25] =	ssyncadd.s32 $0xFFFFFB00  }
0x117: {  	[hbm:s23], [sflag:s0] =	dma.local @!p0 [spmem:s5], $0x500  }
.Ltmp3:
0x118: {  	_ = 	snop;
	(pc) =	sbr.rel @p1 .LBB2_1-.Ltmp3, $4  }
0x119: {  	s0 =	simm.s32 @!p0 $0x2  }
0x11a: {  	_ =	swait.ge @!p0 [sflag:s0], $0x500  }
0x11b: {  	[sflag:s0] =	ssyncset.done @!p0 $0x0  }
0x11c: {  	[sflag:s0] =	ssyncadd.s32 @!p0 $0xFFFFFB00  }
0x11d: {  	_ =	sfence.sel $0x180000  }
0x11e: {  	[bflag:$0x0] =	sbarrier.arrive $0xFFFF  }
0x11f: {  	_ =	strace $0x9000004D  }
0x120: {  	s0 =	stileid.u32;
	[bflag:$0x2] =	sbarrier.arrive $0xFFFF  }
0x121: {  	p0 =	sne.s32 s0, $0x0;
	s0 =	rddreg [dreg:$0x3]  }
0x122: {  	s0 =	sadd.s32 @!p0 $0x100000, s0  }
0x123: {  	[sflag:s0] =	ssyncadd.tile.s32 @!p0 $0x1;
	_ =	shalt  }
.Lfunc_end2:
_tile_overlayer_lowered:
.L_overlay_start_2:
0x124: {  	(tag) =	ssettag $0x2  }
0x125: {  	s0 =	rddreg [dreg:$0x0];
	s2 =	stileid.u32  }
0x126: {  	s1 =	rddreg [dreg:$0x1];
	p0 =	sne.s32 s2, $0x0  }
0x127: {  	s3 =	rddreg [dreg:$0x2];
	[bflag:$0x3] =	sbarrier.arrive $0xFFFF;
	s2 =	simm.s32 @!p0 $0x1C02  }
0x128: {  	[timem:s3], [sflag:s2] =	dma.local @!p0 [hbm:s0], s1  }
0x129: {  	s0 =	simm.s32 @!p0 $0x2  }
0x12a: {  	_ =	swait.ge @!p0 [sflag:s0], s1  }
0x12b: {  	s1 =	ssub.s32 @!p0 $0x0, s1;
	[sflag:s0] =	ssyncset.done @!p0 $0x0  }
0x12c: {  	[sflag:s0] =	ssyncadd.s32 @!p0 s1  }
0x12d: {  	[bflag:$0x3] =	sbarrier.arrive $0xFFFF  }
0x12e: {  	_ =	shalt  }

// kernel: kernel.8.cloned.1.call-start
scs
__scs_entry_jumppad:
0x0: {  	(pc) =	sbr.rel $0x88, $3  }
0x1: {  	(tag) =	ssettag $0x0;
	lr =	simm.s32 $0x1  }
0x2: {  	[smem:$0x3F98] =	sst lr;
	_ =	strace $0xD0000000  }
0x3: {  	_ = 	snop  }
0x4: {  	_ = 	snop  }
0x5: {  	_ = 	snop  }
0x6: {  	_ = 	snop  }
0x7: {  	_ = 	snop  }
__scs_overlays_trampoline_lowered:
0x8: {  	[smem:$0x3FA7] =	sst s0  }
0x9: {  	[smem:$0x3FA8] =	sst s1  }
0xa: {  	[smem:$0x3FA9] =	sst s2  }
0xb: {  	[smem:$0x3FAA] =	sst s3  }
0xc: {  	[smem:$0x3FAB] =	sst s4  }
0xd: {  	[smem:$0x3FAC] =	sst s5  }
0xe: {  	[smem:$0x3FAD] =	sst s6  }
0xf: {  	[smem:$0x3FAE] =	sst s7  }
0x10: {  	[smem:$0x3FAF] =	sst s8  }
0x11: {  	[smem:$0x3FB0] =	sst s9;
	s0 =	simm.s32 @!p0 $0x0  }
0x12: {  	s1 =	sld [smem:$0x3F96];
	s0 =	simm.s32 @p0 $0x1  }
0x13: {  	[smem:$0x3FB1] =	sst s0;
	s0 =	simm.s32 @!p1 $0x0  }
0x14: {  	s2 =	sld [smem:$0x3F95];
	s0 =	simm.s32 @p1 $0x1  }
0x15: {  	[smem:$0x3FB2] =	sst s0;
	s0 =	simm.s32 @!p2 $0x0  }
0x16: {  	s3 =	sld [smem:$0x3FDB];
	s0 =	simm.s32 @p2 $0x1  }
0x17: {  	s4 =	simm.s32 $0x1BF5;
	[smem:$0x3FB4] =	sst s0  }
0x18: {  	s0 =	sld [smem:$0x3F97];
	_ =	swait.ge [sflag:s4], $0x0  }
0x19: {  	s7 =	sld [smem:$0x3F98]  }
0x1a: {  	s8 =	sadd.s32 $0xFFFFE003, lr  }
0x1b: {  	s9 =	sadd.s32 $0xFFFFFEF7, lr;
	s5 =	simm.s32 $0xFFFFFFFF;
	p2 =	slt.u32 s8, $0xFFFFF086  }
0x1c: {  	p1 =	slt.u32 s9, $0xF7A;
	s5 =	simm.s32 @!p2 $0x0  }
0x1d: {  	s5 =	simm.s32 @p1 $0x1;
	p0 =	seq.s32 s7, s2  }
0x1e: {  	s7 =	smul.u32 @!p0 $0xF7A, s2;
	p2 =	seq.s32 @!p0 s5, $0x0  }
0x1f: {  	s9 =	smul.u32 $0xF7A, s1;
	s8 =	simm.s32 @!p0 $0x1BF5;
	p2 =	por !p2, p0  }
0x20: {  	[sflag:s8] =	ssyncset.s32 @!p0 $0xFFFFF086;
	s6 =	sadd.s32 @!p0 s3, s7;
	s7 =	simm.s32 @!p0 $0x108  }
0x21: {  	s3 =	sadd.s32 s3, s9;
	s6 =	sadd.s32 @!p0 $0x88, s6;
	s7 =	simm.s32 @p2 $0x1082  }
0x22: {  	[simem:s7], [sflag:s8] =	dma.local @!p0 [hbm:s6], $0xF7A  }
0x23: {  	s9 =	sor.u32 $0xD0000000, s2;
	s6 =	simm.s32 $0x108;
	_ =	swait.ge @!p0 [sflag:s8], $0x0  }
0x24: {  	s3 =	sadd.s32 $0x88, s3;
	s6 =	simm.s32 @!p1 $0x1082;
	[sflag:s4] =	ssyncset.s32 $0xFFFFF086  }
0x25: {  	[simem:s6], [sflag:s4] =	dma.local [hbm:s3], $0xF7A  }
0x26: {  	[smem:$0x3F98] =	sst s1;
	(tag) =	ssettag s2;
	_ =	strace s9  }
0x27: {  	s1 =	sld [smem:$0x3FA8]  }
0x28: {  	s2 =	sld [smem:$0x3FA9]  }
0x29: {  	s4 =	sld [smem:$0x3FAB]  }
0x2a: {  	p0 =	seq.s32 s5, $0x0;
	s5 =	sld [smem:$0x3FAC]  }
0x2b: {  	s6 =	sld [smem:$0x3FAD]  }
0x2c: {  	s7 =	sld [smem:$0x3FAE]  }
0x2d: {  	s3 =	simm.s32 $0x108;
	s8 =	sld [smem:$0x3FAF]  }
0x2e: {  	s3 =	simm.s32 @!p0 $0x1082;
	s9 =	sld [smem:$0x3FB0]  }
0x2f: {  	lr =	sadd.s32 s0, s3;
	s0 =	sld [smem:$0x3FA7]  }
0x30: {  	s3 =	sld [smem:$0x3FAA]  }
0x31: {  	[smem:$0x3FB3] =	sst s10  }
0x32: {  	s10 =	sld [smem:$0x3FB1];
	_ =	sdelay $0x3  }
0x33: {  	p0 =	seq.s32 s10, $0x1;
	s10 =	sld [smem:$0x3FB3];
	_ =	sdelay $0x3  }
0x34: {  	[smem:$0x3FB3] =	sst s10  }
0x35: {  	s10 =	sld [smem:$0x3FB2];
	_ =	sdelay $0x3  }
0x36: {  	p1 =	seq.s32 s10, $0x1;
	s10 =	sld [smem:$0x3FB3];
	_ =	sdelay $0x3  }
0x37: {  	[smem:$0x3FB3] =	sst s10  }
0x38: {  	s10 =	sld [smem:$0x3FB4]  }
0x39: {  	_ = 	snop;
	(pc) =	sbr.ind lr, $3  }
0x3a: {  	_ = 	snop  }
0x3b: {  	_ = 	snop  }
0x3c: {  	p2 =	seq.s32 s10, $0x1;
	s10 =	sld [smem:$0x3FB3]  }
0x3d: {  	_ =	shalt  }
0x3e: {  	_ =	shalt  }
0x3f: {  	_ =	shalt  }
0x40: {  	_ =	shalt  }
0x41: {  	_ =	shalt  }
0x42: {  	_ =	shalt  }
0x43: {  	_ =	shalt  }
0x44: {  	_ =	shalt  }
0x45: {  	_ =	shalt  }
0x46: {  	_ =	shalt  }
0x47: {  	_ =	shalt  }
0x48: {  	_ =	shalt  }
0x49: {  	_ =	shalt  }
0x4a: {  	_ =	shalt  }
0x4b: {  	_ =	shalt  }
0x4c: {  	_ =	shalt  }
0x4d: {  	_ =	shalt  }
0x4e: {  	_ =	shalt  }
0x4f: {  	_ =	shalt  }
0x50: {  	_ =	shalt  }
0x51: {  	_ =	shalt  }
0x52: {  	_ =	shalt  }
0x53: {  	_ =	shalt  }
0x54: {  	_ =	shalt  }
0x55: {  	_ =	shalt  }
0x56: {  	_ =	shalt  }
0x57: {  	_ =	shalt  }
0x58: {  	_ =	shalt  }
0x59: {  	_ =	shalt  }
0x5a: {  	_ =	shalt  }
0x5b: {  	_ =	shalt  }
0x5c: {  	_ =	shalt  }
0x5d: {  	_ =	shalt  }
0x5e: {  	_ =	shalt  }
0x5f: {  	_ =	shalt  }
0x60: {  	_ =	shalt  }
0x61: {  	_ =	shalt  }
0x62: {  	_ =	shalt  }
0x63: {  	_ =	shalt  }
0x64: {  	_ =	shalt  }
0x65: {  	_ =	shalt  }
0x66: {  	_ =	shalt  }
0x67: {  	_ =	shalt  }
0x68: {  	_ =	shalt  }
0x69: {  	_ =	shalt  }
0x6a: {  	_ =	shalt  }
0x6b: {  	_ =	shalt  }
0x6c: {  	_ =	shalt  }
0x6d: {  	_ =	shalt  }
0x6e: {  	_ =	shalt  }
0x6f: {  	_ =	shalt  }
0x70: {  	_ =	shalt  }
0x71: {  	_ =	shalt  }
0x72: {  	_ =	shalt  }
0x73: {  	_ =	shalt  }
0x74: {  	_ =	shalt  }
0x75: {  	_ =	shalt  }
0x76: {  	_ =	shalt  }
0x77: {  	_ =	shalt  }
0x78: {  	_ =	shalt  }
0x79: {  	_ =	shalt  }
0x7a: {  	_ =	shalt  }
0x7b: {  	_ =	shalt  }
0x7c: {  	_ =	shalt  }
0x7d: {  	_ =	shalt  }
0x7e: {  	_ =	shalt  }
0x7f: {  	_ =	shalt  }
0x80: {  	_ =	shalt  }
0x81: {  	_ =	shalt  }
0x82: {  	_ =	shalt  }
0x83: {  	_ =	shalt  }
0x84: {  	_ =	shalt  }
0x85: {  	_ =	shalt  }
0x86: {  	_ =	shalt  }
0x87: {  	_ =	shalt  }
.Lfunc_end0:
.L_simem_size_0:
called_computation_lowered:
.L_overlay_start_0:
0x88: {  	s2 =	sld [smem:$0x3FD9]  }
0x89: {  	s3 =	sld [smem:$0x3FFE];
	_ =	sdelay $0x1  }
0x8a: {  	s1 =	srdreg.scid  }
0x8b: {  	s0 =	sand.u32 $0x1, s1  }
0x8c: {  	s17 =	sshll.u32 s0, $0xA;
	s2 =	sadd.s32 s3, s2  }
0x8d: {  	s2 =	sadd.s32 s2, s17  }
0x8e: {  	[smem:$0x3FBF] =	sst s2  }
0x8f: {  	_ = 	snop  }
0x90: {  	s2 =	sld [smem:$0x3FD0];
	(tm) =	ssettm $0x1  }
0x91: {  	s18 =	sld [smem:$0x3FFB];
	_ =	sdelay $0x3  }
0x92: {  	_ =	strace s18  }
0x93: {  	s3 =	sld [smem:$0x3FFC];
	_ =	sdelay $0x3  }
0x94: {  	_ =	strace s3  }
0x95: {  	s3 =	sld [smem:$0x3FFD];
	_ =	sdelay $0x3  }
0x96: {  	_ =	strace s3  }
0x97: {  	_ =	strace $0x8FFFFFFF  }
0x98: {  	s19 =	sld [smem:$0x3FDB];
	_ =	sdelay $0x1  }
0x99: {  	s4 =	simm.s32 $_scs_section_size  }
0x9a: {  	s5 =	simm.s32 $_size__tile_overlayer_lowered;
	s6 =	simm.s32 $_tile_overlayer_lowered  }
0x9b: {  	s22 =	simm.s32 $0x1BFF;
	s21 =	sshll.u32 s6, $0x1;
	s3 =	sadd.s32 s4, s19  }
0x9c: {  	s7 =	simm.s32 $0x0;
	s20 =	sshll.u32 s5, $0x1;
	s5 =	sadd.s32 s21, s3  }
0x9d: {  	[timem:s7], [sflag:s22] =	dma.local [hbm:s5], s20  }
0x9e: {  	_ =	swait.ge [sflag:s22], s20  }
0x9f: {  	s4 =	ssub.s32 $0x0, s20;
	[sflag:s22] =	ssyncset.done $0x0  }
0xa0: {  	[sflag:s22] =	ssyncadd.s32 s4;
	_ =	sdelay $0x1  }
0xa1: {  	s23 =	simm.s32 $0x1B8B  }
0xa2: {  	_ =	swait.ge [sflag:s23], $0x1  }
0xa3: {  	[sflag:s23] =	ssyncset.done $0x0  }
0xa4: {  	s25 =	simm.s32 $0x1B8E;
	s24 =	sld [smem:$0x3FFE];
	[sflag:s23] =	ssyncadd.s32 $0xFFFFFFFF  }
0xa5: {  	s26 =	simm.s32 $execute0_lowered;
	[smem:$0x3FD2] =	sst s25  }
0xa6: {  	s5 =	sshll.u32 s26, $0x1;
	_ =	strace $0x80000046;
	[dreg:$0x1] =	wrdreg $0xFFFFFFFF  }
0xa7: {  	s28 =	simm.s32 $_size_execute0_lowered;
	s3 =	sadd.s32 s3, s5;
	[dreg:$0x0] =	wrdreg $0x0  }
0xa8: {  	s5 =	sshll.u32 s28, $0x1;
	[dreg:$0x2] =	wrdreg s3  }
0xa9: {  	[dreg:$0x3] =	wrdreg s5  }
0xaa: {  	[dreg:$0x4] =	wrdreg $0xC0  }
0xab: {  	_ =	task [dreg:s7], $0x5FFFF  }
0xac: {  	[dreg:$0x1] =	wrdreg $0xFFFFFFFF  }
0xad: {  	[dreg:$0x0] =	wrdreg $0x60  }
0xae: {  	[dreg:$0x2] =	wrdreg s24  }
0xaf: {  	[dreg:$0x3] =	wrdreg s2  }
0xb0: {  	[dreg:$0x4] =	wrdreg $0xD4000  }
0xb1: {  	[dreg:$0x5] =	wrdreg $0x9  }
0xb2: {  	_ =	task.clear_ibuf [dreg:s7], $0x6FFFF;
	_ =	strace $0x90000046  }
0xb3: {  	s29 =	simm.s32 $0x9;
	_ =	strace $0x80000048  }
0xb4: {  	_ =	swait.ge [sflag:s29], $0x1  }
0xb5: {  	[sflag:s29] =	ssyncadd.s32 $0xFFFFFFFF  }
0xb6: {  	_ =	strace $0x90000048  }
0xb7: {  	_ =	sfence  }
0xb8: {  	s30 =	sld [smem:$0x0];
	_ =	sdelay $0x2  }
0xb9: {  	s31 =	sshll.u32 s1, $0xD;
	s1 =	sshrl.u32 s1, $0x2  }
0xba: {  	s3 =	sand.u32 $0x4000, s31;
	s1 =	sadd.s32 s1, s30  }
0xbb: {  	s0 =	sor.u32 s3, s0;
	s1 =	sshll.u32 s1, $0x11  }
0xbc: {  	s0 =	sor.u32 s1, s0  }
0xbd: {  	s0 =	sadd.s32 $0x8F2B, s0  }
0xbe: {  	[sflag:s0] =	ssyncadd.remote.s32 $0x1  }
0xbf: {  	_ =	sfence.sel $0xFFFF  }
0xc0: {  	[dreg:$0x0] =	wrdreg $0xFFFFFFFF;
	(pc) =	sbr.abs _section_cstart, $3  }
0xc1: {  	[dreg:$0x1] =	wrdreg $0xFFFFFFFF  }
0xc2: {  	_ =	task.clear_ibuf [dreg:s7], $0x2FFFF;
	_ =	strace $0x9FFFFFFF  }
0xc3: {  	(tm) =	ssettm $0x7FFFFFFF  }
tec
execute0_lowered:
.L_overlay_start_1:
0x0: {  	(tag) =	ssettag $0x1  }
0x1: {  	s3 =	rddreg [dreg:$0x0]  }
0x2: {  	s4 =	rddreg [dreg:$0x1]  }
0x3: {  	s1 =	srdreg.scid;
	s0 =	stileid.u32  }
0x4: {  	s8 =	rddreg [dreg:$0x2];
	s2 =	simm.s32 $0x0;
	s14 =	simm.s32 $0x8400  }
0x5: {  	s15 =	simm.s32 $0x80;
	s16 =	simm.s32 $0x400;
	s17 =	simm.s32 $0x1400  }
0x6: {  	s18 =	simm.s32 $0x14000;
	s19 =	simm.s32 $0xAC00;
	s20 =	simm.s32 $0xB000  }
0x7: {  	s21 =	simm.s32 $0xB400;
	s22 =	simm.s32 $0xB800;
	s23 =	simm.s32 $0xBC00  }
0x8: {  	s24 =	simm.s32 $0x0;
	s5 =	sand.u32 $0x1, s1;
	s1 =	rddreg [dreg:$0x3]  }
0x9: {  	s6 =	smul.u32 $0x500, s0;
	s9 =	sshll.u32 s0, $0x1;
	[smem:$0x7FF] =	sst s2  }
0xa: {  	s10 =	sshrl.u32 s0, $0x3;
	s31 =	smul.u32 $0x5000, s0;
	s12 =	sshll.u32 s0, $0x7  }
0xb: {  	s7 =	sshll.u32 s5, $0x7;
	s26 =	sor.u32 s5, s9;
	_ =	strace $0x80000047  }
0xc: {  	s5 =	ssub.s32 $0x2, s5;
	s10 =	smul.u32 $0x50000, s10;
	s12 =	sand.u32 $0x380, s12  }
0xd: {  	s6 =	sor.u32 s7, s6;
	s7 =	smul.u32 $0x580, s26;
	s30 =	sshrl.u32 s5, $0x1  }
0xe: {  	s13 =	sshrl.u32 s31, $0x2;
	s6 =	sshrl.u32 s6, $0x3;
	s11 =	ssub.s32 s5, s30  }
0xf: {  	s10 =	sshrl.u32 s10, $0x2;
	s28 =	sadd.s32 s6, s3;
	s29 =	sadd.s32 s7, s3  }
0x10: {  	s4 =	sadd.s32 s4, s7;
	s10 =	sadd.s32 s10, s8;
	s8 =	sadd.s32 s13, s8  }
0x11: {  	s13 =	simm.s32 $0x5800;
	s3 =	sadd.s32 $0xD800, s29;
	s5 =	sadd.s32 $0x2800, s29  }
0x12: {  	s6 =	sadd.s32 $0x19200, s29;
	s7 =	sadd.s32 s12, s10;
	s9 =	sadd.s32 $0x18800, s28  }
0x13: {  	v0 =	vimm.f32 $0.0e+00;
	s10 =	smax.u32 s11, $0x1;
	s11 =	simm.s32 $0x1;
	s12 =	simm.s32 $0x2C00  }
.LBB2_1:
0x14: {  	[tilespmem:s2], [sflag:$0x1] =	stream.linear.gather [hbm4b:s3+s2], $0x2880, $0x38;
	[tilespmem:$0xFC00] =	vst v63  }
0x15: {  	_ =	swait.ge [sflag:s11], $0x2880  }
0x16: {  	[sflag:s11] =	ssyncset.done $0x0  }
0x17: {  	[sflag:s11] =	ssyncadd.s32 $0xFFFFD780  }
0x18: {  	[tilespmem:s12], [sflag:$0x1] =	stream.linear.gather [hbm4b:s4+s2], $0x2880, $0x38;
	[tilespmem:$0xFC00] =	vst v63  }
0x19: {  	_ =	swait.ge [sflag:s11], $0x2880  }
0x1a: {  	[sflag:s11] =	ssyncset.done $0x0  }
0x1b: {  	[sflag:s11] =	ssyncadd.s32 $0xFFFFD780  }
0x1c: {  	[tilespmem:s13], [sflag:$0x1] =	stream.linear.gather [hbm4b:s5+s2], $0x2880, $0x38;
	[tilespmem:$0xFC00] =	vst v63  }
0x1d: {  	_ =	swait.ge [sflag:s11], $0x2880  }
0x1e: {  	[sflag:s11] =	ssyncset.done $0x0  }
0x1f: {  	s25 =	simm.s32 $0x0;
	[sflag:s11] =	ssyncadd.s32 $0xFFFFD780  }
0x20: {  	v8 =	vld [tilespmem:s25+$0x5800]  }
0x21: {  	v12 =	vld [tilespmem:s25+$0x5810]  }
0x22: {  	v6 =	vld [tilespmem:s25+$0x5820]  }
0x23: {  	v5 =	vld [tilespmem:s25+$0x5830]  }
0x24: {  	v4 =	vld [tilespmem:s25+$0x5840]  }
0x25: {  	v3 =	vld [tilespmem:s25+$0x5850]  }
0x26: {  	v2 =	vld [tilespmem:s25+$0x5860]  }
0x27: {  	v1 =	vld [tilespmem:s25+$0x5870]  }
0x28: {  	v13 =	vld [tilespmem:s25+$0x2C00]  }
0x29: {  	v14 =	vld [tilespmem:s25+$0x2C10]  }
0x2a: {  	v11 =	vld [tilespmem:s25+$0x2C20]  }
0x2b: {  	v10 =	vld [tilespmem:s25+$0x2C30]  }
0x2c: {  	v9 =	vld [tilespmem:s25+$0x2C40]  }
0x2d: {  	v7 =	vld [tilespmem:s25+$0x2C50];
	v13 =	vmul.f32 v8, v13  }
0x2e: {  	s26 =	simm.s32 $0x200;
	v12 =	vmul.f32 v12, v14;
	v8 =	vld [tilespmem:s25+$0x2C60]  }
.LBB2_2:
0x2f: {  	s28 =	sshra.s32 s26, $0x2;
	p0 =	sne.s32 s26, $0xA000;
	[tilespmem:s25+$0x2C00] =	vst v13;
	v6 =	vmul.f32 v6, v11;
	v11 =	vld [tilespmem:s25+$0x2C70]  }
0x30: {  	v13 =	vld [tilespmem:s28+$0x5800];
	[tilespmem:s25+$0x2C10] =	vst v12;
	v5 =	vmul.f32 v5, v10  }
0x31: {  	v12 =	vld [tilespmem:s28+$0x5810];
	[tilespmem:s25+$0x2C20] =	vst v6;
	v4 =	vmul.f32 v4, v9  }
0x32: {  	v6 =	vld [tilespmem:s28+$0x5820];
	[tilespmem:s25+$0x2C30] =	vst v5;
	v3 =	vmul.f32 v3, v7  }
0x33: {  	v5 =	vld [tilespmem:s28+$0x5830];
	[tilespmem:s25+$0x2C40] =	vst v4;
	v2 =	vmul.f32 v2, v8  }
0x34: {  	v4 =	vld [tilespmem:s28+$0x5840];
	[tilespmem:s25+$0x2C50] =	vst v3;
	v1 =	vmul.f32 v1, v11  }
0x35: {  	v3 =	vld [tilespmem:s28+$0x5850];
	[tilespmem:s25+$0x2C60] =	vst v2  }
0x36: {  	v2 =	vld [tilespmem:s28+$0x5860];
	[tilespmem:s25+$0x2C70] =	vst v1;
	s25 =	smov.u32 s28  }
0x37: {  	v1 =	vld [tilespmem:s25+$0x5870]  }
0x38: {  	v7 =	vld [tilespmem:s25+$0x2C00]  }
0x39: {  	v8 =	vld [tilespmem:s25+$0x2C10]  }
.Ltmp0:
0x3a: {  	v11 =	vld [tilespmem:s25+$0x2C20];
	(pc) =	sbr.rel @p0 .LBB2_2-.Ltmp0, $4  }
0x3b: {  	v10 =	vld [tilespmem:s25+$0x2C30]  }
0x3c: {  	v9 =	vld [tilespmem:s25+$0x2C40]  }
0x3d: {  	v13 =	vmul.f32 v13, v7;
	v7 =	vld [tilespmem:s25+$0x2C50]  }
0x3e: {  	s26 =	sadd.s32 $0x200, s26;
	v12 =	vmul.f32 v12, v8;
	v8 =	vld [tilespmem:s25+$0x2C60]  }
0x3f: {  	[tilespmem:s25+$0x2C00] =	vst v13;
	v6 =	vmul.f32 v6, v11;
	v63 =	vld [tilespmem:s25+$0x2C70]  }
0x40: {  	[tilespmem:s25+$0x2C10] =	vst v12;
	v5 =	vmul.f32 v5, v10  }
0x41: {  	[tilespmem:s25+$0x2C20] =	vst v6;
	v4 =	vmul.f32 v4, v9  }
0x42: {  	[tilespmem:s25+$0x2C30] =	vst v5;
	v3 =	vmul.f32 v3, v7  }
0x43: {  	[tilespmem:s25+$0x2C40] =	vst v4;
	v2 =	vmul.f32 v2, v8  }
0x44: {  	[tilespmem:s25+$0x2C50] =	vst v3;
	v1 =	vmul.f32 v1, v63  }
0x45: {  	[tilespmem:s25+$0x2C60] =	vst v2  }
0x46: {  	[tilespmem:s25+$0x2C70] =	vst v1;
	s25 =	simm.s32 $0x0  }
0x47: {  	[hbm4b:s6+s25] =	stream.linear.scatter [tilespmem:s12], [sflag:$0x1], $0x2880, $0x38;
	[tilespmem:$0xFC00] =	vst v63  }
0x48: {  	_ =	swait.ge [sflag:s11], $0x2880  }
0x49: {  	[sflag:s11] =	ssyncset.done $0x0  }
0x4a: {  	s26 =	simm.s32 $0x40;
	s28 =	simm.s32 $0x0;
	[sflag:s11] =	ssyncadd.s32 $0xFFFFD780  }
.LBB2_4:
0x4b: {  	p0 =	sne.s32 s26, $0x9FC0;
	[tilespmem:s28+$0x8400] =	vst v0;
	s28 =	smov.u32 s26;
	s26 =	sadd.s32 $0x40, s26  }
.Ltmp1:
0x4c: {  	(pc) =	sbr.rel @p0 .LBB2_4-.Ltmp1, $2  }
0x4d: {  	_ =	sdelay $0x2  }
0x4e: {  	s28 =	sshra.s32 s28, $0x2  }
0x4f: {  	[tilespmem:s28+$0x8400] =	vst v0  }
.LBB2_6:
0x50: {  	s26 =	sshra.s32 s25, $0x2  }
0x51: {  	v1 =	vld [tilespmem:s26+$0x0];
	_ =	sdelay $0x2  }
0x52: {  	v2 =	vld [tilespmem:s26+$0x2C00];
	_ =	sdelay $0x4  }
0x53: {  	[tilespmem:v1+s14+$0x0] =	vst.idx.add.f32.msk $0xffff, v2  }
0x54: {  	v1 =	vld [tilespmem:s26+$0x10];
	_ =	sdelay $0x2  }
0x55: {  	v2 =	vld [tilespmem:s26+$0x2C10];
	_ =	sdelay $0x4  }
0x56: {  	[tilespmem:v1+s14+$0x0] =	vst.idx.add.f32.msk $0xffff, v2  }
0x57: {  	v1 =	vld [tilespmem:s26+$0x20];
	_ =	sdelay $0x2  }
0x58: {  	v2 =	vld [tilespmem:s26+$0x2C20];
	_ =	sdelay $0x4  }
0x59: {  	[tilespmem:v1+s14+$0x0] =	vst.idx.add.f32.msk $0xffff, v2  }
0x5a: {  	v1 =	vld [tilespmem:s26+$0x30];
	_ =	sdelay $0x2  }
0x5b: {  	v2 =	vld [tilespmem:s26+$0x2C30];
	_ =	sdelay $0x4  }
0x5c: {  	[tilespmem:v1+s14+$0x0] =	vst.idx.add.f32.msk $0xffff, v2  }
0x5d: {  	v1 =	vld [tilespmem:s26+$0x40];
	_ =	sdelay $0x2  }
0x5e: {  	v2 =	vld [tilespmem:s26+$0x2C40];
	_ =	sdelay $0x4  }
0x5f: {  	[tilespmem:v1+s14+$0x0] =	vst.idx.add.f32.msk $0xffff, v2  }
0x60: {  	v1 =	vld [tilespmem:s26+$0x50];
	_ =	sdelay $0x2  }
0x61: {  	v2 =	vld [tilespmem:s26+$0x2C50];
	_ =	sdelay $0x4  }
0x62: {  	[tilespmem:v1+s14+$0x0] =	vst.idx.add.f32.msk $0xffff, v2  }
0x63: {  	v1 =	vld [tilespmem:s26+$0x60];
	_ =	sdelay $0x2  }
0x64: {  	v2 =	vld [tilespmem:s26+$0x2C60];
	_ =	sdelay $0x4  }
0x65: {  	[tilespmem:v1+s14+$0x0] =	vst.idx.add.f32.msk $0xffff, v2  }
0x66: {  	v1 =	vld [tilespmem:s26+$0x70];
	_ =	sdelay $0x2  }
0x67: {  	p0 =	sne.s32 s25, $0xA000;
	v2 =	vld [tilespmem:s26+$0x2C70]  }
.Ltmp2:
0x68: {  	_ = 	snop;
	(pc) =	sbr.rel @p0 .LBB2_6-.Ltmp2, $2  }
0x69: {  	_ =	sdelay $0x2  }
0x6a: {  	s25 =	sadd.s32 $0x200, s25;
	[tilespmem:v1+s14+$0x0] =	vst.idx.add.f32.msk $0xffff, v2  }
0x6b: {  	[spmem:s7] =	stream.strided.scatter [tilespmem:s14], [sflag:$0x1], $0x2800, s16, s15, $0x38;
	[tilespmem:$0xFC00] =	vst v63  }
0x6c: {  	_ =	swait.ge [sflag:s11], $0x2800  }
0x6d: {  	[sflag:s11] =	ssyncset.done $0x0  }
0x6e: {  	[sflag:s11] =	ssyncadd.s32 $0xFFFFD800  }
0x6f: {  	[bflag:$0x0] =	sbarrier.arrive $0xFFFF  }
0x70: {  	[tilespmem:s19], [sflag:$0x1] =	stream.strided.gather [spmem:s8], $0x2800, s18, s17, $0x38;
	[tilespmem:$0xFC00] =	vst v63  }
0x71: {  	s26 =	simm.s32 $0x0;
	_ =	swait.ge [sflag:s11], $0x2800  }
0x72: {  	s25 =	sand.u32 $0x70, s26;
	s28 =	sand.u32 $0x1C00, s26;
	[sflag:s11] =	ssyncset.done $0x0  }
0x73: {  	s25 =	sor.u32 s25, s28;
	[sflag:s11] =	ssyncadd.s32 $0xFFFFD800  }
0x74: {  	v1 =	vld [tilespmem:s25+$0xAC80]  }
0x75: {  	v2 =	vld [tilespmem:s25+$0xAC00];
	_ =	sdelay $0x1  }
0x76: {  	v3 =	vld [tilespmem:s25+$0xAD00];
	_ =	sdelay $0x1  }
0x77: {  	v4 =	vld [tilespmem:s25+$0xAD80]  }
0x78: {  	v1 =	vadd.f32 v1, v2  }
0x79: {  	v2 =	vld [tilespmem:s25+$0xAE00]  }
0x7a: {  	v1 =	vadd.f32 v3, v1  }
0x7b: {  	v3 =	vld [tilespmem:s25+$0xAE80]  }
0x7c: {  	v1 =	vadd.f32 v4, v1  }
0x7d: {  	s26 =	sor.u32 s26, s26;
	v60 =	vld [tilespmem:s25+$0xAF00]  }
0x7e: {  	s26 =	sor.u32 $0x380, s26;
	v1 =	vadd.f32 v2, v1  }
0x7f: {  	v2 =	vld [tilespmem:s26+$0xAC00]  }
0x80: {  	v1 =	vadd.f32 v3, v1  }
0x81: {  	v3 =	vld [tilespmem:s25+$0xC000]  }
0x82: {  	v1 =	vadd.f32 v60, v1  }
0x83: {  	v61 =	vld [tilespmem:s25+$0xC080]  }
0x84: {  	v1 =	vadd.f32 v2, v1  }
0x85: {  	v2 =	vld [tilespmem:s25+$0xC100]  }
0x86: {  	v1 =	vadd.f32 v3, v1  }
0x87: {  	v3 =	vld [tilespmem:s25+$0xC180]  }
0x88: {  	v1 =	vadd.f32 v61, v1  }
0x89: {  	v62 =	vld [tilespmem:s25+$0xC200]  }
0x8a: {  	v1 =	vadd.f32 v2, v1  }
0x8b: {  	v2 =	vld [tilespmem:s25+$0xC280]  }
0x8c: {  	v1 =	vadd.f32 v3, v1  }
0x8d: {  	v3 =	vld [tilespmem:s25+$0xC300]  }
0x8e: {  	v1 =	vadd.f32 v62, v1  }
0x8f: {  	v63 =	vld [tilespmem:s25+$0xC380]  }
0x90: {  	v1 =	vadd.f32 v2, v1;
	_ =	sdelay $0x1  }
0x91: {  	v1 =	vadd.f32 v3, v1  }
0x92: {  	s28 =	simm.s32 $0x80;
	s26 =	simm.s32 $0x10  }
0x93: {  	s30 =	sand.u32 $0x1C00, s28;
	s29 =	sand.u32 $0x70, s26;
	v1 =	vadd.f32 v63, v1  }
0x94: {  	s30 =	sor.u32 s29, s30;
	s29 =	simm.s32 $0x20  }
.LBB2_8:
0x95: {  	p0 =	sne.s32 s29, $0x270;
	v2 =	vld [tilespmem:s30+$0xAC80];
	[tilespmem:s25+$0xAC00] =	vst v1;
	s25 =	smov.u32 s30  }
0x96: {  	v1 =	vld [tilespmem:s25+$0xAC00];
	_ =	sdelay $0x1  }
0x97: {  	v3 =	vld [tilespmem:s25+$0xAD00];
	_ =	sdelay $0x1  }
0x98: {  	v4 =	vld [tilespmem:s25+$0xAD80]  }
0x99: {  	v1 =	vadd.f32 v2, v1  }
0x9a: {  	v2 =	vld [tilespmem:s25+$0xAE00]  }
0x9b: {  	v1 =	vadd.f32 v3, v1  }
0x9c: {  	v3 =	vld [tilespmem:s25+$0xAE80]  }
0x9d: {  	v1 =	vadd.f32 v4, v1  }
0x9e: {  	s30 =	sor.u32 s28, s26;
	s26 =	smov.u32 s29;
	v4 =	vld [tilespmem:s25+$0xAF00]  }
0x9f: {  	s30 =	sor.u32 $0x380, s30;
	v1 =	vadd.f32 v2, v1  }
0xa0: {  	v2 =	vld [tilespmem:s30+$0xAC00]  }
0xa1: {  	v1 =	vadd.f32 v3, v1  }
0xa2: {  	v3 =	vld [tilespmem:s25+$0xC000]  }
0xa3: {  	v1 =	vadd.f32 v4, v1  }
0xa4: {  	v4 =	vld [tilespmem:s25+$0xC080]  }
0xa5: {  	v1 =	vadd.f32 v2, v1  }
0xa6: {  	v2 =	vld [tilespmem:s25+$0xC100]  }
0xa7: {  	v1 =	vadd.f32 v3, v1  }
0xa8: {  	v3 =	vld [tilespmem:s25+$0xC180]  }
0xa9: {  	v1 =	vadd.f32 v4, v1  }
0xaa: {  	v4 =	vld [tilespmem:s25+$0xC200]  }
0xab: {  	v1 =	vadd.f32 v2, v1  }
0xac: {  	v2 =	vld [tilespmem:s25+$0xC280]  }
0xad: {  	v1 =	vadd.f32 v3, v1  }
0xae: {  	v3 =	vld [tilespmem:s25+$0xC300]  }
0xaf: {  	v1 =	vadd.f32 v4, v1  }
0xb0: {  	v4 =	vld [tilespmem:s25+$0xC380]  }
0xb1: {  	v1 =	vadd.f32 v2, v1  }
.Ltmp3:
0xb2: {  	(pc) =	sbr.rel @p0 .LBB2_8-.Ltmp3, $4  }
0xb3: {  	v1 =	vadd.f32 v3, v1  }
0xb4: {  	s28 =	sadd.s32 $0x80, s28  }
0xb5: {  	s31 =	sand.u32 $0x1C00, s28;
	s30 =	sand.u32 $0x70, s29;
	v1 =	vadd.f32 v4, v1  }
0xb6: {  	s29 =	sadd.s32 $0x10, s29;
	s30 =	sor.u32 s30, s31  }
0xb7: {  	v2 =	vld [tilespmem:s30+$0xAC80];
	[tilespmem:s25+$0xAC00] =	vst v1  }
0xb8: {  	v1 =	vld [tilespmem:s30+$0xAC00];
	_ =	sdelay $0x1  }
0xb9: {  	v3 =	vld [tilespmem:s30+$0xAD00];
	_ =	sdelay $0x1  }
0xba: {  	v4 =	vld [tilespmem:s30+$0xAD80]  }
0xbb: {  	v1 =	vadd.f32 v2, v1  }
0xbc: {  	v2 =	vld [tilespmem:s30+$0xAE00]  }
0xbd: {  	v1 =	vadd.f32 v3, v1  }
0xbe: {  	v3 =	vld [tilespmem:s30+$0xAE80]  }
0xbf: {  	v1 =	vadd.f32 v4, v1  }
0xc0: {  	v60 =	vld [tilespmem:s30+$0xAF00];
	s26 =	sor.u32 s28, s26  }
0xc1: {  	s25 =	sor.u32 $0x380, s26;
	v1 =	vadd.f32 v2, v1  }
0xc2: {  	v2 =	vld [tilespmem:s25+$0xAC00]  }
0xc3: {  	v1 =	vadd.f32 v3, v1  }
0xc4: {  	v3 =	vld [tilespmem:s30+$0xC000]  }
0xc5: {  	v1 =	vadd.f32 v60, v1  }
0xc6: {  	v61 =	vld [tilespmem:s30+$0xC080]  }
0xc7: {  	v1 =	vadd.f32 v2, v1  }
0xc8: {  	v2 =	vld [tilespmem:s30+$0xC100]  }
0xc9: {  	v1 =	vadd.f32 v3, v1  }
0xca: {  	v3 =	vld [tilespmem:s30+$0xC180]  }
0xcb: {  	v1 =	vadd.f32 v61, v1  }
0xcc: {  	v62 =	vld [tilespmem:s30+$0xC200]  }
0xcd: {  	v1 =	vadd.f32 v2, v1  }
0xce: {  	v2 =	vld [tilespmem:s30+$0xC280]  }
0xcf: {  	v1 =	vadd.f32 v3, v1  }
0xd0: {  	v3 =	vld [tilespmem:s30+$0xC300]  }
0xd1: {  	v1 =	vadd.f32 v62, v1  }
0xd2: {  	v63 =	vld [tilespmem:s30+$0xC380]  }
0xd3: {  	v1 =	vadd.f32 v2, v1;
	_ =	sdelay $0x1  }
0xd4: {  	v1 =	vadd.f32 v3, v1;
	_ =	sdelay $0x1  }
0xd5: {  	v1 =	vadd.f32 v63, v1;
	_ =	sdelay $0x1  }
0xd6: {  	[tilespmem:s30+$0xAC00] =	vst v1  }
0xd7: {  	[hbm4b:s9+s2] =	stream.linear.scatter [tilespmem:s19], [sflag:$0x1], $0x80, $0x38;
	[tilespmem:$0xFC00] =	vst v63  }
0xd8: {  	s28 =	sadd.s32 $0x20, s9  }
0xd9: {  	[hbm4b:s28+s2] =	stream.linear.scatter [tilespmem:s20], [sflag:$0x1], $0x80, $0x38;
	[tilespmem:$0xFC00] =	vst v63  }
0xda: {  	s29 =	sadd.s32 $0x40, s9;
	s24 =	sadd.s32 $0x1, s24  }
0xdb: {  	[hbm4b:s29+s2] =	stream.linear.scatter [tilespmem:s21], [sflag:$0x1], $0x80, $0x38;
	[tilespmem:$0xFC00] =	vst v63  }
0xdc: {  	p0 =	sne.s32 s24, s10;
	s30 =	sadd.s32 $0x60, s9  }
0xdd: {  	[hbm4b:s30+s2] =	stream.linear.scatter [tilespmem:s22], [sflag:$0x1], $0x80, $0x38;
	[tilespmem:$0xFC00] =	vst v63  }
.Ltmp4:
0xde: {  	s31 =	sadd.s32 $0x80, s9;
	(pc) =	sbr.rel @p0 .LBB2_1-.Ltmp4, $4  }
0xdf: {  	[hbm4b:s31+s2] =	stream.linear.scatter [tilespmem:s23], [sflag:$0x1], $0x80, $0x38;
	[tilespmem:$0xFC00] =	vst v63  }
0xe0: {  	_ =	swait.ge [sflag:s11], $0x280  }
0xe1: {  	[sflag:s11] =	ssyncset.done $0x0  }
0xe2: {  	[sflag:s11] =	ssyncadd.s32 $0xFFFFFD80  }
0xe3: {  	_ =	sfence.sel $0x180000  }
0xe4: {  	[bflag:$0x0] =	sbarrier.arrive $0xFFFF  }
0xe5: {  	p0 =	sne.s32 s0, $0x0;
	_ =	strace $0x90000047  }
0xe6: {  	s0 =	sadd.s32 @!p0 $0x100000, s1;
	[bflag:$0x2] =	sbarrier.arrive $0xFFFF  }
0xe7: {  	[sflag:s0] =	ssyncadd.tile.s32 @!p0 $0x1;
	_ =	shalt  }
.Lfunc_end2:
_tile_overlayer_lowered:
.L_overlay_start_2:
0xe8: {  	(tag) =	ssettag $0x2  }
0xe9: {  	s0 =	rddreg [dreg:$0x0];
	s2 =	stileid.u32  }
0xea: {  	s1 =	rddreg [dreg:$0x1];
	p0 =	sne.s32 s2, $0x0  }
0xeb: {  	s3 =	rddreg [dreg:$0x2];
	[bflag:$0x3] =	sbarrier.arrive $0xFFFF;
	s2 =	simm.s32 @!p0 $0x1C01  }
0xec: {  	[timem:s3], [sflag:s2] =	dma.local @!p0 [hbm:s0], s1  }
0xed: {  	s0 =	simm.s32 @!p0 $0x1  }
0xee: {  	_ =	swait.ge @!p0 [sflag:s0], s1  }
0xef: {  	s1 =	ssub.s32 @!p0 $0x0, s1;
	[sflag:s0] =	ssyncset.done @!p0 $0x0  }
0xf0: {  	[sflag:s0] =	ssyncadd.s32 @!p0 s1  }
0xf1: {  	[bflag:$0x3] =	sbarrier.arrive $0xFFFF  }
0xf2: {  	_ =	shalt  }

</sc_bundles>
